<compile_context>
chip_gen: v7x
topology: tpu7x:2x2x1
jax: 0.10.2.dev20260603
libtpu: 0.0.44.dev20260713+nightly
codegen_flags: <defaults>
</compile_context>

<pallas_src>
import functools

import jax
import jax.numpy as jnp
from jax import lax
from jax.experimental import pallas as pl
from jax.experimental.pallas import tpu as pltpu
from jax.experimental.pallas import tpu_sc as plsc

M_EDGES = 5000
NC, NS = 2, 16
NW = NC * NS
CH = 80
ZCH = 80
_SC_PARAMS = pltpu.CompilerParams(use_tc_tiling_on_sc=False)


def _pad_seg(s):
    q = NS * ZCH
    return ((s + q) // q) * q


def _chunk_split(n_chunks):
    per, extra = divmod(n_chunks, NW)
    n_my = per + (1 if extra else 0)
    return per, extra, n_my




def _stage_indices(idx_hbm, idx_v, base, per, extra, has_extra, dummy):
    pltpu.sync_copy(idx_hbm.at[pl.ds(base, per)], idx_v.at[pl.ds(0, per)])
    if not extra:
        return

    @pl.when(has_extra)
    def _():
        pltpu.sync_copy(idx_hbm.at[pl.ds(base + per, 1)],
                        idx_v.at[pl.ds(per, 1)])

    @pl.when(jnp.logical_not(has_extra))
    def _():
        for j in range(CH // 16):
            idx_v[per, pl.ds(j * 16, 16)] = jnp.full((16,), dummy, jnp.int32)


def _sc_degrees(v_idx, e_idx, n_pad, m_pad):
    nnz = v_idx.shape[0]
    per, extra, n_my = _chunk_split(nnz // CH)
    mesh = plsc.VectorSubcoreMesh(core_axis_name="c", subcore_axis_name="s")

    @functools.partial(
        pl.kernel, mesh=mesh,
        out_type=[jax.ShapeDtypeStruct((NC, n_pad, 16), jnp.float32),
                  jax.ShapeDtypeStruct((NC, m_pad, 16), jnp.float32)],
        scratch_types=[
            pltpu.VMEM((n_my * CH,), jnp.int32),
            pltpu.VMEM((n_my * CH,), jnp.int32),
            pltpu.VMEM((CH, 16), jnp.float32),
            pltpu.VMEM_SHARED((n_pad, 16), jnp.float32),
            pltpu.VMEM_SHARED((m_pad, 16), jnp.float32),
            pltpu.SemaphoreType.DMA,
            pltpu.SemaphoreType.DMA,
        ],
        compiler_params=_SC_PARAMS,
    )
    def k(vi_hbm, ei_hbm, dv_hbm, de_hbm, vi_v, ei_v, ones_v, dv_sh, de_sh,
          sem_v, sem_e):
        c = lax.axis_index("c")
        s = lax.axis_index("s")
        wid = s * NC + c
        base = per * wid + jnp.minimum(wid, extra)
        has_extra = wid < extra

        pltpu.sync_copy(vi_hbm.at[pl.ds(base * CH, per * CH)], vi_v)
        pltpu.sync_copy(ei_hbm.at[pl.ds(base * CH, per * CH)], ei_v)

        @pl.loop(0, CH)
        def _(i):
            ones_v[i, pl.ds(0, 16)] = jnp.zeros((16,), jnp.float32)

        n_sub = n_pad // NS
        m_sub = m_pad // NS
        zbuf = ones_v.at[pl.ds(0, ZCH)]

        @pl.loop(0, n_sub // ZCH)
        def _(i):
            pltpu.sync_copy(zbuf, dv_sh.at[pl.ds(s * n_sub + i * ZCH, ZCH)])

        @pl.loop(0, m_sub // ZCH)
        def _(i):
            pltpu.sync_copy(zbuf, de_sh.at[pl.ds(s * m_sub + i * ZCH, ZCH)])

        @pl.loop(0, CH)
        def _(i):
            ones_v[i, pl.ds(0, 16)] = jnp.ones((16,), jnp.float32)

        plsc.subcore_barrier()

        kf = 25
        assert n_my % kf == 0

        @pl.loop(0, n_my, step=kf)
        def _(i):
            for b in range(kf):
                vslc = vi_v.at[pl.ds((i + b) * CH, CH)]
                eslc = ei_v.at[pl.ds((i + b) * CH, CH)]
                pltpu.async_copy(ones_v, dv_sh.at[vslc], sem_v, add=True)
                pltpu.async_copy(ones_v, de_sh.at[eslc], sem_e, add=True)
            for b in range(kf):
                vslc = vi_v.at[pl.ds((i + b) * CH, CH)]
                eslc = ei_v.at[pl.ds((i + b) * CH, CH)]
                pltpu.make_async_copy(ones_v, dv_sh.at[vslc], sem_v).wait()
                pltpu.make_async_copy(ones_v, de_sh.at[eslc], sem_e).wait()

        plsc.subcore_barrier()
        pltpu.sync_copy(dv_sh.at[pl.ds(s * n_sub, n_sub)],
                        dv_hbm.at[c].at[pl.ds(s * n_sub, n_sub)])
        pltpu.sync_copy(de_sh.at[pl.ds(s * m_sub, m_sub)],
                        de_hbm.at[c].at[pl.ds(s * m_sub, m_sub)])

    return k(v_idx, e_idx)


def _sc_gather_segsum(table, g_idx, s_idx, s_pad):
    t_rows, d = table.shape
    nnz = g_idx.shape[0]
    per, extra, n_my = _chunk_split(nnz // CH)
    assert n_my % 2 == 1
    mesh = plsc.VectorSubcoreMesh(core_axis_name="c", subcore_axis_name="s")

    @functools.partial(
        pl.kernel, mesh=mesh,
        out_type=jax.ShapeDtypeStruct((NC, s_pad, d), jnp.float32),
        scratch_types=[
            pltpu.VMEM((n_my * CH,), jnp.int32),
            pltpu.VMEM((n_my * CH,), jnp.int32),
            pltpu.VMEM((CH, d), jnp.float32),
            pltpu.VMEM((CH, d), jnp.float32),
            pltpu.VMEM_SHARED((s_pad, d), jnp.float32),
            pltpu.SemaphoreType.DMA,
            pltpu.SemaphoreType.DMA,
        ],
        compiler_params=_SC_PARAMS,
    )
    def k(tab_hbm, gi_hbm, si_hbm, out_hbm, gi_v, si_v, rows0, rows1,
          acc_sh, sem0, sem1):
        c = lax.axis_index("c")
        s = lax.axis_index("s")
        wid = s * NC + c
        base = per * wid + jnp.minimum(wid, extra)
        has_extra = wid < extra

        assert extra == 0
        pltpu.async_copy(gi_hbm.at[pl.ds(base * CH, per * CH)], gi_v, sem0)
        pltpu.async_copy(si_hbm.at[pl.ds(base * CH, per * CH)], si_v, sem1)

        @pl.loop(0, CH)
        def _(i):
            for j in range(d // 16):
                rows0[i, pl.ds(j * 16, 16)] = jnp.zeros((16,), jnp.float32)

        r_sub = s_pad // NS
        zbuf = rows0.at[pl.ds(0, ZCH)]

        @pl.loop(0, r_sub // ZCH)
        def _(i):
            pltpu.sync_copy(zbuf, acc_sh.at[pl.ds(s * r_sub + i * ZCH, ZCH)])

        pltpu.make_async_copy(gi_hbm.at[pl.ds(base * CH, per * CH)], gi_v,
                              sem0).wait()
        pltpu.make_async_copy(si_hbm.at[pl.ds(base * CH, per * CH)], si_v,
                              sem1).wait()

        plsc.subcore_barrier()

        def g_start(ch, buf, sem):
            pltpu.async_copy(tab_hbm.at[gi_v.at[pl.ds(ch * CH, CH)]], buf,
                             sem)

        def g_wait(ch, buf, sem):
            pltpu.make_async_copy(tab_hbm.at[gi_v.at[pl.ds(ch * CH, CH)]],
                                  buf, sem).wait()

        def s_add(ch, buf):
            pltpu.sync_copy(buf, acc_sh.at[si_v.at[pl.ds(ch * CH, CH)]],
                            add=True)

        g_start(0, rows0, sem0)
        g_start(1, rows1, sem1)

        @pl.loop(0, n_my - 2, step=2)
        def _(g):
            g_wait(g, rows0, sem0)
            s_add(g, rows0)
            g_start(g + 2, rows0, sem0)
            g_wait(g + 1, rows1, sem1)
            s_add(g + 1, rows1)

            @pl.when(g + 3 < n_my)
            def _():
                g_start(g + 3, rows1, sem1)

        g_wait(n_my - 1, rows0, sem0)
        s_add(n_my - 1, rows0)

        plsc.subcore_barrier()
        pltpu.sync_copy(acc_sh.at[pl.ds(s * r_sub, r_sub)],
                        out_hbm.at[c].at[pl.ds(s * r_sub, r_sub)])

    return k(table, g_idx, s_idx)




def _dv_scale(dv_ref):
    col = (dv_ref[0] + dv_ref[1])[:, 0:1]
    return jnp.where(col > 0, lax.rsqrt(col), 0.0)


def _tc_matmul(x, w, b, bn):
    n, kdim = x.shape
    dh = w.shape[1]

    def body(x_ref, w_ref, b_ref, o_ref):
        o_ref[...] = jnp.dot(x_ref[...], w_ref[...],
                             preferred_element_type=jnp.float32) + b_ref[...]

    return pl.pallas_call(
        body,
        grid=(n // bn,),
        in_specs=[pl.BlockSpec((bn, kdim), lambda i: (i, 0)),
                  pl.BlockSpec((kdim, dh), lambda i: (0, 0)),
                  pl.BlockSpec((1, dh), lambda i: (0, 0))],
        out_specs=pl.BlockSpec((bn, dh), lambda i: (i, 0)),
        out_shape=jax.ShapeDtypeStruct((n, dh), jnp.float32),
    )(x, w, b)


def _tc_scale(h, dvp, bn):
    n, dh = h.shape

    def body(h_ref, dv_ref, o_ref):
        o_ref[...] = h_ref[...] * _dv_scale(dv_ref)

    return pl.pallas_call(
        body,
        grid=(n // bn,),
        in_specs=[pl.BlockSpec((bn, dh), lambda i: (i, 0)),
                  pl.BlockSpec((2, bn, 16), lambda i: (0, i, 0))],
        out_specs=pl.BlockSpec((bn, dh), lambda i: (i, 0)),
        out_shape=jax.ShapeDtypeStruct((n, dh), jnp.float32),
    )(h, dvp)


def _tc_combine_descale(yp, dep, bn, m):
    d = yp.shape[2]

    def body(yp_ref, de_ref, o_ref):
        col = (de_ref[0] + de_ref[1])[:, 0:1]
        inv = jnp.where(col > 0, 1.0 / col, 0.0)
        o_ref[...] = (yp_ref[0] + yp_ref[1]) * inv

    return pl.pallas_call(
        body,
        grid=(m // bn,),
        in_specs=[pl.BlockSpec((2, bn, d), lambda i: (0, i, 0)),
                  pl.BlockSpec((2, bn, 16), lambda i: (0, i, 0))],
        out_specs=pl.BlockSpec((bn, d), lambda i: (i, 0)),
        out_shape=jax.ShapeDtypeStruct((m, d), jnp.float32),
    )(yp, dep)


def _tc_layer2(xp, dvp, w2p, b2p, bn, n):
    d = xp.shape[2]
    dout = w2p.shape[1]

    def body(xp_ref, dv_ref, w_ref, b_ref, o_ref):
        scale = _dv_scale(dv_ref)
        h = jnp.maximum((xp_ref[0] + xp_ref[1]) * scale, 0.0)
        y = jnp.dot(h, w_ref[...],
                    preferred_element_type=jnp.float32) + b_ref[...]
        o_ref[...] = y * scale

    return pl.pallas_call(
        body,
        grid=(n // bn,),
        in_specs=[pl.BlockSpec((2, bn, d), lambda i: (0, i, 0)),
                  pl.BlockSpec((2, bn, 16), lambda i: (0, i, 0)),
                  pl.BlockSpec((d, dout), lambda i: (0, 0)),
                  pl.BlockSpec((1, dout), lambda i: (0, 0))],
        out_specs=pl.BlockSpec((bn, dout), lambda i: (i, 0)),
        out_shape=jax.ShapeDtypeStruct((n, dout), jnp.float32),
    )(xp, dvp, w2p, b2p)


def _tc_final(xp, dvp, ncls, bn, n):
    d = xp.shape[2]

    def body(xp_ref, dv_ref, o_ref):
        y = (xp_ref[0] + xp_ref[1]) * _dv_scale(dv_ref)
        o_ref[...] = y[:, :ncls]

    return pl.pallas_call(
        body,
        grid=(n // bn,),
        in_specs=[pl.BlockSpec((2, bn, d), lambda i: (0, i, 0)),
                  pl.BlockSpec((2, bn, 16), lambda i: (0, i, 0))],
        out_specs=pl.BlockSpec((bn, ncls), lambda i: (i, 0)),
        out_shape=jax.ShapeDtypeStruct((n, ncls), jnp.float32),
    )(xp, dvp)




def kernel(X, vertex_idx, hyperedge_idx, W1, b1, W2, b2):
    n, din = X.shape
    dh = W1.shape[1]
    ncls = W2.shape[1]
    m = M_EDGES
    n_pad, m_pad = _pad_seg(n), _pad_seg(m)
    d2 = ((ncls + 15) // 16) * 16

    v_idx = vertex_idx.astype(jnp.int32)
    e_idx = hyperedge_idx.astype(jnp.int32)
    b1r = b1.reshape(1, dh)
    w2p = jnp.pad(W2, ((0, 0), (0, d2 - ncls)))
    b2p = jnp.pad(b2, (0, d2 - ncls)).reshape(1, d2)
    bn = 5000

    h1 = _tc_matmul(X, W1, b1r, bn)
    dvp, dep = _sc_degrees(v_idx, e_idx, n_pad, m_pad)

    xi = _tc_scale(h1, dvp, bn)
    yep = _sc_gather_segsum(xi, v_idx, e_idx, m_pad)
    ye = _tc_combine_descale(yep, dep, bn, m)
    xop = _sc_gather_segsum(ye, e_idx, v_idx, n_pad)

    xi2 = _tc_layer2(xop, dvp, w2p, b2p, bn, n)
    yep2 = _sc_gather_segsum(xi2, v_idx, e_idx, m_pad)
    ye2 = _tc_combine_descale(yep2, dep, bn, m)
    xop2 = _sc_gather_segsum(ye2, e_idx, v_idx, n_pad)

    return _tc_final(xop2, dvp, ncls, bn, n)

# --- scband reference (transcript-rebuilt; emitter-appended) ---
"""Pipeline reference for scband-hgnn-28870770163984 (READ-ONLY COPY).

The authoritative reference and input builder live on the scoring server;
editing this copy changes nothing except your own understanding.
"""

import jax, jax.numpy as jnp
import numpy as np

N = 10000      # vertices
M = 5000       # hyperedges
NNZ = 320000   # incidence pairs (vertex, hyperedge)
DIN = 128
DHID = 128
NCLS = 40


def setup_inputs(seed: int = 0) -> dict:
    key = jax.random.key(seed)
    k1, k2, k3, k4, k5 = jax.random.split(key, 5)
    X = jax.random.normal(k1, (N, DIN), dtype=jnp.float32)
    vertex_idx = jax.random.randint(k2, (NNZ,), 0, N, dtype=jnp.int64 if jax.config.jax_enable_x64 else jnp.int32)
    hyperedge_idx = jax.random.randint(k3, (NNZ,), 0, M, dtype=jnp.int64 if jax.config.jax_enable_x64 else jnp.int32)
    # learned parameters (two HGNNConv layers, each with a Linear theta)
    W1 = jax.random.normal(k4, (DIN, DHID), dtype=jnp.float32) * (1.0 / np.sqrt(DIN))
    b1 = jnp.zeros((DHID,), dtype=jnp.float32)
    W2 = jax.random.normal(k5, (DHID, NCLS), dtype=jnp.float32) * (1.0 / np.sqrt(DHID))
    b2 = jnp.zeros((NCLS,), dtype=jnp.float32)
    return {"X": X, "vertex_idx": vertex_idx, "hyperedge_idx": hyperedge_idx,
            "W1": W1, "b1": b1, "W2": W2, "b2": b2}


def _hgnn_smoothing(X, v_idx, e_idx):
    # X' = D_v^{-1/2} H W_e D_e^{-1} H^T D_v^{-1/2} X  (unit hyperedge weights W_e = I)
    ones = jnp.ones((v_idx.shape[0],), dtype=jnp.float32)
    Dv = jax.ops.segment_sum(ones, v_idx, num_segments=N)
    De = jax.ops.segment_sum(ones, e_idx, num_segments=M)
    Dv_inv_sqrt = jnp.where(Dv > 0, 1.0 / jnp.sqrt(Dv), 0.0)
    De_inv = jnp.where(De > 0, 1.0 / De, 0.0)
    Xi = X * Dv_inv_sqrt[:, None]                                   # D_v^{-1/2} X
    Ye = jax.ops.segment_sum(Xi[v_idx], e_idx, num_segments=M)      # H^T (gather + scatter-add)
    Ye = Ye * De_inv[:, None]                                       # D_e^{-1}
    Xo = jax.ops.segment_sum(Ye[e_idx], v_idx, num_segments=N)      # H (gather + scatter-add)
    Xo = Xo * Dv_inv_sqrt[:, None]                                  # D_v^{-1/2}
    return Xo


def reference(X, vertex_idx, hyperedge_idx, W1, b1, W2, b2):
    # HGNNConv layer 1: theta -> smoothing -> relu (dropout omitted: eval mode)
    H = X @ W1 + b1
    H = _hgnn_smoothing(H, vertex_idx, hyperedge_idx)
    H = jax.nn.relu(H)
    # HGNNConv layer 2 (is_last=True): theta -> smoothing
    Y = H @ W2 + b2
    Y = _hgnn_smoothing(Y, vertex_idx, hyperedge_idx)
    return Y

if __name__ == "__main__":
    import jax
    _d = setup_inputs()
    print(jax.jit(kernel)(*tuple(_d.values())))

</pallas_src>

<mosaic_0001>
#map = affine_map<(d0, d1) -> (0)>
#map1 = affine_map<(d0, d1) -> (0, 0, 0)>
module attributes {stable_mosaic.version = 14 : i64} {
  func.func @k(%arg0: i32, %arg1: i32, %arg2: memref<320000xi32, #tpu.memory_space<hbm>>, %arg3: memref<320000xi32, #tpu.memory_space<hbm>>, %arg4: memref<2x10240x16xf32, #tpu.memory_space<hbm>>, %arg5: memref<2x5120x16xf32, #tpu.memory_space<hbm>>, %arg6: memref<10000xi32, #tpu.memory_space<vmem>>, %arg7: memref<10000xi32, #tpu.memory_space<vmem>>, %arg8: memref<80x16xf32, #tpu.memory_space<vmem>>, %arg9: memref<10240x16xf32, #tpu.memory_space<vmem_shared>>, %arg10: memref<5120x16xf32, #tpu.memory_space<vmem_shared>>, %arg11: memref<!tpu.dma_semaphore, #tpu.memory_space<semaphore_mem>>, %arg12: memref<!tpu.dma_semaphore, #tpu.memory_space<semaphore_mem>>) attributes {dimension_semantics = [#tpu.dimension_semantics<core_parallel>, #tpu.dimension_semantics<subcore_parallel>], iteration_bounds = array<i64: 2, 16>, scalar_prefetch = 0 : i64, scratch_operands = 7 : i64, tpu.core_type = #tpu.core_type<sc_vector_subcore>, window_params = [{transform_indices = #map}, {transform_indices = #map}, {transform_indices = #map1}, {transform_indices = #map1}]} {
    %mul3A = arith.constant 2 : i32
    %mul3A_0 = arith.muli %arg1, %mul3A : i32
    %add3A = arith.addi %mul3A_0, %arg0 : i32
    %mul3A_1 = arith.constant 125 : i32
    %mul3A_2 = arith.muli %mul3A_1, %add3A : i32
    %min3A = arith.constant 0 : i32
    %min3A_3 = arith.minsi %add3A, %min3A : i32
    %add3A_4 = arith.addi %mul3A_2, %min3A_3 : i32
    %lt3A = arith.constant 0 : i32
    %lt3A_5 = arith.cmpi slt, %add3A, %lt3A : i32
    %mul3A_6 = arith.constant 80 : i32
    %mul3A_7 = arith.muli %add3A_4, %mul3A_6 : i32
    "tpu.region"() ({
      %run_scoped3A = tpu.sem_alloc : memref<!tpu.dma_semaphore, #tpu.memory_space<semaphore_mem>>
      %dma_start3A = tpu.memref_slice %arg2[%mul3A_7] : memref<320000xi32, #tpu.memory_space<hbm>> -> memref<10000xi32, #tpu.memory_space<hbm>>
      %dma_start3A_43 = tpu.memref_slice %arg2[%mul3A_7] : memref<320000xi32, #tpu.memory_space<hbm>> -> memref<10000xi32, #tpu.memory_space<hbm>>
      tpu.enqueue_dma source(%dma_start3A_43 : memref<10000xi32, #tpu.memory_space<hbm>>) target(%arg6 : memref<10000xi32, #tpu.memory_space<vmem>>) target_semaphore(%run_scoped3A : memref<!tpu.dma_semaphore, #tpu.memory_space<semaphore_mem>>)
      %dma_wait3A = tpu.memref_slice %arg2[%mul3A_7] : memref<320000xi32, #tpu.memory_space<hbm>> -> memref<10000xi32, #tpu.memory_space<hbm>>
      %dma_wait3A_44 = tpu.memref_slice %arg2[%mul3A_7] : memref<320000xi32, #tpu.memory_space<hbm>> -> memref<10000xi32, #tpu.memory_space<hbm>>
      tpu.wait_dma2 semaphore(%run_scoped3A : memref<!tpu.dma_semaphore, #tpu.memory_space<semaphore_mem>>) src(%dma_wait3A_44 : memref<10000xi32, #tpu.memory_space<hbm>>) dst(%arg6 : memref<10000xi32, #tpu.memory_space<vmem>>)
      tpu.yield
    }) : () -> ()
    %mul3A_8 = arith.constant 80 : i32
    %mul3A_9 = arith.muli %add3A_4, %mul3A_8 : i32
    "tpu.region"() ({
      %run_scoped3A = tpu.sem_alloc : memref<!tpu.dma_semaphore, #tpu.memory_space<semaphore_mem>>
      %dma_start3A = tpu.memref_slice %arg3[%mul3A_9] : memref<320000xi32, #tpu.memory_space<hbm>> -> memref<10000xi32, #tpu.memory_space<hbm>>
      %dma_start3A_43 = tpu.memref_slice %arg3[%mul3A_9] : memref<320000xi32, #tpu.memory_space<hbm>> -> memref<10000xi32, #tpu.memory_space<hbm>>
      tpu.enqueue_dma source(%dma_start3A_43 : memref<10000xi32, #tpu.memory_space<hbm>>) target(%arg7 : memref<10000xi32, #tpu.memory_space<vmem>>) target_semaphore(%run_scoped3A : memref<!tpu.dma_semaphore, #tpu.memory_space<semaphore_mem>>)
      %dma_wait3A = tpu.memref_slice %arg3[%mul3A_9] : memref<320000xi32, #tpu.memory_space<hbm>> -> memref<10000xi32, #tpu.memory_space<hbm>>
      %dma_wait3A_44 = tpu.memref_slice %arg3[%mul3A_9] : memref<320000xi32, #tpu.memory_space<hbm>> -> memref<10000xi32, #tpu.memory_space<hbm>>
      tpu.wait_dma2 semaphore(%run_scoped3A : memref<!tpu.dma_semaphore, #tpu.memory_space<semaphore_mem>>) src(%dma_wait3A_44 : memref<10000xi32, #tpu.memory_space<hbm>>) dst(%arg7 : memref<10000xi32, #tpu.memory_space<vmem>>)
      tpu.yield
    }) : () -> ()
    %scan3A = arith.constant 0 : i32
    %scan3A_10 = arith.constant 80 : i32
    %scan3A_11 = arith.addi %scan3A, %scan3A_10 : i32
    %scan3A_12 = arith.constant 1 : i32
    scf.for %scan3A_43 = %scan3A to %scan3A_11 step %scan3A_12  : i32 {
      %mul3A_44 = arith.constant 1 : i32
      %mul3A_45 = arith.muli %scan3A_43, %mul3A_44 : i32
      %add3A_46 = arith.constant 0 : i32
      %add3A_47 = arith.addi %add3A_46, %mul3A_45 : i32
      %broadcast_in_dim3A = arith.constant 0.000000e+00 : f32
      %broadcast_in_dim3A_48 = vector.broadcast %broadcast_in_dim3A : f32 to vector<16xf32>
      %swap3A = arith.index_cast %add3A_47 : i32 to index
      %swap3A_49 = arith.constant 0 : index
      %swap3A_50 = tpu.vector_load %arg8[%swap3A, %swap3A_49] {strides = array<i32>} : memref<80x16xf32, #tpu.memory_space<vmem>>, vector<1x16xf32>,
      %swap3A_51 = vector.shape_cast %swap3A_50 : vector<1x16xf32> to vector<16xf32>
      %swap3A_52 = vector.shape_cast %broadcast_in_dim3A_48 : vector<16xf32> to vector<1x16xf32>
      tpu.vector_store %arg8[%swap3A, %swap3A_49], %swap3A_52 {strides = array<i32>} : memref<80x16xf32, #tpu.memory_space<vmem>>, vector<1x16xf32>,
    }
    %scan3A_13 = arith.constant 80 : i32
    %scan3A_14 = arith.constant 0 : i32
    %scan3A_15 = arith.constant 8 : i32
    %scan3A_16 = arith.addi %scan3A_14, %scan3A_15 : i32
    %scan3A_17 = arith.constant 1 : i32
    scf.for %scan3A_43 = %scan3A_14 to %scan3A_16 step %scan3A_17  : i32 {
      %mul3A_44 = arith.constant 1 : i32
      %mul3A_45 = arith.muli %scan3A_43, %mul3A_44 : i32
      %add3A_46 = arith.constant 0 : i32
      %add3A_47 = arith.addi %add3A_46, %mul3A_45 : i32
      %mul3A_48 = arith.constant 640 : i32
      %mul3A_49 = arith.muli %arg1, %mul3A_48 : i32
      %mul3A_50 = arith.constant 80 : i32
      %mul3A_51 = arith.muli %add3A_47, %mul3A_50 : i32
      %add3A_52 = arith.addi %mul3A_49, %mul3A_51 : i32
      "tpu.region"() ({
        %run_scoped3A = tpu.sem_alloc : memref<!tpu.dma_semaphore, #tpu.memory_space<semaphore_mem>>
        %dma_start3A = arith.constant 0 : i32
        %dma_start3A_53 = arith.constant 0 : i32
        %dma_start3A_54 = tpu.memref_slice %arg8[%dma_start3A, %dma_start3A_53] : memref<80x16xf32, #tpu.memory_space<vmem>> -> memref<80x16xf32, #tpu.memory_space<vmem>>
        %dma_start3A_55 = arith.constant 0 : i32
        %dma_start3A_56 = tpu.memref_slice %arg9[%add3A_52, %dma_start3A_55] : memref<10240x16xf32, #tpu.memory_space<vmem_shared>> -> memref<80x16xf32, #tpu.memory_space<vmem_shared>>
        %dma_start3A_57 = arith.constant 0 : i32
        %dma_start3A_58 = tpu.memref_slice %arg9[%add3A_52, %dma_start3A_57] : memref<10240x16xf32, #tpu.memory_space<vmem_shared>> -> memref<80x16xf32, #tpu.memory_space<vmem_shared>>
        %dma_start3A_59 = arith.constant 0 : i32
        %dma_start3A_60 = arith.constant 0 : i32
        %dma_start3A_61 = tpu.memref_slice %arg8[%dma_start3A_59, %dma_start3A_60] : memref<80x16xf32, #tpu.memory_space<vmem>> -> memref<80x16xf32, #tpu.memory_space<vmem>>
        tpu.enqueue_dma source(%dma_start3A_61 : memref<80x16xf32, #tpu.memory_space<vmem>>) target(%dma_start3A_58 : memref<80x16xf32, #tpu.memory_space<vmem_shared>>) target_semaphore(%run_scoped3A : memref<!tpu.dma_semaphore, #tpu.memory_space<semaphore_mem>>)
        %dma_wait3A = arith.constant 0 : i32
        %dma_wait3A_62 = arith.constant 0 : i32
        %dma_wait3A_63 = tpu.memref_slice %arg8[%dma_wait3A, %dma_wait3A_62] : memref<80x16xf32, #tpu.memory_space<vmem>> -> memref<80x16xf32, #tpu.memory_space<vmem>>
        %dma_wait3A_64 = arith.constant 0 : i32
        %dma_wait3A_65 = tpu.memref_slice %arg9[%add3A_52, %dma_wait3A_64] : memref<10240x16xf32, #tpu.memory_space<vmem_shared>> -> memref<80x16xf32, #tpu.memory_space<vmem_shared>>
        %dma_wait3A_66 = arith.constant 0 : i32
        %dma_wait3A_67 = tpu.memref_slice %arg9[%add3A_52, %dma_wait3A_66] : memref<10240x16xf32, #tpu.memory_space<vmem_shared>> -> memref<80x16xf32, #tpu.memory_space<vmem_shared>>
        %dma_wait3A_68 = arith.constant 0 : i32
        %dma_wait3A_69 = arith.constant 0 : i32
        %dma_wait3A_70 = tpu.memref_slice %arg8[%dma_wait3A_68, %dma_wait3A_69] : memref<80x16xf32, #tpu.memory_space<vmem>> -> memref<80x16xf32, #tpu.memory_space<vmem>>
        tpu.wait_dma2 semaphore(%run_scoped3A : memref<!tpu.dma_semaphore, #tpu.memory_space<semaphore_mem>>) src(%dma_wait3A_70 : memref<80x16xf32, #tpu.memory_space<vmem>>) dst(%dma_wait3A_67 : memref<80x16xf32, #tpu.memory_space<vmem_shared>>)
        tpu.yield
      }) : () -> ()
    }
    %scan3A_18 = arith.constant 8 : i32
    %scan3A_19 = arith.constant 0 : i32
    %scan3A_20 = arith.constant 4 : i32
    %scan3A_21 = arith.addi %scan3A_19, %scan3A_20 : i32
    %scan3A_22 = arith.constant 1 : i32
    scf.for %scan3A_43 = %scan3A_19 to %scan3A_21 step %scan3A_22  : i32 {
      %mul3A_44 = arith.constant 1 : i32
      %mul3A_45 = arith.muli %scan3A_43, %mul3A_44 : i32
      %add3A_46 = arith.constant 0 : i32
      %add3A_47 = arith.addi %add3A_46, %mul3A_45 : i32
      %mul3A_48 = arith.constant 320 : i32
      %mul3A_49 = arith.muli %arg1, %mul3A_48 : i32
      %mul3A_50 = arith.constant 80 : i32
      %mul3A_51 = arith.muli %add3A_47, %mul3A_50 : i32
      %add3A_52 = arith.addi %mul3A_49, %mul3A_51 : i32
      "tpu.region"() ({
        %run_scoped3A = tpu.sem_alloc : memref<!tpu.dma_semaphore, #tpu.memory_space<semaphore_mem>>
        %dma_start3A = arith.constant 0 : i32
        %dma_start3A_53 = arith.constant 0 : i32
        %dma_start3A_54 = tpu.memref_slice %arg8[%dma_start3A, %dma_start3A_53] : memref<80x16xf32, #tpu.memory_space<vmem>> -> memref<80x16xf32, #tpu.memory_space<vmem>>
        %dma_start3A_55 = arith.constant 0 : i32
        %dma_start3A_56 = tpu.memref_slice %arg10[%add3A_52, %dma_start3A_55] : memref<5120x16xf32, #tpu.memory_space<vmem_shared>> -> memref<80x16xf32, #tpu.memory_space<vmem_shared>>
        %dma_start3A_57 = arith.constant 0 : i32
        %dma_start3A_58 = tpu.memref_slice %arg10[%add3A_52, %dma_start3A_57] : memref<5120x16xf32, #tpu.memory_space<vmem_shared>> -> memref<80x16xf32, #tpu.memory_space<vmem_shared>>
        %dma_start3A_59 = arith.constant 0 : i32
        %dma_start3A_60 = arith.constant 0 : i32
        %dma_start3A_61 = tpu.memref_slice %arg8[%dma_start3A_59, %dma_start3A_60] : memref<80x16xf32, #tpu.memory_space<vmem>> -> memref<80x16xf32, #tpu.memory_space<vmem>>
        tpu.enqueue_dma source(%dma_start3A_61 : memref<80x16xf32, #tpu.memory_space<vmem>>) target(%dma_start3A_58 : memref<80x16xf32, #tpu.memory_space<vmem_shared>>) target_semaphore(%run_scoped3A : memref<!tpu.dma_semaphore, #tpu.memory_space<semaphore_mem>>)
        %dma_wait3A = arith.constant 0 : i32
        %dma_wait3A_62 = arith.constant 0 : i32
        %dma_wait3A_63 = tpu.memref_slice %arg8[%dma_wait3A, %dma_wait3A_62] : memref<80x16xf32, #tpu.memory_space<vmem>> -> memref<80x16xf32, #tpu.memory_space<vmem>>
        %dma_wait3A_64 = arith.constant 0 : i32
        %dma_wait3A_65 = tpu.memref_slice %arg10[%add3A_52, %dma_wait3A_64] : memref<5120x16xf32, #tpu.memory_space<vmem_shared>> -> memref<80x16xf32, #tpu.memory_space<vmem_shared>>
        %dma_wait3A_66 = arith.constant 0 : i32
        %dma_wait3A_67 = tpu.memref_slice %arg10[%add3A_52, %dma_wait3A_66] : memref<5120x16xf32, #tpu.memory_space<vmem_shared>> -> memref<80x16xf32, #tpu.memory_space<vmem_shared>>
        %dma_wait3A_68 = arith.constant 0 : i32
        %dma_wait3A_69 = arith.constant 0 : i32
        %dma_wait3A_70 = tpu.memref_slice %arg8[%dma_wait3A_68, %dma_wait3A_69] : memref<80x16xf32, #tpu.memory_space<vmem>> -> memref<80x16xf32, #tpu.memory_space<vmem>>
        tpu.wait_dma2 semaphore(%run_scoped3A : memref<!tpu.dma_semaphore, #tpu.memory_space<semaphore_mem>>) src(%dma_wait3A_70 : memref<80x16xf32, #tpu.memory_space<vmem>>) dst(%dma_wait3A_67 : memref<80x16xf32, #tpu.memory_space<vmem_shared>>)
        tpu.yield
      }) : () -> ()
    }
    %scan3A_23 = arith.constant 4 : i32
    %scan3A_24 = arith.constant 0 : i32
    %scan3A_25 = arith.constant 80 : i32
    %scan3A_26 = arith.addi %scan3A_24, %scan3A_25 : i32
    %scan3A_27 = arith.constant 1 : i32
    scf.for %scan3A_43 = %scan3A_24 to %scan3A_26 step %scan3A_27  : i32 {
      %mul3A_44 = arith.constant 1 : i32
      %mul3A_45 = arith.muli %scan3A_43, %mul3A_44 : i32
      %add3A_46 = arith.constant 0 : i32
      %add3A_47 = arith.addi %add3A_46, %mul3A_45 : i32
      %broadcast_in_dim3A = arith.constant 1.000000e+00 : f32
      %broadcast_in_dim3A_48 = vector.broadcast %broadcast_in_dim3A : f32 to vector<16xf32>
      %swap3A = arith.index_cast %add3A_47 : i32 to index
      %swap3A_49 = arith.constant 0 : index
      %swap3A_50 = tpu.vector_load %arg8[%swap3A, %swap3A_49] {strides = array<i32>} : memref<80x16xf32, #tpu.memory_space<vmem>>, vector<1x16xf32>,
      %swap3A_51 = vector.shape_cast %swap3A_50 : vector<1x16xf32> to vector<16xf32>
      %swap3A_52 = vector.shape_cast %broadcast_in_dim3A_48 : vector<16xf32> to vector<1x16xf32>
      tpu.vector_store %arg8[%swap3A, %swap3A_49], %swap3A_52 {strides = array<i32>} : memref<80x16xf32, #tpu.memory_space<vmem>>, vector<1x16xf32>,
    }
    %scan3A_28 = arith.constant 80 : i32
    %barrier3A = arith.constant 0 : index
    tpu.barrier barrier_id(%barrier3A)
    %scan3A_29 = arith.constant 0 : i32
    %scan3A_30 = arith.constant 5 : i32
    %scan3A_31 = arith.addi %scan3A_29, %scan3A_30 : i32
    %scan3A_32 = arith.constant 1 : i32
    scf.for %scan3A_43 = %scan3A_29 to %scan3A_31 step %scan3A_32  : i32 {
      %mul3A_44 = arith.constant 25 : i32
      %mul3A_45 = arith.muli %scan3A_43, %mul3A_44 : i32
      %add3A_46 = arith.constant 0 : i32
      %add3A_47 = arith.addi %add3A_46, %mul3A_45 : i32
      %add3A_48 = arith.constant 0 : i32
      %add3A_49 = arith.addi %add3A_47, %add3A_48 : i32
      %mul3A_50 = arith.constant 80 : i32
      %mul3A_51 = arith.muli %add3A_49, %mul3A_50 : i32
      %add3A_52 = arith.constant 0 : i32
      %add3A_53 = arith.addi %add3A_47, %add3A_52 : i32
      %mul3A_54 = arith.constant 80 : i32
      %mul3A_55 = arith.muli %add3A_53, %mul3A_54 : i32
      %dma_start3A = tpu.memref_slice %arg6[%mul3A_51] : memref<10000xi32, #tpu.memory_space<vmem>> -> memref<80xi32, #tpu.memory_space<vmem>>
      %dma_start3A_56 = arith.constant 0 : i32
      %dma_start3A_57 = arith.constant 0 : i32
      %dma_start3A_58 = tpu.memref_slice %arg9[%dma_start3A_56, %dma_start3A_57] : memref<10240x16xf32, #tpu.memory_space<vmem_shared>> -> memref<10240x16xf32, #tpu.memory_space<vmem_shared>>
      tpu.enqueue_indirect_dma source(%arg8 : memref<80x16xf32, #tpu.memory_space<vmem>>) target(%dma_start3A_58 : memref<10240x16xf32, #tpu.memory_space<vmem_shared>>) offsets(%dma_start3A : memref<80xi32, #tpu.memory_space<vmem>>) semaphore(%arg11 : memref<!tpu.dma_semaphore, #tpu.memory_space<semaphore_mem>>) {add = true}
      %dma_start3A_59 = tpu.memref_slice %arg7[%mul3A_55] : memref<10000xi32, #tpu.memory_space<vmem>> -> memref<80xi32, #tpu.memory_space<vmem>>
      %dma_start3A_60 = arith.constant 0 : i32
      %dma_start3A_61 = arith.constant 0 : i32
      %dma_start3A_62 = tpu.memref_slice %arg10[%dma_start3A_60, %dma_start3A_61] : memref<5120x16xf32, #tpu.memory_space<vmem_shared>> -> memref<5120x16xf32, #tpu.memory_space<vmem_shared>>
      tpu.enqueue_indirect_dma source(%arg8 : memref<80x16xf32, #tpu.memory_space<vmem>>) target(%dma_start3A_62 : memref<5120x16xf32, #tpu.memory_space<vmem_shared>>) offsets(%dma_start3A_59 : memref<80xi32, #tpu.memory_space<vmem>>) semaphore(%arg12 : memref<!tpu.dma_semaphore, #tpu.memory_space<semaphore_mem>>) {add = true}
      %add3A_63 = arith.constant 1 : i32
      %add3A_64 = arith.addi %add3A_47, %add3A_63 : i32
      %mul3A_65 = arith.constant 80 : i32
      %mul3A_66 = arith.muli %add3A_64, %mul3A_65 : i32
      %add3A_67 = arith.constant 1 : i32
      %add3A_68 = arith.addi %add3A_47, %add3A_67 : i32
      %mul3A_69 = arith.constant 80 : i32
      %mul3A_70 = arith.muli %add3A_68, %mul3A_69 : i32
      %dma_start3A_71 = tpu.memref_slice %arg6[%mul3A_66] : memref<10000xi32, #tpu.memory_space<vmem>> -> memref<80xi32, #tpu.memory_space<vmem>>
      %dma_start3A_72 = arith.constant 0 : i32
      %dma_start3A_73 = arith.constant 0 : i32
      %dma_start3A_74 = tpu.memref_slice %arg9[%dma_start3A_72, %dma_start3A_73] : memref<10240x16xf32, #tpu.memory_space<vmem_shared>> -> memref<10240x16xf32, #tpu.memory_space<vmem_shared>>
      tpu.enqueue_indirect_dma source(%arg8 : memref<80x16xf32, #tpu.memory_space<vmem>>) target(%dma_start3A_74 : memref<10240x16xf32, #tpu.memory_space<vmem_shared>>) offsets(%dma_start3A_71 : memref<80xi32, #tpu.memory_space<vmem>>) semaphore(%arg11 : memref<!tpu.dma_semaphore, #tpu.memory_space<semaphore_mem>>) {add = true}
      %dma_start3A_75 = tpu.memref_slice %arg7[%mul3A_70] : memref<10000xi32, #tpu.memory_space<vmem>> -> memref<80xi32, #tpu.memory_space<vmem>>
      %dma_start3A_76 = arith.constant 0 : i32
      %dma_start3A_77 = arith.constant 0 : i32
      %dma_start3A_78 = tpu.memref_slice %arg10[%dma_start3A_76, %dma_start3A_77] : memref<5120x16xf32, #tpu.memory_space<vmem_shared>> -> memref<5120x16xf32, #tpu.memory_space<vmem_shared>>
      tpu.enqueue_indirect_dma source(%arg8 : memref<80x16xf32, #tpu.memory_space<vmem>>) target(%dma_start3A_78 : memref<5120x16xf32, #tpu.memory_space<vmem_shared>>) offsets(%dma_start3A_75 : memref<80xi32, #tpu.memory_space<vmem>>) semaphore(%arg12 : memref<!tpu.dma_semaphore, #tpu.memory_space<semaphore_mem>>) {add = true}
      %add3A_79 = arith.constant 2 : i32
      %add3A_80 = arith.addi %add3A_47, %add3A_79 : i32
      %mul3A_81 = arith.constant 80 : i32
      %mul3A_82 = arith.muli %add3A_80, %mul3A_81 : i32
      %add3A_83 = arith.constant 2 : i32
      %add3A_84 = arith.addi %add3A_47, %add3A_83 : i32
      %mul3A_85 = arith.constant 80 : i32
      %mul3A_86 = arith.muli %add3A_84, %mul3A_85 : i32
      %dma_start3A_87 = tpu.memref_slice %arg6[%mul3A_82] : memref<10000xi32, #tpu.memory_space<vmem>> -> memref<80xi32, #tpu.memory_space<vmem>>
      %dma_start3A_88 = arith.constant 0 : i32
      %dma_start3A_89 = arith.constant 0 : i32
      %dma_start3A_90 = tpu.memref_slice %arg9[%dma_start3A_88, %dma_start3A_89] : memref<10240x16xf32, #tpu.memory_space<vmem_shared>> -> memref<10240x16xf32, #tpu.memory_space<vmem_shared>>
      tpu.enqueue_indirect_dma source(%arg8 : memref<80x16xf32, #tpu.memory_space<vmem>>) target(%dma_start3A_90 : memref<10240x16xf32, #tpu.memory_space<vmem_shared>>) offsets(%dma_start3A_87 : memref<80xi32, #tpu.memory_space<vmem>>) semaphore(%arg11 : memref<!tpu.dma_semaphore, #tpu.memory_space<semaphore_mem>>) {add = true}
      %dma_start3A_91 = tpu.memref_slice %arg7[%mul3A_86] : memref<10000xi32, #tpu.memory_space<vmem>> -> memref<80xi32, #tpu.memory_space<vmem>>
      %dma_start3A_92 = arith.constant 0 : i32
      %dma_start3A_93 = arith.constant 0 : i32
      %dma_start3A_94 = tpu.memref_slice %arg10[%dma_start3A_92, %dma_start3A_93] : memref<5120x16xf32, #tpu.memory_space<vmem_shared>> -> memref<5120x16xf32, #tpu.memory_space<vmem_shared>>
      tpu.enqueue_indirect_dma source(%arg8 : memref<80x16xf32, #tpu.memory_space<vmem>>) target(%dma_start3A_94 : memref<5120x16xf32, #tpu.memory_space<vmem_shared>>) offsets(%dma_start3A_91 : memref<80xi32, #tpu.memory_space<vmem>>) semaphore(%arg12 : memref<!tpu.dma_semaphore, #tpu.memory_space<semaphore_mem>>) {add = true}
      %add3A_95 = arith.constant 3 : i32
      %add3A_96 = arith.addi %add3A_47, %add3A_95 : i32
      %mul3A_97 = arith.constant 80 : i32
      %mul3A_98 = arith.muli %add3A_96, %mul3A_97 : i32
      %add3A_99 = arith.constant 3 : i32
      %add3A_100 = arith.addi %add3A_47, %add3A_99 : i32
      %mul3A_101 = arith.constant 80 : i32
      %mul3A_102 = arith.muli %add3A_100, %mul3A_101 : i32
      %dma_start3A_103 = tpu.memref_slice %arg6[%mul3A_98] : memref<10000xi32, #tpu.memory_space<vmem>> -> memref<80xi32, #tpu.memory_space<vmem>>
      %dma_start3A_104 = arith.constant 0 : i32
      %dma_start3A_105 = arith.constant 0 : i32
      %dma_start3A_106 = tpu.memref_slice %arg9[%dma_start3A_104, %dma_start3A_105] : memref<10240x16xf32, #tpu.memory_space<vmem_shared>> -> memref<10240x16xf32, #tpu.memory_space<vmem_shared>>
      tpu.enqueue_indirect_dma source(%arg8 : memref<80x16xf32, #tpu.memory_space<vmem>>) target(%dma_start3A_106 : memref<10240x16xf32, #tpu.memory_space<vmem_shared>>) offsets(%dma_start3A_103 : memref<80xi32, #tpu.memory_space<vmem>>) semaphore(%arg11 : memref<!tpu.dma_semaphore, #tpu.memory_space<semaphore_mem>>) {add = true}
      %dma_start3A_107 = tpu.memref_slice %arg7[%mul3A_102] : memref<10000xi32, #tpu.memory_space<vmem>> -> memref<80xi32, #tpu.memory_space<vmem>>
      %dma_start3A_108 = arith.constant 0 : i32
      %dma_start3A_109 = arith.constant 0 : i32
      %dma_start3A_110 = tpu.memref_slice %arg10[%dma_start3A_108, %dma_start3A_109] : memref<5120x16xf32, #tpu.memory_space<vmem_shared>> -> memref<5120x16xf32, #tpu.memory_space<vmem_shared>>
      tpu.enqueue_indirect_dma source(%arg8 : memref<80x16xf32, #tpu.memory_space<vmem>>) target(%dma_start3A_110 : memref<5120x16xf32, #tpu.memory_space<vmem_shared>>) offsets(%dma_start3A_107 : memref<80xi32, #tpu.memory_space<vmem>>) semaphore(%arg12 : memref<!tpu.dma_semaphore, #tpu.memory_space<semaphore_mem>>) {add = true}
      %add3A_111 = arith.constant 4 : i32
      %add3A_112 = arith.addi %add3A_47, %add3A_111 : i32
      %mul3A_113 = arith.constant 80 : i32
      %mul3A_114 = arith.muli %add3A_112, %mul3A_113 : i32
      %add3A_115 = arith.constant 4 : i32
      %add3A_116 = arith.addi %add3A_47, %add3A_115 : i32
      %mul3A_117 = arith.constant 80 : i32
      %mul3A_118 = arith.muli %add3A_116, %mul3A_117 : i32
      %dma_start3A_119 = tpu.memref_slice %arg6[%mul3A_114] : memref<10000xi32, #tpu.memory_space<vmem>> -> memref<80xi32, #tpu.memory_space<vmem>>
      %dma_start3A_120 = arith.constant 0 : i32
      %dma_start3A_121 = arith.constant 0 : i32
      %dma_start3A_122 = tpu.memref_slice %arg9[%dma_start3A_120, %dma_start3A_121] : memref<10240x16xf32, #tpu.memory_space<vmem_shared>> -> memref<10240x16xf32, #tpu.memory_space<vmem_shared>>
      tpu.enqueue_indirect_dma source(%arg8 : memref<80x16xf32, #tpu.memory_space<vmem>>) target(%dma_start3A_122 : memref<10240x16xf32, #tpu.memory_space<vmem_shared>>) offsets(%dma_start3A_119 : memref<80xi32, #tpu.memory_space<vmem>>) semaphore(%arg11 : memref<!tpu.dma_semaphore, #tpu.memory_space<semaphore_mem>>) {add = true}
      %dma_start3A_123 = tpu.memref_slice %arg7[%mul3A_118] : memref<10000xi32, #tpu.memory_space<vmem>> -> memref<80xi32, #tpu.memory_space<vmem>>
      %dma_start3A_124 = arith.constant 0 : i32
      %dma_start3A_125 = arith.constant 0 : i32
      %dma_start3A_126 = tpu.memref_slice %arg10[%dma_start3A_124, %dma_start3A_125] : memref<5120x16xf32, #tpu.memory_space<vmem_shared>> -> memref<5120x16xf32, #tpu.memory_space<vmem_shared>>
      tpu.enqueue_indirect_dma source(%arg8 : memref<80x16xf32, #tpu.memory_space<vmem>>) target(%dma_start3A_126 : memref<5120x16xf32, #tpu.memory_space<vmem_shared>>) offsets(%dma_start3A_123 : memref<80xi32, #tpu.memory_space<vmem>>) semaphore(%arg12 : memref<!tpu.dma_semaphore, #tpu.memory_space<semaphore_mem>>) {add = true}
      %add3A_127 = arith.constant 5 : i32
      %add3A_128 = arith.addi %add3A_47, %add3A_127 : i32
      %mul3A_129 = arith.constant 80 : i32
      %mul3A_130 = arith.muli %add3A_128, %mul3A_129 : i32
      %add3A_131 = arith.constant 5 : i32
      %add3A_132 = arith.addi %add3A_47, %add3A_131 : i32
      %mul3A_133 = arith.constant 80 : i32
      %mul3A_134 = arith.muli %add3A_132, %mul3A_133 : i32
      %dma_start3A_135 = tpu.memref_slice %arg6[%mul3A_130] : memref<10000xi32, #tpu.memory_space<vmem>> -> memref<80xi32, #tpu.memory_space<vmem>>
      %dma_start3A_136 = arith.constant 0 : i32
      %dma_start3A_137 = arith.constant 0 : i32
      %dma_start3A_138 = tpu.memref_slice %arg9[%dma_start3A_136, %dma_start3A_137] : memref<10240x16xf32, #tpu.memory_space<vmem_shared>> -> memref<10240x16xf32, #tpu.memory_space<vmem_shared>>
      tpu.enqueue_indirect_dma source(%arg8 : memref<80x16xf32, #tpu.memory_space<vmem>>) target(%dma_start3A_138 : memref<10240x16xf32, #tpu.memory_space<vmem_shared>>) offsets(%dma_start3A_135 : memref<80xi32, #tpu.memory_space<vmem>>) semaphore(%arg11 : memref<!tpu.dma_semaphore, #tpu.memory_space<semaphore_mem>>) {add = true}
      %dma_start3A_139 = tpu.memref_slice %arg7[%mul3A_134] : memref<10000xi32, #tpu.memory_space<vmem>> -> memref<80xi32, #tpu.memory_space<vmem>>
      %dma_start3A_140 = arith.constant 0 : i32
      %dma_start3A_141 = arith.constant 0 : i32
      %dma_start3A_142 = tpu.memref_slice %arg10[%dma_start3A_140, %dma_start3A_141] : memref<5120x16xf32, #tpu.memory_space<vmem_shared>> -> memref<5120x16xf32, #tpu.memory_space<vmem_shared>>
      tpu.enqueue_indirect_dma source(%arg8 : memref<80x16xf32, #tpu.memory_space<vmem>>) target(%dma_start3A_142 : memref<5120x16xf32, #tpu.memory_space<vmem_shared>>) offsets(%dma_start3A_139 : memref<80xi32, #tpu.memory_space<vmem>>) semaphore(%arg12 : memref<!tpu.dma_semaphore, #tpu.memory_space<semaphore_mem>>) {add = true}
      %add3A_143 = arith.constant 6 : i32
      %add3A_144 = arith.addi %add3A_47, %add3A_143 : i32
      %mul3A_145 = arith.constant 80 : i32
      %mul3A_146 = arith.muli %add3A_144, %mul3A_145 : i32
      %add3A_147 = arith.constant 6 : i32
      %add3A_148 = arith.addi %add3A_47, %add3A_147 : i32
      %mul3A_149 = arith.constant 80 : i32
      %mul3A_150 = arith.muli %add3A_148, %mul3A_149 : i32
      %dma_start3A_151 = tpu.memref_slice %arg6[%mul3A_146] : memref<10000xi32, #tpu.memory_space<vmem>> -> memref<80xi32, #tpu.memory_space<vmem>>
      %dma_start3A_152 = arith.constant 0 : i32
      %dma_start3A_153 = arith.constant 0 : i32
      %dma_start3A_154 = tpu.memref_slice %arg9[%dma_start3A_152, %dma_start3A_153] : memref<10240x16xf32, #tpu.memory_space<vmem_shared>> -> memref<10240x16xf32, #tpu.memory_space<vmem_shared>>
      tpu.enqueue_indirect_dma source(%arg8 : memref<80x16xf32, #tpu.memory_space<vmem>>) target(%dma_start3A_154 : memref<10240x16xf32, #tpu.memory_space<vmem_shared>>) offsets(%dma_start3A_151 : memref<80xi32, #tpu.memory_space<vmem>>) semaphore(%arg11 : memref<!tpu.dma_semaphore, #tpu.memory_space<semaphore_mem>>) {add = true}
      %dma_start3A_155 = tpu.memref_slice %arg7[%mul3A_150] : memref<10000xi32, #tpu.memory_space<vmem>> -> memref<80xi32, #tpu.memory_space<vmem>>
      %dma_start3A_156 = arith.constant 0 : i32
      %dma_start3A_157 = arith.constant 0 : i32
      %dma_start3A_158 = tpu.memref_slice %arg10[%dma_start3A_156, %dma_start3A_157] : memref<5120x16xf32, #tpu.memory_space<vmem_shared>> -> memref<5120x16xf32, #tpu.memory_space<vmem_shared>>
      tpu.enqueue_indirect_dma source(%arg8 : memref<80x16xf32, #tpu.memory_space<vmem>>) target(%dma_start3A_158 : memref<5120x16xf32, #tpu.memory_space<vmem_shared>>) offsets(%dma_start3A_155 : memref<80xi32, #tpu.memory_space<vmem>>) semaphore(%arg12 : memref<!tpu.dma_semaphore, #tpu.memory_space<semaphore_mem>>) {add = true}
      %add3A_159 = arith.constant 7 : i32
      %add3A_160 = arith.addi %add3A_47, %add3A_159 : i32
      %mul3A_161 = arith.constant 80 : i32
      %mul3A_162 = arith.muli %add3A_160, %mul3A_161 : i32
      %add3A_163 = arith.constant 7 : i32
      %add3A_164 = arith.addi %add3A_47, %add3A_163 : i32
      %mul3A_165 = arith.constant 80 : i32
      %mul3A_166 = arith.muli %add3A_164, %mul3A_165 : i32
      %dma_start3A_167 = tpu.memref_slice %arg6[%mul3A_162] : memref<10000xi32, #tpu.memory_space<vmem>> -> memref<80xi32, #tpu.memory_space<vmem>>
      %dma_start3A_168 = arith.constant 0 : i32
      %dma_start3A_169 = arith.constant 0 : i32
      %dma_start3A_170 = tpu.memref_slice %arg9[%dma_start3A_168, %dma_start3A_169] : memref<10240x16xf32, #tpu.memory_space<vmem_shared>> -> memref<10240x16xf32, #tpu.memory_space<vmem_shared>>
      tpu.enqueue_indirect_dma source(%arg8 : memref<80x16xf32, #tpu.memory_space<vmem>>) target(%dma_start3A_170 : memref<10240x16xf32, #tpu.memory_space<vmem_shared>>) offsets(%dma_start3A_167 : memref<80xi32, #tpu.memory_space<vmem>>) semaphore(%arg11 : memref<!tpu.dma_semaphore, #tpu.memory_space<semaphore_mem>>) {add = true}
      %dma_start3A_171 = tpu.memref_slice %arg7[%mul3A_166] : memref<10000xi32, #tpu.memory_space<vmem>> -> memref<80xi32, #tpu.memory_space<vmem>>
      %dma_start3A_172 = arith.constant 0 : i32
      %dma_start3A_173 = arith.constant 0 : i32
      %dma_start3A_174 = tpu.memref_slice %arg10[%dma_start3A_172, %dma_start3A_173] : memref<5120x16xf32, #tpu.memory_space<vmem_shared>> -> memref<5120x16xf32, #tpu.memory_space<vmem_shared>>
      tpu.enqueue_indirect_dma source(%arg8 : memref<80x16xf32, #tpu.memory_space<vmem>>) target(%dma_start3A_174 : memref<5120x16xf32, #tpu.memory_space<vmem_shared>>) offsets(%dma_start3A_171 : memref<80xi32, #tpu.memory_space<vmem>>) semaphore(%arg12 : memref<!tpu.dma_semaphore, #tpu.memory_space<semaphore_mem>>) {add = true}
      %add3A_175 = arith.constant 8 : i32
      %add3A_176 = arith.addi %add3A_47, %add3A_175 : i32
      %mul3A_177 = arith.constant 80 : i32
      %mul3A_178 = arith.muli %add3A_176, %mul3A_177 : i32
      %add3A_179 = arith.constant 8 : i32
      %add3A_180 = arith.addi %add3A_47, %add3A_179 : i32
      %mul3A_181 = arith.constant 80 : i32
      %mul3A_182 = arith.muli %add3A_180, %mul3A_181 : i32
      %dma_start3A_183 = tpu.memref_slice %arg6[%mul3A_178] : memref<10000xi32, #tpu.memory_space<vmem>> -> memref<80xi32, #tpu.memory_space<vmem>>
      %dma_start3A_184 = arith.constant 0 : i32
      %dma_start3A_185 = arith.constant 0 : i32
      %dma_start3A_186 = tpu.memref_slice %arg9[%dma_start3A_184, %dma_start3A_185] : memref<10240x16xf32, #tpu.memory_space<vmem_shared>> -> memref<10240x16xf32, #tpu.memory_space<vmem_shared>>
      tpu.enqueue_indirect_dma source(%arg8 : memref<80x16xf32, #tpu.memory_space<vmem>>) target(%dma_start3A_186 : memref<10240x16xf32, #tpu.memory_space<vmem_shared>>) offsets(%dma_start3A_183 : memref<80xi32, #tpu.memory_space<vmem>>) semaphore(%arg11 : memref<!tpu.dma_semaphore, #tpu.memory_space<semaphore_mem>>) {add = true}
      %dma_start3A_187 = tpu.memref_slice %arg7[%mul3A_182] : memref<10000xi32, #tpu.memory_space<vmem>> -> memref<80xi32, #tpu.memory_space<vmem>>
      %dma_start3A_188 = arith.constant 0 : i32
      %dma_start3A_189 = arith.constant 0 : i32
      %dma_start3A_190 = tpu.memref_slice %arg10[%dma_start3A_188, %dma_start3A_189] : memref<5120x16xf32, #tpu.memory_space<vmem_shared>> -> memref<5120x16xf32, #tpu.memory_space<vmem_shared>>
      tpu.enqueue_indirect_dma source(%arg8 : memref<80x16xf32, #tpu.memory_space<vmem>>) target(%dma_start3A_190 : memref<5120x16xf32, #tpu.memory_space<vmem_shared>>) offsets(%dma_start3A_187 : memref<80xi32, #tpu.memory_space<vmem>>) semaphore(%arg12 : memref<!tpu.dma_semaphore, #tpu.memory_space<semaphore_mem>>) {add = true}
      %add3A_191 = arith.constant 9 : i32
      %add3A_192 = arith.addi %add3A_47, %add3A_191 : i32
      %mul3A_193 = arith.constant 80 : i32
      %mul3A_194 = arith.muli %add3A_192, %mul3A_193 : i32
      %add3A_195 = arith.constant 9 : i32
      %add3A_196 = arith.addi %add3A_47, %add3A_195 : i32
      %mul3A_197 = arith.constant 80 : i32
      %mul3A_198 = arith.muli %add3A_196, %mul3A_197 : i32
      %dma_start3A_199 = tpu.memref_slice %arg6[%mul3A_194] : memref<10000xi32, #tpu.memory_space<vmem>> -> memref<80xi32, #tpu.memory_space<vmem>>
      %dma_start3A_200 = arith.constant 0 : i32
      %dma_start3A_201 = arith.constant 0 : i32
      %dma_start3A_202 = tpu.memref_slice %arg9[%dma_start3A_200, %dma_start3A_201] : memref<10240x16xf32, #tpu.memory_space<vmem_shared>> -> memref<10240x16xf32, #tpu.memory_space<vmem_shared>>
      tpu.enqueue_indirect_dma source(%arg8 : memref<80x16xf32, #tpu.memory_space<vmem>>) target(%dma_start3A_202 : memref<10240x16xf32, #tpu.memory_space<vmem_shared>>) offsets(%dma_start3A_199 : memref<80xi32, #tpu.memory_space<vmem>>) semaphore(%arg11 : memref<!tpu.dma_semaphore, #tpu.memory_space<semaphore_mem>>) {add = true}
      %dma_start3A_203 = tpu.memref_slice %arg7[%mul3A_198] : memref<10000xi32, #tpu.memory_space<vmem>> -> memref<80xi32, #tpu.memory_space<vmem>>
      %dma_start3A_204 = arith.constant 0 : i32
      %dma_start3A_205 = arith.constant 0 : i32
      %dma_start3A_206 = tpu.memref_slice %arg10[%dma_start3A_204, %dma_start3A_205] : memref<5120x16xf32, #tpu.memory_space<vmem_shared>> -> memref<5120x16xf32, #tpu.memory_space<vmem_shared>>
      tpu.enqueue_indirect_dma source(%arg8 : memref<80x16xf32, #tpu.memory_space<vmem>>) target(%dma_start3A_206 : memref<5120x16xf32, #tpu.memory_space<vmem_shared>>) offsets(%dma_start3A_203 : memref<80xi32, #tpu.memory_space<vmem>>) semaphore(%arg12 : memref<!tpu.dma_semaphore, #tpu.memory_space<semaphore_mem>>) {add = true}
      %add3A_207 = arith.constant 10 : i32
      %add3A_208 = arith.addi %add3A_47, %add3A_207 : i32
      %mul3A_209 = arith.constant 80 : i32
      %mul3A_210 = arith.muli %add3A_208, %mul3A_209 : i32
      %add3A_211 = arith.constant 10 : i32
      %add3A_212 = arith.addi %add3A_47, %add3A_211 : i32
      %mul3A_213 = arith.constant 80 : i32
      %mul3A_214 = arith.muli %add3A_212, %mul3A_213 : i32
      %dma_start3A_215 = tpu.memref_slice %arg6[%mul3A_210] : memref<10000xi32, #tpu.memory_space<vmem>> -> memref<80xi32, #tpu.memory_space<vmem>>
      %dma_start3A_216 = arith.constant 0 : i32
      %dma_start3A_217 = arith.constant 0 : i32
      %dma_start3A_218 = tpu.memref_slice %arg9[%dma_start3A_216, %dma_start3A_217] : memref<10240x16xf32, #tpu.memory_space<vmem_shared>> -> memref<10240x16xf32, #tpu.memory_space<vmem_shared>>
      tpu.enqueue_indirect_dma source(%arg8 : memref<80x16xf32, #tpu.memory_space<vmem>>) target(%dma_start3A_218 : memref<10240x16xf32, #tpu.memory_space<vmem_shared>>) offsets(%dma_start3A_215 : memref<80xi32, #tpu.memory_space<vmem>>) semaphore(%arg11 : memref<!tpu.dma_semaphore, #tpu.memory_space<semaphore_mem>>) {add = true}
      %dma_start3A_219 = tpu.memref_slice %arg7[%mul3A_214] : memref<10000xi32, #tpu.memory_space<vmem>> -> memref<80xi32, #tpu.memory_space<vmem>>
      %dma_start3A_220 = arith.constant 0 : i32
      %dma_start3A_221 = arith.constant 0 : i32
      %dma_start3A_222 = tpu.memref_slice %arg10[%dma_start3A_220, %dma_start3A_221] : memref<5120x16xf32, #tpu.memory_space<vmem_shared>> -> memref<5120x16xf32, #tpu.memory_space<vmem_shared>>
      tpu.enqueue_indirect_dma source(%arg8 : memref<80x16xf32, #tpu.memory_space<vmem>>) target(%dma_start3A_222 : memref<5120x16xf32, #tpu.memory_space<vmem_shared>>) offsets(%dma_start3A_219 : memref<80xi32, #tpu.memory_space<vmem>>) semaphore(%arg12 : memref<!tpu.dma_semaphore, #tpu.memory_space<semaphore_mem>>) {add = true}
      %add3A_223 = arith.constant 11 : i32
      %add3A_224 = arith.addi %add3A_47, %add3A_223 : i32
      %mul3A_225 = arith.constant 80 : i32
      %mul3A_226 = arith.muli %add3A_224, %mul3A_225 : i32
      %add3A_227 = arith.constant 11 : i32
      %add3A_228 = arith.addi %add3A_47, %add3A_227 : i32
      %mul3A_229 = arith.constant 80 : i32
      %mul3A_230 = arith.muli %add3A_228, %mul3A_229 : i32
      %dma_start3A_231 = tpu.memref_slice %arg6[%mul3A_226] : memref<10000xi32, #tpu.memory_space<vmem>> -> memref<80xi32, #tpu.memory_space<vmem>>
      %dma_start3A_232 = arith.constant 0 : i32
      %dma_start3A_233 = arith.constant 0 : i32
      %dma_start3A_234 = tpu.memref_slice %arg9[%dma_start3A_232, %dma_start3A_233] : memref<10240x16xf32, #tpu.memory_space<vmem_shared>> -> memref<10240x16xf32, #tpu.memory_space<vmem_shared>>
      tpu.enqueue_indirect_dma source(%arg8 : memref<80x16xf32, #tpu.memory_space<vmem>>) target(%dma_start3A_234 : memref<10240x16xf32, #tpu.memory_space<vmem_shared>>) offsets(%dma_start3A_231 : memref<80xi32, #tpu.memory_space<vmem>>) semaphore(%arg11 : memref<!tpu.dma_semaphore, #tpu.memory_space<semaphore_mem>>) {add = true}
      %dma_start3A_235 = tpu.memref_slice %arg7[%mul3A_230] : memref<10000xi32, #tpu.memory_space<vmem>> -> memref<80xi32, #tpu.memory_space<vmem>>
      %dma_start3A_236 = arith.constant 0 : i32
      %dma_start3A_237 = arith.constant 0 : i32
      %dma_start3A_238 = tpu.memref_slice %arg10[%dma_start3A_236, %dma_start3A_237] : memref<5120x16xf32, #tpu.memory_space<vmem_shared>> -> memref<5120x16xf32, #tpu.memory_space<vmem_shared>>
      tpu.enqueue_indirect_dma source(%arg8 : memref<80x16xf32, #tpu.memory_space<vmem>>) target(%dma_start3A_238 : memref<5120x16xf32, #tpu.memory_space<vmem_shared>>) offsets(%dma_start3A_235 : memref<80xi32, #tpu.memory_space<vmem>>) semaphore(%arg12 : memref<!tpu.dma_semaphore, #tpu.memory_space<semaphore_mem>>) {add = true}
      %add3A_239 = arith.constant 12 : i32
      %add3A_240 = arith.addi %add3A_47, %add3A_239 : i32
      %mul3A_241 = arith.constant 80 : i32
      %mul3A_242 = arith.muli %add3A_240, %mul3A_241 : i32
      %add3A_243 = arith.constant 12 : i32
      %add3A_244 = arith.addi %add3A_47, %add3A_243 : i32
      %mul3A_245 = arith.constant 80 : i32
      %mul3A_246 = arith.muli %add3A_244, %mul3A_245 : i32
      %dma_start3A_247 = tpu.memref_slice %arg6[%mul3A_242] : memref<10000xi32, #tpu.memory_space<vmem>> -> memref<80xi32, #tpu.memory_space<vmem>>
      %dma_start3A_248 = arith.constant 0 : i32
      %dma_start3A_249 = arith.constant 0 : i32
      %dma_start3A_250 = tpu.memref_slice %arg9[%dma_start3A_248, %dma_start3A_249] : memref<10240x16xf32, #tpu.memory_space<vmem_shared>> -> memref<10240x16xf32, #tpu.memory_space<vmem_shared>>
      tpu.enqueue_indirect_dma source(%arg8 : memref<80x16xf32, #tpu.memory_space<vmem>>) target(%dma_start3A_250 : memref<10240x16xf32, #tpu.memory_space<vmem_shared>>) offsets(%dma_start3A_247 : memref<80xi32, #tpu.memory_space<vmem>>) semaphore(%arg11 : memref<!tpu.dma_semaphore, #tpu.memory_space<semaphore_mem>>) {add = true}
      %dma_start3A_251 = tpu.memref_slice %arg7[%mul3A_246] : memref<10000xi32, #tpu.memory_space<vmem>> -> memref<80xi32, #tpu.memory_space<vmem>>
      %dma_start3A_252 = arith.constant 0 : i32
      %dma_start3A_253 = arith.constant 0 : i32
      %dma_start3A_254 = tpu.memref_slice %arg10[%dma_start3A_252, %dma_start3A_253] : memref<5120x16xf32, #tpu.memory_space<vmem_shared>> -> memref<5120x16xf32, #tpu.memory_space<vmem_shared>>
      tpu.enqueue_indirect_dma source(%arg8 : memref<80x16xf32, #tpu.memory_space<vmem>>) target(%dma_start3A_254 : memref<5120x16xf32, #tpu.memory_space<vmem_shared>>) offsets(%dma_start3A_251 : memref<80xi32, #tpu.memory_space<vmem>>) semaphore(%arg12 : memref<!tpu.dma_semaphore, #tpu.memory_space<semaphore_mem>>) {add = true}
      %add3A_255 = arith.constant 13 : i32
      %add3A_256 = arith.addi %add3A_47, %add3A_255 : i32
      %mul3A_257 = arith.constant 80 : i32
      %mul3A_258 = arith.muli %add3A_256, %mul3A_257 : i32
      %add3A_259 = arith.constant 13 : i32
      %add3A_260 = arith.addi %add3A_47, %add3A_259 : i32
      %mul3A_261 = arith.constant 80 : i32
      %mul3A_262 = arith.muli %add3A_260, %mul3A_261 : i32
      %dma_start3A_263 = tpu.memref_slice %arg6[%mul3A_258] : memref<10000xi32, #tpu.memory_space<vmem>> -> memref<80xi32, #tpu.memory_space<vmem>>
      %dma_start3A_264 = arith.constant 0 : i32
      %dma_start3A_265 = arith.constant 0 : i32
      %dma_start3A_266 = tpu.memref_slice %arg9[%dma_start3A_264, %dma_start3A_265] : memref<10240x16xf32, #tpu.memory_space<vmem_shared>> -> memref<10240x16xf32, #tpu.memory_space<vmem_shared>>
      tpu.enqueue_indirect_dma source(%arg8 : memref<80x16xf32, #tpu.memory_space<vmem>>) target(%dma_start3A_266 : memref<10240x16xf32, #tpu.memory_space<vmem_shared>>) offsets(%dma_start3A_263 : memref<80xi32, #tpu.memory_space<vmem>>) semaphore(%arg11 : memref<!tpu.dma_semaphore, #tpu.memory_space<semaphore_mem>>) {add = true}
      %dma_start3A_267 = tpu.memref_slice %arg7[%mul3A_262] : memref<10000xi32, #tpu.memory_space<vmem>> -> memref<80xi32, #tpu.memory_space<vmem>>
      %dma_start3A_268 = arith.constant 0 : i32
      %dma_start3A_269 = arith.constant 0 : i32
      %dma_start3A_270 = tpu.memref_slice %arg10[%dma_start3A_268, %dma_start3A_269] : memref<5120x16xf32, #tpu.memory_space<vmem_shared>> -> memref<5120x16xf32, #tpu.memory_space<vmem_shared>>
      tpu.enqueue_indirect_dma source(%arg8 : memref<80x16xf32, #tpu.memory_space<vmem>>) target(%dma_start3A_270 : memref<5120x16xf32, #tpu.memory_space<vmem_shared>>) offsets(%dma_start3A_267 : memref<80xi32, #tpu.memory_space<vmem>>) semaphore(%arg12 : memref<!tpu.dma_semaphore, #tpu.memory_space<semaphore_mem>>) {add = true}
      %add3A_271 = arith.constant 14 : i32
      %add3A_272 = arith.addi %add3A_47, %add3A_271 : i32
      %mul3A_273 = arith.constant 80 : i32
      %mul3A_274 = arith.muli %add3A_272, %mul3A_273 : i32
      %add3A_275 = arith.constant 14 : i32
      %add3A_276 = arith.addi %add3A_47, %add3A_275 : i32
      %mul3A_277 = arith.constant 80 : i32
      %mul3A_278 = arith.muli %add3A_276, %mul3A_277 : i32
      %dma_start3A_279 = tpu.memref_slice %arg6[%mul3A_274] : memref<10000xi32, #tpu.memory_space<vmem>> -> memref<80xi32, #tpu.memory_space<vmem>>
      %dma_start3A_280 = arith.constant 0 : i32
      %dma_start3A_281 = arith.constant 0 : i32
      %dma_start3A_282 = tpu.memref_slice %arg9[%dma_start3A_280, %dma_start3A_281] : memref<10240x16xf32, #tpu.memory_space<vmem_shared>> -> memref<10240x16xf32, #tpu.memory_space<vmem_shared>>
      tpu.enqueue_indirect_dma source(%arg8 : memref<80x16xf32, #tpu.memory_space<vmem>>) target(%dma_start3A_282 : memref<10240x16xf32, #tpu.memory_space<vmem_shared>>) offsets(%dma_start3A_279 : memref<80xi32, #tpu.memory_space<vmem>>) semaphore(%arg11 : memref<!tpu.dma_semaphore, #tpu.memory_space<semaphore_mem>>) {add = true}
      %dma_start3A_283 = tpu.memref_slice %arg7[%mul3A_278] : memref<10000xi32, #tpu.memory_space<vmem>> -> memref<80xi32, #tpu.memory_space<vmem>>
      %dma_start3A_284 = arith.constant 0 : i32
      %dma_start3A_285 = arith.constant 0 : i32
      %dma_start3A_286 = tpu.memref_slice %arg10[%dma_start3A_284, %dma_start3A_285] : memref<5120x16xf32, #tpu.memory_space<vmem_shared>> -> memref<5120x16xf32, #tpu.memory_space<vmem_shared>>
      tpu.enqueue_indirect_dma source(%arg8 : memref<80x16xf32, #tpu.memory_space<vmem>>) target(%dma_start3A_286 : memref<5120x16xf32, #tpu.memory_space<vmem_shared>>) offsets(%dma_start3A_283 : memref<80xi32, #tpu.memory_space<vmem>>) semaphore(%arg12 : memref<!tpu.dma_semaphore, #tpu.memory_space<semaphore_mem>>) {add = true}
      %add3A_287 = arith.constant 15 : i32
      %add3A_288 = arith.addi %add3A_47, %add3A_287 : i32
      %mul3A_289 = arith.constant 80 : i32
      %mul3A_290 = arith.muli %add3A_288, %mul3A_289 : i32
      %add3A_291 = arith.constant 15 : i32
      %add3A_292 = arith.addi %add3A_47, %add3A_291 : i32
      %mul3A_293 = arith.constant 80 : i32
      %mul3A_294 = arith.muli %add3A_292, %mul3A_293 : i32
      %dma_start3A_295 = tpu.memref_slice %arg6[%mul3A_290] : memref<10000xi32, #tpu.memory_space<vmem>> -> memref<80xi32, #tpu.memory_space<vmem>>
      %dma_start3A_296 = arith.constant 0 : i32
      %dma_start3A_297 = arith.constant 0 : i32
      %dma_start3A_298 = tpu.memref_slice %arg9[%dma_start3A_296, %dma_start3A_297] : memref<10240x16xf32, #tpu.memory_space<vmem_shared>> -> memref<10240x16xf32, #tpu.memory_space<vmem_shared>>
      tpu.enqueue_indirect_dma source(%arg8 : memref<80x16xf32, #tpu.memory_space<vmem>>) target(%dma_start3A_298 : memref<10240x16xf32, #tpu.memory_space<vmem_shared>>) offsets(%dma_start3A_295 : memref<80xi32, #tpu.memory_space<vmem>>) semaphore(%arg11 : memref<!tpu.dma_semaphore, #tpu.memory_space<semaphore_mem>>) {add = true}
      %dma_start3A_299 = tpu.memref_slice %arg7[%mul3A_294] : memref<10000xi32, #tpu.memory_space<vmem>> -> memref<80xi32, #tpu.memory_space<vmem>>
      %dma_start3A_300 = arith.constant 0 : i32
      %dma_start3A_301 = arith.constant 0 : i32
      %dma_start3A_302 = tpu.memref_slice %arg10[%dma_start3A_300, %dma_start3A_301] : memref<5120x16xf32, #tpu.memory_space<vmem_shared>> -> memref<5120x16xf32, #tpu.memory_space<vmem_shared>>
      tpu.enqueue_indirect_dma source(%arg8 : memref<80x16xf32, #tpu.memory_space<vmem>>) target(%dma_start3A_302 : memref<5120x16xf32, #tpu.memory_space<vmem_shared>>) offsets(%dma_start3A_299 : memref<80xi32, #tpu.memory_space<vmem>>) semaphore(%arg12 : memref<!tpu.dma_semaphore, #tpu.memory_space<semaphore_mem>>) {add = true}
      %add3A_303 = arith.constant 16 : i32
      %add3A_304 = arith.addi %add3A_47, %add3A_303 : i32
      %mul3A_305 = arith.constant 80 : i32
      %mul3A_306 = arith.muli %add3A_304, %mul3A_305 : i32
      %add3A_307 = arith.constant 16 : i32
      %add3A_308 = arith.addi %add3A_47, %add3A_307 : i32
      %mul3A_309 = arith.constant 80 : i32
      %mul3A_310 = arith.muli %add3A_308, %mul3A_309 : i32
      %dma_start3A_311 = tpu.memref_slice %arg6[%mul3A_306] : memref<10000xi32, #tpu.memory_space<vmem>> -> memref<80xi32, #tpu.memory_space<vmem>>
      %dma_start3A_312 = arith.constant 0 : i32
      %dma_start3A_313 = arith.constant 0 : i32
      %dma_start3A_314 = tpu.memref_slice %arg9[%dma_start3A_312, %dma_start3A_313] : memref<10240x16xf32, #tpu.memory_space<vmem_shared>> -> memref<10240x16xf32, #tpu.memory_space<vmem_shared>>
      tpu.enqueue_indirect_dma source(%arg8 : memref<80x16xf32, #tpu.memory_space<vmem>>) target(%dma_start3A_314 : memref<10240x16xf32, #tpu.memory_space<vmem_shared>>) offsets(%dma_start3A_311 : memref<80xi32, #tpu.memory_space<vmem>>) semaphore(%arg11 : memref<!tpu.dma_semaphore, #tpu.memory_space<semaphore_mem>>) {add = true}
      %dma_start3A_315 = tpu.memref_slice %arg7[%mul3A_310] : memref<10000xi32, #tpu.memory_space<vmem>> -> memref<80xi32, #tpu.memory_space<vmem>>
      %dma_start3A_316 = arith.constant 0 : i32
      %dma_start3A_317 = arith.constant 0 : i32
      %dma_start3A_318 = tpu.memref_slice %arg10[%dma_start3A_316, %dma_start3A_317] : memref<5120x16xf32, #tpu.memory_space<vmem_shared>> -> memref<5120x16xf32, #tpu.memory_space<vmem_shared>>
      tpu.enqueue_indirect_dma source(%arg8 : memref<80x16xf32, #tpu.memory_space<vmem>>) target(%dma_start3A_318 : memref<5120x16xf32, #tpu.memory_space<vmem_shared>>) offsets(%dma_start3A_315 : memref<80xi32, #tpu.memory_space<vmem>>) semaphore(%arg12 : memref<!tpu.dma_semaphore, #tpu.memory_space<semaphore_mem>>) {add = true}
      %add3A_319 = arith.constant 17 : i32
      %add3A_320 = arith.addi %add3A_47, %add3A_319 : i32
      %mul3A_321 = arith.constant 80 : i32
      %mul3A_322 = arith.muli %add3A_320, %mul3A_321 : i32
      %add3A_323 = arith.constant 17 : i32
      %add3A_324 = arith.addi %add3A_47, %add3A_323 : i32
      %mul3A_325 = arith.constant 80 : i32
      %mul3A_326 = arith.muli %add3A_324, %mul3A_325 : i32
      %dma_start3A_327 = tpu.memref_slice %arg6[%mul3A_322] : memref<10000xi32, #tpu.memory_space<vmem>> -> memref<80xi32, #tpu.memory_space<vmem>>
      %dma_start3A_328 = arith.constant 0 : i32
      %dma_start3A_329 = arith.constant 0 : i32
      %dma_start3A_330 = tpu.memref_slice %arg9[%dma_start3A_328, %dma_start3A_329] : memref<10240x16xf32, #tpu.memory_space<vmem_shared>> -> memref<10240x16xf32, #tpu.memory_space<vmem_shared>>
      tpu.enqueue_indirect_dma source(%arg8 : memref<80x16xf32, #tpu.memory_space<vmem>>) target(%dma_start3A_330 : memref<10240x16xf32, #tpu.memory_space<vmem_shared>>) offsets(%dma_start3A_327 : memref<80xi32, #tpu.memory_space<vmem>>) semaphore(%arg11 : memref<!tpu.dma_semaphore, #tpu.memory_space<semaphore_mem>>) {add = true}
      %dma_start3A_331 = tpu.memref_slice %arg7[%mul3A_326] : memref<10000xi32, #tpu.memory_space<vmem>> -> memref<80xi32, #tpu.memory_space<vmem>>
      %dma_start3A_332 = arith.constant 0 : i32
      %dma_start3A_333 = arith.constant 0 : i32
      %dma_start3A_334 = tpu.memref_slice %arg10[%dma_start3A_332, %dma_start3A_333] : memref<5120x16xf32, #tpu.memory_space<vmem_shared>> -> memref<5120x16xf32, #tpu.memory_space<vmem_shared>>
      tpu.enqueue_indirect_dma source(%arg8 : memref<80x16xf32, #tpu.memory_space<vmem>>) target(%dma_start3A_334 : memref<5120x16xf32, #tpu.memory_space<vmem_shared>>) offsets(%dma_start3A_331 : memref<80xi32, #tpu.memory_space<vmem>>) semaphore(%arg12 : memref<!tpu.dma_semaphore, #tpu.memory_space<semaphore_mem>>) {add = true}
      %add3A_335 = arith.constant 18 : i32
      %add3A_336 = arith.addi %add3A_47, %add3A_335 : i32
      %mul3A_337 = arith.constant 80 : i32
      %mul3A_338 = arith.muli %add3A_336, %mul3A_337 : i32
      %add3A_339 = arith.constant 18 : i32
      %add3A_340 = arith.addi %add3A_47, %add3A_339 : i32
      %mul3A_341 = arith.constant 80 : i32
      %mul3A_342 = arith.muli %add3A_340, %mul3A_341 : i32
      %dma_start3A_343 = tpu.memref_slice %arg6[%mul3A_338] : memref<10000xi32, #tpu.memory_space<vmem>> -> memref<80xi32, #tpu.memory_space<vmem>>
      %dma_start3A_344 = arith.constant 0 : i32
      %dma_start3A_345 = arith.constant 0 : i32
      %dma_start3A_346 = tpu.memref_slice %arg9[%dma_start3A_344, %dma_start3A_345] : memref<10240x16xf32, #tpu.memory_space<vmem_shared>> -> memref<10240x16xf32, #tpu.memory_space<vmem_shared>>
      tpu.enqueue_indirect_dma source(%arg8 : memref<80x16xf32, #tpu.memory_space<vmem>>) target(%dma_start3A_346 : memref<10240x16xf32, #tpu.memory_space<vmem_shared>>) offsets(%dma_start3A_343 : memref<80xi32, #tpu.memory_space<vmem>>) semaphore(%arg11 : memref<!tpu.dma_semaphore, #tpu.memory_space<semaphore_mem>>) {add = true}
      %dma_start3A_347 = tpu.memref_slice %arg7[%mul3A_342] : memref<10000xi32, #tpu.memory_space<vmem>> -> memref<80xi32, #tpu.memory_space<vmem>>
      %dma_start3A_348 = arith.constant 0 : i32
      %dma_start3A_349 = arith.constant 0 : i32
      %dma_start3A_350 = tpu.memref_slice %arg10[%dma_start3A_348, %dma_start3A_349] : memref<5120x16xf32, #tpu.memory_space<vmem_shared>> -> memref<5120x16xf32, #tpu.memory_space<vmem_shared>>
      tpu.enqueue_indirect_dma source(%arg8 : memref<80x16xf32, #tpu.memory_space<vmem>>) target(%dma_start3A_350 : memref<5120x16xf32, #tpu.memory_space<vmem_shared>>) offsets(%dma_start3A_347 : memref<80xi32, #tpu.memory_space<vmem>>) semaphore(%arg12 : memref<!tpu.dma_semaphore, #tpu.memory_space<semaphore_mem>>) {add = true}
      %add3A_351 = arith.constant 19 : i32
      %add3A_352 = arith.addi %add3A_47, %add3A_351 : i32
      %mul3A_353 = arith.constant 80 : i32
      %mul3A_354 = arith.muli %add3A_352, %mul3A_353 : i32
      %add3A_355 = arith.constant 19 : i32
      %add3A_356 = arith.addi %add3A_47, %add3A_355 : i32
      %mul3A_357 = arith.constant 80 : i32
      %mul3A_358 = arith.muli %add3A_356, %mul3A_357 : i32
      %dma_start3A_359 = tpu.memref_slice %arg6[%mul3A_354] : memref<10000xi32, #tpu.memory_space<vmem>> -> memref<80xi32, #tpu.memory_space<vmem>>
      %dma_start3A_360 = arith.constant 0 : i32
      %dma_start3A_361 = arith.constant 0 : i32
      %dma_start3A_362 = tpu.memref_slice %arg9[%dma_start3A_360, %dma_start3A_361] : memref<10240x16xf32, #tpu.memory_space<vmem_shared>> -> memref<10240x16xf32, #tpu.memory_space<vmem_shared>>
      tpu.enqueue_indirect_dma source(%arg8 : memref<80x16xf32, #tpu.memory_space<vmem>>) target(%dma_start3A_362 : memref<10240x16xf32, #tpu.memory_space<vmem_shared>>) offsets(%dma_start3A_359 : memref<80xi32, #tpu.memory_space<vmem>>) semaphore(%arg11 : memref<!tpu.dma_semaphore, #tpu.memory_space<semaphore_mem>>) {add = true}
      %dma_start3A_363 = tpu.memref_slice %arg7[%mul3A_358] : memref<10000xi32, #tpu.memory_space<vmem>> -> memref<80xi32, #tpu.memory_space<vmem>>
      %dma_start3A_364 = arith.constant 0 : i32
      %dma_start3A_365 = arith.constant 0 : i32
      %dma_start3A_366 = tpu.memref_slice %arg10[%dma_start3A_364, %dma_start3A_365] : memref<5120x16xf32, #tpu.memory_space<vmem_shared>> -> memref<5120x16xf32, #tpu.memory_space<vmem_shared>>
      tpu.enqueue_indirect_dma source(%arg8 : memref<80x16xf32, #tpu.memory_space<vmem>>) target(%dma_start3A_366 : memref<5120x16xf32, #tpu.memory_space<vmem_shared>>) offsets(%dma_start3A_363 : memref<80xi32, #tpu.memory_space<vmem>>) semaphore(%arg12 : memref<!tpu.dma_semaphore, #tpu.memory_space<semaphore_mem>>) {add = true}
      %add3A_367 = arith.constant 20 : i32
      %add3A_368 = arith.addi %add3A_47, %add3A_367 : i32
      %mul3A_369 = arith.constant 80 : i32
      %mul3A_370 = arith.muli %add3A_368, %mul3A_369 : i32
      %add3A_371 = arith.constant 20 : i32
      %add3A_372 = arith.addi %add3A_47, %add3A_371 : i32
      %mul3A_373 = arith.constant 80 : i32
      %mul3A_374 = arith.muli %add3A_372, %mul3A_373 : i32
      %dma_start3A_375 = tpu.memref_slice %arg6[%mul3A_370] : memref<10000xi32, #tpu.memory_space<vmem>> -> memref<80xi32, #tpu.memory_space<vmem>>
      %dma_start3A_376 = arith.constant 0 : i32
      %dma_start3A_377 = arith.constant 0 : i32
      %dma_start3A_378 = tpu.memref_slice %arg9[%dma_start3A_376, %dma_start3A_377] : memref<10240x16xf32, #tpu.memory_space<vmem_shared>> -> memref<10240x16xf32, #tpu.memory_space<vmem_shared>>
      tpu.enqueue_indirect_dma source(%arg8 : memref<80x16xf32, #tpu.memory_space<vmem>>) target(%dma_start3A_378 : memref<10240x16xf32, #tpu.memory_space<vmem_shared>>) offsets(%dma_start3A_375 : memref<80xi32, #tpu.memory_space<vmem>>) semaphore(%arg11 : memref<!tpu.dma_semaphore, #tpu.memory_space<semaphore_mem>>) {add = true}
      %dma_start3A_379 = tpu.memref_slice %arg7[%mul3A_374] : memref<10000xi32, #tpu.memory_space<vmem>> -> memref<80xi32, #tpu.memory_space<vmem>>
      %dma_start3A_380 = arith.constant 0 : i32
      %dma_start3A_381 = arith.constant 0 : i32
      %dma_start3A_382 = tpu.memref_slice %arg10[%dma_start3A_380, %dma_start3A_381] : memref<5120x16xf32, #tpu.memory_space<vmem_shared>> -> memref<5120x16xf32, #tpu.memory_space<vmem_shared>>
      tpu.enqueue_indirect_dma source(%arg8 : memref<80x16xf32, #tpu.memory_space<vmem>>) target(%dma_start3A_382 : memref<5120x16xf32, #tpu.memory_space<vmem_shared>>) offsets(%dma_start3A_379 : memref<80xi32, #tpu.memory_space<vmem>>) semaphore(%arg12 : memref<!tpu.dma_semaphore, #tpu.memory_space<semaphore_mem>>) {add = true}
      %add3A_383 = arith.constant 21 : i32
      %add3A_384 = arith.addi %add3A_47, %add3A_383 : i32
      %mul3A_385 = arith.constant 80 : i32
      %mul3A_386 = arith.muli %add3A_384, %mul3A_385 : i32
      %add3A_387 = arith.constant 21 : i32
      %add3A_388 = arith.addi %add3A_47, %add3A_387 : i32
      %mul3A_389 = arith.constant 80 : i32
      %mul3A_390 = arith.muli %add3A_388, %mul3A_389 : i32
      %dma_start3A_391 = tpu.memref_slice %arg6[%mul3A_386] : memref<10000xi32, #tpu.memory_space<vmem>> -> memref<80xi32, #tpu.memory_space<vmem>>
      %dma_start3A_392 = arith.constant 0 : i32
      %dma_start3A_393 = arith.constant 0 : i32
      %dma_start3A_394 = tpu.memref_slice %arg9[%dma_start3A_392, %dma_start3A_393] : memref<10240x16xf32, #tpu.memory_space<vmem_shared>> -> memref<10240x16xf32, #tpu.memory_space<vmem_shared>>
      tpu.enqueue_indirect_dma source(%arg8 : memref<80x16xf32, #tpu.memory_space<vmem>>) target(%dma_start3A_394 : memref<10240x16xf32, #tpu.memory_space<vmem_shared>>) offsets(%dma_start3A_391 : memref<80xi32, #tpu.memory_space<vmem>>) semaphore(%arg11 : memref<!tpu.dma_semaphore, #tpu.memory_space<semaphore_mem>>) {add = true}
      %dma_start3A_395 = tpu.memref_slice %arg7[%mul3A_390] : memref<10000xi32, #tpu.memory_space<vmem>> -> memref<80xi32, #tpu.memory_space<vmem>>
      %dma_start3A_396 = arith.constant 0 : i32
      %dma_start3A_397 = arith.constant 0 : i32
      %dma_start3A_398 = tpu.memref_slice %arg10[%dma_start3A_396, %dma_start3A_397] : memref<5120x16xf32, #tpu.memory_space<vmem_shared>> -> memref<5120x16xf32, #tpu.memory_space<vmem_shared>>
      tpu.enqueue_indirect_dma source(%arg8 : memref<80x16xf32, #tpu.memory_space<vmem>>) target(%dma_start3A_398 : memref<5120x16xf32, #tpu.memory_space<vmem_shared>>) offsets(%dma_start3A_395 : memref<80xi32, #tpu.memory_space<vmem>>) semaphore(%arg12 : memref<!tpu.dma_semaphore, #tpu.memory_space<semaphore_mem>>) {add = true}
      %add3A_399 = arith.constant 22 : i32
      %add3A_400 = arith.addi %add3A_47, %add3A_399 : i32
      %mul3A_401 = arith.constant 80 : i32
      %mul3A_402 = arith.muli %add3A_400, %mul3A_401 : i32
      %add3A_403 = arith.constant 22 : i32
      %add3A_404 = arith.addi %add3A_47, %add3A_403 : i32
      %mul3A_405 = arith.constant 80 : i32
      %mul3A_406 = arith.muli %add3A_404, %mul3A_405 : i32
      %dma_start3A_407 = tpu.memref_slice %arg6[%mul3A_402] : memref<10000xi32, #tpu.memory_space<vmem>> -> memref<80xi32, #tpu.memory_space<vmem>>
      %dma_start3A_408 = arith.constant 0 : i32
      %dma_start3A_409 = arith.constant 0 : i32
      %dma_start3A_410 = tpu.memref_slice %arg9[%dma_start3A_408, %dma_start3A_409] : memref<10240x16xf32, #tpu.memory_space<vmem_shared>> -> memref<10240x16xf32, #tpu.memory_space<vmem_shared>>
      tpu.enqueue_indirect_dma source(%arg8 : memref<80x16xf32, #tpu.memory_space<vmem>>) target(%dma_start3A_410 : memref<10240x16xf32, #tpu.memory_space<vmem_shared>>) offsets(%dma_start3A_407 : memref<80xi32, #tpu.memory_space<vmem>>) semaphore(%arg11 : memref<!tpu.dma_semaphore, #tpu.memory_space<semaphore_mem>>) {add = true}
      %dma_start3A_411 = tpu.memref_slice %arg7[%mul3A_406] : memref<10000xi32, #tpu.memory_space<vmem>> -> memref<80xi32, #tpu.memory_space<vmem>>
      %dma_start3A_412 = arith.constant 0 : i32
      %dma_start3A_413 = arith.constant 0 : i32
      %dma_start3A_414 = tpu.memref_slice %arg10[%dma_start3A_412, %dma_start3A_413] : memref<5120x16xf32, #tpu.memory_space<vmem_shared>> -> memref<5120x16xf32, #tpu.memory_space<vmem_shared>>
      tpu.enqueue_indirect_dma source(%arg8 : memref<80x16xf32, #tpu.memory_space<vmem>>) target(%dma_start3A_414 : memref<5120x16xf32, #tpu.memory_space<vmem_shared>>) offsets(%dma_start3A_411 : memref<80xi32, #tpu.memory_space<vmem>>) semaphore(%arg12 : memref<!tpu.dma_semaphore, #tpu.memory_space<semaphore_mem>>) {add = true}
      %add3A_415 = arith.constant 23 : i32
      %add3A_416 = arith.addi %add3A_47, %add3A_415 : i32
      %mul3A_417 = arith.constant 80 : i32
      %mul3A_418 = arith.muli %add3A_416, %mul3A_417 : i32
      %add3A_419 = arith.constant 23 : i32
      %add3A_420 = arith.addi %add3A_47, %add3A_419 : i32
      %mul3A_421 = arith.constant 80 : i32
      %mul3A_422 = arith.muli %add3A_420, %mul3A_421 : i32
      %dma_start3A_423 = tpu.memref_slice %arg6[%mul3A_418] : memref<10000xi32, #tpu.memory_space<vmem>> -> memref<80xi32, #tpu.memory_space<vmem>>
      %dma_start3A_424 = arith.constant 0 : i32
      %dma_start3A_425 = arith.constant 0 : i32
      %dma_start3A_426 = tpu.memref_slice %arg9[%dma_start3A_424, %dma_start3A_425] : memref<10240x16xf32, #tpu.memory_space<vmem_shared>> -> memref<10240x16xf32, #tpu.memory_space<vmem_shared>>
      tpu.enqueue_indirect_dma source(%arg8 : memref<80x16xf32, #tpu.memory_space<vmem>>) target(%dma_start3A_426 : memref<10240x16xf32, #tpu.memory_space<vmem_shared>>) offsets(%dma_start3A_423 : memref<80xi32, #tpu.memory_space<vmem>>) semaphore(%arg11 : memref<!tpu.dma_semaphore, #tpu.memory_space<semaphore_mem>>) {add = true}
      %dma_start3A_427 = tpu.memref_slice %arg7[%mul3A_422] : memref<10000xi32, #tpu.memory_space<vmem>> -> memref<80xi32, #tpu.memory_space<vmem>>
      %dma_start3A_428 = arith.constant 0 : i32
      %dma_start3A_429 = arith.constant 0 : i32
      %dma_start3A_430 = tpu.memref_slice %arg10[%dma_start3A_428, %dma_start3A_429] : memref<5120x16xf32, #tpu.memory_space<vmem_shared>> -> memref<5120x16xf32, #tpu.memory_space<vmem_shared>>
      tpu.enqueue_indirect_dma source(%arg8 : memref<80x16xf32, #tpu.memory_space<vmem>>) target(%dma_start3A_430 : memref<5120x16xf32, #tpu.memory_space<vmem_shared>>) offsets(%dma_start3A_427 : memref<80xi32, #tpu.memory_space<vmem>>) semaphore(%arg12 : memref<!tpu.dma_semaphore, #tpu.memory_space<semaphore_mem>>) {add = true}
      %add3A_431 = arith.constant 24 : i32
      %add3A_432 = arith.addi %add3A_47, %add3A_431 : i32
      %mul3A_433 = arith.constant 80 : i32
      %mul3A_434 = arith.muli %add3A_432, %mul3A_433 : i32
      %add3A_435 = arith.constant 24 : i32
      %add3A_436 = arith.addi %add3A_47, %add3A_435 : i32
      %mul3A_437 = arith.constant 80 : i32
      %mul3A_438 = arith.muli %add3A_436, %mul3A_437 : i32
      %dma_start3A_439 = tpu.memref_slice %arg6[%mul3A_434] : memref<10000xi32, #tpu.memory_space<vmem>> -> memref<80xi32, #tpu.memory_space<vmem>>
      %dma_start3A_440 = arith.constant 0 : i32
      %dma_start3A_441 = arith.constant 0 : i32
      %dma_start3A_442 = tpu.memref_slice %arg9[%dma_start3A_440, %dma_start3A_441] : memref<10240x16xf32, #tpu.memory_space<vmem_shared>> -> memref<10240x16xf32, #tpu.memory_space<vmem_shared>>
      tpu.enqueue_indirect_dma source(%arg8 : memref<80x16xf32, #tpu.memory_space<vmem>>) target(%dma_start3A_442 : memref<10240x16xf32, #tpu.memory_space<vmem_shared>>) offsets(%dma_start3A_439 : memref<80xi32, #tpu.memory_space<vmem>>) semaphore(%arg11 : memref<!tpu.dma_semaphore, #tpu.memory_space<semaphore_mem>>) {add = true}
      %dma_start3A_443 = tpu.memref_slice %arg7[%mul3A_438] : memref<10000xi32, #tpu.memory_space<vmem>> -> memref<80xi32, #tpu.memory_space<vmem>>
      %dma_start3A_444 = arith.constant 0 : i32
      %dma_start3A_445 = arith.constant 0 : i32
      %dma_start3A_446 = tpu.memref_slice %arg10[%dma_start3A_444, %dma_start3A_445] : memref<5120x16xf32, #tpu.memory_space<vmem_shared>> -> memref<5120x16xf32, #tpu.memory_space<vmem_shared>>
      tpu.enqueue_indirect_dma source(%arg8 : memref<80x16xf32, #tpu.memory_space<vmem>>) target(%dma_start3A_446 : memref<5120x16xf32, #tpu.memory_space<vmem_shared>>) offsets(%dma_start3A_443 : memref<80xi32, #tpu.memory_space<vmem>>) semaphore(%arg12 : memref<!tpu.dma_semaphore, #tpu.memory_space<semaphore_mem>>) {add = true}
      %add3A_447 = arith.constant 0 : i32
      %add3A_448 = arith.addi %add3A_47, %add3A_447 : i32
      %mul3A_449 = arith.constant 80 : i32
      %mul3A_450 = arith.muli %add3A_448, %mul3A_449 : i32
      %add3A_451 = arith.constant 0 : i32
      %add3A_452 = arith.addi %add3A_47, %add3A_451 : i32
      %mul3A_453 = arith.constant 80 : i32
      %mul3A_454 = arith.muli %add3A_452, %mul3A_453 : i32
      %dma_wait3A = tpu.memref_slice %arg6[%mul3A_450] : memref<10000xi32, #tpu.memory_space<vmem>> -> memref<80xi32, #tpu.memory_space<vmem>>
      %dma_wait3A_455 = arith.constant 0 : i32
      %dma_wait3A_456 = arith.constant 0 : i32
      %dma_wait3A_457 = tpu.memref_slice %arg9[%dma_wait3A_455, %dma_wait3A_456] : memref<10240x16xf32, #tpu.memory_space<vmem_shared>> -> memref<10240x16xf32, #tpu.memory_space<vmem_shared>>
      tpu.wait_indirect_dma semaphore(%arg11 : memref<!tpu.dma_semaphore, #tpu.memory_space<semaphore_mem>>) src(%arg8 : memref<80x16xf32, #tpu.memory_space<vmem>>) dst(%dma_wait3A_457 : memref<10240x16xf32, #tpu.memory_space<vmem_shared>>)
      %dma_wait3A_458 = tpu.memref_slice %arg7[%mul3A_454] : memref<10000xi32, #tpu.memory_space<vmem>> -> memref<80xi32, #tpu.memory_space<vmem>>
      %dma_wait3A_459 = arith.constant 0 : i32
      %dma_wait3A_460 = arith.constant 0 : i32
      %dma_wait3A_461 = tpu.memref_slice %arg10[%dma_wait3A_459, %dma_wait3A_460] : memref<5120x16xf32, #tpu.memory_space<vmem_shared>> -> memref<5120x16xf32, #tpu.memory_space<vmem_shared>>
      tpu.wait_indirect_dma semaphore(%arg12 : memref<!tpu.dma_semaphore, #tpu.memory_space<semaphore_mem>>) src(%arg8 : memref<80x16xf32, #tpu.memory_space<vmem>>) dst(%dma_wait3A_461 : memref<5120x16xf32, #tpu.memory_space<vmem_shared>>)
      %add3A_462 = arith.constant 1 : i32
      %add3A_463 = arith.addi %add3A_47, %add3A_462 : i32
      %mul3A_464 = arith.constant 80 : i32
      %mul3A_465 = arith.muli %add3A_463, %mul3A_464 : i32
      %add3A_466 = arith.constant 1 : i32
      %add3A_467 = arith.addi %add3A_47, %add3A_466 : i32
      %mul3A_468 = arith.constant 80 : i32
      %mul3A_469 = arith.muli %add3A_467, %mul3A_468 : i32
      %dma_wait3A_470 = tpu.memref_slice %arg6[%mul3A_465] : memref<10000xi32, #tpu.memory_space<vmem>> -> memref<80xi32, #tpu.memory_space<vmem>>
      %dma_wait3A_471 = arith.constant 0 : i32
      %dma_wait3A_472 = arith.constant 0 : i32
      %dma_wait3A_473 = tpu.memref_slice %arg9[%dma_wait3A_471, %dma_wait3A_472] : memref<10240x16xf32, #tpu.memory_space<vmem_shared>> -> memref<10240x16xf32, #tpu.memory_space<vmem_shared>>
      tpu.wait_indirect_dma semaphore(%arg11 : memref<!tpu.dma_semaphore, #tpu.memory_space<semaphore_mem>>) src(%arg8 : memref<80x16xf32, #tpu.memory_space<vmem>>) dst(%dma_wait3A_473 : memref<10240x16xf32, #tpu.memory_space<vmem_shared>>)
      %dma_wait3A_474 = tpu.memref_slice %arg7[%mul3A_469] : memref<10000xi32, #tpu.memory_space<vmem>> -> memref<80xi32, #tpu.memory_space<vmem>>
      %dma_wait3A_475 = arith.constant 0 : i32
      %dma_wait3A_476 = arith.constant 0 : i32
      %dma_wait3A_477 = tpu.memref_slice %arg10[%dma_wait3A_475, %dma_wait3A_476] : memref<5120x16xf32, #tpu.memory_space<vmem_shared>> -> memref<5120x16xf32, #tpu.memory_space<vmem_shared>>
      tpu.wait_indirect_dma semaphore(%arg12 : memref<!tpu.dma_semaphore, #tpu.memory_space<semaphore_mem>>) src(%arg8 : memref<80x16xf32, #tpu.memory_space<vmem>>) dst(%dma_wait3A_477 : memref<5120x16xf32, #tpu.memory_space<vmem_shared>>)
      %add3A_478 = arith.constant 2 : i32
      %add3A_479 = arith.addi %add3A_47, %add3A_478 : i32
      %mul3A_480 = arith.constant 80 : i32
      %mul3A_481 = arith.muli %add3A_479, %mul3A_480 : i32
      %add3A_482 = arith.constant 2 : i32
      %add3A_483 = arith.addi %add3A_47, %add3A_482 : i32
      %mul3A_484 = arith.constant 80 : i32
      %mul3A_485 = arith.muli %add3A_483, %mul3A_484 : i32
      %dma_wait3A_486 = tpu.memref_slice %arg6[%mul3A_481] : memref<10000xi32, #tpu.memory_space<vmem>> -> memref<80xi32, #tpu.memory_space<vmem>>
      %dma_wait3A_487 = arith.constant 0 : i32
      %dma_wait3A_488 = arith.constant 0 : i32
      %dma_wait3A_489 = tpu.memref_slice %arg9[%dma_wait3A_487, %dma_wait3A_488] : memref<10240x16xf32, #tpu.memory_space<vmem_shared>> -> memref<10240x16xf32, #tpu.memory_space<vmem_shared>>
      tpu.wait_indirect_dma semaphore(%arg11 : memref<!tpu.dma_semaphore, #tpu.memory_space<semaphore_mem>>) src(%arg8 : memref<80x16xf32, #tpu.memory_space<vmem>>) dst(%dma_wait3A_489 : memref<10240x16xf32, #tpu.memory_space<vmem_shared>>)
      %dma_wait3A_490 = tpu.memref_slice %arg7[%mul3A_485] : memref<10000xi32, #tpu.memory_space<vmem>> -> memref<80xi32, #tpu.memory_space<vmem>>
      %dma_wait3A_491 = arith.constant 0 : i32
      %dma_wait3A_492 = arith.constant 0 : i32
      %dma_wait3A_493 = tpu.memref_slice %arg10[%dma_wait3A_491, %dma_wait3A_492] : memref<5120x16xf32, #tpu.memory_space<vmem_shared>> -> memref<5120x16xf32, #tpu.memory_space<vmem_shared>>
      tpu.wait_indirect_dma semaphore(%arg12 : memref<!tpu.dma_semaphore, #tpu.memory_space<semaphore_mem>>) src(%arg8 : memref<80x16xf32, #tpu.memory_space<vmem>>) dst(%dma_wait3A_493 : memref<5120x16xf32, #tpu.memory_space<vmem_shared>>)
      %add3A_494 = arith.constant 3 : i32
      %add3A_495 = arith.addi %add3A_47, %add3A_494 : i32
      %mul3A_496 = arith.constant 80 : i32
      %mul3A_497 = arith.muli %add3A_495, %mul3A_496 : i32
      %add3A_498 = arith.constant 3 : i32
      %add3A_499 = arith.addi %add3A_47, %add3A_498 : i32
      %mul3A_500 = arith.constant 80 : i32
      %mul3A_501 = arith.muli %add3A_499, %mul3A_500 : i32
      %dma_wait3A_502 = tpu.memref_slice %arg6[%mul3A_497] : memref<10000xi32, #tpu.memory_space<vmem>> -> memref<80xi32, #tpu.memory_space<vmem>>
      %dma_wait3A_503 = arith.constant 0 : i32
      %dma_wait3A_504 = arith.constant 0 : i32
      %dma_wait3A_505 = tpu.memref_slice %arg9[%dma_wait3A_503, %dma_wait3A_504] : memref<10240x16xf32, #tpu.memory_space<vmem_shared>> -> memref<10240x16xf32, #tpu.memory_space<vmem_shared>>
      tpu.wait_indirect_dma semaphore(%arg11 : memref<!tpu.dma_semaphore, #tpu.memory_space<semaphore_mem>>) src(%arg8 : memref<80x16xf32, #tpu.memory_space<vmem>>) dst(%dma_wait3A_505 : memref<10240x16xf32, #tpu.memory_space<vmem_shared>>)
      %dma_wait3A_506 = tpu.memref_slice %arg7[%mul3A_501] : memref<10000xi32, #tpu.memory_space<vmem>> -> memref<80xi32, #tpu.memory_space<vmem>>
      %dma_wait3A_507 = arith.constant 0 : i32
      %dma_wait3A_508 = arith.constant 0 : i32
      %dma_wait3A_509 = tpu.memref_slice %arg10[%dma_wait3A_507, %dma_wait3A_508] : memref<5120x16xf32, #tpu.memory_space<vmem_shared>> -> memref<5120x16xf32, #tpu.memory_space<vmem_shared>>
      tpu.wait_indirect_dma semaphore(%arg12 : memref<!tpu.dma_semaphore, #tpu.memory_space<semaphore_mem>>) src(%arg8 : memref<80x16xf32, #tpu.memory_space<vmem>>) dst(%dma_wait3A_509 : memref<5120x16xf32, #tpu.memory_space<vmem_shared>>)
      %add3A_510 = arith.constant 4 : i32
      %add3A_511 = arith.addi %add3A_47, %add3A_510 : i32
      %mul3A_512 = arith.constant 80 : i32
      %mul3A_513 = arith.muli %add3A_511, %mul3A_512 : i32
      %add3A_514 = arith.constant 4 : i32
      %add3A_515 = arith.addi %add3A_47, %add3A_514 : i32
      %mul3A_516 = arith.constant 80 : i32
      %mul3A_517 = arith.muli %add3A_515, %mul3A_516 : i32
      %dma_wait3A_518 = tpu.memref_slice %arg6[%mul3A_513] : memref<10000xi32, #tpu.memory_space<vmem>> -> memref<80xi32, #tpu.memory_space<vmem>>
      %dma_wait3A_519 = arith.constant 0 : i32
      %dma_wait3A_520 = arith.constant 0 : i32
      %dma_wait3A_521 = tpu.memref_slice %arg9[%dma_wait3A_519, %dma_wait3A_520] : memref<10240x16xf32, #tpu.memory_space<vmem_shared>> -> memref<10240x16xf32, #tpu.memory_space<vmem_shared>>
      tpu.wait_indirect_dma semaphore(%arg11 : memref<!tpu.dma_semaphore, #tpu.memory_space<semaphore_mem>>) src(%arg8 : memref<80x16xf32, #tpu.memory_space<vmem>>) dst(%dma_wait3A_521 : memref<10240x16xf32, #tpu.memory_space<vmem_shared>>)
      %dma_wait3A_522 = tpu.memref_slice %arg7[%mul3A_517] : memref<10000xi32, #tpu.memory_space<vmem>> -> memref<80xi32, #tpu.memory_space<vmem>>
      %dma_wait3A_523 = arith.constant 0 : i32
      %dma_wait3A_524 = arith.constant 0 : i32
      %dma_wait3A_525 = tpu.memref_slice %arg10[%dma_wait3A_523, %dma_wait3A_524] : memref<5120x16xf32, #tpu.memory_space<vmem_shared>> -> memref<5120x16xf32, #tpu.memory_space<vmem_shared>>
      tpu.wait_indirect_dma semaphore(%arg12 : memref<!tpu.dma_semaphore, #tpu.memory_space<semaphore_mem>>) src(%arg8 : memref<80x16xf32, #tpu.memory_space<vmem>>) dst(%dma_wait3A_525 : memref<5120x16xf32, #tpu.memory_space<vmem_shared>>)
      %add3A_526 = arith.constant 5 : i32
      %add3A_527 = arith.addi %add3A_47, %add3A_526 : i32
      %mul3A_528 = arith.constant 80 : i32
      %mul3A_529 = arith.muli %add3A_527, %mul3A_528 : i32
      %add3A_530 = arith.constant 5 : i32
      %add3A_531 = arith.addi %add3A_47, %add3A_530 : i32
      %mul3A_532 = arith.constant 80 : i32
      %mul3A_533 = arith.muli %add3A_531, %mul3A_532 : i32
      %dma_wait3A_534 = tpu.memref_slice %arg6[%mul3A_529] : memref<10000xi32, #tpu.memory_space<vmem>> -> memref<80xi32, #tpu.memory_space<vmem>>
      %dma_wait3A_535 = arith.constant 0 : i32
      %dma_wait3A_536 = arith.constant 0 : i32
      %dma_wait3A_537 = tpu.memref_slice %arg9[%dma_wait3A_535, %dma_wait3A_536] : memref<10240x16xf32, #tpu.memory_space<vmem_shared>> -> memref<10240x16xf32, #tpu.memory_space<vmem_shared>>
      tpu.wait_indirect_dma semaphore(%arg11 : memref<!tpu.dma_semaphore, #tpu.memory_space<semaphore_mem>>) src(%arg8 : memref<80x16xf32, #tpu.memory_space<vmem>>) dst(%dma_wait3A_537 : memref<10240x16xf32, #tpu.memory_space<vmem_shared>>)
      %dma_wait3A_538 = tpu.memref_slice %arg7[%mul3A_533] : memref<10000xi32, #tpu.memory_space<vmem>> -> memref<80xi32, #tpu.memory_space<vmem>>
      %dma_wait3A_539 = arith.constant 0 : i32
      %dma_wait3A_540 = arith.constant 0 : i32
      %dma_wait3A_541 = tpu.memref_slice %arg10[%dma_wait3A_539, %dma_wait3A_540] : memref<5120x16xf32, #tpu.memory_space<vmem_shared>> -> memref<5120x16xf32, #tpu.memory_space<vmem_shared>>
      tpu.wait_indirect_dma semaphore(%arg12 : memref<!tpu.dma_semaphore, #tpu.memory_space<semaphore_mem>>) src(%arg8 : memref<80x16xf32, #tpu.memory_space<vmem>>) dst(%dma_wait3A_541 : memref<5120x16xf32, #tpu.memory_space<vmem_shared>>)
      %add3A_542 = arith.constant 6 : i32
      %add3A_543 = arith.addi %add3A_47, %add3A_542 : i32
      %mul3A_544 = arith.constant 80 : i32
      %mul3A_545 = arith.muli %add3A_543, %mul3A_544 : i32
      %add3A_546 = arith.constant 6 : i32
      %add3A_547 = arith.addi %add3A_47, %add3A_546 : i32
      %mul3A_548 = arith.constant 80 : i32
      %mul3A_549 = arith.muli %add3A_547, %mul3A_548 : i32
      %dma_wait3A_550 = tpu.memref_slice %arg6[%mul3A_545] : memref<10000xi32, #tpu.memory_space<vmem>> -> memref<80xi32, #tpu.memory_space<vmem>>
      %dma_wait3A_551 = arith.constant 0 : i32
      %dma_wait3A_552 = arith.constant 0 : i32
      %dma_wait3A_553 = tpu.memref_slice %arg9[%dma_wait3A_551, %dma_wait3A_552] : memref<10240x16xf32, #tpu.memory_space<vmem_shared>> -> memref<10240x16xf32, #tpu.memory_space<vmem_shared>>
      tpu.wait_indirect_dma semaphore(%arg11 : memref<!tpu.dma_semaphore, #tpu.memory_space<semaphore_mem>>) src(%arg8 : memref<80x16xf32, #tpu.memory_space<vmem>>) dst(%dma_wait3A_553 : memref<10240x16xf32, #tpu.memory_space<vmem_shared>>)
      %dma_wait3A_554 = tpu.memref_slice %arg7[%mul3A_549] : memref<10000xi32, #tpu.memory_space<vmem>> -> memref<80xi32, #tpu.memory_space<vmem>>
      %dma_wait3A_555 = arith.constant 0 : i32
      %dma_wait3A_556 = arith.constant 0 : i32
      %dma_wait3A_557 = tpu.memref_slice %arg10[%dma_wait3A_555, %dma_wait3A_556] : memref<5120x16xf32, #tpu.memory_space<vmem_shared>> -> memref<5120x16xf32, #tpu.memory_space<vmem_shared>>
      tpu.wait_indirect_dma semaphore(%arg12 : memref<!tpu.dma_semaphore, #tpu.memory_space<semaphore_mem>>) src(%arg8 : memref<80x16xf32, #tpu.memory_space<vmem>>) dst(%dma_wait3A_557 : memref<5120x16xf32, #tpu.memory_space<vmem_shared>>)
      %add3A_558 = arith.constant 7 : i32
      %add3A_559 = arith.addi %add3A_47, %add3A_558 : i32
      %mul3A_560 = arith.constant 80 : i32
      %mul3A_561 = arith.muli %add3A_559, %mul3A_560 : i32
      %add3A_562 = arith.constant 7 : i32
      %add3A_563 = arith.addi %add3A_47, %add3A_562 : i32
      %mul3A_564 = arith.constant 80 : i32
      %mul3A_565 = arith.muli %add3A_563, %mul3A_564 : i32
      %dma_wait3A_566 = tpu.memref_slice %arg6[%mul3A_561] : memref<10000xi32, #tpu.memory_space<vmem>> -> memref<80xi32, #tpu.memory_space<vmem>>
      %dma_wait3A_567 = arith.constant 0 : i32
      %dma_wait3A_568 = arith.constant 0 : i32
      %dma_wait3A_569 = tpu.memref_slice %arg9[%dma_wait3A_567, %dma_wait3A_568] : memref<10240x16xf32, #tpu.memory_space<vmem_shared>> -> memref<10240x16xf32, #tpu.memory_space<vmem_shared>>
      tpu.wait_indirect_dma semaphore(%arg11 : memref<!tpu.dma_semaphore, #tpu.memory_space<semaphore_mem>>) src(%arg8 : memref<80x16xf32, #tpu.memory_space<vmem>>) dst(%dma_wait3A_569 : memref<10240x16xf32, #tpu.memory_space<vmem_shared>>)
      %dma_wait3A_570 = tpu.memref_slice %arg7[%mul3A_565] : memref<10000xi32, #tpu.memory_space<vmem>> -> memref<80xi32, #tpu.memory_space<vmem>>
      %dma_wait3A_571 = arith.constant 0 : i32
      %dma_wait3A_572 = arith.constant 0 : i32
      %dma_wait3A_573 = tpu.memref_slice %arg10[%dma_wait3A_571, %dma_wait3A_572] : memref<5120x16xf32, #tpu.memory_space<vmem_shared>> -> memref<5120x16xf32, #tpu.memory_space<vmem_shared>>
      tpu.wait_indirect_dma semaphore(%arg12 : memref<!tpu.dma_semaphore, #tpu.memory_space<semaphore_mem>>) src(%arg8 : memref<80x16xf32, #tpu.memory_space<vmem>>) dst(%dma_wait3A_573 : memref<5120x16xf32, #tpu.memory_space<vmem_shared>>)
      %add3A_574 = arith.constant 8 : i32
      %add3A_575 = arith.addi %add3A_47, %add3A_574 : i32
      %mul3A_576 = arith.constant 80 : i32
      %mul3A_577 = arith.muli %add3A_575, %mul3A_576 : i32
      %add3A_578 = arith.constant 8 : i32
      %add3A_579 = arith.addi %add3A_47, %add3A_578 : i32
      %mul3A_580 = arith.constant 80 : i32
      %mul3A_581 = arith.muli %add3A_579, %mul3A_580 : i32
      %dma_wait3A_582 = tpu.memref_slice %arg6[%mul3A_577] : memref<10000xi32, #tpu.memory_space<vmem>> -> memref<80xi32, #tpu.memory_space<vmem>>
      %dma_wait3A_583 = arith.constant 0 : i32
      %dma_wait3A_584 = arith.constant 0 : i32
      %dma_wait3A_585 = tpu.memref_slice %arg9[%dma_wait3A_583, %dma_wait3A_584] : memref<10240x16xf32, #tpu.memory_space<vmem_shared>> -> memref<10240x16xf32, #tpu.memory_space<vmem_shared>>
      tpu.wait_indirect_dma semaphore(%arg11 : memref<!tpu.dma_semaphore, #tpu.memory_space<semaphore_mem>>) src(%arg8 : memref<80x16xf32, #tpu.memory_space<vmem>>) dst(%dma_wait3A_585 : memref<10240x16xf32, #tpu.memory_space<vmem_shared>>)
      %dma_wait3A_586 = tpu.memref_slice %arg7[%mul3A_581] : memref<10000xi32, #tpu.memory_space<vmem>> -> memref<80xi32, #tpu.memory_space<vmem>>
      %dma_wait3A_587 = arith.constant 0 : i32
      %dma_wait3A_588 = arith.constant 0 : i32
      %dma_wait3A_589 = tpu.memref_slice %arg10[%dma_wait3A_587, %dma_wait3A_588] : memref<5120x16xf32, #tpu.memory_space<vmem_shared>> -> memref<5120x16xf32, #tpu.memory_space<vmem_shared>>
      tpu.wait_indirect_dma semaphore(%arg12 : memref<!tpu.dma_semaphore, #tpu.memory_space<semaphore_mem>>) src(%arg8 : memref<80x16xf32, #tpu.memory_space<vmem>>) dst(%dma_wait3A_589 : memref<5120x16xf32, #tpu.memory_space<vmem_shared>>)
      %add3A_590 = arith.constant 9 : i32
      %add3A_591 = arith.addi %add3A_47, %add3A_590 : i32
      %mul3A_592 = arith.constant 80 : i32
      %mul3A_593 = arith.muli %add3A_591, %mul3A_592 : i32
      %add3A_594 = arith.constant 9 : i32
      %add3A_595 = arith.addi %add3A_47, %add3A_594 : i32
      %mul3A_596 = arith.constant 80 : i32
      %mul3A_597 = arith.muli %add3A_595, %mul3A_596 : i32
      %dma_wait3A_598 = tpu.memref_slice %arg6[%mul3A_593] : memref<10000xi32, #tpu.memory_space<vmem>> -> memref<80xi32, #tpu.memory_space<vmem>>
      %dma_wait3A_599 = arith.constant 0 : i32
      %dma_wait3A_600 = arith.constant 0 : i32
      %dma_wait3A_601 = tpu.memref_slice %arg9[%dma_wait3A_599, %dma_wait3A_600] : memref<10240x16xf32, #tpu.memory_space<vmem_shared>> -> memref<10240x16xf32, #tpu.memory_space<vmem_shared>>
      tpu.wait_indirect_dma semaphore(%arg11 : memref<!tpu.dma_semaphore, #tpu.memory_space<semaphore_mem>>) src(%arg8 : memref<80x16xf32, #tpu.memory_space<vmem>>) dst(%dma_wait3A_601 : memref<10240x16xf32, #tpu.memory_space<vmem_shared>>)
      %dma_wait3A_602 = tpu.memref_slice %arg7[%mul3A_597] : memref<10000xi32, #tpu.memory_space<vmem>> -> memref<80xi32, #tpu.memory_space<vmem>>
      %dma_wait3A_603 = arith.constant 0 : i32
      %dma_wait3A_604 = arith.constant 0 : i32
      %dma_wait3A_605 = tpu.memref_slice %arg10[%dma_wait3A_603, %dma_wait3A_604] : memref<5120x16xf32, #tpu.memory_space<vmem_shared>> -> memref<5120x16xf32, #tpu.memory_space<vmem_shared>>
      tpu.wait_indirect_dma semaphore(%arg12 : memref<!tpu.dma_semaphore, #tpu.memory_space<semaphore_mem>>) src(%arg8 : memref<80x16xf32, #tpu.memory_space<vmem>>) dst(%dma_wait3A_605 : memref<5120x16xf32, #tpu.memory_space<vmem_shared>>)
      %add3A_606 = arith.constant 10 : i32
      %add3A_607 = arith.addi %add3A_47, %add3A_606 : i32
      %mul3A_608 = arith.constant 80 : i32
      %mul3A_609 = arith.muli %add3A_607, %mul3A_608 : i32
      %add3A_610 = arith.constant 10 : i32
      %add3A_611 = arith.addi %add3A_47, %add3A_610 : i32
      %mul3A_612 = arith.constant 80 : i32
      %mul3A_613 = arith.muli %add3A_611, %mul3A_612 : i32
      %dma_wait3A_614 = tpu.memref_slice %arg6[%mul3A_609] : memref<10000xi32, #tpu.memory_space<vmem>> -> memref<80xi32, #tpu.memory_space<vmem>>
      %dma_wait3A_615 = arith.constant 0 : i32
      %dma_wait3A_616 = arith.constant 0 : i32
      %dma_wait3A_617 = tpu.memref_slice %arg9[%dma_wait3A_615, %dma_wait3A_616] : memref<10240x16xf32, #tpu.memory_space<vmem_shared>> -> memref<10240x16xf32, #tpu.memory_space<vmem_shared>>
      tpu.wait_indirect_dma semaphore(%arg11 : memref<!tpu.dma_semaphore, #tpu.memory_space<semaphore_mem>>) src(%arg8 : memref<80x16xf32, #tpu.memory_space<vmem>>) dst(%dma_wait3A_617 : memref<10240x16xf32, #tpu.memory_space<vmem_shared>>)
      %dma_wait3A_618 = tpu.memref_slice %arg7[%mul3A_613] : memref<10000xi32, #tpu.memory_space<vmem>> -> memref<80xi32, #tpu.memory_space<vmem>>
      %dma_wait3A_619 = arith.constant 0 : i32
      %dma_wait3A_620 = arith.constant 0 : i32
      %dma_wait3A_621 = tpu.memref_slice %arg10[%dma_wait3A_619, %dma_wait3A_620] : memref<5120x16xf32, #tpu.memory_space<vmem_shared>> -> memref<5120x16xf32, #tpu.memory_space<vmem_shared>>
      tpu.wait_indirect_dma semaphore(%arg12 : memref<!tpu.dma_semaphore, #tpu.memory_space<semaphore_mem>>) src(%arg8 : memref<80x16xf32, #tpu.memory_space<vmem>>) dst(%dma_wait3A_621 : memref<5120x16xf32, #tpu.memory_space<vmem_shared>>)
      %add3A_622 = arith.constant 11 : i32
      %add3A_623 = arith.addi %add3A_47, %add3A_622 : i32
      %mul3A_624 = arith.constant 80 : i32
      %mul3A_625 = arith.muli %add3A_623, %mul3A_624 : i32
      %add3A_626 = arith.constant 11 : i32
      %add3A_627 = arith.addi %add3A_47, %add3A_626 : i32
      %mul3A_628 = arith.constant 80 : i32
      %mul3A_629 = arith.muli %add3A_627, %mul3A_628 : i32
      %dma_wait3A_630 = tpu.memref_slice %arg6[%mul3A_625] : memref<10000xi32, #tpu.memory_space<vmem>> -> memref<80xi32, #tpu.memory_space<vmem>>
      %dma_wait3A_631 = arith.constant 0 : i32
      %dma_wait3A_632 = arith.constant 0 : i32
      %dma_wait3A_633 = tpu.memref_slice %arg9[%dma_wait3A_631, %dma_wait3A_632] : memref<10240x16xf32, #tpu.memory_space<vmem_shared>> -> memref<10240x16xf32, #tpu.memory_space<vmem_shared>>
      tpu.wait_indirect_dma semaphore(%arg11 : memref<!tpu.dma_semaphore, #tpu.memory_space<semaphore_mem>>) src(%arg8 : memref<80x16xf32, #tpu.memory_space<vmem>>) dst(%dma_wait3A_633 : memref<10240x16xf32, #tpu.memory_space<vmem_shared>>)
      %dma_wait3A_634 = tpu.memref_slice %arg7[%mul3A_629] : memref<10000xi32, #tpu.memory_space<vmem>> -> memref<80xi32, #tpu.memory_space<vmem>>
      %dma_wait3A_635 = arith.constant 0 : i32
      %dma_wait3A_636 = arith.constant 0 : i32
      %dma_wait3A_637 = tpu.memref_slice %arg10[%dma_wait3A_635, %dma_wait3A_636] : memref<5120x16xf32, #tpu.memory_space<vmem_shared>> -> memref<5120x16xf32, #tpu.memory_space<vmem_shared>>
      tpu.wait_indirect_dma semaphore(%arg12 : memref<!tpu.dma_semaphore, #tpu.memory_space<semaphore_mem>>) src(%arg8 : memref<80x16xf32, #tpu.memory_space<vmem>>) dst(%dma_wait3A_637 : memref<5120x16xf32, #tpu.memory_space<vmem_shared>>)
      %add3A_638 = arith.constant 12 : i32
      %add3A_639 = arith.addi %add3A_47, %add3A_638 : i32
      %mul3A_640 = arith.constant 80 : i32
      %mul3A_641 = arith.muli %add3A_639, %mul3A_640 : i32
      %add3A_642 = arith.constant 12 : i32
      %add3A_643 = arith.addi %add3A_47, %add3A_642 : i32
      %mul3A_644 = arith.constant 80 : i32
      %mul3A_645 = arith.muli %add3A_643, %mul3A_644 : i32
      %dma_wait3A_646 = tpu.memref_slice %arg6[%mul3A_641] : memref<10000xi32, #tpu.memory_space<vmem>> -> memref<80xi32, #tpu.memory_space<vmem>>
      %dma_wait3A_647 = arith.constant 0 : i32
      %dma_wait3A_648 = arith.constant 0 : i32
      %dma_wait3A_649 = tpu.memref_slice %arg9[%dma_wait3A_647, %dma_wait3A_648] : memref<10240x16xf32, #tpu.memory_space<vmem_shared>> -> memref<10240x16xf32, #tpu.memory_space<vmem_shared>>
      tpu.wait_indirect_dma semaphore(%arg11 : memref<!tpu.dma_semaphore, #tpu.memory_space<semaphore_mem>>) src(%arg8 : memref<80x16xf32, #tpu.memory_space<vmem>>) dst(%dma_wait3A_649 : memref<10240x16xf32, #tpu.memory_space<vmem_shared>>)
      %dma_wait3A_650 = tpu.memref_slice %arg7[%mul3A_645] : memref<10000xi32, #tpu.memory_space<vmem>> -> memref<80xi32, #tpu.memory_space<vmem>>
      %dma_wait3A_651 = arith.constant 0 : i32
      %dma_wait3A_652 = arith.constant 0 : i32
      %dma_wait3A_653 = tpu.memref_slice %arg10[%dma_wait3A_651, %dma_wait3A_652] : memref<5120x16xf32, #tpu.memory_space<vmem_shared>> -> memref<5120x16xf32, #tpu.memory_space<vmem_shared>>
      tpu.wait_indirect_dma semaphore(%arg12 : memref<!tpu.dma_semaphore, #tpu.memory_space<semaphore_mem>>) src(%arg8 : memref<80x16xf32, #tpu.memory_space<vmem>>) dst(%dma_wait3A_653 : memref<5120x16xf32, #tpu.memory_space<vmem_shared>>)
      %add3A_654 = arith.constant 13 : i32
      %add3A_655 = arith.addi %add3A_47, %add3A_654 : i32
      %mul3A_656 = arith.constant 80 : i32
      %mul3A_657 = arith.muli %add3A_655, %mul3A_656 : i32
      %add3A_658 = arith.constant 13 : i32
      %add3A_659 = arith.addi %add3A_47, %add3A_658 : i32
      %mul3A_660 = arith.constant 80 : i32
      %mul3A_661 = arith.muli %add3A_659, %mul3A_660 : i32
      %dma_wait3A_662 = tpu.memref_slice %arg6[%mul3A_657] : memref<10000xi32, #tpu.memory_space<vmem>> -> memref<80xi32, #tpu.memory_space<vmem>>
      %dma_wait3A_663 = arith.constant 0 : i32
      %dma_wait3A_664 = arith.constant 0 : i32
      %dma_wait3A_665 = tpu.memref_slice %arg9[%dma_wait3A_663, %dma_wait3A_664] : memref<10240x16xf32, #tpu.memory_space<vmem_shared>> -> memref<10240x16xf32, #tpu.memory_space<vmem_shared>>
      tpu.wait_indirect_dma semaphore(%arg11 : memref<!tpu.dma_semaphore, #tpu.memory_space<semaphore_mem>>) src(%arg8 : memref<80x16xf32, #tpu.memory_space<vmem>>) dst(%dma_wait3A_665 : memref<10240x16xf32, #tpu.memory_space<vmem_shared>>)
      %dma_wait3A_666 = tpu.memref_slice %arg7[%mul3A_661] : memref<10000xi32, #tpu.memory_space<vmem>> -> memref<80xi32, #tpu.memory_space<vmem>>
      %dma_wait3A_667 = arith.constant 0 : i32
      %dma_wait3A_668 = arith.constant 0 : i32
      %dma_wait3A_669 = tpu.memref_slice %arg10[%dma_wait3A_667, %dma_wait3A_668] : memref<5120x16xf32, #tpu.memory_space<vmem_shared>> -> memref<5120x16xf32, #tpu.memory_space<vmem_shared>>
      tpu.wait_indirect_dma semaphore(%arg12 : memref<!tpu.dma_semaphore, #tpu.memory_space<semaphore_mem>>) src(%arg8 : memref<80x16xf32, #tpu.memory_space<vmem>>) dst(%dma_wait3A_669 : memref<5120x16xf32, #tpu.memory_space<vmem_shared>>)
      %add3A_670 = arith.constant 14 : i32
      %add3A_671 = arith.addi %add3A_47, %add3A_670 : i32
      %mul3A_672 = arith.constant 80 : i32
      %mul3A_673 = arith.muli %add3A_671, %mul3A_672 : i32
      %add3A_674 = arith.constant 14 : i32
      %add3A_675 = arith.addi %add3A_47, %add3A_674 : i32
      %mul3A_676 = arith.constant 80 : i32
      %mul3A_677 = arith.muli %add3A_675, %mul3A_676 : i32
      %dma_wait3A_678 = tpu.memref_slice %arg6[%mul3A_673] : memref<10000xi32, #tpu.memory_space<vmem>> -> memref<80xi32, #tpu.memory_space<vmem>>
      %dma_wait3A_679 = arith.constant 0 : i32
      %dma_wait3A_680 = arith.constant 0 : i32
      %dma_wait3A_681 = tpu.memref_slice %arg9[%dma_wait3A_679, %dma_wait3A_680] : memref<10240x16xf32, #tpu.memory_space<vmem_shared>> -> memref<10240x16xf32, #tpu.memory_space<vmem_shared>>
      tpu.wait_indirect_dma semaphore(%arg11 : memref<!tpu.dma_semaphore, #tpu.memory_space<semaphore_mem>>) src(%arg8 : memref<80x16xf32, #tpu.memory_space<vmem>>) dst(%dma_wait3A_681 : memref<10240x16xf32, #tpu.memory_space<vmem_shared>>)
      %dma_wait3A_682 = tpu.memref_slice %arg7[%mul3A_677] : memref<10000xi32, #tpu.memory_space<vmem>> -> memref<80xi32, #tpu.memory_space<vmem>>
      %dma_wait3A_683 = arith.constant 0 : i32
      %dma_wait3A_684 = arith.constant 0 : i32
      %dma_wait3A_685 = tpu.memref_slice %arg10[%dma_wait3A_683, %dma_wait3A_684] : memref<5120x16xf32, #tpu.memory_space<vmem_shared>> -> memref<5120x16xf32, #tpu.memory_space<vmem_shared>>
      tpu.wait_indirect_dma semaphore(%arg12 : memref<!tpu.dma_semaphore, #tpu.memory_space<semaphore_mem>>) src(%arg8 : memref<80x16xf32, #tpu.memory_space<vmem>>) dst(%dma_wait3A_685 : memref<5120x16xf32, #tpu.memory_space<vmem_shared>>)
      %add3A_686 = arith.constant 15 : i32
      %add3A_687 = arith.addi %add3A_47, %add3A_686 : i32
      %mul3A_688 = arith.constant 80 : i32
      %mul3A_689 = arith.muli %add3A_687, %mul3A_688 : i32
      %add3A_690 = arith.constant 15 : i32
      %add3A_691 = arith.addi %add3A_47, %add3A_690 : i32
      %mul3A_692 = arith.constant 80 : i32
      %mul3A_693 = arith.muli %add3A_691, %mul3A_692 : i32
      %dma_wait3A_694 = tpu.memref_slice %arg6[%mul3A_689] : memref<10000xi32, #tpu.memory_space<vmem>> -> memref<80xi32, #tpu.memory_space<vmem>>
      %dma_wait3A_695 = arith.constant 0 : i32
      %dma_wait3A_696 = arith.constant 0 : i32
      %dma_wait3A_697 = tpu.memref_slice %arg9[%dma_wait3A_695, %dma_wait3A_696] : memref<10240x16xf32, #tpu.memory_space<vmem_shared>> -> memref<10240x16xf32, #tpu.memory_space<vmem_shared>>
      tpu.wait_indirect_dma semaphore(%arg11 : memref<!tpu.dma_semaphore, #tpu.memory_space<semaphore_mem>>) src(%arg8 : memref<80x16xf32, #tpu.memory_space<vmem>>) dst(%dma_wait3A_697 : memref<10240x16xf32, #tpu.memory_space<vmem_shared>>)
      %dma_wait3A_698 = tpu.memref_slice %arg7[%mul3A_693] : memref<10000xi32, #tpu.memory_space<vmem>> -> memref<80xi32, #tpu.memory_space<vmem>>
      %dma_wait3A_699 = arith.constant 0 : i32
      %dma_wait3A_700 = arith.constant 0 : i32
      %dma_wait3A_701 = tpu.memref_slice %arg10[%dma_wait3A_699, %dma_wait3A_700] : memref<5120x16xf32, #tpu.memory_space<vmem_shared>> -> memref<5120x16xf32, #tpu.memory_space<vmem_shared>>
      tpu.wait_indirect_dma semaphore(%arg12 : memref<!tpu.dma_semaphore, #tpu.memory_space<semaphore_mem>>) src(%arg8 : memref<80x16xf32, #tpu.memory_space<vmem>>) dst(%dma_wait3A_701 : memref<5120x16xf32, #tpu.memory_space<vmem_shared>>)
      %add3A_702 = arith.constant 16 : i32
      %add3A_703 = arith.addi %add3A_47, %add3A_702 : i32
      %mul3A_704 = arith.constant 80 : i32
      %mul3A_705 = arith.muli %add3A_703, %mul3A_704 : i32
      %add3A_706 = arith.constant 16 : i32
      %add3A_707 = arith.addi %add3A_47, %add3A_706 : i32
      %mul3A_708 = arith.constant 80 : i32
      %mul3A_709 = arith.muli %add3A_707, %mul3A_708 : i32
      %dma_wait3A_710 = tpu.memref_slice %arg6[%mul3A_705] : memref<10000xi32, #tpu.memory_space<vmem>> -> memref<80xi32, #tpu.memory_space<vmem>>
      %dma_wait3A_711 = arith.constant 0 : i32
      %dma_wait3A_712 = arith.constant 0 : i32
      %dma_wait3A_713 = tpu.memref_slice %arg9[%dma_wait3A_711, %dma_wait3A_712] : memref<10240x16xf32, #tpu.memory_space<vmem_shared>> -> memref<10240x16xf32, #tpu.memory_space<vmem_shared>>
      tpu.wait_indirect_dma semaphore(%arg11 : memref<!tpu.dma_semaphore, #tpu.memory_space<semaphore_mem>>) src(%arg8 : memref<80x16xf32, #tpu.memory_space<vmem>>) dst(%dma_wait3A_713 : memref<10240x16xf32, #tpu.memory_space<vmem_shared>>)
      %dma_wait3A_714 = tpu.memref_slice %arg7[%mul3A_709] : memref<10000xi32, #tpu.memory_space<vmem>> -> memref<80xi32, #tpu.memory_space<vmem>>
      %dma_wait3A_715 = arith.constant 0 : i32
      %dma_wait3A_716 = arith.constant 0 : i32
      %dma_wait3A_717 = tpu.memref_slice %arg10[%dma_wait3A_715, %dma_wait3A_716] : memref<5120x16xf32, #tpu.memory_space<vmem_shared>> -> memref<5120x16xf32, #tpu.memory_space<vmem_shared>>
      tpu.wait_indirect_dma semaphore(%arg12 : memref<!tpu.dma_semaphore, #tpu.memory_space<semaphore_mem>>) src(%arg8 : memref<80x16xf32, #tpu.memory_space<vmem>>) dst(%dma_wait3A_717 : memref<5120x16xf32, #tpu.memory_space<vmem_shared>>)
      %add3A_718 = arith.constant 17 : i32
      %add3A_719 = arith.addi %add3A_47, %add3A_718 : i32
      %mul3A_720 = arith.constant 80 : i32
      %mul3A_721 = arith.muli %add3A_719, %mul3A_720 : i32
      %add3A_722 = arith.constant 17 : i32
      %add3A_723 = arith.addi %add3A_47, %add3A_722 : i32
      %mul3A_724 = arith.constant 80 : i32
      %mul3A_725 = arith.muli %add3A_723, %mul3A_724 : i32
      %dma_wait3A_726 = tpu.memref_slice %arg6[%mul3A_721] : memref<10000xi32, #tpu.memory_space<vmem>> -> memref<80xi32, #tpu.memory_space<vmem>>
      %dma_wait3A_727 = arith.constant 0 : i32
      %dma_wait3A_728 = arith.constant 0 : i32
      %dma_wait3A_729 = tpu.memref_slice %arg9[%dma_wait3A_727, %dma_wait3A_728] : memref<10240x16xf32, #tpu.memory_space<vmem_shared>> -> memref<10240x16xf32, #tpu.memory_space<vmem_shared>>
      tpu.wait_indirect_dma semaphore(%arg11 : memref<!tpu.dma_semaphore, #tpu.memory_space<semaphore_mem>>) src(%arg8 : memref<80x16xf32, #tpu.memory_space<vmem>>) dst(%dma_wait3A_729 : memref<10240x16xf32, #tpu.memory_space<vmem_shared>>)
      %dma_wait3A_730 = tpu.memref_slice %arg7[%mul3A_725] : memref<10000xi32, #tpu.memory_space<vmem>> -> memref<80xi32, #tpu.memory_space<vmem>>
      %dma_wait3A_731 = arith.constant 0 : i32
      %dma_wait3A_732 = arith.constant 0 : i32
      %dma_wait3A_733 = tpu.memref_slice %arg10[%dma_wait3A_731, %dma_wait3A_732] : memref<5120x16xf32, #tpu.memory_space<vmem_shared>> -> memref<5120x16xf32, #tpu.memory_space<vmem_shared>>
      tpu.wait_indirect_dma semaphore(%arg12 : memref<!tpu.dma_semaphore, #tpu.memory_space<semaphore_mem>>) src(%arg8 : memref<80x16xf32, #tpu.memory_space<vmem>>) dst(%dma_wait3A_733 : memref<5120x16xf32, #tpu.memory_space<vmem_shared>>)
      %add3A_734 = arith.constant 18 : i32
      %add3A_735 = arith.addi %add3A_47, %add3A_734 : i32
      %mul3A_736 = arith.constant 80 : i32
      %mul3A_737 = arith.muli %add3A_735, %mul3A_736 : i32
      %add3A_738 = arith.constant 18 : i32
      %add3A_739 = arith.addi %add3A_47, %add3A_738 : i32
      %mul3A_740 = arith.constant 80 : i32
      %mul3A_741 = arith.muli %add3A_739, %mul3A_740 : i32
      %dma_wait3A_742 = tpu.memref_slice %arg6[%mul3A_737] : memref<10000xi32, #tpu.memory_space<vmem>> -> memref<80xi32, #tpu.memory_space<vmem>>
      %dma_wait3A_743 = arith.constant 0 : i32
      %dma_wait3A_744 = arith.constant 0 : i32
      %dma_wait3A_745 = tpu.memref_slice %arg9[%dma_wait3A_743, %dma_wait3A_744] : memref<10240x16xf32, #tpu.memory_space<vmem_shared>> -> memref<10240x16xf32, #tpu.memory_space<vmem_shared>>
      tpu.wait_indirect_dma semaphore(%arg11 : memref<!tpu.dma_semaphore, #tpu.memory_space<semaphore_mem>>) src(%arg8 : memref<80x16xf32, #tpu.memory_space<vmem>>) dst(%dma_wait3A_745 : memref<10240x16xf32, #tpu.memory_space<vmem_shared>>)
      %dma_wait3A_746 = tpu.memref_slice %arg7[%mul3A_741] : memref<10000xi32, #tpu.memory_space<vmem>> -> memref<80xi32, #tpu.memory_space<vmem>>
      %dma_wait3A_747 = arith.constant 0 : i32
      %dma_wait3A_748 = arith.constant 0 : i32
      %dma_wait3A_749 = tpu.memref_slice %arg10[%dma_wait3A_747, %dma_wait3A_748] : memref<5120x16xf32, #tpu.memory_space<vmem_shared>> -> memref<5120x16xf32, #tpu.memory_space<vmem_shared>>
      tpu.wait_indirect_dma semaphore(%arg12 : memref<!tpu.dma_semaphore, #tpu.memory_space<semaphore_mem>>) src(%arg8 : memref<80x16xf32, #tpu.memory_space<vmem>>) dst(%dma_wait3A_749 : memref<5120x16xf32, #tpu.memory_space<vmem_shared>>)
      %add3A_750 = arith.constant 19 : i32
      %add3A_751 = arith.addi %add3A_47, %add3A_750 : i32
      %mul3A_752 = arith.constant 80 : i32
      %mul3A_753 = arith.muli %add3A_751, %mul3A_752 : i32
      %add3A_754 = arith.constant 19 : i32
      %add3A_755 = arith.addi %add3A_47, %add3A_754 : i32
      %mul3A_756 = arith.constant 80 : i32
      %mul3A_757 = arith.muli %add3A_755, %mul3A_756 : i32
      %dma_wait3A_758 = tpu.memref_slice %arg6[%mul3A_753] : memref<10000xi32, #tpu.memory_space<vmem>> -> memref<80xi32, #tpu.memory_space<vmem>>
      %dma_wait3A_759 = arith.constant 0 : i32
      %dma_wait3A_760 = arith.constant 0 : i32
      %dma_wait3A_761 = tpu.memref_slice %arg9[%dma_wait3A_759, %dma_wait3A_760] : memref<10240x16xf32, #tpu.memory_space<vmem_shared>> -> memref<10240x16xf32, #tpu.memory_space<vmem_shared>>
      tpu.wait_indirect_dma semaphore(%arg11 : memref<!tpu.dma_semaphore, #tpu.memory_space<semaphore_mem>>) src(%arg8 : memref<80x16xf32, #tpu.memory_space<vmem>>) dst(%dma_wait3A_761 : memref<10240x16xf32, #tpu.memory_space<vmem_shared>>)
      %dma_wait3A_762 = tpu.memref_slice %arg7[%mul3A_757] : memref<10000xi32, #tpu.memory_space<vmem>> -> memref<80xi32, #tpu.memory_space<vmem>>
      %dma_wait3A_763 = arith.constant 0 : i32
      %dma_wait3A_764 = arith.constant 0 : i32
      %dma_wait3A_765 = tpu.memref_slice %arg10[%dma_wait3A_763, %dma_wait3A_764] : memref<5120x16xf32, #tpu.memory_space<vmem_shared>> -> memref<5120x16xf32, #tpu.memory_space<vmem_shared>>
      tpu.wait_indirect_dma semaphore(%arg12 : memref<!tpu.dma_semaphore, #tpu.memory_space<semaphore_mem>>) src(%arg8 : memref<80x16xf32, #tpu.memory_space<vmem>>) dst(%dma_wait3A_765 : memref<5120x16xf32, #tpu.memory_space<vmem_shared>>)
      %add3A_766 = arith.constant 20 : i32
      %add3A_767 = arith.addi %add3A_47, %add3A_766 : i32
      %mul3A_768 = arith.constant 80 : i32
      %mul3A_769 = arith.muli %add3A_767, %mul3A_768 : i32
      %add3A_770 = arith.constant 20 : i32
      %add3A_771 = arith.addi %add3A_47, %add3A_770 : i32
      %mul3A_772 = arith.constant 80 : i32
      %mul3A_773 = arith.muli %add3A_771, %mul3A_772 : i32
      %dma_wait3A_774 = tpu.memref_slice %arg6[%mul3A_769] : memref<10000xi32, #tpu.memory_space<vmem>> -> memref<80xi32, #tpu.memory_space<vmem>>
      %dma_wait3A_775 = arith.constant 0 : i32
      %dma_wait3A_776 = arith.constant 0 : i32
      %dma_wait3A_777 = tpu.memref_slice %arg9[%dma_wait3A_775, %dma_wait3A_776] : memref<10240x16xf32, #tpu.memory_space<vmem_shared>> -> memref<10240x16xf32, #tpu.memory_space<vmem_shared>>
      tpu.wait_indirect_dma semaphore(%arg11 : memref<!tpu.dma_semaphore, #tpu.memory_space<semaphore_mem>>) src(%arg8 : memref<80x16xf32, #tpu.memory_space<vmem>>) dst(%dma_wait3A_777 : memref<10240x16xf32, #tpu.memory_space<vmem_shared>>)
      %dma_wait3A_778 = tpu.memref_slice %arg7[%mul3A_773] : memref<10000xi32, #tpu.memory_space<vmem>> -> memref<80xi32, #tpu.memory_space<vmem>>
      %dma_wait3A_779 = arith.constant 0 : i32
      %dma_wait3A_780 = arith.constant 0 : i32
      %dma_wait3A_781 = tpu.memref_slice %arg10[%dma_wait3A_779, %dma_wait3A_780] : memref<5120x16xf32, #tpu.memory_space<vmem_shared>> -> memref<5120x16xf32, #tpu.memory_space<vmem_shared>>
      tpu.wait_indirect_dma semaphore(%arg12 : memref<!tpu.dma_semaphore, #tpu.memory_space<semaphore_mem>>) src(%arg8 : memref<80x16xf32, #tpu.memory_space<vmem>>) dst(%dma_wait3A_781 : memref<5120x16xf32, #tpu.memory_space<vmem_shared>>)
      %add3A_782 = arith.constant 21 : i32
      %add3A_783 = arith.addi %add3A_47, %add3A_782 : i32
      %mul3A_784 = arith.constant 80 : i32
      %mul3A_785 = arith.muli %add3A_783, %mul3A_784 : i32
      %add3A_786 = arith.constant 21 : i32
      %add3A_787 = arith.addi %add3A_47, %add3A_786 : i32
      %mul3A_788 = arith.constant 80 : i32
      %mul3A_789 = arith.muli %add3A_787, %mul3A_788 : i32
      %dma_wait3A_790 = tpu.memref_slice %arg6[%mul3A_785] : memref<10000xi32, #tpu.memory_space<vmem>> -> memref<80xi32, #tpu.memory_space<vmem>>
      %dma_wait3A_791 = arith.constant 0 : i32
      %dma_wait3A_792 = arith.constant 0 : i32
      %dma_wait3A_793 = tpu.memref_slice %arg9[%dma_wait3A_791, %dma_wait3A_792] : memref<10240x16xf32, #tpu.memory_space<vmem_shared>> -> memref<10240x16xf32, #tpu.memory_space<vmem_shared>>
      tpu.wait_indirect_dma semaphore(%arg11 : memref<!tpu.dma_semaphore, #tpu.memory_space<semaphore_mem>>) src(%arg8 : memref<80x16xf32, #tpu.memory_space<vmem>>) dst(%dma_wait3A_793 : memref<10240x16xf32, #tpu.memory_space<vmem_shared>>)
      %dma_wait3A_794 = tpu.memref_slice %arg7[%mul3A_789] : memref<10000xi32, #tpu.memory_space<vmem>> -> memref<80xi32, #tpu.memory_space<vmem>>
      %dma_wait3A_795 = arith.constant 0 : i32
      %dma_wait3A_796 = arith.constant 0 : i32
      %dma_wait3A_797 = tpu.memref_slice %arg10[%dma_wait3A_795, %dma_wait3A_796] : memref<5120x16xf32, #tpu.memory_space<vmem_shared>> -> memref<5120x16xf32, #tpu.memory_space<vmem_shared>>
      tpu.wait_indirect_dma semaphore(%arg12 : memref<!tpu.dma_semaphore, #tpu.memory_space<semaphore_mem>>) src(%arg8 : memref<80x16xf32, #tpu.memory_space<vmem>>) dst(%dma_wait3A_797 : memref<5120x16xf32, #tpu.memory_space<vmem_shared>>)
      %add3A_798 = arith.constant 22 : i32
      %add3A_799 = arith.addi %add3A_47, %add3A_798 : i32
      %mul3A_800 = arith.constant 80 : i32
      %mul3A_801 = arith.muli %add3A_799, %mul3A_800 : i32
      %add3A_802 = arith.constant 22 : i32
      %add3A_803 = arith.addi %add3A_47, %add3A_802 : i32
      %mul3A_804 = arith.constant 80 : i32
      %mul3A_805 = arith.muli %add3A_803, %mul3A_804 : i32
      %dma_wait3A_806 = tpu.memref_slice %arg6[%mul3A_801] : memref<10000xi32, #tpu.memory_space<vmem>> -> memref<80xi32, #tpu.memory_space<vmem>>
      %dma_wait3A_807 = arith.constant 0 : i32
      %dma_wait3A_808 = arith.constant 0 : i32
      %dma_wait3A_809 = tpu.memref_slice %arg9[%dma_wait3A_807, %dma_wait3A_808] : memref<10240x16xf32, #tpu.memory_space<vmem_shared>> -> memref<10240x16xf32, #tpu.memory_space<vmem_shared>>
      tpu.wait_indirect_dma semaphore(%arg11 : memref<!tpu.dma_semaphore, #tpu.memory_space<semaphore_mem>>) src(%arg8 : memref<80x16xf32, #tpu.memory_space<vmem>>) dst(%dma_wait3A_809 : memref<10240x16xf32, #tpu.memory_space<vmem_shared>>)
      %dma_wait3A_810 = tpu.memref_slice %arg7[%mul3A_805] : memref<10000xi32, #tpu.memory_space<vmem>> -> memref<80xi32, #tpu.memory_space<vmem>>
      %dma_wait3A_811 = arith.constant 0 : i32
      %dma_wait3A_812 = arith.constant 0 : i32
      %dma_wait3A_813 = tpu.memref_slice %arg10[%dma_wait3A_811, %dma_wait3A_812] : memref<5120x16xf32, #tpu.memory_space<vmem_shared>> -> memref<5120x16xf32, #tpu.memory_space<vmem_shared>>
      tpu.wait_indirect_dma semaphore(%arg12 : memref<!tpu.dma_semaphore, #tpu.memory_space<semaphore_mem>>) src(%arg8 : memref<80x16xf32, #tpu.memory_space<vmem>>) dst(%dma_wait3A_813 : memref<5120x16xf32, #tpu.memory_space<vmem_shared>>)
      %add3A_814 = arith.constant 23 : i32
      %add3A_815 = arith.addi %add3A_47, %add3A_814 : i32
      %mul3A_816 = arith.constant 80 : i32
      %mul3A_817 = arith.muli %add3A_815, %mul3A_816 : i32
      %add3A_818 = arith.constant 23 : i32
      %add3A_819 = arith.addi %add3A_47, %add3A_818 : i32
      %mul3A_820 = arith.constant 80 : i32
      %mul3A_821 = arith.muli %add3A_819, %mul3A_820 : i32
      %dma_wait3A_822 = tpu.memref_slice %arg6[%mul3A_817] : memref<10000xi32, #tpu.memory_space<vmem>> -> memref<80xi32, #tpu.memory_space<vmem>>
      %dma_wait3A_823 = arith.constant 0 : i32
      %dma_wait3A_824 = arith.constant 0 : i32
      %dma_wait3A_825 = tpu.memref_slice %arg9[%dma_wait3A_823, %dma_wait3A_824] : memref<10240x16xf32, #tpu.memory_space<vmem_shared>> -> memref<10240x16xf32, #tpu.memory_space<vmem_shared>>
      tpu.wait_indirect_dma semaphore(%arg11 : memref<!tpu.dma_semaphore, #tpu.memory_space<semaphore_mem>>) src(%arg8 : memref<80x16xf32, #tpu.memory_space<vmem>>) dst(%dma_wait3A_825 : memref<10240x16xf32, #tpu.memory_space<vmem_shared>>)
      %dma_wait3A_826 = tpu.memref_slice %arg7[%mul3A_821] : memref<10000xi32, #tpu.memory_space<vmem>> -> memref<80xi32, #tpu.memory_space<vmem>>
      %dma_wait3A_827 = arith.constant 0 : i32
      %dma_wait3A_828 = arith.constant 0 : i32
      %dma_wait3A_829 = tpu.memref_slice %arg10[%dma_wait3A_827, %dma_wait3A_828] : memref<5120x16xf32, #tpu.memory_space<vmem_shared>> -> memref<5120x16xf32, #tpu.memory_space<vmem_shared>>
      tpu.wait_indirect_dma semaphore(%arg12 : memref<!tpu.dma_semaphore, #tpu.memory_space<semaphore_mem>>) src(%arg8 : memref<80x16xf32, #tpu.memory_space<vmem>>) dst(%dma_wait3A_829 : memref<5120x16xf32, #tpu.memory_space<vmem_shared>>)
      %add3A_830 = arith.constant 24 : i32
      %add3A_831 = arith.addi %add3A_47, %add3A_830 : i32
      %mul3A_832 = arith.constant 80 : i32
      %mul3A_833 = arith.muli %add3A_831, %mul3A_832 : i32
      %add3A_834 = arith.constant 24 : i32
      %add3A_835 = arith.addi %add3A_47, %add3A_834 : i32
      %mul3A_836 = arith.constant 80 : i32
      %mul3A_837 = arith.muli %add3A_835, %mul3A_836 : i32
      %dma_wait3A_838 = tpu.memref_slice %arg6[%mul3A_833] : memref<10000xi32, #tpu.memory_space<vmem>> -> memref<80xi32, #tpu.memory_space<vmem>>
      %dma_wait3A_839 = arith.constant 0 : i32
      %dma_wait3A_840 = arith.constant 0 : i32
      %dma_wait3A_841 = tpu.memref_slice %arg9[%dma_wait3A_839, %dma_wait3A_840] : memref<10240x16xf32, #tpu.memory_space<vmem_shared>> -> memref<10240x16xf32, #tpu.memory_space<vmem_shared>>
      tpu.wait_indirect_dma semaphore(%arg11 : memref<!tpu.dma_semaphore, #tpu.memory_space<semaphore_mem>>) src(%arg8 : memref<80x16xf32, #tpu.memory_space<vmem>>) dst(%dma_wait3A_841 : memref<10240x16xf32, #tpu.memory_space<vmem_shared>>)
      %dma_wait3A_842 = tpu.memref_slice %arg7[%mul3A_837] : memref<10000xi32, #tpu.memory_space<vmem>> -> memref<80xi32, #tpu.memory_space<vmem>>
      %dma_wait3A_843 = arith.constant 0 : i32
      %dma_wait3A_844 = arith.constant 0 : i32
      %dma_wait3A_845 = tpu.memref_slice %arg10[%dma_wait3A_843, %dma_wait3A_844] : memref<5120x16xf32, #tpu.memory_space<vmem_shared>> -> memref<5120x16xf32, #tpu.memory_space<vmem_shared>>
      tpu.wait_indirect_dma semaphore(%arg12 : memref<!tpu.dma_semaphore, #tpu.memory_space<semaphore_mem>>) src(%arg8 : memref<80x16xf32, #tpu.memory_space<vmem>>) dst(%dma_wait3A_845 : memref<5120x16xf32, #tpu.memory_space<vmem_shared>>)
    }
    %scan3A_33 = arith.constant 5 : i32
    %barrier3A_34 = arith.constant 0 : index
    tpu.barrier barrier_id(%barrier3A_34)
    %mul3A_35 = arith.constant 640 : i32
    %mul3A_36 = arith.muli %arg1, %mul3A_35 : i32
    %mul3A_37 = arith.constant 640 : i32
    %mul3A_38 = arith.muli %arg1, %mul3A_37 : i32
    "tpu.region"() ({
      %run_scoped3A = tpu.sem_alloc : memref<!tpu.dma_semaphore, #tpu.memory_space<semaphore_mem>>
      %dma_start3A = arith.constant 0 : i32
      %dma_start3A_43 = arith.constant 0 : i32
      %dma_start3A_44 = tpu.memref_slice %arg4[%arg0, %dma_start3A, %dma_start3A_43] : memref<2x10240x16xf32, #tpu.memory_space<hbm>> -> memref<1x10240x16xf32, #tpu.memory_space<hbm>>
      %dma_start3A_45 = tpu.memref_squeeze %dma_start3A_44 : memref<1x10240x16xf32, #tpu.memory_space<hbm>> -> memref<10240x16xf32, #tpu.memory_space<hbm>>
      %dma_start3A_46 = arith.constant 0 : i32
      %dma_start3A_47 = tpu.memref_slice %dma_start3A_45[%mul3A_38, %dma_start3A_46] : memref<10240x16xf32, #tpu.memory_space<hbm>> -> memref<640x16xf32, #tpu.memory_space<hbm>>
      %dma_start3A_48 = arith.constant 0 : i32
      %dma_start3A_49 = tpu.memref_slice %arg9[%mul3A_36, %dma_start3A_48] : memref<10240x16xf32, #tpu.memory_space<vmem_shared>> -> memref<640x16xf32, #tpu.memory_space<vmem_shared>>
      tpu.enqueue_dma source(%dma_start3A_49 : memref<640x16xf32, #tpu.memory_space<vmem_shared>>) target(%dma_start3A_47 : memref<640x16xf32, #tpu.memory_space<hbm>>) target_semaphore(%run_scoped3A : memref<!tpu.dma_semaphore, #tpu.memory_space<semaphore_mem>>)
      %dma_wait3A = arith.constant 0 : i32
      %dma_wait3A_50 = arith.constant 0 : i32
      %dma_wait3A_51 = tpu.memref_slice %arg4[%arg0, %dma_wait3A, %dma_wait3A_50] : memref<2x10240x16xf32, #tpu.memory_space<hbm>> -> memref<1x10240x16xf32, #tpu.memory_space<hbm>>
      %dma_wait3A_52 = tpu.memref_squeeze %dma_wait3A_51 : memref<1x10240x16xf32, #tpu.memory_space<hbm>> -> memref<10240x16xf32, #tpu.memory_space<hbm>>
      %dma_wait3A_53 = arith.constant 0 : i32
      %dma_wait3A_54 = tpu.memref_slice %dma_wait3A_52[%mul3A_38, %dma_wait3A_53] : memref<10240x16xf32, #tpu.memory_space<hbm>> -> memref<640x16xf32, #tpu.memory_space<hbm>>
      %dma_wait3A_55 = arith.constant 0 : i32
      %dma_wait3A_56 = tpu.memref_slice %arg9[%mul3A_36, %dma_wait3A_55] : memref<10240x16xf32, #tpu.memory_space<vmem_shared>> -> memref<640x16xf32, #tpu.memory_space<vmem_shared>>
      tpu.wait_dma2 semaphore(%run_scoped3A : memref<!tpu.dma_semaphore, #tpu.memory_space<semaphore_mem>>) src(%dma_wait3A_56 : memref<640x16xf32, #tpu.memory_space<vmem_shared>>) dst(%dma_wait3A_54 : memref<640x16xf32, #tpu.memory_space<hbm>>)
      tpu.yield
    }) : () -> ()
    %mul3A_39 = arith.constant 320 : i32
    %mul3A_40 = arith.muli %arg1, %mul3A_39 : i32
    %mul3A_41 = arith.constant 320 : i32
    %mul3A_42 = arith.muli %arg1, %mul3A_41 : i32
    "tpu.region"() ({
      %run_scoped3A = tpu.sem_alloc : memref<!tpu.dma_semaphore, #tpu.memory_space<semaphore_mem>>
      %dma_start3A = arith.constant 0 : i32
      %dma_start3A_43 = arith.constant 0 : i32
      %dma_start3A_44 = tpu.memref_slice %arg5[%arg0, %dma_start3A, %dma_start3A_43] : memref<2x5120x16xf32, #tpu.memory_space<hbm>> -> memref<1x5120x16xf32, #tpu.memory_space<hbm>>
      %dma_start3A_45 = tpu.memref_squeeze %dma_start3A_44 : memref<1x5120x16xf32, #tpu.memory_space<hbm>> -> memref<5120x16xf32, #tpu.memory_space<hbm>>
      %dma_start3A_46 = arith.constant 0 : i32
      %dma_start3A_47 = tpu.memref_slice %dma_start3A_45[%mul3A_42, %dma_start3A_46] : memref<5120x16xf32, #tpu.memory_space<hbm>> -> memref<320x16xf32, #tpu.memory_space<hbm>>
      %dma_start3A_48 = arith.constant 0 : i32
      %dma_start3A_49 = tpu.memref_slice %arg10[%mul3A_40, %dma_start3A_48] : memref<5120x16xf32, #tpu.memory_space<vmem_shared>> -> memref<320x16xf32, #tpu.memory_space<vmem_shared>>
      tpu.enqueue_dma source(%dma_start3A_49 : memref<320x16xf32, #tpu.memory_space<vmem_shared>>) target(%dma_start3A_47 : memref<320x16xf32, #tpu.memory_space<hbm>>) target_semaphore(%run_scoped3A : memref<!tpu.dma_semaphore, #tpu.memory_space<semaphore_mem>>)
      %dma_wait3A = arith.constant 0 : i32
      %dma_wait3A_50 = arith.constant 0 : i32
      %dma_wait3A_51 = tpu.memref_slice %arg5[%arg0, %dma_wait3A, %dma_wait3A_50] : memref<2x5120x16xf32, #tpu.memory_space<hbm>> -> memref<1x5120x16xf32, #tpu.memory_space<hbm>>
      %dma_wait3A_52 = tpu.memref_squeeze %dma_wait3A_51 : memref<1x5120x16xf32, #tpu.memory_space<hbm>> -> memref<5120x16xf32, #tpu.memory_space<hbm>>
      %dma_wait3A_53 = arith.constant 0 : i32
      %dma_wait3A_54 = tpu.memref_slice %dma_wait3A_52[%mul3A_42, %dma_wait3A_53] : memref<5120x16xf32, #tpu.memory_space<hbm>> -> memref<320x16xf32, #tpu.memory_space<hbm>>
      %dma_wait3A_55 = arith.constant 0 : i32
      %dma_wait3A_56 = tpu.memref_slice %arg10[%mul3A_40, %dma_wait3A_55] : memref<5120x16xf32, #tpu.memory_space<vmem_shared>> -> memref<320x16xf32, #tpu.memory_space<vmem_shared>>
      tpu.wait_dma2 semaphore(%run_scoped3A : memref<!tpu.dma_semaphore, #tpu.memory_space<semaphore_mem>>) src(%dma_wait3A_56 : memref<320x16xf32, #tpu.memory_space<vmem_shared>>) dst(%dma_wait3A_54 : memref<320x16xf32, #tpu.memory_space<hbm>>)
      tpu.yield
    }) : () -> ()
    return
  }
}

#map = affine_map<(d0, d1) -> (0, 0)>
#map1 = affine_map<(d0, d1) -> (0)>
#map2 = affine_map<(d0, d1) -> (0, 0, 0)>
module attributes {stable_mosaic.version = 14 : i64} {
  func.func @k(%arg0: i32, %arg1: i32, %arg2: memref<10000x48xf32, #tpu.memory_space<hbm>>, %arg3: memref<320000xi32, #tpu.memory_space<hbm>>, %arg4: memref<320000xi32, #tpu.memory_space<hbm>>, %arg5: memref<2x5120x48xf32, #tpu.memory_space<hbm>>, %arg6: memref<10000xi32, #tpu.memory_space<vmem>>, %arg7: memref<10000xi32, #tpu.memory_space<vmem>>, %arg8: memref<80x48xf32, #tpu.memory_space<vmem>>, %arg9: memref<80x48xf32, #tpu.memory_space<vmem>>, %arg10: memref<5120x48xf32, #tpu.memory_space<vmem_shared>>, %arg11: memref<!tpu.dma_semaphore, #tpu.memory_space<semaphore_mem>>, %arg12: memref<!tpu.dma_semaphore, #tpu.memory_space<semaphore_mem>>) attributes {dimension_semantics = [#tpu.dimension_semantics<core_parallel>, #tpu.dimension_semantics<subcore_parallel>], iteration_bounds = array<i64: 2, 16>, scalar_prefetch = 0 : i64, scratch_operands = 7 : i64, tpu.core_type = #tpu.core_type<sc_vector_subcore>, window_params = [{transform_indices = #map}, {transform_indices = #map1}, {transform_indices = #map1}, {transform_indices = #map2}]} {
    %mul3A = arith.constant 2 : i32
    %mul3A_0 = arith.muli %arg1, %mul3A : i32
    %add3A = arith.addi %mul3A_0, %arg0 : i32
    %mul3A_1 = arith.constant 125 : i32
    %mul3A_2 = arith.muli %mul3A_1, %add3A : i32
    %min3A = arith.constant 0 : i32
    %min3A_3 = arith.minsi %add3A, %min3A : i32
    %add3A_4 = arith.addi %mul3A_2, %min3A_3 : i32
    %lt3A = arith.constant 0 : i32
    %lt3A_5 = arith.cmpi slt, %add3A, %lt3A : i32
    %mul3A_6 = arith.constant 80 : i32
    %mul3A_7 = arith.muli %add3A_4, %mul3A_6 : i32
    %dma_start3A = tpu.memref_slice %arg3[%mul3A_7] : memref<320000xi32, #tpu.memory_space<hbm>> -> memref<10000xi32, #tpu.memory_space<hbm>>
    %dma_start3A_8 = tpu.memref_slice %arg3[%mul3A_7] : memref<320000xi32, #tpu.memory_space<hbm>> -> memref<10000xi32, #tpu.memory_space<hbm>>
    tpu.enqueue_dma source(%dma_start3A_8 : memref<10000xi32, #tpu.memory_space<hbm>>) target(%arg6 : memref<10000xi32, #tpu.memory_space<vmem>>) target_semaphore(%arg11 : memref<!tpu.dma_semaphore, #tpu.memory_space<semaphore_mem>>)
    %mul3A_9 = arith.constant 80 : i32
    %mul3A_10 = arith.muli %add3A_4, %mul3A_9 : i32
    %dma_start3A_11 = tpu.memref_slice %arg4[%mul3A_10] : memref<320000xi32, #tpu.memory_space<hbm>> -> memref<10000xi32, #tpu.memory_space<hbm>>
    %dma_start3A_12 = tpu.memref_slice %arg4[%mul3A_10] : memref<320000xi32, #tpu.memory_space<hbm>> -> memref<10000xi32, #tpu.memory_space<hbm>>
    tpu.enqueue_dma source(%dma_start3A_12 : memref<10000xi32, #tpu.memory_space<hbm>>) target(%arg7 : memref<10000xi32, #tpu.memory_space<vmem>>) target_semaphore(%arg12 : memref<!tpu.dma_semaphore, #tpu.memory_space<semaphore_mem>>)
    %scan3A = arith.constant 0 : i32
    %scan3A_13 = arith.constant 80 : i32
    %scan3A_14 = arith.addi %scan3A, %scan3A_13 : i32
    %scan3A_15 = arith.constant 1 : i32
    scf.for %scan3A_54 = %scan3A to %scan3A_14 step %scan3A_15  : i32 {
      %mul3A_55 = arith.constant 1 : i32
      %mul3A_56 = arith.muli %scan3A_54, %mul3A_55 : i32
      %add3A_57 = arith.constant 0 : i32
      %add3A_58 = arith.addi %add3A_57, %mul3A_56 : i32
      %broadcast_in_dim3A = arith.constant 0.000000e+00 : f32
      %broadcast_in_dim3A_59 = vector.broadcast %broadcast_in_dim3A : f32 to vector<16xf32>
      %swap3A = arith.index_cast %add3A_58 : i32 to index
      %swap3A_60 = arith.constant 0 : index
      %swap3A_61 = tpu.vector_load %arg8[%swap3A, %swap3A_60] {strides = array<i32>} : memref<80x48xf32, #tpu.memory_space<vmem>>, vector<1x16xf32>,
      %swap3A_62 = vector.shape_cast %swap3A_61 : vector<1x16xf32> to vector<16xf32>
      %swap3A_63 = vector.shape_cast %broadcast_in_dim3A_59 : vector<16xf32> to vector<1x16xf32>
      tpu.vector_store %arg8[%swap3A, %swap3A_60], %swap3A_63 {strides = array<i32>} : memref<80x48xf32, #tpu.memory_space<vmem>>, vector<1x16xf32>,
      %broadcast_in_dim3A_64 = arith.constant 0.000000e+00 : f32
      %broadcast_in_dim3A_65 = vector.broadcast %broadcast_in_dim3A_64 : f32 to vector<16xf32>
      %swap3A_66 = arith.index_cast %add3A_58 : i32 to index
      %swap3A_67 = arith.constant 16 : index
      %swap3A_68 = tpu.vector_load %arg8[%swap3A_66, %swap3A_67] {strides = array<i32>} : memref<80x48xf32, #tpu.memory_space<vmem>>, vector<1x16xf32>,
      %swap3A_69 = vector.shape_cast %swap3A_68 : vector<1x16xf32> to vector<16xf32>
      %swap3A_70 = vector.shape_cast %broadcast_in_dim3A_65 : vector<16xf32> to vector<1x16xf32>
      tpu.vector_store %arg8[%swap3A_66, %swap3A_67], %swap3A_70 {strides = array<i32>} : memref<80x48xf32, #tpu.memory_space<vmem>>, vector<1x16xf32>,
      %broadcast_in_dim3A_71 = arith.constant 0.000000e+00 : f32
      %broadcast_in_dim3A_72 = vector.broadcast %broadcast_in_dim3A_71 : f32 to vector<16xf32>
      %swap3A_73 = arith.index_cast %add3A_58 : i32 to index
      %swap3A_74 = arith.constant 32 : index
      %swap3A_75 = tpu.vector_load %arg8[%swap3A_73, %swap3A_74] {strides = array<i32>} : memref<80x48xf32, #tpu.memory_space<vmem>>, vector<1x16xf32>,
      %swap3A_76 = vector.shape_cast %swap3A_75 : vector<1x16xf32> to vector<16xf32>
      %swap3A_77 = vector.shape_cast %broadcast_in_dim3A_72 : vector<16xf32> to vector<1x16xf32>
      tpu.vector_store %arg8[%swap3A_73, %swap3A_74], %swap3A_77 {strides = array<i32>} : memref<80x48xf32, #tpu.memory_space<vmem>>, vector<1x16xf32>,
    }
    %scan3A_16 = arith.constant 80 : i32
    %scan3A_17 = arith.constant 0 : i32
    %scan3A_18 = arith.constant 4 : i32
    %scan3A_19 = arith.addi %scan3A_17, %scan3A_18 : i32
    %scan3A_20 = arith.constant 1 : i32
    scf.for %scan3A_54 = %scan3A_17 to %scan3A_19 step %scan3A_20  : i32 {
      %mul3A_55 = arith.constant 1 : i32
      %mul3A_56 = arith.muli %scan3A_54, %mul3A_55 : i32
      %add3A_57 = arith.constant 0 : i32
      %add3A_58 = arith.addi %add3A_57, %mul3A_56 : i32
      %mul3A_59 = arith.constant 320 : i32
      %mul3A_60 = arith.muli %arg1, %mul3A_59 : i32
      %mul3A_61 = arith.constant 80 : i32
      %mul3A_62 = arith.muli %add3A_58, %mul3A_61 : i32
      %add3A_63 = arith.addi %mul3A_60, %mul3A_62 : i32
      "tpu.region"() ({
        %run_scoped3A = tpu.sem_alloc : memref<!tpu.dma_semaphore, #tpu.memory_space<semaphore_mem>>
        %dma_start3A_64 = arith.constant 0 : i32
        %dma_start3A_65 = arith.constant 0 : i32
        %dma_start3A_66 = tpu.memref_slice %arg8[%dma_start3A_64, %dma_start3A_65] : memref<80x48xf32, #tpu.memory_space<vmem>> -> memref<80x48xf32, #tpu.memory_space<vmem>>
        %dma_start3A_67 = arith.constant 0 : i32
        %dma_start3A_68 = tpu.memref_slice %arg10[%add3A_63, %dma_start3A_67] : memref<5120x48xf32, #tpu.memory_space<vmem_shared>> -> memref<80x48xf32, #tpu.memory_space<vmem_shared>>
        %dma_start3A_69 = arith.constant 0 : i32
        %dma_start3A_70 = tpu.memref_slice %arg10[%add3A_63, %dma_start3A_69] : memref<5120x48xf32, #tpu.memory_space<vmem_shared>> -> memref<80x48xf32, #tpu.memory_space<vmem_shared>>
        %dma_start3A_71 = arith.constant 0 : i32
        %dma_start3A_72 = arith.constant 0 : i32
        %dma_start3A_73 = tpu.memref_slice %arg8[%dma_start3A_71, %dma_start3A_72] : memref<80x48xf32, #tpu.memory_space<vmem>> -> memref<80x48xf32, #tpu.memory_space<vmem>>
        tpu.enqueue_dma source(%dma_start3A_73 : memref<80x48xf32, #tpu.memory_space<vmem>>) target(%dma_start3A_70 : memref<80x48xf32, #tpu.memory_space<vmem_shared>>) target_semaphore(%run_scoped3A : memref<!tpu.dma_semaphore, #tpu.memory_space<semaphore_mem>>)
        %dma_wait3A_74 = arith.constant 0 : i32
        %dma_wait3A_75 = arith.constant 0 : i32
        %dma_wait3A_76 = tpu.memref_slice %arg8[%dma_wait3A_74, %dma_wait3A_75] : memref<80x48xf32, #tpu.memory_space<vmem>> -> memref<80x48xf32, #tpu.memory_space<vmem>>
        %dma_wait3A_77 = arith.constant 0 : i32
        %dma_wait3A_78 = tpu.memref_slice %arg10[%add3A_63, %dma_wait3A_77] : memref<5120x48xf32, #tpu.memory_space<vmem_shared>> -> memref<80x48xf32, #tpu.memory_space<vmem_shared>>
        %dma_wait3A_79 = arith.constant 0 : i32
        %dma_wait3A_80 = tpu.memref_slice %arg10[%add3A_63, %dma_wait3A_79] : memref<5120x48xf32, #tpu.memory_space<vmem_shared>> -> memref<80x48xf32, #tpu.memory_space<vmem_shared>>
        %dma_wait3A_81 = arith.constant 0 : i32
        %dma_wait3A_82 = arith.constant 0 : i32
        %dma_wait3A_83 = tpu.memref_slice %arg8[%dma_wait3A_81, %dma_wait3A_82] : memref<80x48xf32, #tpu.memory_space<vmem>> -> memref<80x48xf32, #tpu.memory_space<vmem>>
        tpu.wait_dma2 semaphore(%run_scoped3A : memref<!tpu.dma_semaphore, #tpu.memory_space<semaphore_mem>>) src(%dma_wait3A_83 : memref<80x48xf32, #tpu.memory_space<vmem>>) dst(%dma_wait3A_80 : memref<80x48xf32, #tpu.memory_space<vmem_shared>>)
        tpu.yield
      }) : () -> ()
    }
    %scan3A_21 = arith.constant 4 : i32
    %mul3A_22 = arith.constant 80 : i32
    %mul3A_23 = arith.muli %add3A_4, %mul3A_22 : i32
    %dma_wait3A = tpu.memref_slice %arg3[%mul3A_23] : memref<320000xi32, #tpu.memory_space<hbm>> -> memref<10000xi32, #tpu.memory_space<hbm>>
    %dma_wait3A_24 = tpu.memref_slice %arg3[%mul3A_23] : memref<320000xi32, #tpu.memory_space<hbm>> -> memref<10000xi32, #tpu.memory_space<hbm>>
    tpu.wait_dma2 semaphore(%arg11 : memref<!tpu.dma_semaphore, #tpu.memory_space<semaphore_mem>>) src(%dma_wait3A_24 : memref<10000xi32, #tpu.memory_space<hbm>>) dst(%arg6 : memref<10000xi32, #tpu.memory_space<vmem>>)
    %mul3A_25 = arith.constant 80 : i32
    %mul3A_26 = arith.muli %add3A_4, %mul3A_25 : i32
    %dma_wait3A_27 = tpu.memref_slice %arg4[%mul3A_26] : memref<320000xi32, #tpu.memory_space<hbm>> -> memref<10000xi32, #tpu.memory_space<hbm>>
    %dma_wait3A_28 = tpu.memref_slice %arg4[%mul3A_26] : memref<320000xi32, #tpu.memory_space<hbm>> -> memref<10000xi32, #tpu.memory_space<hbm>>
    tpu.wait_dma2 semaphore(%arg12 : memref<!tpu.dma_semaphore, #tpu.memory_space<semaphore_mem>>) src(%dma_wait3A_28 : memref<10000xi32, #tpu.memory_space<hbm>>) dst(%arg7 : memref<10000xi32, #tpu.memory_space<vmem>>)
    %barrier3A = arith.constant 0 : index
    tpu.barrier barrier_id(%barrier3A)
    %dma_start3A_29 = arith.constant 0 : i32
    %dma_start3A_30 = tpu.memref_slice %arg6[%dma_start3A_29] : memref<10000xi32, #tpu.memory_space<vmem>> -> memref<80xi32, #tpu.memory_space<vmem>>
    %dma_start3A_31 = arith.constant 0 : i32
    %dma_start3A_32 = arith.constant 0 : i32
    %dma_start3A_33 = tpu.memref_slice %arg2[%dma_start3A_31, %dma_start3A_32] : memref<10000x48xf32, #tpu.memory_space<hbm>> -> memref<10000x48xf32, #tpu.memory_space<hbm>>
    tpu.enqueue_indirect_dma source(%dma_start3A_33 : memref<10000x48xf32, #tpu.memory_space<hbm>>) target(%arg8 : memref<80x48xf32, #tpu.memory_space<vmem>>) offsets(%dma_start3A_30 : memref<80xi32, #tpu.memory_space<vmem>>) semaphore(%arg11 : memref<!tpu.dma_semaphore, #tpu.memory_space<semaphore_mem>>)
    %dma_start3A_34 = arith.constant 80 : i32
    %dma_start3A_35 = tpu.memref_slice %arg6[%dma_start3A_34] : memref<10000xi32, #tpu.memory_space<vmem>> -> memref<80xi32, #tpu.memory_space<vmem>>
    %dma_start3A_36 = arith.constant 0 : i32
    %dma_start3A_37 = arith.constant 0 : i32
    %dma_start3A_38 = tpu.memref_slice %arg2[%dma_start3A_36, %dma_start3A_37] : memref<10000x48xf32, #tpu.memory_space<hbm>> -> memref<10000x48xf32, #tpu.memory_space<hbm>>
    tpu.enqueue_indirect_dma source(%dma_start3A_38 : memref<10000x48xf32, #tpu.memory_space<hbm>>) target(%arg9 : memref<80x48xf32, #tpu.memory_space<vmem>>) offsets(%dma_start3A_35 : memref<80xi32, #tpu.memory_space<vmem>>) semaphore(%arg12 : memref<!tpu.dma_semaphore, #tpu.memory_space<semaphore_mem>>)
    %scan3A_39 = arith.constant 0 : i32
    %scan3A_40 = arith.constant 62 : i32
    %scan3A_41 = arith.addi %scan3A_39, %scan3A_40 : i32
    %scan3A_42 = arith.constant 1 : i32
    scf.for %scan3A_54 = %scan3A_39 to %scan3A_41 step %scan3A_42  : i32 {
      %mul3A_55 = arith.constant 2 : i32
      %mul3A_56 = arith.muli %scan3A_54, %mul3A_55 : i32
      %add3A_57 = arith.constant 0 : i32
      %add3A_58 = arith.addi %add3A_57, %mul3A_56 : i32
      %mul3A_59 = arith.constant 80 : i32
      %mul3A_60 = arith.muli %add3A_58, %mul3A_59 : i32
      %dma_wait3A_61 = tpu.memref_slice %arg6[%mul3A_60] : memref<10000xi32, #tpu.memory_space<vmem>> -> memref<80xi32, #tpu.memory_space<vmem>>
      %dma_wait3A_62 = arith.constant 0 : i32
      %dma_wait3A_63 = arith.constant 0 : i32
      %dma_wait3A_64 = tpu.memref_slice %arg2[%dma_wait3A_62, %dma_wait3A_63] : memref<10000x48xf32, #tpu.memory_space<hbm>> -> memref<10000x48xf32, #tpu.memory_space<hbm>>
      tpu.wait_indirect_dma semaphore(%arg11 : memref<!tpu.dma_semaphore, #tpu.memory_space<semaphore_mem>>) src(%dma_wait3A_64 : memref<10000x48xf32, #tpu.memory_space<hbm>>) dst(%arg8 : memref<80x48xf32, #tpu.memory_space<vmem>>)
      %mul3A_65 = arith.constant 80 : i32
      %mul3A_66 = arith.muli %add3A_58, %mul3A_65 : i32
      "tpu.region"() ({
        %run_scoped3A = tpu.sem_alloc : memref<!tpu.dma_semaphore, #tpu.memory_space<semaphore_mem>>
        %dma_start3A_92 = tpu.memref_slice %arg7[%mul3A_66] : memref<10000xi32, #tpu.memory_space<vmem>> -> memref<80xi32, #tpu.memory_space<vmem>>
        %dma_start3A_93 = arith.constant 0 : i32
        %dma_start3A_94 = arith.constant 0 : i32
        %dma_start3A_95 = tpu.memref_slice %arg10[%dma_start3A_93, %dma_start3A_94] : memref<5120x48xf32, #tpu.memory_space<vmem_shared>> -> memref<5120x48xf32, #tpu.memory_space<vmem_shared>>
        tpu.enqueue_indirect_dma source(%arg8 : memref<80x48xf32, #tpu.memory_space<vmem>>) target(%dma_start3A_95 : memref<5120x48xf32, #tpu.memory_space<vmem_shared>>) offsets(%dma_start3A_92 : memref<80xi32, #tpu.memory_space<vmem>>) semaphore(%run_scoped3A : memref<!tpu.dma_semaphore, #tpu.memory_space<semaphore_mem>>) {add = true}
        %dma_wait3A_96 = tpu.memref_slice %arg7[%mul3A_66] : memref<10000xi32, #tpu.memory_space<vmem>> -> memref<80xi32, #tpu.memory_space<vmem>>
        %dma_wait3A_97 = arith.constant 0 : i32
        %dma_wait3A_98 = arith.constant 0 : i32
        %dma_wait3A_99 = tpu.memref_slice %arg10[%dma_wait3A_97, %dma_wait3A_98] : memref<5120x48xf32, #tpu.memory_space<vmem_shared>> -> memref<5120x48xf32, #tpu.memory_space<vmem_shared>>
        tpu.wait_indirect_dma semaphore(%run_scoped3A : memref<!tpu.dma_semaphore, #tpu.memory_space<semaphore_mem>>) src(%arg8 : memref<80x48xf32, #tpu.memory_space<vmem>>) dst(%dma_wait3A_99 : memref<5120x48xf32, #tpu.memory_space<vmem_shared>>)
        tpu.yield
      }) : () -> ()
      %add3A_67 = arith.constant 2 : i32
      %add3A_68 = arith.addi %add3A_58, %add3A_67 : i32
      %mul3A_69 = arith.constant 80 : i32
      %mul3A_70 = arith.muli %add3A_68, %mul3A_69 : i32
      %dma_start3A_71 = tpu.memref_slice %arg6[%mul3A_70] : memref<10000xi32, #tpu.memory_space<vmem>> -> memref<80xi32, #tpu.memory_space<vmem>>
      %dma_start3A_72 = arith.constant 0 : i32
      %dma_start3A_73 = arith.constant 0 : i32
      %dma_start3A_74 = tpu.memref_slice %arg2[%dma_start3A_72, %dma_start3A_73] : memref<10000x48xf32, #tpu.memory_space<hbm>> -> memref<10000x48xf32, #tpu.memory_space<hbm>>
      tpu.enqueue_indirect_dma source(%dma_start3A_74 : memref<10000x48xf32, #tpu.memory_space<hbm>>) target(%arg8 : memref<80x48xf32, #tpu.memory_space<vmem>>) offsets(%dma_start3A_71 : memref<80xi32, #tpu.memory_space<vmem>>) semaphore(%arg11 : memref<!tpu.dma_semaphore, #tpu.memory_space<semaphore_mem>>)
      %add3A_75 = arith.constant 1 : i32
      %add3A_76 = arith.addi %add3A_58, %add3A_75 : i32
      %mul3A_77 = arith.constant 80 : i32
      %mul3A_78 = arith.muli %add3A_76, %mul3A_77 : i32
      %dma_wait3A_79 = tpu.memref_slice %arg6[%mul3A_78] : memref<10000xi32, #tpu.memory_space<vmem>> -> memref<80xi32, #tpu.memory_space<vmem>>
      %dma_wait3A_80 = arith.constant 0 : i32
      %dma_wait3A_81 = arith.constant 0 : i32
      %dma_wait3A_82 = tpu.memref_slice %arg2[%dma_wait3A_80, %dma_wait3A_81] : memref<10000x48xf32, #tpu.memory_space<hbm>> -> memref<10000x48xf32, #tpu.memory_space<hbm>>
      tpu.wait_indirect_dma semaphore(%arg12 : memref<!tpu.dma_semaphore, #tpu.memory_space<semaphore_mem>>) src(%dma_wait3A_82 : memref<10000x48xf32, #tpu.memory_space<hbm>>) dst(%arg9 : memref<80x48xf32, #tpu.memory_space<vmem>>)
      %add3A_83 = arith.constant 1 : i32
      %add3A_84 = arith.addi %add3A_58, %add3A_83 : i32
      %mul3A_85 = arith.constant 80 : i32
      %mul3A_86 = arith.muli %add3A_84, %mul3A_85 : i32
      "tpu.region"() ({
        %run_scoped3A = tpu.sem_alloc : memref<!tpu.dma_semaphore, #tpu.memory_space<semaphore_mem>>
        %dma_start3A_92 = tpu.memref_slice %arg7[%mul3A_86] : memref<10000xi32, #tpu.memory_space<vmem>> -> memref<80xi32, #tpu.memory_space<vmem>>
        %dma_start3A_93 = arith.constant 0 : i32
        %dma_start3A_94 = arith.constant 0 : i32
        %dma_start3A_95 = tpu.memref_slice %arg10[%dma_start3A_93, %dma_start3A_94] : memref<5120x48xf32, #tpu.memory_space<vmem_shared>> -> memref<5120x48xf32, #tpu.memory_space<vmem_shared>>
        tpu.enqueue_indirect_dma source(%arg9 : memref<80x48xf32, #tpu.memory_space<vmem>>) target(%dma_start3A_95 : memref<5120x48xf32, #tpu.memory_space<vmem_shared>>) offsets(%dma_start3A_92 : memref<80xi32, #tpu.memory_space<vmem>>) semaphore(%run_scoped3A : memref<!tpu.dma_semaphore, #tpu.memory_space<semaphore_mem>>) {add = true}
        %dma_wait3A_96 = tpu.memref_slice %arg7[%mul3A_86] : memref<10000xi32, #tpu.memory_space<vmem>> -> memref<80xi32, #tpu.memory_space<vmem>>
        %dma_wait3A_97 = arith.constant 0 : i32
        %dma_wait3A_98 = arith.constant 0 : i32
        %dma_wait3A_99 = tpu.memref_slice %arg10[%dma_wait3A_97, %dma_wait3A_98] : memref<5120x48xf32, #tpu.memory_space<vmem_shared>> -> memref<5120x48xf32, #tpu.memory_space<vmem_shared>>
        tpu.wait_indirect_dma semaphore(%run_scoped3A : memref<!tpu.dma_semaphore, #tpu.memory_space<semaphore_mem>>) src(%arg9 : memref<80x48xf32, #tpu.memory_space<vmem>>) dst(%dma_wait3A_99 : memref<5120x48xf32, #tpu.memory_space<vmem_shared>>)
        tpu.yield
      }) : () -> ()
      %add3A_87 = arith.constant 3 : i32
      %add3A_88 = arith.addi %add3A_58, %add3A_87 : i32
      %lt3A_89 = arith.constant 125 : i32
      %lt3A_90 = arith.cmpi slt, %add3A_88, %lt3A_89 : i32
      %convert_element_type3A = arith.extui %lt3A_90 : i1 to i32
      %cond3A = arith.constant 0 : i32
      %cond3A_91 = arith.cmpi ne, %convert_element_type3A, %cond3A : i32
      scf.if %cond3A_91 {
        %add3A_92 = arith.constant 3 : i32
        %add3A_93 = arith.addi %add3A_58, %add3A_92 : i32
        %mul3A_94 = arith.constant 80 : i32
        %mul3A_95 = arith.muli %add3A_93, %mul3A_94 : i32
        %dma_start3A_96 = tpu.memref_slice %arg6[%mul3A_95] : memref<10000xi32, #tpu.memory_space<vmem>> -> memref<80xi32, #tpu.memory_space<vmem>>
        %dma_start3A_97 = arith.constant 0 : i32
        %dma_start3A_98 = arith.constant 0 : i32
        %dma_start3A_99 = tpu.memref_slice %arg2[%dma_start3A_97, %dma_start3A_98] : memref<10000x48xf32, #tpu.memory_space<hbm>> -> memref<10000x48xf32, #tpu.memory_space<hbm>>
        tpu.enqueue_indirect_dma source(%dma_start3A_99 : memref<10000x48xf32, #tpu.memory_space<hbm>>) target(%arg9 : memref<80x48xf32, #tpu.memory_space<vmem>>) offsets(%dma_start3A_96 : memref<80xi32, #tpu.memory_space<vmem>>) semaphore(%arg12 : memref<!tpu.dma_semaphore, #tpu.memory_space<semaphore_mem>>)
      } else {
      }
    }
    %scan3A_43 = arith.constant 62 : i32
    %dma_wait3A_44 = arith.constant 9920 : i32
    %dma_wait3A_45 = tpu.memref_slice %arg6[%dma_wait3A_44] : memref<10000xi32, #tpu.memory_space<vmem>> -> memref<80xi32, #tpu.memory_space<vmem>>
    %dma_wait3A_46 = arith.constant 0 : i32
    %dma_wait3A_47 = arith.constant 0 : i32
    %dma_wait3A_48 = tpu.memref_slice %arg2[%dma_wait3A_46, %dma_wait3A_47] : memref<10000x48xf32, #tpu.memory_space<hbm>> -> memref<10000x48xf32, #tpu.memory_space<hbm>>
    tpu.wait_indirect_dma semaphore(%arg11 : memref<!tpu.dma_semaphore, #tpu.memory_space<semaphore_mem>>) src(%dma_wait3A_48 : memref<10000x48xf32, #tpu.memory_space<hbm>>) dst(%arg8 : memref<80x48xf32, #tpu.memory_space<vmem>>)
    "tpu.region"() ({
      %run_scoped3A = tpu.sem_alloc : memref<!tpu.dma_semaphore, #tpu.memory_space<semaphore_mem>>
      %dma_start3A_54 = arith.constant 9920 : i32
      %dma_start3A_55 = tpu.memref_slice %arg7[%dma_start3A_54] : memref<10000xi32, #tpu.memory_space<vmem>> -> memref<80xi32, #tpu.memory_space<vmem>>
      %dma_start3A_56 = arith.constant 0 : i32
      %dma_start3A_57 = arith.constant 0 : i32
      %dma_start3A_58 = tpu.memref_slice %arg10[%dma_start3A_56, %dma_start3A_57] : memref<5120x48xf32, #tpu.memory_space<vmem_shared>> -> memref<5120x48xf32, #tpu.memory_space<vmem_shared>>
      tpu.enqueue_indirect_dma source(%arg8 : memref<80x48xf32, #tpu.memory_space<vmem>>) target(%dma_start3A_58 : memref<5120x48xf32, #tpu.memory_space<vmem_shared>>) offsets(%dma_start3A_55 : memref<80xi32, #tpu.memory_space<vmem>>) semaphore(%run_scoped3A : memref<!tpu.dma_semaphore, #tpu.memory_space<semaphore_mem>>) {add = true}
      %dma_wait3A_59 = arith.constant 9920 : i32
      %dma_wait3A_60 = tpu.memref_slice %arg7[%dma_wait3A_59] : memref<10000xi32, #tpu.memory_space<vmem>> -> memref<80xi32, #tpu.memory_space<vmem>>
      %dma_wait3A_61 = arith.constant 0 : i32
      %dma_wait3A_62 = arith.constant 0 : i32
      %dma_wait3A_63 = tpu.memref_slice %arg10[%dma_wait3A_61, %dma_wait3A_62] : memref<5120x48xf32, #tpu.memory_space<vmem_shared>> -> memref<5120x48xf32, #tpu.memory_space<vmem_shared>>
      tpu.wait_indirect_dma semaphore(%run_scoped3A : memref<!tpu.dma_semaphore, #tpu.memory_space<semaphore_mem>>) src(%arg8 : memref<80x48xf32, #tpu.memory_space<vmem>>) dst(%dma_wait3A_63 : memref<5120x48xf32, #tpu.memory_space<vmem_shared>>)
      tpu.yield
    }) : () -> ()
    %barrier3A_49 = arith.constant 0 : index
    tpu.barrier barrier_id(%barrier3A_49)
    %mul3A_50 = arith.constant 320 : i32
    %mul3A_51 = arith.muli %arg1, %mul3A_50 : i32
    %mul3A_52 = arith.constant 320 : i32
    %mul3A_53 = arith.muli %arg1, %mul3A_52 : i32
    "tpu.region"() ({
      %run_scoped3A = tpu.sem_alloc : memref<!tpu.dma_semaphore, #tpu.memory_space<semaphore_mem>>
      %dma_start3A_54 = arith.constant 0 : i32
      %dma_start3A_55 = arith.constant 0 : i32
      %dma_start3A_56 = tpu.memref_slice %arg5[%arg0, %dma_start3A_54, %dma_start3A_55] : memref<2x5120x48xf32, #tpu.memory_space<hbm>> -> memref<1x5120x48xf32, #tpu.memory_space<hbm>>
      %dma_start3A_57 = tpu.memref_squeeze %dma_start3A_56 : memref<1x5120x48xf32, #tpu.memory_space<hbm>> -> memref<5120x48xf32, #tpu.memory_space<hbm>>
      %dma_start3A_58 = arith.constant 0 : i32
      %dma_start3A_59 = tpu.memref_slice %dma_start3A_57[%mul3A_53, %dma_start3A_58] : memref<5120x48xf32, #tpu.memory_space<hbm>> -> memref<320x48xf32, #tpu.memory_space<hbm>>
      %dma_start3A_60 = arith.constant 0 : i32
      %dma_start3A_61 = tpu.memref_slice %arg10[%mul3A_51, %dma_start3A_60] : memref<5120x48xf32, #tpu.memory_space<vmem_shared>> -> memref<320x48xf32, #tpu.memory_space<vmem_shared>>
      tpu.enqueue_dma source(%dma_start3A_61 : memref<320x48xf32, #tpu.memory_space<vmem_shared>>) target(%dma_start3A_59 : memref<320x48xf32, #tpu.memory_space<hbm>>) target_semaphore(%run_scoped3A : memref<!tpu.dma_semaphore, #tpu.memory_space<semaphore_mem>>)
      %dma_wait3A_62 = arith.constant 0 : i32
      %dma_wait3A_63 = arith.constant 0 : i32
      %dma_wait3A_64 = tpu.memref_slice %arg5[%arg0, %dma_wait3A_62, %dma_wait3A_63] : memref<2x5120x48xf32, #tpu.memory_space<hbm>> -> memref<1x5120x48xf32, #tpu.memory_space<hbm>>
      %dma_wait3A_65 = tpu.memref_squeeze %dma_wait3A_64 : memref<1x5120x48xf32, #tpu.memory_space<hbm>> -> memref<5120x48xf32, #tpu.memory_space<hbm>>
      %dma_wait3A_66 = arith.constant 0 : i32
      %dma_wait3A_67 = tpu.memref_slice %dma_wait3A_65[%mul3A_53, %dma_wait3A_66] : memref<5120x48xf32, #tpu.memory_space<hbm>> -> memref<320x48xf32, #tpu.memory_space<hbm>>
      %dma_wait3A_68 = arith.constant 0 : i32
      %dma_wait3A_69 = tpu.memref_slice %arg10[%mul3A_51, %dma_wait3A_68] : memref<5120x48xf32, #tpu.memory_space<vmem_shared>> -> memref<320x48xf32, #tpu.memory_space<vmem_shared>>
      tpu.wait_dma2 semaphore(%run_scoped3A : memref<!tpu.dma_semaphore, #tpu.memory_space<semaphore_mem>>) src(%dma_wait3A_69 : memref<320x48xf32, #tpu.memory_space<vmem_shared>>) dst(%dma_wait3A_67 : memref<320x48xf32, #tpu.memory_space<hbm>>)
      tpu.yield
    }) : () -> ()
    return
  }
}

#map = affine_map<(d0, d1) -> (0, 0)>
#map1 = affine_map<(d0, d1) -> (0)>
#map2 = affine_map<(d0, d1) -> (0, 0, 0)>
module attributes {stable_mosaic.version = 14 : i64} {
  func.func @k(%arg0: i32, %arg1: i32, %arg2: memref<10000x128xf32, #tpu.memory_space<hbm>>, %arg3: memref<320000xi32, #tpu.memory_space<hbm>>, %arg4: memref<320000xi32, #tpu.memory_space<hbm>>, %arg5: memref<2x5120x128xf32, #tpu.memory_space<hbm>>, %arg6: memref<10000xi32, #tpu.memory_space<vmem>>, %arg7: memref<10000xi32, #tpu.memory_space<vmem>>, %arg8: memref<80x128xf32, #tpu.memory_space<vmem>>, %arg9: memref<80x128xf32, #tpu.memory_space<vmem>>, %arg10: memref<5120x128xf32, #tpu.memory_space<vmem_shared>>, %arg11: memref<!tpu.dma_semaphore, #tpu.memory_space<semaphore_mem>>, %arg12: memref<!tpu.dma_semaphore, #tpu.memory_space<semaphore_mem>>) attributes {dimension_semantics = [#tpu.dimension_semantics<core_parallel>, #tpu.dimension_semantics<subcore_parallel>], iteration_bounds = array<i64: 2, 16>, scalar_prefetch = 0 : i64, scratch_operands = 7 : i64, tpu.core_type = #tpu.core_type<sc_vector_subcore>, window_params = [{transform_indices = #map}, {transform_indices = #map1}, {transform_indices = #map1}, {transform_indices = #map2}]} {
    %mul3A = arith.constant 2 : i32
    %mul3A_0 = arith.muli %arg1, %mul3A : i32
    %add3A = arith.addi %mul3A_0, %arg0 : i32
    %mul3A_1 = arith.constant 125 : i32
    %mul3A_2 = arith.muli %mul3A_1, %add3A : i32
    %min3A = arith.constant 0 : i32
    %min3A_3 = arith.minsi %add3A, %min3A : i32
    %add3A_4 = arith.addi %mul3A_2, %min3A_3 : i32
    %lt3A = arith.constant 0 : i32
    %lt3A_5 = arith.cmpi slt, %add3A, %lt3A : i32
    %mul3A_6 = arith.constant 80 : i32
    %mul3A_7 = arith.muli %add3A_4, %mul3A_6 : i32
    %dma_start3A = tpu.memref_slice %arg3[%mul3A_7] : memref<320000xi32, #tpu.memory_space<hbm>> -> memref<10000xi32, #tpu.memory_space<hbm>>
    %dma_start3A_8 = tpu.memref_slice %arg3[%mul3A_7] : memref<320000xi32, #tpu.memory_space<hbm>> -> memref<10000xi32, #tpu.memory_space<hbm>>
    tpu.enqueue_dma source(%dma_start3A_8 : memref<10000xi32, #tpu.memory_space<hbm>>) target(%arg6 : memref<10000xi32, #tpu.memory_space<vmem>>) target_semaphore(%arg11 : memref<!tpu.dma_semaphore, #tpu.memory_space<semaphore_mem>>)
    %mul3A_9 = arith.constant 80 : i32
    %mul3A_10 = arith.muli %add3A_4, %mul3A_9 : i32
    %dma_start3A_11 = tpu.memref_slice %arg4[%mul3A_10] : memref<320000xi32, #tpu.memory_space<hbm>> -> memref<10000xi32, #tpu.memory_space<hbm>>
    %dma_start3A_12 = tpu.memref_slice %arg4[%mul3A_10] : memref<320000xi32, #tpu.memory_space<hbm>> -> memref<10000xi32, #tpu.memory_space<hbm>>
    tpu.enqueue_dma source(%dma_start3A_12 : memref<10000xi32, #tpu.memory_space<hbm>>) target(%arg7 : memref<10000xi32, #tpu.memory_space<vmem>>) target_semaphore(%arg12 : memref<!tpu.dma_semaphore, #tpu.memory_space<semaphore_mem>>)
    %scan3A = arith.constant 0 : i32
    %scan3A_13 = arith.constant 80 : i32
    %scan3A_14 = arith.addi %scan3A, %scan3A_13 : i32
    %scan3A_15 = arith.constant 1 : i32
    scf.for %scan3A_54 = %scan3A to %scan3A_14 step %scan3A_15  : i32 {
      %mul3A_55 = arith.constant 1 : i32
      %mul3A_56 = arith.muli %scan3A_54, %mul3A_55 : i32
      %add3A_57 = arith.constant 0 : i32
      %add3A_58 = arith.addi %add3A_57, %mul3A_56 : i32
      %broadcast_in_dim3A = arith.constant 0.000000e+00 : f32
      %broadcast_in_dim3A_59 = vector.broadcast %broadcast_in_dim3A : f32 to vector<16xf32>
      %swap3A = arith.index_cast %add3A_58 : i32 to index
      %swap3A_60 = arith.constant 0 : index
      %swap3A_61 = tpu.vector_load %arg8[%swap3A, %swap3A_60] {strides = array<i32>} : memref<80x128xf32, #tpu.memory_space<vmem>>, vector<1x16xf32>,
      %swap3A_62 = vector.shape_cast %swap3A_61 : vector<1x16xf32> to vector<16xf32>
      %swap3A_63 = vector.shape_cast %broadcast_in_dim3A_59 : vector<16xf32> to vector<1x16xf32>
      tpu.vector_store %arg8[%swap3A, %swap3A_60], %swap3A_63 {strides = array<i32>} : memref<80x128xf32, #tpu.memory_space<vmem>>, vector<1x16xf32>,
      %broadcast_in_dim3A_64 = arith.constant 0.000000e+00 : f32
      %broadcast_in_dim3A_65 = vector.broadcast %broadcast_in_dim3A_64 : f32 to vector<16xf32>
      %swap3A_66 = arith.index_cast %add3A_58 : i32 to index
      %swap3A_67 = arith.constant 16 : index
      %swap3A_68 = tpu.vector_load %arg8[%swap3A_66, %swap3A_67] {strides = array<i32>} : memref<80x128xf32, #tpu.memory_space<vmem>>, vector<1x16xf32>,
      %swap3A_69 = vector.shape_cast %swap3A_68 : vector<1x16xf32> to vector<16xf32>
      %swap3A_70 = vector.shape_cast %broadcast_in_dim3A_65 : vector<16xf32> to vector<1x16xf32>
      tpu.vector_store %arg8[%swap3A_66, %swap3A_67], %swap3A_70 {strides = array<i32>} : memref<80x128xf32, #tpu.memory_space<vmem>>, vector<1x16xf32>,
      %broadcast_in_dim3A_71 = arith.constant 0.000000e+00 : f32
      %broadcast_in_dim3A_72 = vector.broadcast %broadcast_in_dim3A_71 : f32 to vector<16xf32>
      %swap3A_73 = arith.index_cast %add3A_58 : i32 to index
      %swap3A_74 = arith.constant 32 : index
      %swap3A_75 = tpu.vector_load %arg8[%swap3A_73, %swap3A_74] {strides = array<i32>} : memref<80x128xf32, #tpu.memory_space<vmem>>, vector<1x16xf32>,
      %swap3A_76 = vector.shape_cast %swap3A_75 : vector<1x16xf32> to vector<16xf32>
      %swap3A_77 = vector.shape_cast %broadcast_in_dim3A_72 : vector<16xf32> to vector<1x16xf32>
      tpu.vector_store %arg8[%swap3A_73, %swap3A_74], %swap3A_77 {strides = array<i32>} : memref<80x128xf32, #tpu.memory_space<vmem>>, vector<1x16xf32>,
      %broadcast_in_dim3A_78 = arith.constant 0.000000e+00 : f32
      %broadcast_in_dim3A_79 = vector.broadcast %broadcast_in_dim3A_78 : f32 to vector<16xf32>
      %swap3A_80 = arith.index_cast %add3A_58 : i32 to index
      %swap3A_81 = arith.constant 48 : index
      %swap3A_82 = tpu.vector_load %arg8[%swap3A_80, %swap3A_81] {strides = array<i32>} : memref<80x128xf32, #tpu.memory_space<vmem>>, vector<1x16xf32>,
      %swap3A_83 = vector.shape_cast %swap3A_82 : vector<1x16xf32> to vector<16xf32>
      %swap3A_84 = vector.shape_cast %broadcast_in_dim3A_79 : vector<16xf32> to vector<1x16xf32>
      tpu.vector_store %arg8[%swap3A_80, %swap3A_81], %swap3A_84 {strides = array<i32>} : memref<80x128xf32, #tpu.memory_space<vmem>>, vector<1x16xf32>,
      %broadcast_in_dim3A_85 = arith.constant 0.000000e+00 : f32
      %broadcast_in_dim3A_86 = vector.broadcast %broadcast_in_dim3A_85 : f32 to vector<16xf32>
      %swap3A_87 = arith.index_cast %add3A_58 : i32 to index
      %swap3A_88 = arith.constant 64 : index
      %swap3A_89 = tpu.vector_load %arg8[%swap3A_87, %swap3A_88] {strides = array<i32>} : memref<80x128xf32, #tpu.memory_space<vmem>>, vector<1x16xf32>,
      %swap3A_90 = vector.shape_cast %swap3A_89 : vector<1x16xf32> to vector<16xf32>
      %swap3A_91 = vector.shape_cast %broadcast_in_dim3A_86 : vector<16xf32> to vector<1x16xf32>
      tpu.vector_store %arg8[%swap3A_87, %swap3A_88], %swap3A_91 {strides = array<i32>} : memref<80x128xf32, #tpu.memory_space<vmem>>, vector<1x16xf32>,
      %broadcast_in_dim3A_92 = arith.constant 0.000000e+00 : f32
      %broadcast_in_dim3A_93 = vector.broadcast %broadcast_in_dim3A_92 : f32 to vector<16xf32>
      %swap3A_94 = arith.index_cast %add3A_58 : i32 to index
      %swap3A_95 = arith.constant 80 : index
      %swap3A_96 = tpu.vector_load %arg8[%swap3A_94, %swap3A_95] {strides = array<i32>} : memref<80x128xf32, #tpu.memory_space<vmem>>, vector<1x16xf32>,
      %swap3A_97 = vector.shape_cast %swap3A_96 : vector<1x16xf32> to vector<16xf32>
      %swap3A_98 = vector.shape_cast %broadcast_in_dim3A_93 : vector<16xf32> to vector<1x16xf32>
      tpu.vector_store %arg8[%swap3A_94, %swap3A_95], %swap3A_98 {strides = array<i32>} : memref<80x128xf32, #tpu.memory_space<vmem>>, vector<1x16xf32>,
      %broadcast_in_dim3A_99 = arith.constant 0.000000e+00 : f32
      %broadcast_in_dim3A_100 = vector.broadcast %broadcast_in_dim3A_99 : f32 to vector<16xf32>
      %swap3A_101 = arith.index_cast %add3A_58 : i32 to index
      %swap3A_102 = arith.constant 96 : index
      %swap3A_103 = tpu.vector_load %arg8[%swap3A_101, %swap3A_102] {strides = array<i32>} : memref<80x128xf32, #tpu.memory_space<vmem>>, vector<1x16xf32>,
      %swap3A_104 = vector.shape_cast %swap3A_103 : vector<1x16xf32> to vector<16xf32>
      %swap3A_105 = vector.shape_cast %broadcast_in_dim3A_100 : vector<16xf32> to vector<1x16xf32>
      tpu.vector_store %arg8[%swap3A_101, %swap3A_102], %swap3A_105 {strides = array<i32>} : memref<80x128xf32, #tpu.memory_space<vmem>>, vector<1x16xf32>,
      %broadcast_in_dim3A_106 = arith.constant 0.000000e+00 : f32
      %broadcast_in_dim3A_107 = vector.broadcast %broadcast_in_dim3A_106 : f32 to vector<16xf32>
      %swap3A_108 = arith.index_cast %add3A_58 : i32 to index
      %swap3A_109 = arith.constant 112 : index
      %swap3A_110 = tpu.vector_load %arg8[%swap3A_108, %swap3A_109] {strides = array<i32>} : memref<80x128xf32, #tpu.memory_space<vmem>>, vector<1x16xf32>,
      %swap3A_111 = vector.shape_cast %swap3A_110 : vector<1x16xf32> to vector<16xf32>
      %swap3A_112 = vector.shape_cast %broadcast_in_dim3A_107 : vector<16xf32> to vector<1x16xf32>
      tpu.vector_store %arg8[%swap3A_108, %swap3A_109], %swap3A_112 {strides = array<i32>} : memref<80x128xf32, #tpu.memory_space<vmem>>, vector<1x16xf32>,
    }
    %scan3A_16 = arith.constant 80 : i32
    %scan3A_17 = arith.constant 0 : i32
    %scan3A_18 = arith.constant 4 : i32
    %scan3A_19 = arith.addi %scan3A_17, %scan3A_18 : i32
    %scan3A_20 = arith.constant 1 : i32
    scf.for %scan3A_54 = %scan3A_17 to %scan3A_19 step %scan3A_20  : i32 {
      %mul3A_55 = arith.constant 1 : i32
      %mul3A_56 = arith.muli %scan3A_54, %mul3A_55 : i32
      %add3A_57 = arith.constant 0 : i32
      %add3A_58 = arith.addi %add3A_57, %mul3A_56 : i32
      %mul3A_59 = arith.constant 320 : i32
      %mul3A_60 = arith.muli %arg1, %mul3A_59 : i32
      %mul3A_61 = arith.constant 80 : i32
      %mul3A_62 = arith.muli %add3A_58, %mul3A_61 : i32
      %add3A_63 = arith.addi %mul3A_60, %mul3A_62 : i32
      "tpu.region"() ({
        %run_scoped3A = tpu.sem_alloc : memref<!tpu.dma_semaphore, #tpu.memory_space<semaphore_mem>>
        %dma_start3A_64 = arith.constant 0 : i32
        %dma_start3A_65 = arith.constant 0 : i32
        %dma_start3A_66 = tpu.memref_slice %arg8[%dma_start3A_64, %dma_start3A_65] : memref<80x128xf32, #tpu.memory_space<vmem>> -> memref<80x128xf32, #tpu.memory_space<vmem>>
        %dma_start3A_67 = arith.constant 0 : i32
        %dma_start3A_68 = tpu.memref_slice %arg10[%add3A_63, %dma_start3A_67] : memref<5120x128xf32, #tpu.memory_space<vmem_shared>> -> memref<80x128xf32, #tpu.memory_space<vmem_shared>>
        %dma_start3A_69 = arith.constant 0 : i32
        %dma_start3A_70 = tpu.memref_slice %arg10[%add3A_63, %dma_start3A_69] : memref<5120x128xf32, #tpu.memory_space<vmem_shared>> -> memref<80x128xf32, #tpu.memory_space<vmem_shared>>
        %dma_start3A_71 = arith.constant 0 : i32
        %dma_start3A_72 = arith.constant 0 : i32
        %dma_start3A_73 = tpu.memref_slice %arg8[%dma_start3A_71, %dma_start3A_72] : memref<80x128xf32, #tpu.memory_space<vmem>> -> memref<80x128xf32, #tpu.memory_space<vmem>>
        tpu.enqueue_dma source(%dma_start3A_73 : memref<80x128xf32, #tpu.memory_space<vmem>>) target(%dma_start3A_70 : memref<80x128xf32, #tpu.memory_space<vmem_shared>>) target_semaphore(%run_scoped3A : memref<!tpu.dma_semaphore, #tpu.memory_space<semaphore_mem>>)
        %dma_wait3A_74 = arith.constant 0 : i32
        %dma_wait3A_75 = arith.constant 0 : i32
        %dma_wait3A_76 = tpu.memref_slice %arg8[%dma_wait3A_74, %dma_wait3A_75] : memref<80x128xf32, #tpu.memory_space<vmem>> -> memref<80x128xf32, #tpu.memory_space<vmem>>
        %dma_wait3A_77 = arith.constant 0 : i32
        %dma_wait3A_78 = tpu.memref_slice %arg10[%add3A_63, %dma_wait3A_77] : memref<5120x128xf32, #tpu.memory_space<vmem_shared>> -> memref<80x128xf32, #tpu.memory_space<vmem_shared>>
        %dma_wait3A_79 = arith.constant 0 : i32
        %dma_wait3A_80 = tpu.memref_slice %arg10[%add3A_63, %dma_wait3A_79] : memref<5120x128xf32, #tpu.memory_space<vmem_shared>> -> memref<80x128xf32, #tpu.memory_space<vmem_shared>>
        %dma_wait3A_81 = arith.constant 0 : i32
        %dma_wait3A_82 = arith.constant 0 : i32
        %dma_wait3A_83 = tpu.memref_slice %arg8[%dma_wait3A_81, %dma_wait3A_82] : memref<80x128xf32, #tpu.memory_space<vmem>> -> memref<80x128xf32, #tpu.memory_space<vmem>>
        tpu.wait_dma2 semaphore(%run_scoped3A : memref<!tpu.dma_semaphore, #tpu.memory_space<semaphore_mem>>) src(%dma_wait3A_83 : memref<80x128xf32, #tpu.memory_space<vmem>>) dst(%dma_wait3A_80 : memref<80x128xf32, #tpu.memory_space<vmem_shared>>)
        tpu.yield
      }) : () -> ()
    }
    %scan3A_21 = arith.constant 4 : i32
    %mul3A_22 = arith.constant 80 : i32
    %mul3A_23 = arith.muli %add3A_4, %mul3A_22 : i32
    %dma_wait3A = tpu.memref_slice %arg3[%mul3A_23] : memref<320000xi32, #tpu.memory_space<hbm>> -> memref<10000xi32, #tpu.memory_space<hbm>>
    %dma_wait3A_24 = tpu.memref_slice %arg3[%mul3A_23] : memref<320000xi32, #tpu.memory_space<hbm>> -> memref<10000xi32, #tpu.memory_space<hbm>>
    tpu.wait_dma2 semaphore(%arg11 : memref<!tpu.dma_semaphore, #tpu.memory_space<semaphore_mem>>) src(%dma_wait3A_24 : memref<10000xi32, #tpu.memory_space<hbm>>) dst(%arg6 : memref<10000xi32, #tpu.memory_space<vmem>>)
    %mul3A_25 = arith.constant 80 : i32
    %mul3A_26 = arith.muli %add3A_4, %mul3A_25 : i32
    %dma_wait3A_27 = tpu.memref_slice %arg4[%mul3A_26] : memref<320000xi32, #tpu.memory_space<hbm>> -> memref<10000xi32, #tpu.memory_space<hbm>>
    %dma_wait3A_28 = tpu.memref_slice %arg4[%mul3A_26] : memref<320000xi32, #tpu.memory_space<hbm>> -> memref<10000xi32, #tpu.memory_space<hbm>>
    tpu.wait_dma2 semaphore(%arg12 : memref<!tpu.dma_semaphore, #tpu.memory_space<semaphore_mem>>) src(%dma_wait3A_28 : memref<10000xi32, #tpu.memory_space<hbm>>) dst(%arg7 : memref<10000xi32, #tpu.memory_space<vmem>>)
    %barrier3A = arith.constant 0 : index
    tpu.barrier barrier_id(%barrier3A)
    %dma_start3A_29 = arith.constant 0 : i32
    %dma_start3A_30 = tpu.memref_slice %arg6[%dma_start3A_29] : memref<10000xi32, #tpu.memory_space<vmem>> -> memref<80xi32, #tpu.memory_space<vmem>>
    %dma_start3A_31 = arith.constant 0 : i32
    %dma_start3A_32 = arith.constant 0 : i32
    %dma_start3A_33 = tpu.memref_slice %arg2[%dma_start3A_31, %dma_start3A_32] : memref<10000x128xf32, #tpu.memory_space<hbm>> -> memref<10000x128xf32, #tpu.memory_space<hbm>>
    tpu.enqueue_indirect_dma source(%dma_start3A_33 : memref<10000x128xf32, #tpu.memory_space<hbm>>) target(%arg8 : memref<80x128xf32, #tpu.memory_space<vmem>>) offsets(%dma_start3A_30 : memref<80xi32, #tpu.memory_space<vmem>>) semaphore(%arg11 : memref<!tpu.dma_semaphore, #tpu.memory_space<semaphore_mem>>)
    %dma_start3A_34 = arith.constant 80 : i32
    %dma_start3A_35 = tpu.memref_slice %arg6[%dma_start3A_34] : memref<10000xi32, #tpu.memory_space<vmem>> -> memref<80xi32, #tpu.memory_space<vmem>>
    %dma_start3A_36 = arith.constant 0 : i32
    %dma_start3A_37 = arith.constant 0 : i32
    %dma_start3A_38 = tpu.memref_slice %arg2[%dma_start3A_36, %dma_start3A_37] : memref<10000x128xf32, #tpu.memory_space<hbm>> -> memref<10000x128xf32, #tpu.memory_space<hbm>>
    tpu.enqueue_indirect_dma source(%dma_start3A_38 : memref<10000x128xf32, #tpu.memory_space<hbm>>) target(%arg9 : memref<80x128xf32, #tpu.memory_space<vmem>>) offsets(%dma_start3A_35 : memref<80xi32, #tpu.memory_space<vmem>>) semaphore(%arg12 : memref<!tpu.dma_semaphore, #tpu.memory_space<semaphore_mem>>)
    %scan3A_39 = arith.constant 0 : i32
    %scan3A_40 = arith.constant 62 : i32
    %scan3A_41 = arith.addi %scan3A_39, %scan3A_40 : i32
    %scan3A_42 = arith.constant 1 : i32
    scf.for %scan3A_54 = %scan3A_39 to %scan3A_41 step %scan3A_42  : i32 {
      %mul3A_55 = arith.constant 2 : i32
      %mul3A_56 = arith.muli %scan3A_54, %mul3A_55 : i32
      %add3A_57 = arith.constant 0 : i32
      %add3A_58 = arith.addi %add3A_57, %mul3A_56 : i32
      %mul3A_59 = arith.constant 80 : i32
      %mul3A_60 = arith.muli %add3A_58, %mul3A_59 : i32
      %dma_wait3A_61 = tpu.memref_slice %arg6[%mul3A_60] : memref<10000xi32, #tpu.memory_space<vmem>> -> memref<80xi32, #tpu.memory_space<vmem>>
      %dma_wait3A_62 = arith.constant 0 : i32
      %dma_wait3A_63 = arith.constant 0 : i32
      %dma_wait3A_64 = tpu.memref_slice %arg2[%dma_wait3A_62, %dma_wait3A_63] : memref<10000x128xf32, #tpu.memory_space<hbm>> -> memref<10000x128xf32, #tpu.memory_space<hbm>>
      tpu.wait_indirect_dma semaphore(%arg11 : memref<!tpu.dma_semaphore, #tpu.memory_space<semaphore_mem>>) src(%dma_wait3A_64 : memref<10000x128xf32, #tpu.memory_space<hbm>>) dst(%arg8 : memref<80x128xf32, #tpu.memory_space<vmem>>)
      %mul3A_65 = arith.constant 80 : i32
      %mul3A_66 = arith.muli %add3A_58, %mul3A_65 : i32
      "tpu.region"() ({
        %run_scoped3A = tpu.sem_alloc : memref<!tpu.dma_semaphore, #tpu.memory_space<semaphore_mem>>
        %dma_start3A_92 = tpu.memref_slice %arg7[%mul3A_66] : memref<10000xi32, #tpu.memory_space<vmem>> -> memref<80xi32, #tpu.memory_space<vmem>>
        %dma_start3A_93 = arith.constant 0 : i32
        %dma_start3A_94 = arith.constant 0 : i32
        %dma_start3A_95 = tpu.memref_slice %arg10[%dma_start3A_93, %dma_start3A_94] : memref<5120x128xf32, #tpu.memory_space<vmem_shared>> -> memref<5120x128xf32, #tpu.memory_space<vmem_shared>>
        tpu.enqueue_indirect_dma source(%arg8 : memref<80x128xf32, #tpu.memory_space<vmem>>) target(%dma_start3A_95 : memref<5120x128xf32, #tpu.memory_space<vmem_shared>>) offsets(%dma_start3A_92 : memref<80xi32, #tpu.memory_space<vmem>>) semaphore(%run_scoped3A : memref<!tpu.dma_semaphore, #tpu.memory_space<semaphore_mem>>) {add = true}
        %dma_wait3A_96 = tpu.memref_slice %arg7[%mul3A_66] : memref<10000xi32, #tpu.memory_space<vmem>> -> memref<80xi32, #tpu.memory_space<vmem>>
        %dma_wait3A_97 = arith.constant 0 : i32
        %dma_wait3A_98 = arith.constant 0 : i32
        %dma_wait3A_99 = tpu.memref_slice %arg10[%dma_wait3A_97, %dma_wait3A_98] : memref<5120x128xf32, #tpu.memory_space<vmem_shared>> -> memref<5120x128xf32, #tpu.memory_space<vmem_shared>>
        tpu.wait_indirect_dma semaphore(%run_scoped3A : memref<!tpu.dma_semaphore, #tpu.memory_space<semaphore_mem>>) src(%arg8 : memref<80x128xf32, #tpu.memory_space<vmem>>) dst(%dma_wait3A_99 : memref<5120x128xf32, #tpu.memory_space<vmem_shared>>)
        tpu.yield
      }) : () -> ()
      %add3A_67 = arith.constant 2 : i32
      %add3A_68 = arith.addi %add3A_58, %add3A_67 : i32
      %mul3A_69 = arith.constant 80 : i32
      %mul3A_70 = arith.muli %add3A_68, %mul3A_69 : i32
      %dma_start3A_71 = tpu.memref_slice %arg6[%mul3A_70] : memref<10000xi32, #tpu.memory_space<vmem>> -> memref<80xi32, #tpu.memory_space<vmem>>
      %dma_start3A_72 = arith.constant 0 : i32
      %dma_start3A_73 = arith.constant 0 : i32
      %dma_start3A_74 = tpu.memref_slice %arg2[%dma_start3A_72, %dma_start3A_73] : memref<10000x128xf32, #tpu.memory_space<hbm>> -> memref<10000x128xf32, #tpu.memory_space<hbm>>
      tpu.enqueue_indirect_dma source(%dma_start3A_74 : memref<10000x128xf32, #tpu.memory_space<hbm>>) target(%arg8 : memref<80x128xf32, #tpu.memory_space<vmem>>) offsets(%dma_start3A_71 : memref<80xi32, #tpu.memory_space<vmem>>) semaphore(%arg11 : memref<!tpu.dma_semaphore, #tpu.memory_space<semaphore_mem>>)
      %add3A_75 = arith.constant 1 : i32
      %add3A_76 = arith.addi %add3A_58, %add3A_75 : i32
      %mul3A_77 = arith.constant 80 : i32
      %mul3A_78 = arith.muli %add3A_76, %mul3A_77 : i32
      %dma_wait3A_79 = tpu.memref_slice %arg6[%mul3A_78] : memref<10000xi32, #tpu.memory_space<vmem>> -> memref<80xi32, #tpu.memory_space<vmem>>
      %dma_wait3A_80 = arith.constant 0 : i32
      %dma_wait3A_81 = arith.constant 0 : i32
      %dma_wait3A_82 = tpu.memref_slice %arg2[%dma_wait3A_80, %dma_wait3A_81] : memref<10000x128xf32, #tpu.memory_space<hbm>> -> memref<10000x128xf32, #tpu.memory_space<hbm>>
      tpu.wait_indirect_dma semaphore(%arg12 : memref<!tpu.dma_semaphore, #tpu.memory_space<semaphore_mem>>) src(%dma_wait3A_82 : memref<10000x128xf32, #tpu.memory_space<hbm>>) dst(%arg9 : memref<80x128xf32, #tpu.memory_space<vmem>>)
      %add3A_83 = arith.constant 1 : i32
      %add3A_84 = arith.addi %add3A_58, %add3A_83 : i32
      %mul3A_85 = arith.constant 80 : i32
      %mul3A_86 = arith.muli %add3A_84, %mul3A_85 : i32
      "tpu.region"() ({
        %run_scoped3A = tpu.sem_alloc : memref<!tpu.dma_semaphore, #tpu.memory_space<semaphore_mem>>
        %dma_start3A_92 = tpu.memref_slice %arg7[%mul3A_86] : memref<10000xi32, #tpu.memory_space<vmem>> -> memref<80xi32, #tpu.memory_space<vmem>>
        %dma_start3A_93 = arith.constant 0 : i32
        %dma_start3A_94 = arith.constant 0 : i32
        %dma_start3A_95 = tpu.memref_slice %arg10[%dma_start3A_93, %dma_start3A_94] : memref<5120x128xf32, #tpu.memory_space<vmem_shared>> -> memref<5120x128xf32, #tpu.memory_space<vmem_shared>>
        tpu.enqueue_indirect_dma source(%arg9 : memref<80x128xf32, #tpu.memory_space<vmem>>) target(%dma_start3A_95 : memref<5120x128xf32, #tpu.memory_space<vmem_shared>>) offsets(%dma_start3A_92 : memref<80xi32, #tpu.memory_space<vmem>>) semaphore(%run_scoped3A : memref<!tpu.dma_semaphore, #tpu.memory_space<semaphore_mem>>) {add = true}
        %dma_wait3A_96 = tpu.memref_slice %arg7[%mul3A_86] : memref<10000xi32, #tpu.memory_space<vmem>> -> memref<80xi32, #tpu.memory_space<vmem>>
        %dma_wait3A_97 = arith.constant 0 : i32
        %dma_wait3A_98 = arith.constant 0 : i32
        %dma_wait3A_99 = tpu.memref_slice %arg10[%dma_wait3A_97, %dma_wait3A_98] : memref<5120x128xf32, #tpu.memory_space<vmem_shared>> -> memref<5120x128xf32, #tpu.memory_space<vmem_shared>>
        tpu.wait_indirect_dma semaphore(%run_scoped3A : memref<!tpu.dma_semaphore, #tpu.memory_space<semaphore_mem>>) src(%arg9 : memref<80x128xf32, #tpu.memory_space<vmem>>) dst(%dma_wait3A_99 : memref<5120x128xf32, #tpu.memory_space<vmem_shared>>)
        tpu.yield
      }) : () -> ()
      %add3A_87 = arith.constant 3 : i32
      %add3A_88 = arith.addi %add3A_58, %add3A_87 : i32
      %lt3A_89 = arith.constant 125 : i32
      %lt3A_90 = arith.cmpi slt, %add3A_88, %lt3A_89 : i32
      %convert_element_type3A = arith.extui %lt3A_90 : i1 to i32
      %cond3A = arith.constant 0 : i32
      %cond3A_91 = arith.cmpi ne, %convert_element_type3A, %cond3A : i32
      scf.if %cond3A_91 {
        %add3A_92 = arith.constant 3 : i32
        %add3A_93 = arith.addi %add3A_58, %add3A_92 : i32
        %mul3A_94 = arith.constant 80 : i32
        %mul3A_95 = arith.muli %add3A_93, %mul3A_94 : i32
        %dma_start3A_96 = tpu.memref_slice %arg6[%mul3A_95] : memref<10000xi32, #tpu.memory_space<vmem>> -> memref<80xi32, #tpu.memory_space<vmem>>
        %dma_start3A_97 = arith.constant 0 : i32
        %dma_start3A_98 = arith.constant 0 : i32
        %dma_start3A_99 = tpu.memref_slice %arg2[%dma_start3A_97, %dma_start3A_98] : memref<10000x128xf32, #tpu.memory_space<hbm>> -> memref<10000x128xf32, #tpu.memory_space<hbm>>
        tpu.enqueue_indirect_dma source(%dma_start3A_99 : memref<10000x128xf32, #tpu.memory_space<hbm>>) target(%arg9 : memref<80x128xf32, #tpu.memory_space<vmem>>) offsets(%dma_start3A_96 : memref<80xi32, #tpu.memory_space<vmem>>) semaphore(%arg12 : memref<!tpu.dma_semaphore, #tpu.memory_space<semaphore_mem>>)
      } else {
      }
    }
    %scan3A_43 = arith.constant 62 : i32
    %dma_wait3A_44 = arith.constant 9920 : i32
    %dma_wait3A_45 = tpu.memref_slice %arg6[%dma_wait3A_44] : memref<10000xi32, #tpu.memory_space<vmem>> -> memref<80xi32, #tpu.memory_space<vmem>>
    %dma_wait3A_46 = arith.constant 0 : i32
    %dma_wait3A_47 = arith.constant 0 : i32
    %dma_wait3A_48 = tpu.memref_slice %arg2[%dma_wait3A_46, %dma_wait3A_47] : memref<10000x128xf32, #tpu.memory_space<hbm>> -> memref<10000x128xf32, #tpu.memory_space<hbm>>
    tpu.wait_indirect_dma semaphore(%arg11 : memref<!tpu.dma_semaphore, #tpu.memory_space<semaphore_mem>>) src(%dma_wait3A_48 : memref<10000x128xf32, #tpu.memory_space<hbm>>) dst(%arg8 : memref<80x128xf32, #tpu.memory_space<vmem>>)
    "tpu.region"() ({
      %run_scoped3A = tpu.sem_alloc : memref<!tpu.dma_semaphore, #tpu.memory_space<semaphore_mem>>
      %dma_start3A_54 = arith.constant 9920 : i32
      %dma_start3A_55 = tpu.memref_slice %arg7[%dma_start3A_54] : memref<10000xi32, #tpu.memory_space<vmem>> -> memref<80xi32, #tpu.memory_space<vmem>>
      %dma_start3A_56 = arith.constant 0 : i32
      %dma_start3A_57 = arith.constant 0 : i32
      %dma_start3A_58 = tpu.memref_slice %arg10[%dma_start3A_56, %dma_start3A_57] : memref<5120x128xf32, #tpu.memory_space<vmem_shared>> -> memref<5120x128xf32, #tpu.memory_space<vmem_shared>>
      tpu.enqueue_indirect_dma source(%arg8 : memref<80x128xf32, #tpu.memory_space<vmem>>) target(%dma_start3A_58 : memref<5120x128xf32, #tpu.memory_space<vmem_shared>>) offsets(%dma_start3A_55 : memref<80xi32, #tpu.memory_space<vmem>>) semaphore(%run_scoped3A : memref<!tpu.dma_semaphore, #tpu.memory_space<semaphore_mem>>) {add = true}
      %dma_wait3A_59 = arith.constant 9920 : i32
      %dma_wait3A_60 = tpu.memref_slice %arg7[%dma_wait3A_59] : memref<10000xi32, #tpu.memory_space<vmem>> -> memref<80xi32, #tpu.memory_space<vmem>>
      %dma_wait3A_61 = arith.constant 0 : i32
      %dma_wait3A_62 = arith.constant 0 : i32
      %dma_wait3A_63 = tpu.memref_slice %arg10[%dma_wait3A_61, %dma_wait3A_62] : memref<5120x128xf32, #tpu.memory_space<vmem_shared>> -> memref<5120x128xf32, #tpu.memory_space<vmem_shared>>
      tpu.wait_indirect_dma semaphore(%run_scoped3A : memref<!tpu.dma_semaphore, #tpu.memory_space<semaphore_mem>>) src(%arg8 : memref<80x128xf32, #tpu.memory_space<vmem>>) dst(%dma_wait3A_63 : memref<5120x128xf32, #tpu.memory_space<vmem_shared>>)
      tpu.yield
    }) : () -> ()
    %barrier3A_49 = arith.constant 0 : index
    tpu.barrier barrier_id(%barrier3A_49)
    %mul3A_50 = arith.constant 320 : i32
    %mul3A_51 = arith.muli %arg1, %mul3A_50 : i32
    %mul3A_52 = arith.constant 320 : i32
    %mul3A_53 = arith.muli %arg1, %mul3A_52 : i32
    "tpu.region"() ({
      %run_scoped3A = tpu.sem_alloc : memref<!tpu.dma_semaphore, #tpu.memory_space<semaphore_mem>>
      %dma_start3A_54 = arith.constant 0 : i32
      %dma_start3A_55 = arith.constant 0 : i32
      %dma_start3A_56 = tpu.memref_slice %arg5[%arg0, %dma_start3A_54, %dma_start3A_55] : memref<2x5120x128xf32, #tpu.memory_space<hbm>> -> memref<1x5120x128xf32, #tpu.memory_space<hbm>>
      %dma_start3A_57 = tpu.memref_squeeze %dma_start3A_56 : memref<1x5120x128xf32, #tpu.memory_space<hbm>> -> memref<5120x128xf32, #tpu.memory_space<hbm>>
      %dma_start3A_58 = arith.constant 0 : i32
      %dma_start3A_59 = tpu.memref_slice %dma_start3A_57[%mul3A_53, %dma_start3A_58] : memref<5120x128xf32, #tpu.memory_space<hbm>> -> memref<320x128xf32, #tpu.memory_space<hbm>>
      %dma_start3A_60 = arith.constant 0 : i32
      %dma_start3A_61 = tpu.memref_slice %arg10[%mul3A_51, %dma_start3A_60] : memref<5120x128xf32, #tpu.memory_space<vmem_shared>> -> memref<320x128xf32, #tpu.memory_space<vmem_shared>>
      tpu.enqueue_dma source(%dma_start3A_61 : memref<320x128xf32, #tpu.memory_space<vmem_shared>>) target(%dma_start3A_59 : memref<320x128xf32, #tpu.memory_space<hbm>>) target_semaphore(%run_scoped3A : memref<!tpu.dma_semaphore, #tpu.memory_space<semaphore_mem>>)
      %dma_wait3A_62 = arith.constant 0 : i32
      %dma_wait3A_63 = arith.constant 0 : i32
      %dma_wait3A_64 = tpu.memref_slice %arg5[%arg0, %dma_wait3A_62, %dma_wait3A_63] : memref<2x5120x128xf32, #tpu.memory_space<hbm>> -> memref<1x5120x128xf32, #tpu.memory_space<hbm>>
      %dma_wait3A_65 = tpu.memref_squeeze %dma_wait3A_64 : memref<1x5120x128xf32, #tpu.memory_space<hbm>> -> memref<5120x128xf32, #tpu.memory_space<hbm>>
      %dma_wait3A_66 = arith.constant 0 : i32
      %dma_wait3A_67 = tpu.memref_slice %dma_wait3A_65[%mul3A_53, %dma_wait3A_66] : memref<5120x128xf32, #tpu.memory_space<hbm>> -> memref<320x128xf32, #tpu.memory_space<hbm>>
      %dma_wait3A_68 = arith.constant 0 : i32
      %dma_wait3A_69 = tpu.memref_slice %arg10[%mul3A_51, %dma_wait3A_68] : memref<5120x128xf32, #tpu.memory_space<vmem_shared>> -> memref<320x128xf32, #tpu.memory_space<vmem_shared>>
      tpu.wait_dma2 semaphore(%run_scoped3A : memref<!tpu.dma_semaphore, #tpu.memory_space<semaphore_mem>>) src(%dma_wait3A_69 : memref<320x128xf32, #tpu.memory_space<vmem_shared>>) dst(%dma_wait3A_67 : memref<320x128xf32, #tpu.memory_space<hbm>>)
      tpu.yield
    }) : () -> ()
    return
  }
}

#map = affine_map<(d0, d1) -> (0, 0)>
#map1 = affine_map<(d0, d1) -> (0)>
#map2 = affine_map<(d0, d1) -> (0, 0, 0)>
module attributes {stable_mosaic.version = 14 : i64} {
  func.func @k(%arg0: i32, %arg1: i32, %arg2: memref<5000x128xf32, #tpu.memory_space<hbm>>, %arg3: memref<320000xi32, #tpu.memory_space<hbm>>, %arg4: memref<320000xi32, #tpu.memory_space<hbm>>, %arg5: memref<2x10240x128xf32, #tpu.memory_space<hbm>>, %arg6: memref<10000xi32, #tpu.memory_space<vmem>>, %arg7: memref<10000xi32, #tpu.memory_space<vmem>>, %arg8: memref<80x128xf32, #tpu.memory_space<vmem>>, %arg9: memref<80x128xf32, #tpu.memory_space<vmem>>, %arg10: memref<10240x128xf32, #tpu.memory_space<vmem_shared>>, %arg11: memref<!tpu.dma_semaphore, #tpu.memory_space<semaphore_mem>>, %arg12: memref<!tpu.dma_semaphore, #tpu.memory_space<semaphore_mem>>) attributes {dimension_semantics = [#tpu.dimension_semantics<core_parallel>, #tpu.dimension_semantics<subcore_parallel>], iteration_bounds = array<i64: 2, 16>, scalar_prefetch = 0 : i64, scratch_operands = 7 : i64, tpu.core_type = #tpu.core_type<sc_vector_subcore>, window_params = [{transform_indices = #map}, {transform_indices = #map1}, {transform_indices = #map1}, {transform_indices = #map2}]} {
    %mul3A = arith.constant 2 : i32
    %mul3A_0 = arith.muli %arg1, %mul3A : i32
    %add3A = arith.addi %mul3A_0, %arg0 : i32
    %mul3A_1 = arith.constant 125 : i32
    %mul3A_2 = arith.muli %mul3A_1, %add3A : i32
    %min3A = arith.constant 0 : i32
    %min3A_3 = arith.minsi %add3A, %min3A : i32
    %add3A_4 = arith.addi %mul3A_2, %min3A_3 : i32
    %lt3A = arith.constant 0 : i32
    %lt3A_5 = arith.cmpi slt, %add3A, %lt3A : i32
    %mul3A_6 = arith.constant 80 : i32
    %mul3A_7 = arith.muli %add3A_4, %mul3A_6 : i32
    %dma_start3A = tpu.memref_slice %arg3[%mul3A_7] : memref<320000xi32, #tpu.memory_space<hbm>> -> memref<10000xi32, #tpu.memory_space<hbm>>
    %dma_start3A_8 = tpu.memref_slice %arg3[%mul3A_7] : memref<320000xi32, #tpu.memory_space<hbm>> -> memref<10000xi32, #tpu.memory_space<hbm>>
    tpu.enqueue_dma source(%dma_start3A_8 : memref<10000xi32, #tpu.memory_space<hbm>>) target(%arg6 : memref<10000xi32, #tpu.memory_space<vmem>>) target_semaphore(%arg11 : memref<!tpu.dma_semaphore, #tpu.memory_space<semaphore_mem>>)
    %mul3A_9 = arith.constant 80 : i32
    %mul3A_10 = arith.muli %add3A_4, %mul3A_9 : i32
    %dma_start3A_11 = tpu.memref_slice %arg4[%mul3A_10] : memref<320000xi32, #tpu.memory_space<hbm>> -> memref<10000xi32, #tpu.memory_space<hbm>>
    %dma_start3A_12 = tpu.memref_slice %arg4[%mul3A_10] : memref<320000xi32, #tpu.memory_space<hbm>> -> memref<10000xi32, #tpu.memory_space<hbm>>
    tpu.enqueue_dma source(%dma_start3A_12 : memref<10000xi32, #tpu.memory_space<hbm>>) target(%arg7 : memref<10000xi32, #tpu.memory_space<vmem>>) target_semaphore(%arg12 : memref<!tpu.dma_semaphore, #tpu.memory_space<semaphore_mem>>)
    %scan3A = arith.constant 0 : i32
    %scan3A_13 = arith.constant 80 : i32
    %scan3A_14 = arith.addi %scan3A, %scan3A_13 : i32
    %scan3A_15 = arith.constant 1 : i32
    scf.for %scan3A_54 = %scan3A to %scan3A_14 step %scan3A_15  : i32 {
      %mul3A_55 = arith.constant 1 : i32
      %mul3A_56 = arith.muli %scan3A_54, %mul3A_55 : i32
      %add3A_57 = arith.constant 0 : i32
      %add3A_58 = arith.addi %add3A_57, %mul3A_56 : i32
      %broadcast_in_dim3A = arith.constant 0.000000e+00 : f32
      %broadcast_in_dim3A_59 = vector.broadcast %broadcast_in_dim3A : f32 to vector<16xf32>
      %swap3A = arith.index_cast %add3A_58 : i32 to index
      %swap3A_60 = arith.constant 0 : index
      %swap3A_61 = tpu.vector_load %arg8[%swap3A, %swap3A_60] {strides = array<i32>} : memref<80x128xf32, #tpu.memory_space<vmem>>, vector<1x16xf32>,
      %swap3A_62 = vector.shape_cast %swap3A_61 : vector<1x16xf32> to vector<16xf32>
      %swap3A_63 = vector.shape_cast %broadcast_in_dim3A_59 : vector<16xf32> to vector<1x16xf32>
      tpu.vector_store %arg8[%swap3A, %swap3A_60], %swap3A_63 {strides = array<i32>} : memref<80x128xf32, #tpu.memory_space<vmem>>, vector<1x16xf32>,
      %broadcast_in_dim3A_64 = arith.constant 0.000000e+00 : f32
      %broadcast_in_dim3A_65 = vector.broadcast %broadcast_in_dim3A_64 : f32 to vector<16xf32>
      %swap3A_66 = arith.index_cast %add3A_58 : i32 to index
      %swap3A_67 = arith.constant 16 : index
      %swap3A_68 = tpu.vector_load %arg8[%swap3A_66, %swap3A_67] {strides = array<i32>} : memref<80x128xf32, #tpu.memory_space<vmem>>, vector<1x16xf32>,
      %swap3A_69 = vector.shape_cast %swap3A_68 : vector<1x16xf32> to vector<16xf32>
      %swap3A_70 = vector.shape_cast %broadcast_in_dim3A_65 : vector<16xf32> to vector<1x16xf32>
      tpu.vector_store %arg8[%swap3A_66, %swap3A_67], %swap3A_70 {strides = array<i32>} : memref<80x128xf32, #tpu.memory_space<vmem>>, vector<1x16xf32>,
      %broadcast_in_dim3A_71 = arith.constant 0.000000e+00 : f32
      %broadcast_in_dim3A_72 = vector.broadcast %broadcast_in_dim3A_71 : f32 to vector<16xf32>
      %swap3A_73 = arith.index_cast %add3A_58 : i32 to index
      %swap3A_74 = arith.constant 32 : index
      %swap3A_75 = tpu.vector_load %arg8[%swap3A_73, %swap3A_74] {strides = array<i32>} : memref<80x128xf32, #tpu.memory_space<vmem>>, vector<1x16xf32>,
      %swap3A_76 = vector.shape_cast %swap3A_75 : vector<1x16xf32> to vector<16xf32>
      %swap3A_77 = vector.shape_cast %broadcast_in_dim3A_72 : vector<16xf32> to vector<1x16xf32>
      tpu.vector_store %arg8[%swap3A_73, %swap3A_74], %swap3A_77 {strides = array<i32>} : memref<80x128xf32, #tpu.memory_space<vmem>>, vector<1x16xf32>,
      %broadcast_in_dim3A_78 = arith.constant 0.000000e+00 : f32
      %broadcast_in_dim3A_79 = vector.broadcast %broadcast_in_dim3A_78 : f32 to vector<16xf32>
      %swap3A_80 = arith.index_cast %add3A_58 : i32 to index
      %swap3A_81 = arith.constant 48 : index
      %swap3A_82 = tpu.vector_load %arg8[%swap3A_80, %swap3A_81] {strides = array<i32>} : memref<80x128xf32, #tpu.memory_space<vmem>>, vector<1x16xf32>,
      %swap3A_83 = vector.shape_cast %swap3A_82 : vector<1x16xf32> to vector<16xf32>
      %swap3A_84 = vector.shape_cast %broadcast_in_dim3A_79 : vector<16xf32> to vector<1x16xf32>
      tpu.vector_store %arg8[%swap3A_80, %swap3A_81], %swap3A_84 {strides = array<i32>} : memref<80x128xf32, #tpu.memory_space<vmem>>, vector<1x16xf32>,
      %broadcast_in_dim3A_85 = arith.constant 0.000000e+00 : f32
      %broadcast_in_dim3A_86 = vector.broadcast %broadcast_in_dim3A_85 : f32 to vector<16xf32>
      %swap3A_87 = arith.index_cast %add3A_58 : i32 to index
      %swap3A_88 = arith.constant 64 : index
      %swap3A_89 = tpu.vector_load %arg8[%swap3A_87, %swap3A_88] {strides = array<i32>} : memref<80x128xf32, #tpu.memory_space<vmem>>, vector<1x16xf32>,
      %swap3A_90 = vector.shape_cast %swap3A_89 : vector<1x16xf32> to vector<16xf32>
      %swap3A_91 = vector.shape_cast %broadcast_in_dim3A_86 : vector<16xf32> to vector<1x16xf32>
      tpu.vector_store %arg8[%swap3A_87, %swap3A_88], %swap3A_91 {strides = array<i32>} : memref<80x128xf32, #tpu.memory_space<vmem>>, vector<1x16xf32>,
      %broadcast_in_dim3A_92 = arith.constant 0.000000e+00 : f32
      %broadcast_in_dim3A_93 = vector.broadcast %broadcast_in_dim3A_92 : f32 to vector<16xf32>
      %swap3A_94 = arith.index_cast %add3A_58 : i32 to index
      %swap3A_95 = arith.constant 80 : index
      %swap3A_96 = tpu.vector_load %arg8[%swap3A_94, %swap3A_95] {strides = array<i32>} : memref<80x128xf32, #tpu.memory_space<vmem>>, vector<1x16xf32>,
      %swap3A_97 = vector.shape_cast %swap3A_96 : vector<1x16xf32> to vector<16xf32>
      %swap3A_98 = vector.shape_cast %broadcast_in_dim3A_93 : vector<16xf32> to vector<1x16xf32>
      tpu.vector_store %arg8[%swap3A_94, %swap3A_95], %swap3A_98 {strides = array<i32>} : memref<80x128xf32, #tpu.memory_space<vmem>>, vector<1x16xf32>,
      %broadcast_in_dim3A_99 = arith.constant 0.000000e+00 : f32
      %broadcast_in_dim3A_100 = vector.broadcast %broadcast_in_dim3A_99 : f32 to vector<16xf32>
      %swap3A_101 = arith.index_cast %add3A_58 : i32 to index
      %swap3A_102 = arith.constant 96 : index
      %swap3A_103 = tpu.vector_load %arg8[%swap3A_101, %swap3A_102] {strides = array<i32>} : memref<80x128xf32, #tpu.memory_space<vmem>>, vector<1x16xf32>,
      %swap3A_104 = vector.shape_cast %swap3A_103 : vector<1x16xf32> to vector<16xf32>
      %swap3A_105 = vector.shape_cast %broadcast_in_dim3A_100 : vector<16xf32> to vector<1x16xf32>
      tpu.vector_store %arg8[%swap3A_101, %swap3A_102], %swap3A_105 {strides = array<i32>} : memref<80x128xf32, #tpu.memory_space<vmem>>, vector<1x16xf32>,
      %broadcast_in_dim3A_106 = arith.constant 0.000000e+00 : f32
      %broadcast_in_dim3A_107 = vector.broadcast %broadcast_in_dim3A_106 : f32 to vector<16xf32>
      %swap3A_108 = arith.index_cast %add3A_58 : i32 to index
      %swap3A_109 = arith.constant 112 : index
      %swap3A_110 = tpu.vector_load %arg8[%swap3A_108, %swap3A_109] {strides = array<i32>} : memref<80x128xf32, #tpu.memory_space<vmem>>, vector<1x16xf32>,
      %swap3A_111 = vector.shape_cast %swap3A_110 : vector<1x16xf32> to vector<16xf32>
      %swap3A_112 = vector.shape_cast %broadcast_in_dim3A_107 : vector<16xf32> to vector<1x16xf32>
      tpu.vector_store %arg8[%swap3A_108, %swap3A_109], %swap3A_112 {strides = array<i32>} : memref<80x128xf32, #tpu.memory_space<vmem>>, vector<1x16xf32>,
    }
    %scan3A_16 = arith.constant 80 : i32
    %scan3A_17 = arith.constant 0 : i32
    %scan3A_18 = arith.constant 8 : i32
    %scan3A_19 = arith.addi %scan3A_17, %scan3A_18 : i32
    %scan3A_20 = arith.constant 1 : i32
    scf.for %scan3A_54 = %scan3A_17 to %scan3A_19 step %scan3A_20  : i32 {
      %mul3A_55 = arith.constant 1 : i32
      %mul3A_56 = arith.muli %scan3A_54, %mul3A_55 : i32
      %add3A_57 = arith.constant 0 : i32
      %add3A_58 = arith.addi %add3A_57, %mul3A_56 : i32
      %mul3A_59 = arith.constant 640 : i32
      %mul3A_60 = arith.muli %arg1, %mul3A_59 : i32
      %mul3A_61 = arith.constant 80 : i32
      %mul3A_62 = arith.muli %add3A_58, %mul3A_61 : i32
      %add3A_63 = arith.addi %mul3A_60, %mul3A_62 : i32
      "tpu.region"() ({
        %run_scoped3A = tpu.sem_alloc : memref<!tpu.dma_semaphore, #tpu.memory_space<semaphore_mem>>
        %dma_start3A_64 = arith.constant 0 : i32
        %dma_start3A_65 = arith.constant 0 : i32
        %dma_start3A_66 = tpu.memref_slice %arg8[%dma_start3A_64, %dma_start3A_65] : memref<80x128xf32, #tpu.memory_space<vmem>> -> memref<80x128xf32, #tpu.memory_space<vmem>>
        %dma_start3A_67 = arith.constant 0 : i32
        %dma_start3A_68 = tpu.memref_slice %arg10[%add3A_63, %dma_start3A_67] : memref<10240x128xf32, #tpu.memory_space<vmem_shared>> -> memref<80x128xf32, #tpu.memory_space<vmem_shared>>
        %dma_start3A_69 = arith.constant 0 : i32
        %dma_start3A_70 = tpu.memref_slice %arg10[%add3A_63, %dma_start3A_69] : memref<10240x128xf32, #tpu.memory_space<vmem_shared>> -> memref<80x128xf32, #tpu.memory_space<vmem_shared>>
        %dma_start3A_71 = arith.constant 0 : i32
        %dma_start3A_72 = arith.constant 0 : i32
        %dma_start3A_73 = tpu.memref_slice %arg8[%dma_start3A_71, %dma_start3A_72] : memref<80x128xf32, #tpu.memory_space<vmem>> -> memref<80x128xf32, #tpu.memory_space<vmem>>
        tpu.enqueue_dma source(%dma_start3A_73 : memref<80x128xf32, #tpu.memory_space<vmem>>) target(%dma_start3A_70 : memref<80x128xf32, #tpu.memory_space<vmem_shared>>) target_semaphore(%run_scoped3A : memref<!tpu.dma_semaphore, #tpu.memory_space<semaphore_mem>>)
        %dma_wait3A_74 = arith.constant 0 : i32
        %dma_wait3A_75 = arith.constant 0 : i32
        %dma_wait3A_76 = tpu.memref_slice %arg8[%dma_wait3A_74, %dma_wait3A_75] : memref<80x128xf32, #tpu.memory_space<vmem>> -> memref<80x128xf32, #tpu.memory_space<vmem>>
        %dma_wait3A_77 = arith.constant 0 : i32
        %dma_wait3A_78 = tpu.memref_slice %arg10[%add3A_63, %dma_wait3A_77] : memref<10240x128xf32, #tpu.memory_space<vmem_shared>> -> memref<80x128xf32, #tpu.memory_space<vmem_shared>>
        %dma_wait3A_79 = arith.constant 0 : i32
        %dma_wait3A_80 = tpu.memref_slice %arg10[%add3A_63, %dma_wait3A_79] : memref<10240x128xf32, #tpu.memory_space<vmem_shared>> -> memref<80x128xf32, #tpu.memory_space<vmem_shared>>
        %dma_wait3A_81 = arith.constant 0 : i32
        %dma_wait3A_82 = arith.constant 0 : i32
        %dma_wait3A_83 = tpu.memref_slice %arg8[%dma_wait3A_81, %dma_wait3A_82] : memref<80x128xf32, #tpu.memory_space<vmem>> -> memref<80x128xf32, #tpu.memory_space<vmem>>
        tpu.wait_dma2 semaphore(%run_scoped3A : memref<!tpu.dma_semaphore, #tpu.memory_space<semaphore_mem>>) src(%dma_wait3A_83 : memref<80x128xf32, #tpu.memory_space<vmem>>) dst(%dma_wait3A_80 : memref<80x128xf32, #tpu.memory_space<vmem_shared>>)
        tpu.yield
      }) : () -> ()
    }
    %scan3A_21 = arith.constant 8 : i32
    %mul3A_22 = arith.constant 80 : i32
    %mul3A_23 = arith.muli %add3A_4, %mul3A_22 : i32
    %dma_wait3A = tpu.memref_slice %arg3[%mul3A_23] : memref<320000xi32, #tpu.memory_space<hbm>> -> memref<10000xi32, #tpu.memory_space<hbm>>
    %dma_wait3A_24 = tpu.memref_slice %arg3[%mul3A_23] : memref<320000xi32, #tpu.memory_space<hbm>> -> memref<10000xi32, #tpu.memory_space<hbm>>
    tpu.wait_dma2 semaphore(%arg11 : memref<!tpu.dma_semaphore, #tpu.memory_space<semaphore_mem>>) src(%dma_wait3A_24 : memref<10000xi32, #tpu.memory_space<hbm>>) dst(%arg6 : memref<10000xi32, #tpu.memory_space<vmem>>)
    %mul3A_25 = arith.constant 80 : i32
    %mul3A_26 = arith.muli %add3A_4, %mul3A_25 : i32
    %dma_wait3A_27 = tpu.memref_slice %arg4[%mul3A_26] : memref<320000xi32, #tpu.memory_space<hbm>> -> memref<10000xi32, #tpu.memory_space<hbm>>
    %dma_wait3A_28 = tpu.memref_slice %arg4[%mul3A_26] : memref<320000xi32, #tpu.memory_space<hbm>> -> memref<10000xi32, #tpu.memory_space<hbm>>
    tpu.wait_dma2 semaphore(%arg12 : memref<!tpu.dma_semaphore, #tpu.memory_space<semaphore_mem>>) src(%dma_wait3A_28 : memref<10000xi32, #tpu.memory_space<hbm>>) dst(%arg7 : memref<10000xi32, #tpu.memory_space<vmem>>)
    %barrier3A = arith.constant 0 : index
    tpu.barrier barrier_id(%barrier3A)
    %dma_start3A_29 = arith.constant 0 : i32
    %dma_start3A_30 = tpu.memref_slice %arg6[%dma_start3A_29] : memref<10000xi32, #tpu.memory_space<vmem>> -> memref<80xi32, #tpu.memory_space<vmem>>
    %dma_start3A_31 = arith.constant 0 : i32
    %dma_start3A_32 = arith.constant 0 : i32
    %dma_start3A_33 = tpu.memref_slice %arg2[%dma_start3A_31, %dma_start3A_32] : memref<5000x128xf32, #tpu.memory_space<hbm>> -> memref<5000x128xf32, #tpu.memory_space<hbm>>
    tpu.enqueue_indirect_dma source(%dma_start3A_33 : memref<5000x128xf32, #tpu.memory_space<hbm>>) target(%arg8 : memref<80x128xf32, #tpu.memory_space<vmem>>) offsets(%dma_start3A_30 : memref<80xi32, #tpu.memory_space<vmem>>) semaphore(%arg11 : memref<!tpu.dma_semaphore, #tpu.memory_space<semaphore_mem>>)
    %dma_start3A_34 = arith.constant 80 : i32
    %dma_start3A_35 = tpu.memref_slice %arg6[%dma_start3A_34] : memref<10000xi32, #tpu.memory_space<vmem>> -> memref<80xi32, #tpu.memory_space<vmem>>
    %dma_start3A_36 = arith.constant 0 : i32
    %dma_start3A_37 = arith.constant 0 : i32
    %dma_start3A_38 = tpu.memref_slice %arg2[%dma_start3A_36, %dma_start3A_37] : memref<5000x128xf32, #tpu.memory_space<hbm>> -> memref<5000x128xf32, #tpu.memory_space<hbm>>
    tpu.enqueue_indirect_dma source(%dma_start3A_38 : memref<5000x128xf32, #tpu.memory_space<hbm>>) target(%arg9 : memref<80x128xf32, #tpu.memory_space<vmem>>) offsets(%dma_start3A_35 : memref<80xi32, #tpu.memory_space<vmem>>) semaphore(%arg12 : memref<!tpu.dma_semaphore, #tpu.memory_space<semaphore_mem>>)
    %scan3A_39 = arith.constant 0 : i32
    %scan3A_40 = arith.constant 62 : i32
    %scan3A_41 = arith.addi %scan3A_39, %scan3A_40 : i32
    %scan3A_42 = arith.constant 1 : i32
    scf.for %scan3A_54 = %scan3A_39 to %scan3A_41 step %scan3A_42  : i32 {
      %mul3A_55 = arith.constant 2 : i32
      %mul3A_56 = arith.muli %scan3A_54, %mul3A_55 : i32
      %add3A_57 = arith.constant 0 : i32
      %add3A_58 = arith.addi %add3A_57, %mul3A_56 : i32
      %mul3A_59 = arith.constant 80 : i32
      %mul3A_60 = arith.muli %add3A_58, %mul3A_59 : i32
      %dma_wait3A_61 = tpu.memref_slice %arg6[%mul3A_60] : memref<10000xi32, #tpu.memory_space<vmem>> -> memref<80xi32, #tpu.memory_space<vmem>>
      %dma_wait3A_62 = arith.constant 0 : i32
      %dma_wait3A_63 = arith.constant 0 : i32
      %dma_wait3A_64 = tpu.memref_slice %arg2[%dma_wait3A_62, %dma_wait3A_63] : memref<5000x128xf32, #tpu.memory_space<hbm>> -> memref<5000x128xf32, #tpu.memory_space<hbm>>
      tpu.wait_indirect_dma semaphore(%arg11 : memref<!tpu.dma_semaphore, #tpu.memory_space<semaphore_mem>>) src(%dma_wait3A_64 : memref<5000x128xf32, #tpu.memory_space<hbm>>) dst(%arg8 : memref<80x128xf32, #tpu.memory_space<vmem>>)
      %mul3A_65 = arith.constant 80 : i32
      %mul3A_66 = arith.muli %add3A_58, %mul3A_65 : i32
      "tpu.region"() ({
        %run_scoped3A = tpu.sem_alloc : memref<!tpu.dma_semaphore, #tpu.memory_space<semaphore_mem>>
        %dma_start3A_92 = tpu.memref_slice %arg7[%mul3A_66] : memref<10000xi32, #tpu.memory_space<vmem>> -> memref<80xi32, #tpu.memory_space<vmem>>
        %dma_start3A_93 = arith.constant 0 : i32
        %dma_start3A_94 = arith.constant 0 : i32
        %dma_start3A_95 = tpu.memref_slice %arg10[%dma_start3A_93, %dma_start3A_94] : memref<10240x128xf32, #tpu.memory_space<vmem_shared>> -> memref<10240x128xf32, #tpu.memory_space<vmem_shared>>
        tpu.enqueue_indirect_dma source(%arg8 : memref<80x128xf32, #tpu.memory_space<vmem>>) target(%dma_start3A_95 : memref<10240x128xf32, #tpu.memory_space<vmem_shared>>) offsets(%dma_start3A_92 : memref<80xi32, #tpu.memory_space<vmem>>) semaphore(%run_scoped3A : memref<!tpu.dma_semaphore, #tpu.memory_space<semaphore_mem>>) {add = true}
        %dma_wait3A_96 = tpu.memref_slice %arg7[%mul3A_66] : memref<10000xi32, #tpu.memory_space<vmem>> -> memref<80xi32, #tpu.memory_space<vmem>>
        %dma_wait3A_97 = arith.constant 0 : i32
        %dma_wait3A_98 = arith.constant 0 : i32
        %dma_wait3A_99 = tpu.memref_slice %arg10[%dma_wait3A_97, %dma_wait3A_98] : memref<10240x128xf32, #tpu.memory_space<vmem_shared>> -> memref<10240x128xf32, #tpu.memory_space<vmem_shared>>
        tpu.wait_indirect_dma semaphore(%run_scoped3A : memref<!tpu.dma_semaphore, #tpu.memory_space<semaphore_mem>>) src(%arg8 : memref<80x128xf32, #tpu.memory_space<vmem>>) dst(%dma_wait3A_99 : memref<10240x128xf32, #tpu.memory_space<vmem_shared>>)
        tpu.yield
      }) : () -> ()
      %add3A_67 = arith.constant 2 : i32
      %add3A_68 = arith.addi %add3A_58, %add3A_67 : i32
      %mul3A_69 = arith.constant 80 : i32
      %mul3A_70 = arith.muli %add3A_68, %mul3A_69 : i32
      %dma_start3A_71 = tpu.memref_slice %arg6[%mul3A_70] : memref<10000xi32, #tpu.memory_space<vmem>> -> memref<80xi32, #tpu.memory_space<vmem>>
      %dma_start3A_72 = arith.constant 0 : i32
      %dma_start3A_73 = arith.constant 0 : i32
      %dma_start3A_74 = tpu.memref_slice %arg2[%dma_start3A_72, %dma_start3A_73] : memref<5000x128xf32, #tpu.memory_space<hbm>> -> memref<5000x128xf32, #tpu.memory_space<hbm>>
      tpu.enqueue_indirect_dma source(%dma_start3A_74 : memref<5000x128xf32, #tpu.memory_space<hbm>>) target(%arg8 : memref<80x128xf32, #tpu.memory_space<vmem>>) offsets(%dma_start3A_71 : memref<80xi32, #tpu.memory_space<vmem>>) semaphore(%arg11 : memref<!tpu.dma_semaphore, #tpu.memory_space<semaphore_mem>>)
      %add3A_75 = arith.constant 1 : i32
      %add3A_76 = arith.addi %add3A_58, %add3A_75 : i32
      %mul3A_77 = arith.constant 80 : i32
      %mul3A_78 = arith.muli %add3A_76, %mul3A_77 : i32
      %dma_wait3A_79 = tpu.memref_slice %arg6[%mul3A_78] : memref<10000xi32, #tpu.memory_space<vmem>> -> memref<80xi32, #tpu.memory_space<vmem>>
      %dma_wait3A_80 = arith.constant 0 : i32
      %dma_wait3A_81 = arith.constant 0 : i32
      %dma_wait3A_82 = tpu.memref_slice %arg2[%dma_wait3A_80, %dma_wait3A_81] : memref<5000x128xf32, #tpu.memory_space<hbm>> -> memref<5000x128xf32, #tpu.memory_space<hbm>>
      tpu.wait_indirect_dma semaphore(%arg12 : memref<!tpu.dma_semaphore, #tpu.memory_space<semaphore_mem>>) src(%dma_wait3A_82 : memref<5000x128xf32, #tpu.memory_space<hbm>>) dst(%arg9 : memref<80x128xf32, #tpu.memory_space<vmem>>)
      %add3A_83 = arith.constant 1 : i32
      %add3A_84 = arith.addi %add3A_58, %add3A_83 : i32
      %mul3A_85 = arith.constant 80 : i32
      %mul3A_86 = arith.muli %add3A_84, %mul3A_85 : i32
      "tpu.region"() ({
        %run_scoped3A = tpu.sem_alloc : memref<!tpu.dma_semaphore, #tpu.memory_space<semaphore_mem>>
        %dma_start3A_92 = tpu.memref_slice %arg7[%mul3A_86] : memref<10000xi32, #tpu.memory_space<vmem>> -> memref<80xi32, #tpu.memory_space<vmem>>
        %dma_start3A_93 = arith.constant 0 : i32
        %dma_start3A_94 = arith.constant 0 : i32
        %dma_start3A_95 = tpu.memref_slice %arg10[%dma_start3A_93, %dma_start3A_94] : memref<10240x128xf32, #tpu.memory_space<vmem_shared>> -> memref<10240x128xf32, #tpu.memory_space<vmem_shared>>
        tpu.enqueue_indirect_dma source(%arg9 : memref<80x128xf32, #tpu.memory_space<vmem>>) target(%dma_start3A_95 : memref<10240x128xf32, #tpu.memory_space<vmem_shared>>) offsets(%dma_start3A_92 : memref<80xi32, #tpu.memory_space<vmem>>) semaphore(%run_scoped3A : memref<!tpu.dma_semaphore, #tpu.memory_space<semaphore_mem>>) {add = true}
        %dma_wait3A_96 = tpu.memref_slice %arg7[%mul3A_86] : memref<10000xi32, #tpu.memory_space<vmem>> -> memref<80xi32, #tpu.memory_space<vmem>>
        %dma_wait3A_97 = arith.constant 0 : i32
        %dma_wait3A_98 = arith.constant 0 : i32
        %dma_wait3A_99 = tpu.memref_slice %arg10[%dma_wait3A_97, %dma_wait3A_98] : memref<10240x128xf32, #tpu.memory_space<vmem_shared>> -> memref<10240x128xf32, #tpu.memory_space<vmem_shared>>
        tpu.wait_indirect_dma semaphore(%run_scoped3A : memref<!tpu.dma_semaphore, #tpu.memory_space<semaphore_mem>>) src(%arg9 : memref<80x128xf32, #tpu.memory_space<vmem>>) dst(%dma_wait3A_99 : memref<10240x128xf32, #tpu.memory_space<vmem_shared>>)
        tpu.yield
      }) : () -> ()
      %add3A_87 = arith.constant 3 : i32
      %add3A_88 = arith.addi %add3A_58, %add3A_87 : i32
      %lt3A_89 = arith.constant 125 : i32
      %lt3A_90 = arith.cmpi slt, %add3A_88, %lt3A_89 : i32
      %convert_element_type3A = arith.extui %lt3A_90 : i1 to i32
      %cond3A = arith.constant 0 : i32
      %cond3A_91 = arith.cmpi ne, %convert_element_type3A, %cond3A : i32
      scf.if %cond3A_91 {
        %add3A_92 = arith.constant 3 : i32
        %add3A_93 = arith.addi %add3A_58, %add3A_92 : i32
        %mul3A_94 = arith.constant 80 : i32
        %mul3A_95 = arith.muli %add3A_93, %mul3A_94 : i32
        %dma_start3A_96 = tpu.memref_slice %arg6[%mul3A_95] : memref<10000xi32, #tpu.memory_space<vmem>> -> memref<80xi32, #tpu.memory_space<vmem>>
        %dma_start3A_97 = arith.constant 0 : i32
        %dma_start3A_98 = arith.constant 0 : i32
        %dma_start3A_99 = tpu.memref_slice %arg2[%dma_start3A_97, %dma_start3A_98] : memref<5000x128xf32, #tpu.memory_space<hbm>> -> memref<5000x128xf32, #tpu.memory_space<hbm>>
        tpu.enqueue_indirect_dma source(%dma_start3A_99 : memref<5000x128xf32, #tpu.memory_space<hbm>>) target(%arg9 : memref<80x128xf32, #tpu.memory_space<vmem>>) offsets(%dma_start3A_96 : memref<80xi32, #tpu.memory_space<vmem>>) semaphore(%arg12 : memref<!tpu.dma_semaphore, #tpu.memory_space<semaphore_mem>>)
      } else {
      }
    }
    %scan3A_43 = arith.constant 62 : i32
    %dma_wait3A_44 = arith.constant 9920 : i32
    %dma_wait3A_45 = tpu.memref_slice %arg6[%dma_wait3A_44] : memref<10000xi32, #tpu.memory_space<vmem>> -> memref<80xi32, #tpu.memory_space<vmem>>
    %dma_wait3A_46 = arith.constant 0 : i32
    %dma_wait3A_47 = arith.constant 0 : i32
    %dma_wait3A_48 = tpu.memref_slice %arg2[%dma_wait3A_46, %dma_wait3A_47] : memref<5000x128xf32, #tpu.memory_space<hbm>> -> memref<5000x128xf32, #tpu.memory_space<hbm>>
    tpu.wait_indirect_dma semaphore(%arg11 : memref<!tpu.dma_semaphore, #tpu.memory_space<semaphore_mem>>) src(%dma_wait3A_48 : memref<5000x128xf32, #tpu.memory_space<hbm>>) dst(%arg8 : memref<80x128xf32, #tpu.memory_space<vmem>>)
    "tpu.region"() ({
      %run_scoped3A = tpu.sem_alloc : memref<!tpu.dma_semaphore, #tpu.memory_space<semaphore_mem>>
      %dma_start3A_54 = arith.constant 9920 : i32
      %dma_start3A_55 = tpu.memref_slice %arg7[%dma_start3A_54] : memref<10000xi32, #tpu.memory_space<vmem>> -> memref<80xi32, #tpu.memory_space<vmem>>
      %dma_start3A_56 = arith.constant 0 : i32
      %dma_start3A_57 = arith.constant 0 : i32
      %dma_start3A_58 = tpu.memref_slice %arg10[%dma_start3A_56, %dma_start3A_57] : memref<10240x128xf32, #tpu.memory_space<vmem_shared>> -> memref<10240x128xf32, #tpu.memory_space<vmem_shared>>
      tpu.enqueue_indirect_dma source(%arg8 : memref<80x128xf32, #tpu.memory_space<vmem>>) target(%dma_start3A_58 : memref<10240x128xf32, #tpu.memory_space<vmem_shared>>) offsets(%dma_start3A_55 : memref<80xi32, #tpu.memory_space<vmem>>) semaphore(%run_scoped3A : memref<!tpu.dma_semaphore, #tpu.memory_space<semaphore_mem>>) {add = true}
      %dma_wait3A_59 = arith.constant 9920 : i32
      %dma_wait3A_60 = tpu.memref_slice %arg7[%dma_wait3A_59] : memref<10000xi32, #tpu.memory_space<vmem>> -> memref<80xi32, #tpu.memory_space<vmem>>
      %dma_wait3A_61 = arith.constant 0 : i32
      %dma_wait3A_62 = arith.constant 0 : i32
      %dma_wait3A_63 = tpu.memref_slice %arg10[%dma_wait3A_61, %dma_wait3A_62] : memref<10240x128xf32, #tpu.memory_space<vmem_shared>> -> memref<10240x128xf32, #tpu.memory_space<vmem_shared>>
      tpu.wait_indirect_dma semaphore(%run_scoped3A : memref<!tpu.dma_semaphore, #tpu.memory_space<semaphore_mem>>) src(%arg8 : memref<80x128xf32, #tpu.memory_space<vmem>>) dst(%dma_wait3A_63 : memref<10240x128xf32, #tpu.memory_space<vmem_shared>>)
      tpu.yield
    }) : () -> ()
    %barrier3A_49 = arith.constant 0 : index
    tpu.barrier barrier_id(%barrier3A_49)
    %mul3A_50 = arith.constant 640 : i32
    %mul3A_51 = arith.muli %arg1, %mul3A_50 : i32
    %mul3A_52 = arith.constant 640 : i32
    %mul3A_53 = arith.muli %arg1, %mul3A_52 : i32
    "tpu.region"() ({
      %run_scoped3A = tpu.sem_alloc : memref<!tpu.dma_semaphore, #tpu.memory_space<semaphore_mem>>
      %dma_start3A_54 = arith.constant 0 : i32
      %dma_start3A_55 = arith.constant 0 : i32
      %dma_start3A_56 = tpu.memref_slice %arg5[%arg0, %dma_start3A_54, %dma_start3A_55] : memref<2x10240x128xf32, #tpu.memory_space<hbm>> -> memref<1x10240x128xf32, #tpu.memory_space<hbm>>
      %dma_start3A_57 = tpu.memref_squeeze %dma_start3A_56 : memref<1x10240x128xf32, #tpu.memory_space<hbm>> -> memref<10240x128xf32, #tpu.memory_space<hbm>>
      %dma_start3A_58 = arith.constant 0 : i32
      %dma_start3A_59 = tpu.memref_slice %dma_start3A_57[%mul3A_53, %dma_start3A_58] : memref<10240x128xf32, #tpu.memory_space<hbm>> -> memref<640x128xf32, #tpu.memory_space<hbm>>
      %dma_start3A_60 = arith.constant 0 : i32
      %dma_start3A_61 = tpu.memref_slice %arg10[%mul3A_51, %dma_start3A_60] : memref<10240x128xf32, #tpu.memory_space<vmem_shared>> -> memref<640x128xf32, #tpu.memory_space<vmem_shared>>
      tpu.enqueue_dma source(%dma_start3A_61 : memref<640x128xf32, #tpu.memory_space<vmem_shared>>) target(%dma_start3A_59 : memref<640x128xf32, #tpu.memory_space<hbm>>) target_semaphore(%run_scoped3A : memref<!tpu.dma_semaphore, #tpu.memory_space<semaphore_mem>>)
      %dma_wait3A_62 = arith.constant 0 : i32
      %dma_wait3A_63 = arith.constant 0 : i32
      %dma_wait3A_64 = tpu.memref_slice %arg5[%arg0, %dma_wait3A_62, %dma_wait3A_63] : memref<2x10240x128xf32, #tpu.memory_space<hbm>> -> memref<1x10240x128xf32, #tpu.memory_space<hbm>>
      %dma_wait3A_65 = tpu.memref_squeeze %dma_wait3A_64 : memref<1x10240x128xf32, #tpu.memory_space<hbm>> -> memref<10240x128xf32, #tpu.memory_space<hbm>>
      %dma_wait3A_66 = arith.constant 0 : i32
      %dma_wait3A_67 = tpu.memref_slice %dma_wait3A_65[%mul3A_53, %dma_wait3A_66] : memref<10240x128xf32, #tpu.memory_space<hbm>> -> memref<640x128xf32, #tpu.memory_space<hbm>>
      %dma_wait3A_68 = arith.constant 0 : i32
      %dma_wait3A_69 = tpu.memref_slice %arg10[%mul3A_51, %dma_wait3A_68] : memref<10240x128xf32, #tpu.memory_space<vmem_shared>> -> memref<640x128xf32, #tpu.memory_space<vmem_shared>>
      tpu.wait_dma2 semaphore(%run_scoped3A : memref<!tpu.dma_semaphore, #tpu.memory_space<semaphore_mem>>) src(%dma_wait3A_69 : memref<640x128xf32, #tpu.memory_space<vmem_shared>>) dst(%dma_wait3A_67 : memref<640x128xf32, #tpu.memory_space<hbm>>)
      tpu.yield
    }) : () -> ()
    return
  }
}

#map = affine_map<(d0, d1) -> (0, 0)>
#map1 = affine_map<(d0, d1) -> (0)>
#map2 = affine_map<(d0, d1) -> (0, 0, 0)>
module attributes {stable_mosaic.version = 14 : i64} {
  func.func @k(%arg0: i32, %arg1: i32, %arg2: memref<5000x48xf32, #tpu.memory_space<hbm>>, %arg3: memref<320000xi32, #tpu.memory_space<hbm>>, %arg4: memref<320000xi32, #tpu.memory_space<hbm>>, %arg5: memref<2x10240x48xf32, #tpu.memory_space<hbm>>, %arg6: memref<10000xi32, #tpu.memory_space<vmem>>, %arg7: memref<10000xi32, #tpu.memory_space<vmem>>, %arg8: memref<80x48xf32, #tpu.memory_space<vmem>>, %arg9: memref<80x48xf32, #tpu.memory_space<vmem>>, %arg10: memref<10240x48xf32, #tpu.memory_space<vmem_shared>>, %arg11: memref<!tpu.dma_semaphore, #tpu.memory_space<semaphore_mem>>, %arg12: memref<!tpu.dma_semaphore, #tpu.memory_space<semaphore_mem>>) attributes {dimension_semantics = [#tpu.dimension_semantics<core_parallel>, #tpu.dimension_semantics<subcore_parallel>], iteration_bounds = array<i64: 2, 16>, scalar_prefetch = 0 : i64, scratch_operands = 7 : i64, tpu.core_type = #tpu.core_type<sc_vector_subcore>, window_params = [{transform_indices = #map}, {transform_indices = #map1}, {transform_indices = #map1}, {transform_indices = #map2}]} {
    %mul3A = arith.constant 2 : i32
    %mul3A_0 = arith.muli %arg1, %mul3A : i32
    %add3A = arith.addi %mul3A_0, %arg0 : i32
    %mul3A_1 = arith.constant 125 : i32
    %mul3A_2 = arith.muli %mul3A_1, %add3A : i32
    %min3A = arith.constant 0 : i32
    %min3A_3 = arith.minsi %add3A, %min3A : i32
    %add3A_4 = arith.addi %mul3A_2, %min3A_3 : i32
    %lt3A = arith.constant 0 : i32
    %lt3A_5 = arith.cmpi slt, %add3A, %lt3A : i32
    %mul3A_6 = arith.constant 80 : i32
    %mul3A_7 = arith.muli %add3A_4, %mul3A_6 : i32
    %dma_start3A = tpu.memref_slice %arg3[%mul3A_7] : memref<320000xi32, #tpu.memory_space<hbm>> -> memref<10000xi32, #tpu.memory_space<hbm>>
    %dma_start3A_8 = tpu.memref_slice %arg3[%mul3A_7] : memref<320000xi32, #tpu.memory_space<hbm>> -> memref<10000xi32, #tpu.memory_space<hbm>>
    tpu.enqueue_dma source(%dma_start3A_8 : memref<10000xi32, #tpu.memory_space<hbm>>) target(%arg6 : memref<10000xi32, #tpu.memory_space<vmem>>) target_semaphore(%arg11 : memref<!tpu.dma_semaphore, #tpu.memory_space<semaphore_mem>>)
    %mul3A_9 = arith.constant 80 : i32
    %mul3A_10 = arith.muli %add3A_4, %mul3A_9 : i32
    %dma_start3A_11 = tpu.memref_slice %arg4[%mul3A_10] : memref<320000xi32, #tpu.memory_space<hbm>> -> memref<10000xi32, #tpu.memory_space<hbm>>
    %dma_start3A_12 = tpu.memref_slice %arg4[%mul3A_10] : memref<320000xi32, #tpu.memory_space<hbm>> -> memref<10000xi32, #tpu.memory_space<hbm>>
    tpu.enqueue_dma source(%dma_start3A_12 : memref<10000xi32, #tpu.memory_space<hbm>>) target(%arg7 : memref<10000xi32, #tpu.memory_space<vmem>>) target_semaphore(%arg12 : memref<!tpu.dma_semaphore, #tpu.memory_space<semaphore_mem>>)
    %scan3A = arith.constant 0 : i32
    %scan3A_13 = arith.constant 80 : i32
    %scan3A_14 = arith.addi %scan3A, %scan3A_13 : i32
    %scan3A_15 = arith.constant 1 : i32
    scf.for %scan3A_54 = %scan3A to %scan3A_14 step %scan3A_15  : i32 {
      %mul3A_55 = arith.constant 1 : i32
      %mul3A_56 = arith.muli %scan3A_54, %mul3A_55 : i32
      %add3A_57 = arith.constant 0 : i32
      %add3A_58 = arith.addi %add3A_57, %mul3A_56 : i32
      %broadcast_in_dim3A = arith.constant 0.000000e+00 : f32
      %broadcast_in_dim3A_59 = vector.broadcast %broadcast_in_dim3A : f32 to vector<16xf32>
      %swap3A = arith.index_cast %add3A_58 : i32 to index
      %swap3A_60 = arith.constant 0 : index
      %swap3A_61 = tpu.vector_load %arg8[%swap3A, %swap3A_60] {strides = array<i32>} : memref<80x48xf32, #tpu.memory_space<vmem>>, vector<1x16xf32>,
      %swap3A_62 = vector.shape_cast %swap3A_61 : vector<1x16xf32> to vector<16xf32>
      %swap3A_63 = vector.shape_cast %broadcast_in_dim3A_59 : vector<16xf32> to vector<1x16xf32>
      tpu.vector_store %arg8[%swap3A, %swap3A_60], %swap3A_63 {strides = array<i32>} : memref<80x48xf32, #tpu.memory_space<vmem>>, vector<1x16xf32>,
      %broadcast_in_dim3A_64 = arith.constant 0.000000e+00 : f32
      %broadcast_in_dim3A_65 = vector.broadcast %broadcast_in_dim3A_64 : f32 to vector<16xf32>
      %swap3A_66 = arith.index_cast %add3A_58 : i32 to index
      %swap3A_67 = arith.constant 16 : index
      %swap3A_68 = tpu.vector_load %arg8[%swap3A_66, %swap3A_67] {strides = array<i32>} : memref<80x48xf32, #tpu.memory_space<vmem>>, vector<1x16xf32>,
      %swap3A_69 = vector.shape_cast %swap3A_68 : vector<1x16xf32> to vector<16xf32>
      %swap3A_70 = vector.shape_cast %broadcast_in_dim3A_65 : vector<16xf32> to vector<1x16xf32>
      tpu.vector_store %arg8[%swap3A_66, %swap3A_67], %swap3A_70 {strides = array<i32>} : memref<80x48xf32, #tpu.memory_space<vmem>>, vector<1x16xf32>,
      %broadcast_in_dim3A_71 = arith.constant 0.000000e+00 : f32
      %broadcast_in_dim3A_72 = vector.broadcast %broadcast_in_dim3A_71 : f32 to vector<16xf32>
      %swap3A_73 = arith.index_cast %add3A_58 : i32 to index
      %swap3A_74 = arith.constant 32 : index
      %swap3A_75 = tpu.vector_load %arg8[%swap3A_73, %swap3A_74] {strides = array<i32>} : memref<80x48xf32, #tpu.memory_space<vmem>>, vector<1x16xf32>,
      %swap3A_76 = vector.shape_cast %swap3A_75 : vector<1x16xf32> to vector<16xf32>
      %swap3A_77 = vector.shape_cast %broadcast_in_dim3A_72 : vector<16xf32> to vector<1x16xf32>
      tpu.vector_store %arg8[%swap3A_73, %swap3A_74], %swap3A_77 {strides = array<i32>} : memref<80x48xf32, #tpu.memory_space<vmem>>, vector<1x16xf32>,
    }
    %scan3A_16 = arith.constant 80 : i32
    %scan3A_17 = arith.constant 0 : i32
    %scan3A_18 = arith.constant 8 : i32
    %scan3A_19 = arith.addi %scan3A_17, %scan3A_18 : i32
    %scan3A_20 = arith.constant 1 : i32
    scf.for %scan3A_54 = %scan3A_17 to %scan3A_19 step %scan3A_20  : i32 {
      %mul3A_55 = arith.constant 1 : i32
      %mul3A_56 = arith.muli %scan3A_54, %mul3A_55 : i32
      %add3A_57 = arith.constant 0 : i32
      %add3A_58 = arith.addi %add3A_57, %mul3A_56 : i32
      %mul3A_59 = arith.constant 640 : i32
      %mul3A_60 = arith.muli %arg1, %mul3A_59 : i32
      %mul3A_61 = arith.constant 80 : i32
      %mul3A_62 = arith.muli %add3A_58, %mul3A_61 : i32
      %add3A_63 = arith.addi %mul3A_60, %mul3A_62 : i32
      "tpu.region"() ({
        %run_scoped3A = tpu.sem_alloc : memref<!tpu.dma_semaphore, #tpu.memory_space<semaphore_mem>>
        %dma_start3A_64 = arith.constant 0 : i32
        %dma_start3A_65 = arith.constant 0 : i32
        %dma_start3A_66 = tpu.memref_slice %arg8[%dma_start3A_64, %dma_start3A_65] : memref<80x48xf32, #tpu.memory_space<vmem>> -> memref<80x48xf32, #tpu.memory_space<vmem>>
        %dma_start3A_67 = arith.constant 0 : i32
        %dma_start3A_68 = tpu.memref_slice %arg10[%add3A_63, %dma_start3A_67] : memref<10240x48xf32, #tpu.memory_space<vmem_shared>> -> memref<80x48xf32, #tpu.memory_space<vmem_shared>>
        %dma_start3A_69 = arith.constant 0 : i32
        %dma_start3A_70 = tpu.memref_slice %arg10[%add3A_63, %dma_start3A_69] : memref<10240x48xf32, #tpu.memory_space<vmem_shared>> -> memref<80x48xf32, #tpu.memory_space<vmem_shared>>
        %dma_start3A_71 = arith.constant 0 : i32
        %dma_start3A_72 = arith.constant 0 : i32
        %dma_start3A_73 = tpu.memref_slice %arg8[%dma_start3A_71, %dma_start3A_72] : memref<80x48xf32, #tpu.memory_space<vmem>> -> memref<80x48xf32, #tpu.memory_space<vmem>>
        tpu.enqueue_dma source(%dma_start3A_73 : memref<80x48xf32, #tpu.memory_space<vmem>>) target(%dma_start3A_70 : memref<80x48xf32, #tpu.memory_space<vmem_shared>>) target_semaphore(%run_scoped3A : memref<!tpu.dma_semaphore, #tpu.memory_space<semaphore_mem>>)
        %dma_wait3A_74 = arith.constant 0 : i32
        %dma_wait3A_75 = arith.constant 0 : i32
        %dma_wait3A_76 = tpu.memref_slice %arg8[%dma_wait3A_74, %dma_wait3A_75] : memref<80x48xf32, #tpu.memory_space<vmem>> -> memref<80x48xf32, #tpu.memory_space<vmem>>
        %dma_wait3A_77 = arith.constant 0 : i32
        %dma_wait3A_78 = tpu.memref_slice %arg10[%add3A_63, %dma_wait3A_77] : memref<10240x48xf32, #tpu.memory_space<vmem_shared>> -> memref<80x48xf32, #tpu.memory_space<vmem_shared>>
        %dma_wait3A_79 = arith.constant 0 : i32
        %dma_wait3A_80 = tpu.memref_slice %arg10[%add3A_63, %dma_wait3A_79] : memref<10240x48xf32, #tpu.memory_space<vmem_shared>> -> memref<80x48xf32, #tpu.memory_space<vmem_shared>>
        %dma_wait3A_81 = arith.constant 0 : i32
        %dma_wait3A_82 = arith.constant 0 : i32
        %dma_wait3A_83 = tpu.memref_slice %arg8[%dma_wait3A_81, %dma_wait3A_82] : memref<80x48xf32, #tpu.memory_space<vmem>> -> memref<80x48xf32, #tpu.memory_space<vmem>>
        tpu.wait_dma2 semaphore(%run_scoped3A : memref<!tpu.dma_semaphore, #tpu.memory_space<semaphore_mem>>) src(%dma_wait3A_83 : memref<80x48xf32, #tpu.memory_space<vmem>>) dst(%dma_wait3A_80 : memref<80x48xf32, #tpu.memory_space<vmem_shared>>)
        tpu.yield
      }) : () -> ()
    }
    %scan3A_21 = arith.constant 8 : i32
    %mul3A_22 = arith.constant 80 : i32
    %mul3A_23 = arith.muli %add3A_4, %mul3A_22 : i32
    %dma_wait3A = tpu.memref_slice %arg3[%mul3A_23] : memref<320000xi32, #tpu.memory_space<hbm>> -> memref<10000xi32, #tpu.memory_space<hbm>>
    %dma_wait3A_24 = tpu.memref_slice %arg3[%mul3A_23] : memref<320000xi32, #tpu.memory_space<hbm>> -> memref<10000xi32, #tpu.memory_space<hbm>>
    tpu.wait_dma2 semaphore(%arg11 : memref<!tpu.dma_semaphore, #tpu.memory_space<semaphore_mem>>) src(%dma_wait3A_24 : memref<10000xi32, #tpu.memory_space<hbm>>) dst(%arg6 : memref<10000xi32, #tpu.memory_space<vmem>>)
    %mul3A_25 = arith.constant 80 : i32
    %mul3A_26 = arith.muli %add3A_4, %mul3A_25 : i32
    %dma_wait3A_27 = tpu.memref_slice %arg4[%mul3A_26] : memref<320000xi32, #tpu.memory_space<hbm>> -> memref<10000xi32, #tpu.memory_space<hbm>>
    %dma_wait3A_28 = tpu.memref_slice %arg4[%mul3A_26] : memref<320000xi32, #tpu.memory_space<hbm>> -> memref<10000xi32, #tpu.memory_space<hbm>>
    tpu.wait_dma2 semaphore(%arg12 : memref<!tpu.dma_semaphore, #tpu.memory_space<semaphore_mem>>) src(%dma_wait3A_28 : memref<10000xi32, #tpu.memory_space<hbm>>) dst(%arg7 : memref<10000xi32, #tpu.memory_space<vmem>>)
    %barrier3A = arith.constant 0 : index
    tpu.barrier barrier_id(%barrier3A)
    %dma_start3A_29 = arith.constant 0 : i32
    %dma_start3A_30 = tpu.memref_slice %arg6[%dma_start3A_29] : memref<10000xi32, #tpu.memory_space<vmem>> -> memref<80xi32, #tpu.memory_space<vmem>>
    %dma_start3A_31 = arith.constant 0 : i32
    %dma_start3A_32 = arith.constant 0 : i32
    %dma_start3A_33 = tpu.memref_slice %arg2[%dma_start3A_31, %dma_start3A_32] : memref<5000x48xf32, #tpu.memory_space<hbm>> -> memref<5000x48xf32, #tpu.memory_space<hbm>>
    tpu.enqueue_indirect_dma source(%dma_start3A_33 : memref<5000x48xf32, #tpu.memory_space<hbm>>) target(%arg8 : memref<80x48xf32, #tpu.memory_space<vmem>>) offsets(%dma_start3A_30 : memref<80xi32, #tpu.memory_space<vmem>>) semaphore(%arg11 : memref<!tpu.dma_semaphore, #tpu.memory_space<semaphore_mem>>)
    %dma_start3A_34 = arith.constant 80 : i32
    %dma_start3A_35 = tpu.memref_slice %arg6[%dma_start3A_34] : memref<10000xi32, #tpu.memory_space<vmem>> -> memref<80xi32, #tpu.memory_space<vmem>>
    %dma_start3A_36 = arith.constant 0 : i32
    %dma_start3A_37 = arith.constant 0 : i32
    %dma_start3A_38 = tpu.memref_slice %arg2[%dma_start3A_36, %dma_start3A_37] : memref<5000x48xf32, #tpu.memory_space<hbm>> -> memref<5000x48xf32, #tpu.memory_space<hbm>>
    tpu.enqueue_indirect_dma source(%dma_start3A_38 : memref<5000x48xf32, #tpu.memory_space<hbm>>) target(%arg9 : memref<80x48xf32, #tpu.memory_space<vmem>>) offsets(%dma_start3A_35 : memref<80xi32, #tpu.memory_space<vmem>>) semaphore(%arg12 : memref<!tpu.dma_semaphore, #tpu.memory_space<semaphore_mem>>)
    %scan3A_39 = arith.constant 0 : i32
    %scan3A_40 = arith.constant 62 : i32
    %scan3A_41 = arith.addi %scan3A_39, %scan3A_40 : i32
    %scan3A_42 = arith.constant 1 : i32
    scf.for %scan3A_54 = %scan3A_39 to %scan3A_41 step %scan3A_42  : i32 {
      %mul3A_55 = arith.constant 2 : i32
      %mul3A_56 = arith.muli %scan3A_54, %mul3A_55 : i32
      %add3A_57 = arith.constant 0 : i32
      %add3A_58 = arith.addi %add3A_57, %mul3A_56 : i32
      %mul3A_59 = arith.constant 80 : i32
      %mul3A_60 = arith.muli %add3A_58, %mul3A_59 : i32
      %dma_wait3A_61 = tpu.memref_slice %arg6[%mul3A_60] : memref<10000xi32, #tpu.memory_space<vmem>> -> memref<80xi32, #tpu.memory_space<vmem>>
      %dma_wait3A_62 = arith.constant 0 : i32
      %dma_wait3A_63 = arith.constant 0 : i32
      %dma_wait3A_64 = tpu.memref_slice %arg2[%dma_wait3A_62, %dma_wait3A_63] : memref<5000x48xf32, #tpu.memory_space<hbm>> -> memref<5000x48xf32, #tpu.memory_space<hbm>>
      tpu.wait_indirect_dma semaphore(%arg11 : memref<!tpu.dma_semaphore, #tpu.memory_space<semaphore_mem>>) src(%dma_wait3A_64 : memref<5000x48xf32, #tpu.memory_space<hbm>>) dst(%arg8 : memref<80x48xf32, #tpu.memory_space<vmem>>)
      %mul3A_65 = arith.constant 80 : i32
      %mul3A_66 = arith.muli %add3A_58, %mul3A_65 : i32
      "tpu.region"() ({
        %run_scoped3A = tpu.sem_alloc : memref<!tpu.dma_semaphore, #tpu.memory_space<semaphore_mem>>
        %dma_start3A_92 = tpu.memref_slice %arg7[%mul3A_66] : memref<10000xi32, #tpu.memory_space<vmem>> -> memref<80xi32, #tpu.memory_space<vmem>>
        %dma_start3A_93 = arith.constant 0 : i32
        %dma_start3A_94 = arith.constant 0 : i32
        %dma_start3A_95 = tpu.memref_slice %arg10[%dma_start3A_93, %dma_start3A_94] : memref<10240x48xf32, #tpu.memory_space<vmem_shared>> -> memref<10240x48xf32, #tpu.memory_space<vmem_shared>>
        tpu.enqueue_indirect_dma source(%arg8 : memref<80x48xf32, #tpu.memory_space<vmem>>) target(%dma_start3A_95 : memref<10240x48xf32, #tpu.memory_space<vmem_shared>>) offsets(%dma_start3A_92 : memref<80xi32, #tpu.memory_space<vmem>>) semaphore(%run_scoped3A : memref<!tpu.dma_semaphore, #tpu.memory_space<semaphore_mem>>) {add = true}
        %dma_wait3A_96 = tpu.memref_slice %arg7[%mul3A_66] : memref<10000xi32, #tpu.memory_space<vmem>> -> memref<80xi32, #tpu.memory_space<vmem>>
        %dma_wait3A_97 = arith.constant 0 : i32
        %dma_wait3A_98 = arith.constant 0 : i32
        %dma_wait3A_99 = tpu.memref_slice %arg10[%dma_wait3A_97, %dma_wait3A_98] : memref<10240x48xf32, #tpu.memory_space<vmem_shared>> -> memref<10240x48xf32, #tpu.memory_space<vmem_shared>>
        tpu.wait_indirect_dma semaphore(%run_scoped3A : memref<!tpu.dma_semaphore, #tpu.memory_space<semaphore_mem>>) src(%arg8 : memref<80x48xf32, #tpu.memory_space<vmem>>) dst(%dma_wait3A_99 : memref<10240x48xf32, #tpu.memory_space<vmem_shared>>)
        tpu.yield
      }) : () -> ()
      %add3A_67 = arith.constant 2 : i32
      %add3A_68 = arith.addi %add3A_58, %add3A_67 : i32
      %mul3A_69 = arith.constant 80 : i32
      %mul3A_70 = arith.muli %add3A_68, %mul3A_69 : i32
      %dma_start3A_71 = tpu.memref_slice %arg6[%mul3A_70] : memref<10000xi32, #tpu.memory_space<vmem>> -> memref<80xi32, #tpu.memory_space<vmem>>
      %dma_start3A_72 = arith.constant 0 : i32
      %dma_start3A_73 = arith.constant 0 : i32
      %dma_start3A_74 = tpu.memref_slice %arg2[%dma_start3A_72, %dma_start3A_73] : memref<5000x48xf32, #tpu.memory_space<hbm>> -> memref<5000x48xf32, #tpu.memory_space<hbm>>
      tpu.enqueue_indirect_dma source(%dma_start3A_74 : memref<5000x48xf32, #tpu.memory_space<hbm>>) target(%arg8 : memref<80x48xf32, #tpu.memory_space<vmem>>) offsets(%dma_start3A_71 : memref<80xi32, #tpu.memory_space<vmem>>) semaphore(%arg11 : memref<!tpu.dma_semaphore, #tpu.memory_space<semaphore_mem>>)
      %add3A_75 = arith.constant 1 : i32
      %add3A_76 = arith.addi %add3A_58, %add3A_75 : i32
      %mul3A_77 = arith.constant 80 : i32
      %mul3A_78 = arith.muli %add3A_76, %mul3A_77 : i32
      %dma_wait3A_79 = tpu.memref_slice %arg6[%mul3A_78] : memref<10000xi32, #tpu.memory_space<vmem>> -> memref<80xi32, #tpu.memory_space<vmem>>
      %dma_wait3A_80 = arith.constant 0 : i32
      %dma_wait3A_81 = arith.constant 0 : i32
      %dma_wait3A_82 = tpu.memref_slice %arg2[%dma_wait3A_80, %dma_wait3A_81] : memref<5000x48xf32, #tpu.memory_space<hbm>> -> memref<5000x48xf32, #tpu.memory_space<hbm>>
      tpu.wait_indirect_dma semaphore(%arg12 : memref<!tpu.dma_semaphore, #tpu.memory_space<semaphore_mem>>) src(%dma_wait3A_82 : memref<5000x48xf32, #tpu.memory_space<hbm>>) dst(%arg9 : memref<80x48xf32, #tpu.memory_space<vmem>>)
      %add3A_83 = arith.constant 1 : i32
      %add3A_84 = arith.addi %add3A_58, %add3A_83 : i32
      %mul3A_85 = arith.constant 80 : i32
      %mul3A_86 = arith.muli %add3A_84, %mul3A_85 : i32
      "tpu.region"() ({
        %run_scoped3A = tpu.sem_alloc : memref<!tpu.dma_semaphore, #tpu.memory_space<semaphore_mem>>
        %dma_start3A_92 = tpu.memref_slice %arg7[%mul3A_86] : memref<10000xi32, #tpu.memory_space<vmem>> -> memref<80xi32, #tpu.memory_space<vmem>>
        %dma_start3A_93 = arith.constant 0 : i32
        %dma_start3A_94 = arith.constant 0 : i32
        %dma_start3A_95 = tpu.memref_slice %arg10[%dma_start3A_93, %dma_start3A_94] : memref<10240x48xf32, #tpu.memory_space<vmem_shared>> -> memref<10240x48xf32, #tpu.memory_space<vmem_shared>>
        tpu.enqueue_indirect_dma source(%arg9 : memref<80x48xf32, #tpu.memory_space<vmem>>) target(%dma_start3A_95 : memref<10240x48xf32, #tpu.memory_space<vmem_shared>>) offsets(%dma_start3A_92 : memref<80xi32, #tpu.memory_space<vmem>>) semaphore(%run_scoped3A : memref<!tpu.dma_semaphore, #tpu.memory_space<semaphore_mem>>) {add = true}
        %dma_wait3A_96 = tpu.memref_slice %arg7[%mul3A_86] : memref<10000xi32, #tpu.memory_space<vmem>> -> memref<80xi32, #tpu.memory_space<vmem>>
        %dma_wait3A_97 = arith.constant 0 : i32
        %dma_wait3A_98 = arith.constant 0 : i32
        %dma_wait3A_99 = tpu.memref_slice %arg10[%dma_wait3A_97, %dma_wait3A_98] : memref<10240x48xf32, #tpu.memory_space<vmem_shared>> -> memref<10240x48xf32, #tpu.memory_space<vmem_shared>>
        tpu.wait_indirect_dma semaphore(%run_scoped3A : memref<!tpu.dma_semaphore, #tpu.memory_space<semaphore_mem>>) src(%arg9 : memref<80x48xf32, #tpu.memory_space<vmem>>) dst(%dma_wait3A_99 : memref<10240x48xf32, #tpu.memory_space<vmem_shared>>)
        tpu.yield
      }) : () -> ()
      %add3A_87 = arith.constant 3 : i32
      %add3A_88 = arith.addi %add3A_58, %add3A_87 : i32
      %lt3A_89 = arith.constant 125 : i32
      %lt3A_90 = arith.cmpi slt, %add3A_88, %lt3A_89 : i32
      %convert_element_type3A = arith.extui %lt3A_90 : i1 to i32
      %cond3A = arith.constant 0 : i32
      %cond3A_91 = arith.cmpi ne, %convert_element_type3A, %cond3A : i32
      scf.if %cond3A_91 {
        %add3A_92 = arith.constant 3 : i32
        %add3A_93 = arith.addi %add3A_58, %add3A_92 : i32
        %mul3A_94 = arith.constant 80 : i32
        %mul3A_95 = arith.muli %add3A_93, %mul3A_94 : i32
        %dma_start3A_96 = tpu.memref_slice %arg6[%mul3A_95] : memref<10000xi32, #tpu.memory_space<vmem>> -> memref<80xi32, #tpu.memory_space<vmem>>
        %dma_start3A_97 = arith.constant 0 : i32
        %dma_start3A_98 = arith.constant 0 : i32
        %dma_start3A_99 = tpu.memref_slice %arg2[%dma_start3A_97, %dma_start3A_98] : memref<5000x48xf32, #tpu.memory_space<hbm>> -> memref<5000x48xf32, #tpu.memory_space<hbm>>
        tpu.enqueue_indirect_dma source(%dma_start3A_99 : memref<5000x48xf32, #tpu.memory_space<hbm>>) target(%arg9 : memref<80x48xf32, #tpu.memory_space<vmem>>) offsets(%dma_start3A_96 : memref<80xi32, #tpu.memory_space<vmem>>) semaphore(%arg12 : memref<!tpu.dma_semaphore, #tpu.memory_space<semaphore_mem>>)
      } else {
      }
    }
    %scan3A_43 = arith.constant 62 : i32
    %dma_wait3A_44 = arith.constant 9920 : i32
    %dma_wait3A_45 = tpu.memref_slice %arg6[%dma_wait3A_44] : memref<10000xi32, #tpu.memory_space<vmem>> -> memref<80xi32, #tpu.memory_space<vmem>>
    %dma_wait3A_46 = arith.constant 0 : i32
    %dma_wait3A_47 = arith.constant 0 : i32
    %dma_wait3A_48 = tpu.memref_slice %arg2[%dma_wait3A_46, %dma_wait3A_47] : memref<5000x48xf32, #tpu.memory_space<hbm>> -> memref<5000x48xf32, #tpu.memory_space<hbm>>
    tpu.wait_indirect_dma semaphore(%arg11 : memref<!tpu.dma_semaphore, #tpu.memory_space<semaphore_mem>>) src(%dma_wait3A_48 : memref<5000x48xf32, #tpu.memory_space<hbm>>) dst(%arg8 : memref<80x48xf32, #tpu.memory_space<vmem>>)
    "tpu.region"() ({
      %run_scoped3A = tpu.sem_alloc : memref<!tpu.dma_semaphore, #tpu.memory_space<semaphore_mem>>
      %dma_start3A_54 = arith.constant 9920 : i32
      %dma_start3A_55 = tpu.memref_slice %arg7[%dma_start3A_54] : memref<10000xi32, #tpu.memory_space<vmem>> -> memref<80xi32, #tpu.memory_space<vmem>>
      %dma_start3A_56 = arith.constant 0 : i32
      %dma_start3A_57 = arith.constant 0 : i32
      %dma_start3A_58 = tpu.memref_slice %arg10[%dma_start3A_56, %dma_start3A_57] : memref<10240x48xf32, #tpu.memory_space<vmem_shared>> -> memref<10240x48xf32, #tpu.memory_space<vmem_shared>>
      tpu.enqueue_indirect_dma source(%arg8 : memref<80x48xf32, #tpu.memory_space<vmem>>) target(%dma_start3A_58 : memref<10240x48xf32, #tpu.memory_space<vmem_shared>>) offsets(%dma_start3A_55 : memref<80xi32, #tpu.memory_space<vmem>>) semaphore(%run_scoped3A : memref<!tpu.dma_semaphore, #tpu.memory_space<semaphore_mem>>) {add = true}
      %dma_wait3A_59 = arith.constant 9920 : i32
      %dma_wait3A_60 = tpu.memref_slice %arg7[%dma_wait3A_59] : memref<10000xi32, #tpu.memory_space<vmem>> -> memref<80xi32, #tpu.memory_space<vmem>>
      %dma_wait3A_61 = arith.constant 0 : i32
      %dma_wait3A_62 = arith.constant 0 : i32
      %dma_wait3A_63 = tpu.memref_slice %arg10[%dma_wait3A_61, %dma_wait3A_62] : memref<10240x48xf32, #tpu.memory_space<vmem_shared>> -> memref<10240x48xf32, #tpu.memory_space<vmem_shared>>
      tpu.wait_indirect_dma semaphore(%run_scoped3A : memref<!tpu.dma_semaphore, #tpu.memory_space<semaphore_mem>>) src(%arg8 : memref<80x48xf32, #tpu.memory_space<vmem>>) dst(%dma_wait3A_63 : memref<10240x48xf32, #tpu.memory_space<vmem_shared>>)
      tpu.yield
    }) : () -> ()
    %barrier3A_49 = arith.constant 0 : index
    tpu.barrier barrier_id(%barrier3A_49)
    %mul3A_50 = arith.constant 640 : i32
    %mul3A_51 = arith.muli %arg1, %mul3A_50 : i32
    %mul3A_52 = arith.constant 640 : i32
    %mul3A_53 = arith.muli %arg1, %mul3A_52 : i32
    "tpu.region"() ({
      %run_scoped3A = tpu.sem_alloc : memref<!tpu.dma_semaphore, #tpu.memory_space<semaphore_mem>>
      %dma_start3A_54 = arith.constant 0 : i32
      %dma_start3A_55 = arith.constant 0 : i32
      %dma_start3A_56 = tpu.memref_slice %arg5[%arg0, %dma_start3A_54, %dma_start3A_55] : memref<2x10240x48xf32, #tpu.memory_space<hbm>> -> memref<1x10240x48xf32, #tpu.memory_space<hbm>>
      %dma_start3A_57 = tpu.memref_squeeze %dma_start3A_56 : memref<1x10240x48xf32, #tpu.memory_space<hbm>> -> memref<10240x48xf32, #tpu.memory_space<hbm>>
      %dma_start3A_58 = arith.constant 0 : i32
      %dma_start3A_59 = tpu.memref_slice %dma_start3A_57[%mul3A_53, %dma_start3A_58] : memref<10240x48xf32, #tpu.memory_space<hbm>> -> memref<640x48xf32, #tpu.memory_space<hbm>>
      %dma_start3A_60 = arith.constant 0 : i32
      %dma_start3A_61 = tpu.memref_slice %arg10[%mul3A_51, %dma_start3A_60] : memref<10240x48xf32, #tpu.memory_space<vmem_shared>> -> memref<640x48xf32, #tpu.memory_space<vmem_shared>>
      tpu.enqueue_dma source(%dma_start3A_61 : memref<640x48xf32, #tpu.memory_space<vmem_shared>>) target(%dma_start3A_59 : memref<640x48xf32, #tpu.memory_space<hbm>>) target_semaphore(%run_scoped3A : memref<!tpu.dma_semaphore, #tpu.memory_space<semaphore_mem>>)
      %dma_wait3A_62 = arith.constant 0 : i32
      %dma_wait3A_63 = arith.constant 0 : i32
      %dma_wait3A_64 = tpu.memref_slice %arg5[%arg0, %dma_wait3A_62, %dma_wait3A_63] : memref<2x10240x48xf32, #tpu.memory_space<hbm>> -> memref<1x10240x48xf32, #tpu.memory_space<hbm>>
      %dma_wait3A_65 = tpu.memref_squeeze %dma_wait3A_64 : memref<1x10240x48xf32, #tpu.memory_space<hbm>> -> memref<10240x48xf32, #tpu.memory_space<hbm>>
      %dma_wait3A_66 = arith.constant 0 : i32
      %dma_wait3A_67 = tpu.memref_slice %dma_wait3A_65[%mul3A_53, %dma_wait3A_66] : memref<10240x48xf32, #tpu.memory_space<hbm>> -> memref<640x48xf32, #tpu.memory_space<hbm>>
      %dma_wait3A_68 = arith.constant 0 : i32
      %dma_wait3A_69 = tpu.memref_slice %arg10[%mul3A_51, %dma_wait3A_68] : memref<10240x48xf32, #tpu.memory_space<vmem_shared>> -> memref<640x48xf32, #tpu.memory_space<vmem_shared>>
      tpu.wait_dma2 semaphore(%run_scoped3A : memref<!tpu.dma_semaphore, #tpu.memory_space<semaphore_mem>>) src(%dma_wait3A_69 : memref<640x48xf32, #tpu.memory_space<vmem_shared>>) dst(%dma_wait3A_67 : memref<640x48xf32, #tpu.memory_space<hbm>>)
      tpu.yield
    }) : () -> ()
    return
  }
}

module attributes {stable_mosaic.version = 14 : i64} {
  func.func @body(%arg0: i32, %arg1: memref<5000x128xf32, #tpu.memory_space<vmem>>, %arg2: memref<128x128xf32, #tpu.memory_space<vmem>>, %arg3: memref<1x128xf32, #tpu.memory_space<vmem>>, %arg4: memref<5000x128xf32, #tpu.memory_space<vmem>>) attributes {dimension_semantics = [#tpu.dimension_semantics<arbitrary>], iteration_bounds = array<i64: 2>, scalar_prefetch = 0 : i64, scratch_operands = 0 : i64, tpu.core_type = #tpu.core_type<tc>, window_params = [{transform_indices = @transform_0, window_bounds = array<i64: 5000, 128>}, {pipeline_mode = #tpu.pipeline_mode<synchronous>, transform_indices = @transform_1, window_bounds = array<i64: 128, 128>}, {pipeline_mode = #tpu.pipeline_mode<synchronous>, transform_indices = @transform_2, window_bounds = array<i64: 1, 128>}, {transform_indices = @transform_3, window_bounds = array<i64: 5000, 128>}]} {
    %get3A = arith.constant 0 : index
    %get3A_0 = arith.constant 0 : index
    %get3A_1 = vector.load %arg1[%get3A, %get3A_0] : memref<5000x128xf32, #tpu.memory_space<vmem>>, vector<5000x128xf32>
    %get3A_2 = arith.constant 0 : index
    %get3A_3 = arith.constant 0 : index
    %get3A_4 = vector.load %arg2[%get3A_2, %get3A_3] : memref<128x128xf32, #tpu.memory_space<vmem>>, vector<128x128xf32>
    %dot_general3A = arith.constant dense<0.000000e+00> : vector<5000x128xf32>
    %dot_general3A_5 = tpu.matmul %get3A_1, %get3A_4, %dot_general3A {dimension_numbers = #tpu.dot_dimension_numbers<[1], [0], [0], [1], [0, 0, 1, 1], [], []>, transpose_lhs_hint = false} : vector<5000x128xf32>, vector<128x128xf32>, vector<5000x128xf32> -> vector<5000x128xf32>
    %get3A_6 = arith.constant 0 : index
    %get3A_7 = arith.constant 0 : index
    %get3A_8 = vector.load %arg3[%get3A_6, %get3A_7] : memref<1x128xf32, #tpu.memory_space<vmem>>, vector<1x128xf32>
    %add3A = vector.broadcast %get3A_8 : vector<1x128xf32> to vector<5000x128xf32>
    %add3A_9 = arith.addf %dot_general3A_5, %add3A : vector<5000x128xf32>
    %swap3A = arith.constant 0 : index
    %swap3A_10 = arith.constant 0 : index
    %swap3A_11 = vector.load %arg4[%swap3A, %swap3A_10] : memref<5000x128xf32, #tpu.memory_space<vmem>>, vector<5000x128xf32>
    tpu.vector_store %arg4[%swap3A, %swap3A_10], %add3A_9 {strides = array<i32>} : memref<5000x128xf32, #tpu.memory_space<vmem>>, vector<5000x128xf32>,
    return
  }
  func.func @transform_0(%arg0: i32) -> (i32, i32) {
    %c0_i32 = arith.constant 0 : i32
    %c0_i32_0 = arith.constant 0 : i32
    return %arg0, %c0_i32 : i32, i32
  }
  func.func @transform_1(%arg0: i32) -> (i32, i32) {
    %c0_i32 = arith.constant 0 : i32
    %c0_i32_0 = arith.constant 0 : i32
    %c0_i32_1 = arith.constant 0 : i32
    return %c0_i32, %c0_i32_0 : i32, i32
  }
  func.func @transform_2(%arg0: i32) -> (i32, i32) {
    %c0_i32 = arith.constant 0 : i32
    %c0_i32_0 = arith.constant 0 : i32
    %c0_i32_1 = arith.constant 0 : i32
    return %c0_i32, %c0_i32_0 : i32, i32
  }
  func.func @transform_3(%arg0: i32) -> (i32, i32) {
    %c0_i32 = arith.constant 0 : i32
    %c0_i32_0 = arith.constant 0 : i32
    return %arg0, %c0_i32 : i32, i32
  }
}

module attributes {stable_mosaic.version = 14 : i64} {
  func.func @body(%arg0: i32, %arg1: memref<5000x128xf32, #tpu.memory_space<vmem>>, %arg2: memref<2x5000x16xf32, #tpu.memory_space<vmem>>, %arg3: memref<5000x128xf32, #tpu.memory_space<vmem>>) attributes {dimension_semantics = [#tpu.dimension_semantics<arbitrary>], iteration_bounds = array<i64: 2>, scalar_prefetch = 0 : i64, scratch_operands = 0 : i64, tpu.core_type = #tpu.core_type<tc>, window_params = [{transform_indices = @transform_0, window_bounds = array<i64: 5000, 128>}, {transform_indices = @transform_1, window_bounds = array<i64: 2, 5000, 16>}, {transform_indices = @transform_2, window_bounds = array<i64: 5000, 128>}]} {
    %get3A = arith.constant 0 : index
    %get3A_0 = arith.constant 0 : index
    %get3A_1 = vector.load %arg1[%get3A, %get3A_0] : memref<5000x128xf32, #tpu.memory_space<vmem>>, vector<5000x128xf32>
    %get3A_2 = arith.constant 0 : index
    %get3A_3 = arith.constant 0 : index
    %get3A_4 = arith.constant 0 : index
    %get3A_5 = vector.load %arg2[%get3A_2, %get3A_3, %get3A_4] : memref<2x5000x16xf32, #tpu.memory_space<vmem>>, vector<1x5000x16xf32>
    %get3A_6 = vector.shape_cast %get3A_5 : vector<1x5000x16xf32> to vector<5000x16xf32>
    %get3A_7 = arith.constant 1 : index
    %get3A_8 = arith.constant 0 : index
    %get3A_9 = arith.constant 0 : index
    %get3A_10 = vector.load %arg2[%get3A_7, %get3A_8, %get3A_9] : memref<2x5000x16xf32, #tpu.memory_space<vmem>>, vector<1x5000x16xf32>
    %get3A_11 = vector.shape_cast %get3A_10 : vector<1x5000x16xf32> to vector<5000x16xf32>
    %add3A = arith.addf %get3A_6, %get3A_11 : vector<5000x16xf32>
    %slice3A = vector.extract_strided_slice %add3A {offsets = [0, 0], sizes = [5000, 1], strides = [1, 1]} : vector<5000x16xf32> to vector<5000x1xf32>
    %gt3A = arith.constant 0.000000e+00 : f32
    %gt3A_12 = vector.broadcast %gt3A : f32 to vector<5000x1xf32>
    %gt3A_13 = arith.cmpf ogt, %slice3A, %gt3A_12 : vector<5000x1xf32>
    %rsqrt3A = math.rsqrt %slice3A : vector<5000x1xf32>
    %jit3A = arith.constant 0.000000e+00 : f32
    %broadcast_in_dim3A = vector.broadcast %jit3A : f32 to vector<5000x1xf32>
    %select_n3A = arith.select %gt3A_13, %rsqrt3A, %broadcast_in_dim3A : vector<5000x1xi1>, vector<5000x1xf32>
    %mul3A = vector.broadcast %select_n3A : vector<5000x1xf32> to vector<5000x128xf32>
    %mul3A_14 = arith.mulf %get3A_1, %mul3A : vector<5000x128xf32>
    %swap3A = arith.constant 0 : index
    %swap3A_15 = arith.constant 0 : index
    %swap3A_16 = vector.load %arg3[%swap3A, %swap3A_15] : memref<5000x128xf32, #tpu.memory_space<vmem>>, vector<5000x128xf32>
    tpu.vector_store %arg3[%swap3A, %swap3A_15], %mul3A_14 {strides = array<i32>} : memref<5000x128xf32, #tpu.memory_space<vmem>>, vector<5000x128xf32>,
    return
  }
  func.func @transform_0(%arg0: i32) -> (i32, i32) {
    %c0_i32 = arith.constant 0 : i32
    %c0_i32_0 = arith.constant 0 : i32
    return %arg0, %c0_i32 : i32, i32
  }
  func.func @transform_1(%arg0: i32) -> (i32, i32, i32) {
    %c0_i32 = arith.constant 0 : i32
    %c0_i32_0 = arith.constant 0 : i32
    %c0_i32_1 = arith.constant 0 : i32
    return %c0_i32, %arg0, %c0_i32_0 : i32, i32, i32
  }
  func.func @transform_2(%arg0: i32) -> (i32, i32) {
    %c0_i32 = arith.constant 0 : i32
    %c0_i32_0 = arith.constant 0 : i32
    return %arg0, %c0_i32 : i32, i32
  }
}

module attributes {stable_mosaic.version = 14 : i64} {
  func.func @body(%arg0: i32, %arg1: memref<2x5000x128xf32, #tpu.memory_space<vmem>>, %arg2: memref<2x5000x16xf32, #tpu.memory_space<vmem>>, %arg3: memref<5000x128xf32, #tpu.memory_space<vmem>>) attributes {dimension_semantics = [#tpu.dimension_semantics<arbitrary>], iteration_bounds = array<i64: 1>, scalar_prefetch = 0 : i64, scratch_operands = 0 : i64, tpu.core_type = #tpu.core_type<tc>, window_params = [{transform_indices = @transform_0, window_bounds = array<i64: 2, 5000, 128>}, {transform_indices = @transform_1, window_bounds = array<i64: 2, 5000, 16>}, {transform_indices = @transform_2, window_bounds = array<i64: 5000, 128>}]} {
    %get3A = arith.constant 0 : index
    %get3A_0 = arith.constant 0 : index
    %get3A_1 = arith.constant 0 : index
    %get3A_2 = vector.load %arg2[%get3A, %get3A_0, %get3A_1] : memref<2x5000x16xf32, #tpu.memory_space<vmem>>, vector<1x5000x16xf32>
    %get3A_3 = vector.shape_cast %get3A_2 : vector<1x5000x16xf32> to vector<5000x16xf32>
    %get3A_4 = arith.constant 1 : index
    %get3A_5 = arith.constant 0 : index
    %get3A_6 = arith.constant 0 : index
    %get3A_7 = vector.load %arg2[%get3A_4, %get3A_5, %get3A_6] : memref<2x5000x16xf32, #tpu.memory_space<vmem>>, vector<1x5000x16xf32>
    %get3A_8 = vector.shape_cast %get3A_7 : vector<1x5000x16xf32> to vector<5000x16xf32>
    %add3A = arith.addf %get3A_3, %get3A_8 : vector<5000x16xf32>
    %slice3A = vector.extract_strided_slice %add3A {offsets = [0, 0], sizes = [5000, 1], strides = [1, 1]} : vector<5000x16xf32> to vector<5000x1xf32>
    %gt3A = arith.constant 0.000000e+00 : f32
    %gt3A_9 = vector.broadcast %gt3A : f32 to vector<5000x1xf32>
    %gt3A_10 = arith.cmpf ogt, %slice3A, %gt3A_9 : vector<5000x1xf32>
    %div3A = arith.constant 1.000000e+00 : f32
    %div3A_11 = vector.broadcast %div3A : f32 to vector<5000x1xf32>
    %div3A_12 = arith.divf %div3A_11, %slice3A : vector<5000x1xf32>
    %jit3A = arith.constant 0.000000e+00 : f32
    %broadcast_in_dim3A = vector.broadcast %jit3A : f32 to vector<5000x1xf32>
    %select_n3A = arith.select %gt3A_10, %div3A_12, %broadcast_in_dim3A : vector<5000x1xi1>, vector<5000x1xf32>
    %get3A_13 = arith.constant 0 : index
    %get3A_14 = arith.constant 0 : index
    %get3A_15 = arith.constant 0 : index
    %get3A_16 = vector.load %arg1[%get3A_13, %get3A_14, %get3A_15] : memref<2x5000x128xf32, #tpu.memory_space<vmem>>, vector<1x5000x128xf32>
    %get3A_17 = vector.shape_cast %get3A_16 : vector<1x5000x128xf32> to vector<5000x128xf32>
    %get3A_18 = arith.constant 1 : index
    %get3A_19 = arith.constant 0 : index
    %get3A_20 = arith.constant 0 : index
    %get3A_21 = vector.load %arg1[%get3A_18, %get3A_19, %get3A_20] : memref<2x5000x128xf32, #tpu.memory_space<vmem>>, vector<1x5000x128xf32>
    %get3A_22 = vector.shape_cast %get3A_21 : vector<1x5000x128xf32> to vector<5000x128xf32>
    %add3A_23 = arith.addf %get3A_17, %get3A_22 : vector<5000x128xf32>
    %mul3A = vector.broadcast %select_n3A : vector<5000x1xf32> to vector<5000x128xf32>
    %mul3A_24 = arith.mulf %add3A_23, %mul3A : vector<5000x128xf32>
    %swap3A = arith.constant 0 : index
    %swap3A_25 = arith.constant 0 : index
    %swap3A_26 = vector.load %arg3[%swap3A, %swap3A_25] : memref<5000x128xf32, #tpu.memory_space<vmem>>, vector<5000x128xf32>
    tpu.vector_store %arg3[%swap3A, %swap3A_25], %mul3A_24 {strides = array<i32>} : memref<5000x128xf32, #tpu.memory_space<vmem>>, vector<5000x128xf32>,
    return
  }
  func.func @transform_0(%arg0: i32) -> (i32, i32, i32) {
    %c0_i32 = arith.constant 0 : i32
    %c0_i32_0 = arith.constant 0 : i32
    %c0_i32_1 = arith.constant 0 : i32
    return %c0_i32, %arg0, %c0_i32_0 : i32, i32, i32
  }
  func.func @transform_1(%arg0: i32) -> (i32, i32, i32) {
    %c0_i32 = arith.constant 0 : i32
    %c0_i32_0 = arith.constant 0 : i32
    %c0_i32_1 = arith.constant 0 : i32
    return %c0_i32, %arg0, %c0_i32_0 : i32, i32, i32
  }
  func.func @transform_2(%arg0: i32) -> (i32, i32) {
    %c0_i32 = arith.constant 0 : i32
    %c0_i32_0 = arith.constant 0 : i32
    return %arg0, %c0_i32 : i32, i32
  }
}

module attributes {stable_mosaic.version = 14 : i64} {
  func.func @body(%arg0: i32, %arg1: memref<2x5000x128xf32, #tpu.memory_space<vmem>>, %arg2: memref<2x5000x16xf32, #tpu.memory_space<vmem>>, %arg3: memref<128x48xf32, #tpu.memory_space<vmem>>, %arg4: memref<1x48xf32, #tpu.memory_space<vmem>>, %arg5: memref<5000x48xf32, #tpu.memory_space<vmem>>) attributes {dimension_semantics = [#tpu.dimension_semantics<arbitrary>], iteration_bounds = array<i64: 2>, scalar_prefetch = 0 : i64, scratch_operands = 0 : i64, tpu.core_type = #tpu.core_type<tc>, window_params = [{transform_indices = @transform_0, window_bounds = array<i64: 2, 5000, 128>}, {transform_indices = @transform_1, window_bounds = array<i64: 2, 5000, 16>}, {pipeline_mode = #tpu.pipeline_mode<synchronous>, transform_indices = @transform_2, window_bounds = array<i64: 128, 48>}, {pipeline_mode = #tpu.pipeline_mode<synchronous>, transform_indices = @transform_3, window_bounds = array<i64: 1, 48>}, {transform_indices = @transform_4, window_bounds = array<i64: 5000, 48>}]} {
    %get3A = arith.constant 0 : index
    %get3A_0 = arith.constant 0 : index
    %get3A_1 = arith.constant 0 : index
    %get3A_2 = vector.load %arg2[%get3A, %get3A_0, %get3A_1] : memref<2x5000x16xf32, #tpu.memory_space<vmem>>, vector<1x5000x16xf32>
    %get3A_3 = vector.shape_cast %get3A_2 : vector<1x5000x16xf32> to vector<5000x16xf32>
    %get3A_4 = arith.constant 1 : index
    %get3A_5 = arith.constant 0 : index
    %get3A_6 = arith.constant 0 : index
    %get3A_7 = vector.load %arg2[%get3A_4, %get3A_5, %get3A_6] : memref<2x5000x16xf32, #tpu.memory_space<vmem>>, vector<1x5000x16xf32>
    %get3A_8 = vector.shape_cast %get3A_7 : vector<1x5000x16xf32> to vector<5000x16xf32>
    %add3A = arith.addf %get3A_3, %get3A_8 : vector<5000x16xf32>
    %slice3A = vector.extract_strided_slice %add3A {offsets = [0, 0], sizes = [5000, 1], strides = [1, 1]} : vector<5000x16xf32> to vector<5000x1xf32>
    %gt3A = arith.constant 0.000000e+00 : f32
    %gt3A_9 = vector.broadcast %gt3A : f32 to vector<5000x1xf32>
    %gt3A_10 = arith.cmpf ogt, %slice3A, %gt3A_9 : vector<5000x1xf32>
    %rsqrt3A = math.rsqrt %slice3A : vector<5000x1xf32>
    %jit3A = arith.constant 0.000000e+00 : f32
    %broadcast_in_dim3A = vector.broadcast %jit3A : f32 to vector<5000x1xf32>
    %select_n3A = arith.select %gt3A_10, %rsqrt3A, %broadcast_in_dim3A : vector<5000x1xi1>, vector<5000x1xf32>
    %get3A_11 = arith.constant 0 : index
    %get3A_12 = arith.constant 0 : index
    %get3A_13 = arith.constant 0 : index
    %get3A_14 = vector.load %arg1[%get3A_11, %get3A_12, %get3A_13] : memref<2x5000x128xf32, #tpu.memory_space<vmem>>, vector<1x5000x128xf32>
    %get3A_15 = vector.shape_cast %get3A_14 : vector<1x5000x128xf32> to vector<5000x128xf32>
    %get3A_16 = arith.constant 1 : index
    %get3A_17 = arith.constant 0 : index
    %get3A_18 = arith.constant 0 : index
    %get3A_19 = vector.load %arg1[%get3A_16, %get3A_17, %get3A_18] : memref<2x5000x128xf32, #tpu.memory_space<vmem>>, vector<1x5000x128xf32>
    %get3A_20 = vector.shape_cast %get3A_19 : vector<1x5000x128xf32> to vector<5000x128xf32>
    %add3A_21 = arith.addf %get3A_15, %get3A_20 : vector<5000x128xf32>
    %mul3A = vector.broadcast %select_n3A : vector<5000x1xf32> to vector<5000x128xf32>
    %mul3A_22 = arith.mulf %add3A_21, %mul3A : vector<5000x128xf32>
    %max3A = arith.constant 0.000000e+00 : f32
    %max3A_23 = vector.broadcast %max3A : f32 to vector<5000x128xf32>
    %max3A_24 = arith.maximumf %mul3A_22, %max3A_23 : vector<5000x128xf32>
    %get3A_25 = arith.constant 0 : index
    %get3A_26 = arith.constant 0 : index
    %get3A_27 = vector.load %arg3[%get3A_25, %get3A_26] : memref<128x48xf32, #tpu.memory_space<vmem>>, vector<128x48xf32>
    %dot_general3A = arith.constant dense<0.000000e+00> : vector<5000x48xf32>
    %dot_general3A_28 = tpu.matmul %max3A_24, %get3A_27, %dot_general3A {dimension_numbers = #tpu.dot_dimension_numbers<[1], [0], [0], [1], [0, 0, 1, 1], [], []>, transpose_lhs_hint = false} : vector<5000x128xf32>, vector<128x48xf32>, vector<5000x48xf32> -> vector<5000x48xf32>
    %get3A_29 = arith.constant 0 : index
    %get3A_30 = arith.constant 0 : index
    %get3A_31 = vector.load %arg4[%get3A_29, %get3A_30] : memref<1x48xf32, #tpu.memory_space<vmem>>, vector<1x48xf32>
    %add3A_32 = vector.broadcast %get3A_31 : vector<1x48xf32> to vector<5000x48xf32>
    %add3A_33 = arith.addf %dot_general3A_28, %add3A_32 : vector<5000x48xf32>
    %mul3A_34 = vector.broadcast %select_n3A : vector<5000x1xf32> to vector<5000x48xf32>
    %mul3A_35 = arith.mulf %add3A_33, %mul3A_34 : vector<5000x48xf32>
    %swap3A = arith.constant 0 : index
    %swap3A_36 = arith.constant 0 : index
    %swap3A_37 = vector.load %arg5[%swap3A, %swap3A_36] : memref<5000x48xf32, #tpu.memory_space<vmem>>, vector<5000x48xf32>
    tpu.vector_store %arg5[%swap3A, %swap3A_36], %mul3A_35 {strides = array<i32>} : memref<5000x48xf32, #tpu.memory_space<vmem>>, vector<5000x48xf32>,
    return
  }
  func.func @transform_0(%arg0: i32) -> (i32, i32, i32) {
    %c0_i32 = arith.constant 0 : i32
    %c0_i32_0 = arith.constant 0 : i32
    %c0_i32_1 = arith.constant 0 : i32
    return %c0_i32, %arg0, %c0_i32_0 : i32, i32, i32
  }
  func.func @transform_1(%arg0: i32) -> (i32, i32, i32) {
    %c0_i32 = arith.constant 0 : i32
    %c0_i32_0 = arith.constant 0 : i32
    %c0_i32_1 = arith.constant 0 : i32
    return %c0_i32, %arg0, %c0_i32_0 : i32, i32, i32
  }
  func.func @transform_2(%arg0: i32) -> (i32, i32) {
    %c0_i32 = arith.constant 0 : i32
    %c0_i32_0 = arith.constant 0 : i32
    %c0_i32_1 = arith.constant 0 : i32
    return %c0_i32, %c0_i32_0 : i32, i32
  }
  func.func @transform_3(%arg0: i32) -> (i32, i32) {
    %c0_i32 = arith.constant 0 : i32
    %c0_i32_0 = arith.constant 0 : i32
    %c0_i32_1 = arith.constant 0 : i32
    return %c0_i32, %c0_i32_0 : i32, i32
  }
  func.func @transform_4(%arg0: i32) -> (i32, i32) {
    %c0_i32 = arith.constant 0 : i32
    %c0_i32_0 = arith.constant 0 : i32
    return %arg0, %c0_i32 : i32, i32
  }
}

module attributes {stable_mosaic.version = 14 : i64} {
  func.func @body(%arg0: i32, %arg1: memref<2x5000x48xf32, #tpu.memory_space<vmem>>, %arg2: memref<2x5000x16xf32, #tpu.memory_space<vmem>>, %arg3: memref<5000x48xf32, #tpu.memory_space<vmem>>) attributes {dimension_semantics = [#tpu.dimension_semantics<arbitrary>], iteration_bounds = array<i64: 1>, scalar_prefetch = 0 : i64, scratch_operands = 0 : i64, tpu.core_type = #tpu.core_type<tc>, window_params = [{transform_indices = @transform_0, window_bounds = array<i64: 2, 5000, 48>}, {transform_indices = @transform_1, window_bounds = array<i64: 2, 5000, 16>}, {transform_indices = @transform_2, window_bounds = array<i64: 5000, 48>}]} {
    %get3A = arith.constant 0 : index
    %get3A_0 = arith.constant 0 : index
    %get3A_1 = arith.constant 0 : index
    %get3A_2 = vector.load %arg2[%get3A, %get3A_0, %get3A_1] : memref<2x5000x16xf32, #tpu.memory_space<vmem>>, vector<1x5000x16xf32>
    %get3A_3 = vector.shape_cast %get3A_2 : vector<1x5000x16xf32> to vector<5000x16xf32>
    %get3A_4 = arith.constant 1 : index
    %get3A_5 = arith.constant 0 : index
    %get3A_6 = arith.constant 0 : index
    %get3A_7 = vector.load %arg2[%get3A_4, %get3A_5, %get3A_6] : memref<2x5000x16xf32, #tpu.memory_space<vmem>>, vector<1x5000x16xf32>
    %get3A_8 = vector.shape_cast %get3A_7 : vector<1x5000x16xf32> to vector<5000x16xf32>
    %add3A = arith.addf %get3A_3, %get3A_8 : vector<5000x16xf32>
    %slice3A = vector.extract_strided_slice %add3A {offsets = [0, 0], sizes = [5000, 1], strides = [1, 1]} : vector<5000x16xf32> to vector<5000x1xf32>
    %gt3A = arith.constant 0.000000e+00 : f32
    %gt3A_9 = vector.broadcast %gt3A : f32 to vector<5000x1xf32>
    %gt3A_10 = arith.cmpf ogt, %slice3A, %gt3A_9 : vector<5000x1xf32>
    %div3A = arith.constant 1.000000e+00 : f32
    %div3A_11 = vector.broadcast %div3A : f32 to vector<5000x1xf32>
    %div3A_12 = arith.divf %div3A_11, %slice3A : vector<5000x1xf32>
    %jit3A = arith.constant 0.000000e+00 : f32
    %broadcast_in_dim3A = vector.broadcast %jit3A : f32 to vector<5000x1xf32>
    %select_n3A = arith.select %gt3A_10, %div3A_12, %broadcast_in_dim3A : vector<5000x1xi1>, vector<5000x1xf32>
    %get3A_13 = arith.constant 0 : index
    %get3A_14 = arith.constant 0 : index
    %get3A_15 = arith.constant 0 : index
    %get3A_16 = vector.load %arg1[%get3A_13, %get3A_14, %get3A_15] : memref<2x5000x48xf32, #tpu.memory_space<vmem>>, vector<1x5000x48xf32>
    %get3A_17 = vector.shape_cast %get3A_16 : vector<1x5000x48xf32> to vector<5000x48xf32>
    %get3A_18 = arith.constant 1 : index
    %get3A_19 = arith.constant 0 : index
    %get3A_20 = arith.constant 0 : index
    %get3A_21 = vector.load %arg1[%get3A_18, %get3A_19, %get3A_20] : memref<2x5000x48xf32, #tpu.memory_space<vmem>>, vector<1x5000x48xf32>
    %get3A_22 = vector.shape_cast %get3A_21 : vector<1x5000x48xf32> to vector<5000x48xf32>
    %add3A_23 = arith.addf %get3A_17, %get3A_22 : vector<5000x48xf32>
    %mul3A = vector.broadcast %select_n3A : vector<5000x1xf32> to vector<5000x48xf32>
    %mul3A_24 = arith.mulf %add3A_23, %mul3A : vector<5000x48xf32>
    %swap3A = arith.constant 0 : index
    %swap3A_25 = arith.constant 0 : index
    %swap3A_26 = vector.load %arg3[%swap3A, %swap3A_25] : memref<5000x48xf32, #tpu.memory_space<vmem>>, vector<5000x48xf32>
    tpu.vector_store %arg3[%swap3A, %swap3A_25], %mul3A_24 {strides = array<i32>} : memref<5000x48xf32, #tpu.memory_space<vmem>>, vector<5000x48xf32>,
    return
  }
  func.func @transform_0(%arg0: i32) -> (i32, i32, i32) {
    %c0_i32 = arith.constant 0 : i32
    %c0_i32_0 = arith.constant 0 : i32
    %c0_i32_1 = arith.constant 0 : i32
    return %c0_i32, %arg0, %c0_i32_0 : i32, i32, i32
  }
  func.func @transform_1(%arg0: i32) -> (i32, i32, i32) {
    %c0_i32 = arith.constant 0 : i32
    %c0_i32_0 = arith.constant 0 : i32
    %c0_i32_1 = arith.constant 0 : i32
    return %c0_i32, %arg0, %c0_i32_0 : i32, i32, i32
  }
  func.func @transform_2(%arg0: i32) -> (i32, i32) {
    %c0_i32 = arith.constant 0 : i32
    %c0_i32_0 = arith.constant 0 : i32
    return %arg0, %c0_i32 : i32, i32
  }
}

module attributes {stable_mosaic.version = 14 : i64} {
  func.func @body(%arg0: i32, %arg1: memref<2x5000x48xf32, #tpu.memory_space<vmem>>, %arg2: memref<2x5000x16xf32, #tpu.memory_space<vmem>>, %arg3: memref<5000x40xf32, #tpu.memory_space<vmem>>) attributes {dimension_semantics = [#tpu.dimension_semantics<arbitrary>], iteration_bounds = array<i64: 2>, scalar_prefetch = 0 : i64, scratch_operands = 0 : i64, tpu.core_type = #tpu.core_type<tc>, window_params = [{transform_indices = @transform_0, window_bounds = array<i64: 2, 5000, 48>}, {transform_indices = @transform_1, window_bounds = array<i64: 2, 5000, 16>}, {transform_indices = @transform_2, window_bounds = array<i64: 5000, 40>}]} {
    %get3A = arith.constant 0 : index
    %get3A_0 = arith.constant 0 : index
    %get3A_1 = arith.constant 0 : index
    %get3A_2 = vector.load %arg1[%get3A, %get3A_0, %get3A_1] : memref<2x5000x48xf32, #tpu.memory_space<vmem>>, vector<1x5000x48xf32>
    %get3A_3 = vector.shape_cast %get3A_2 : vector<1x5000x48xf32> to vector<5000x48xf32>
    %get3A_4 = arith.constant 1 : index
    %get3A_5 = arith.constant 0 : index
    %get3A_6 = arith.constant 0 : index
    %get3A_7 = vector.load %arg1[%get3A_4, %get3A_5, %get3A_6] : memref<2x5000x48xf32, #tpu.memory_space<vmem>>, vector<1x5000x48xf32>
    %get3A_8 = vector.shape_cast %get3A_7 : vector<1x5000x48xf32> to vector<5000x48xf32>
    %add3A = arith.addf %get3A_3, %get3A_8 : vector<5000x48xf32>
    %get3A_9 = arith.constant 0 : index
    %get3A_10 = arith.constant 0 : index
    %get3A_11 = arith.constant 0 : index
    %get3A_12 = vector.load %arg2[%get3A_9, %get3A_10, %get3A_11] : memref<2x5000x16xf32, #tpu.memory_space<vmem>>, vector<1x5000x16xf32>
    %get3A_13 = vector.shape_cast %get3A_12 : vector<1x5000x16xf32> to vector<5000x16xf32>
    %get3A_14 = arith.constant 1 : index
    %get3A_15 = arith.constant 0 : index
    %get3A_16 = arith.constant 0 : index
    %get3A_17 = vector.load %arg2[%get3A_14, %get3A_15, %get3A_16] : memref<2x5000x16xf32, #tpu.memory_space<vmem>>, vector<1x5000x16xf32>
    %get3A_18 = vector.shape_cast %get3A_17 : vector<1x5000x16xf32> to vector<5000x16xf32>
    %add3A_19 = arith.addf %get3A_13, %get3A_18 : vector<5000x16xf32>
    %slice3A = vector.extract_strided_slice %add3A_19 {offsets = [0, 0], sizes = [5000, 1], strides = [1, 1]} : vector<5000x16xf32> to vector<5000x1xf32>
    %gt3A = arith.constant 0.000000e+00 : f32
    %gt3A_20 = vector.broadcast %gt3A : f32 to vector<5000x1xf32>
    %gt3A_21 = arith.cmpf ogt, %slice3A, %gt3A_20 : vector<5000x1xf32>
    %rsqrt3A = math.rsqrt %slice3A : vector<5000x1xf32>
    %jit3A = arith.constant 0.000000e+00 : f32
    %broadcast_in_dim3A = vector.broadcast %jit3A : f32 to vector<5000x1xf32>
    %select_n3A = arith.select %gt3A_21, %rsqrt3A, %broadcast_in_dim3A : vector<5000x1xi1>, vector<5000x1xf32>
    %mul3A = vector.broadcast %select_n3A : vector<5000x1xf32> to vector<5000x48xf32>
    %mul3A_22 = arith.mulf %add3A, %mul3A : vector<5000x48xf32>
    %slice3A_23 = vector.extract_strided_slice %mul3A_22 {offsets = [0, 0], sizes = [5000, 40], strides = [1, 1]} : vector<5000x48xf32> to vector<5000x40xf32>
    %swap3A = arith.constant 0 : index
    %swap3A_24 = arith.constant 0 : index
    %swap3A_25 = vector.load %arg3[%swap3A, %swap3A_24] : memref<5000x40xf32, #tpu.memory_space<vmem>>, vector<5000x40xf32>
    tpu.vector_store %arg3[%swap3A, %swap3A_24], %slice3A_23 {strides = array<i32>} : memref<5000x40xf32, #tpu.memory_space<vmem>>, vector<5000x40xf32>,
    return
  }
  func.func @transform_0(%arg0: i32) -> (i32, i32, i32) {
    %c0_i32 = arith.constant 0 : i32
    %c0_i32_0 = arith.constant 0 : i32
    %c0_i32_1 = arith.constant 0 : i32
    return %c0_i32, %arg0, %c0_i32_0 : i32, i32, i32
  }
  func.func @transform_1(%arg0: i32) -> (i32, i32, i32) {
    %c0_i32 = arith.constant 0 : i32
    %c0_i32_0 = arith.constant 0 : i32
    %c0_i32_1 = arith.constant 0 : i32
    return %c0_i32, %arg0, %c0_i32_0 : i32, i32, i32
  }
  func.func @transform_2(%arg0: i32) -> (i32, i32) {
    %c0_i32 = arith.constant 0 : i32
    %c0_i32_0 = arith.constant 0 : i32
    return %arg0, %c0_i32 : i32, i32
  }
}

</mosaic_0001>

<sc_bundles>
// kernel: kernel.13.cloned.1.call-start
scs
__scs_entry_jumppad:
0x0: {  	(pc) =	sbr.rel $0x88, $3  }
0x1: {  	(tag) =	ssettag $0x0;
	lr =	simm.s32 $0x1  }
0x2: {  	[smem:$0x3F9A] =	sst lr;
	_ =	strace $0xD0000000  }
0x3: {  	_ = 	snop  }
0x4: {  	_ = 	snop  }
0x5: {  	_ = 	snop  }
0x6: {  	_ = 	snop  }
0x7: {  	_ = 	snop  }
__scs_overlays_trampoline_lowered:
0x8: {  	[smem:$0x3FA9] =	sst s0  }
0x9: {  	[smem:$0x3FAA] =	sst s1  }
0xa: {  	[smem:$0x3FAB] =	sst s2  }
0xb: {  	[smem:$0x3FAC] =	sst s3  }
0xc: {  	[smem:$0x3FAD] =	sst s4  }
0xd: {  	[smem:$0x3FAE] =	sst s5  }
0xe: {  	[smem:$0x3FAF] =	sst s6  }
0xf: {  	[smem:$0x3FB0] =	sst s7  }
0x10: {  	[smem:$0x3FB1] =	sst s8  }
0x11: {  	[smem:$0x3FB2] =	sst s9;
	s0 =	simm.s32 @!p0 $0x0  }
0x12: {  	s1 =	sld [smem:$0x3F98];
	s0 =	simm.s32 @p0 $0x1  }
0x13: {  	[smem:$0x3FB3] =	sst s0;
	s0 =	simm.s32 @!p1 $0x0  }
0x14: {  	s2 =	sld [smem:$0x3F97];
	s0 =	simm.s32 @p1 $0x1  }
0x15: {  	[smem:$0x3FB4] =	sst s0;
	s0 =	simm.s32 @!p2 $0x0  }
0x16: {  	s3 =	sld [smem:$0x3FDB];
	s0 =	simm.s32 @p2 $0x1  }
0x17: {  	s4 =	simm.s32 $0x1BF5;
	[smem:$0x3FB6] =	sst s0  }
0x18: {  	s0 =	sld [smem:$0x3F99];
	_ =	swait.ge [sflag:s4], $0x0  }
0x19: {  	s7 =	sld [smem:$0x3F9A]  }
0x1a: {  	s8 =	sadd.s32 $0xFFFFE003, lr  }
0x1b: {  	s9 =	sadd.s32 $0xFFFFFEF7, lr;
	s5 =	simm.s32 $0xFFFFFFFF;
	p2 =	slt.u32 s8, $0xFFFFF086  }
0x1c: {  	p1 =	slt.u32 s9, $0xF7A;
	s5 =	simm.s32 @!p2 $0x0  }
0x1d: {  	s5 =	simm.s32 @p1 $0x1;
	p0 =	seq.s32 s7, s2  }
0x1e: {  	s7 =	smul.u32 @!p0 $0xF7A, s2;
	p2 =	seq.s32 @!p0 s5, $0x0  }
0x1f: {  	s9 =	smul.u32 $0xF7A, s1;
	s8 =	simm.s32 @!p0 $0x1BF5;
	p2 =	por !p2, p0  }
0x20: {  	[sflag:s8] =	ssyncset.s32 @!p0 $0xFFFFF086;
	s6 =	sadd.s32 @!p0 s3, s7;
	s7 =	simm.s32 @!p0 $0x108  }
0x21: {  	s3 =	sadd.s32 s3, s9;
	s6 =	sadd.s32 @!p0 $0x88, s6;
	s7 =	simm.s32 @p2 $0x1082  }
0x22: {  	[simem:s7], [sflag:s8] =	dma.local @!p0 [hbm:s6], $0xF7A  }
0x23: {  	s9 =	sor.u32 $0xD0000000, s2;
	s6 =	simm.s32 $0x108;
	_ =	swait.ge @!p0 [sflag:s8], $0x0  }
0x24: {  	s3 =	sadd.s32 $0x88, s3;
	s6 =	simm.s32 @!p1 $0x1082;
	[sflag:s4] =	ssyncset.s32 $0xFFFFF086  }
0x25: {  	[simem:s6], [sflag:s4] =	dma.local [hbm:s3], $0xF7A  }
0x26: {  	[smem:$0x3F9A] =	sst s1;
	(tag) =	ssettag s2;
	_ =	strace s9  }
0x27: {  	s1 =	sld [smem:$0x3FAA]  }
0x28: {  	s2 =	sld [smem:$0x3FAB]  }
0x29: {  	s4 =	sld [smem:$0x3FAD]  }
0x2a: {  	p0 =	seq.s32 s5, $0x0;
	s5 =	sld [smem:$0x3FAE]  }
0x2b: {  	s6 =	sld [smem:$0x3FAF]  }
0x2c: {  	s7 =	sld [smem:$0x3FB0]  }
0x2d: {  	s3 =	simm.s32 $0x108;
	s8 =	sld [smem:$0x3FB1]  }
0x2e: {  	s3 =	simm.s32 @!p0 $0x1082;
	s9 =	sld [smem:$0x3FB2]  }
0x2f: {  	lr =	sadd.s32 s0, s3;
	s0 =	sld [smem:$0x3FA9]  }
0x30: {  	s3 =	sld [smem:$0x3FAC]  }
0x31: {  	[smem:$0x3FB5] =	sst s10  }
0x32: {  	s10 =	sld [smem:$0x3FB3];
	_ =	sdelay $0x3  }
0x33: {  	p0 =	seq.s32 s10, $0x1;
	s10 =	sld [smem:$0x3FB5];
	_ =	sdelay $0x3  }
0x34: {  	[smem:$0x3FB5] =	sst s10  }
0x35: {  	s10 =	sld [smem:$0x3FB4];
	_ =	sdelay $0x3  }
0x36: {  	p1 =	seq.s32 s10, $0x1;
	s10 =	sld [smem:$0x3FB5];
	_ =	sdelay $0x3  }
0x37: {  	[smem:$0x3FB5] =	sst s10  }
0x38: {  	s10 =	sld [smem:$0x3FB6]  }
0x39: {  	_ = 	snop;
	(pc) =	sbr.ind lr, $3  }
0x3a: {  	_ = 	snop  }
0x3b: {  	_ = 	snop  }
0x3c: {  	p2 =	seq.s32 s10, $0x1;
	s10 =	sld [smem:$0x3FB5]  }
0x3d: {  	_ =	shalt  }
0x3e: {  	_ =	shalt  }
0x3f: {  	_ =	shalt  }
0x40: {  	_ =	shalt  }
0x41: {  	_ =	shalt  }
0x42: {  	_ =	shalt  }
0x43: {  	_ =	shalt  }
0x44: {  	_ =	shalt  }
0x45: {  	_ =	shalt  }
0x46: {  	_ =	shalt  }
0x47: {  	_ =	shalt  }
0x48: {  	_ =	shalt  }
0x49: {  	_ =	shalt  }
0x4a: {  	_ =	shalt  }
0x4b: {  	_ =	shalt  }
0x4c: {  	_ =	shalt  }
0x4d: {  	_ =	shalt  }
0x4e: {  	_ =	shalt  }
0x4f: {  	_ =	shalt  }
0x50: {  	_ =	shalt  }
0x51: {  	_ =	shalt  }
0x52: {  	_ =	shalt  }
0x53: {  	_ =	shalt  }
0x54: {  	_ =	shalt  }
0x55: {  	_ =	shalt  }
0x56: {  	_ =	shalt  }
0x57: {  	_ =	shalt  }
0x58: {  	_ =	shalt  }
0x59: {  	_ =	shalt  }
0x5a: {  	_ =	shalt  }
0x5b: {  	_ =	shalt  }
0x5c: {  	_ =	shalt  }
0x5d: {  	_ =	shalt  }
0x5e: {  	_ =	shalt  }
0x5f: {  	_ =	shalt  }
0x60: {  	_ =	shalt  }
0x61: {  	_ =	shalt  }
0x62: {  	_ =	shalt  }
0x63: {  	_ =	shalt  }
0x64: {  	_ =	shalt  }
0x65: {  	_ =	shalt  }
0x66: {  	_ =	shalt  }
0x67: {  	_ =	shalt  }
0x68: {  	_ =	shalt  }
0x69: {  	_ =	shalt  }
0x6a: {  	_ =	shalt  }
0x6b: {  	_ =	shalt  }
0x6c: {  	_ =	shalt  }
0x6d: {  	_ =	shalt  }
0x6e: {  	_ =	shalt  }
0x6f: {  	_ =	shalt  }
0x70: {  	_ =	shalt  }
0x71: {  	_ =	shalt  }
0x72: {  	_ =	shalt  }
0x73: {  	_ =	shalt  }
0x74: {  	_ =	shalt  }
0x75: {  	_ =	shalt  }
0x76: {  	_ =	shalt  }
0x77: {  	_ =	shalt  }
0x78: {  	_ =	shalt  }
0x79: {  	_ =	shalt  }
0x7a: {  	_ =	shalt  }
0x7b: {  	_ =	shalt  }
0x7c: {  	_ =	shalt  }
0x7d: {  	_ =	shalt  }
0x7e: {  	_ =	shalt  }
0x7f: {  	_ =	shalt  }
0x80: {  	_ =	shalt  }
0x81: {  	_ =	shalt  }
0x82: {  	_ =	shalt  }
0x83: {  	_ =	shalt  }
0x84: {  	_ =	shalt  }
0x85: {  	_ =	shalt  }
0x86: {  	_ =	shalt  }
0x87: {  	_ =	shalt  }
.Lfunc_end0:
.L_simem_size_0:
called_computation_lowered:
.L_overlay_start_0:
0x88: {  	s2 =	sld [smem:$0x3FD9]  }
0x89: {  	s3 =	sld [smem:$0x3FFE];
	_ =	sdelay $0x1  }
0x8a: {  	s1 =	srdreg.scid  }
0x8b: {  	s0 =	sand.u32 $0x1, s1  }
0x8c: {  	s17 =	sshll.u32 s0, $0xA;
	s2 =	sadd.s32 s3, s2  }
0x8d: {  	s2 =	sadd.s32 s2, s17  }
0x8e: {  	[smem:$0x3FC1] =	sst s2  }
0x8f: {  	_ = 	snop  }
0x90: {  	s2 =	sld [smem:$0x3FC8]  }
0x91: {  	s18 =	sld [smem:$0x3FC7]  }
0x92: {  	s4 =	sld [smem:$0x3FD0];
	(tm) =	ssettm $0x1  }
0x93: {  	s5 =	sld [smem:$0x3FFB];
	_ =	sdelay $0x3  }
0x94: {  	_ =	strace s5  }
0x95: {  	s5 =	sld [smem:$0x3FFC];
	_ =	sdelay $0x3  }
0x96: {  	_ =	strace s5  }
0x97: {  	s5 =	sld [smem:$0x3FFD];
	_ =	sdelay $0x3  }
0x98: {  	_ =	strace s5  }
0x99: {  	_ =	strace $0x8FFFFFFF  }
0x9a: {  	s19 =	sld [smem:$0x3FDB];
	_ =	sdelay $0x1  }
0x9b: {  	s6 =	simm.s32 $_scs_section_size  }
0x9c: {  	s7 =	simm.s32 $_size__tile_overlayer_lowered;
	s8 =	simm.s32 $_tile_overlayer_lowered  }
0x9d: {  	s22 =	simm.s32 $0x1BFF;
	s21 =	sshll.u32 s8, $0x1;
	s5 =	sadd.s32 s6, s19  }
0x9e: {  	s9 =	simm.s32 $0x0;
	s20 =	sshll.u32 s7, $0x1;
	s7 =	sadd.s32 s21, s5  }
0x9f: {  	[timem:s9], [sflag:s22] =	dma.local [hbm:s7], s20  }
0xa0: {  	_ =	swait.ge [sflag:s22], s20  }
0xa1: {  	s6 =	ssub.s32 $0x0, s20;
	[sflag:s22] =	ssyncset.done $0x0  }
0xa2: {  	[sflag:s22] =	ssyncadd.s32 s6;
	_ =	sdelay $0x1  }
0xa3: {  	s23 =	simm.s32 $0x1B8B  }
0xa4: {  	_ =	swait.ge [sflag:s23], $0x1  }
0xa5: {  	[sflag:s23] =	ssyncset.done $0x0  }
0xa6: {  	s25 =	simm.s32 $0x1B8E;
	s24 =	sld [smem:$0x3FFE];
	[sflag:s23] =	ssyncadd.s32 $0xFFFFFFFF  }
0xa7: {  	s26 =	simm.s32 $execute0_lowered;
	[smem:$0x3FD2] =	sst s25  }
0xa8: {  	s7 =	sshll.u32 s26, $0x1;
	_ =	strace $0x80000046;
	[dreg:$0x1] =	wrdreg $0xFFFFFFFF  }
0xa9: {  	s28 =	simm.s32 $_size_execute0_lowered;
	s5 =	sadd.s32 s5, s7;
	[dreg:$0x0] =	wrdreg $0x0  }
0xaa: {  	s7 =	sshll.u32 s28, $0x1;
	[dreg:$0x2] =	wrdreg s5  }
0xab: {  	[dreg:$0x3] =	wrdreg s7  }
0xac: {  	[dreg:$0x4] =	wrdreg $0xC0  }
0xad: {  	_ =	task [dreg:s9], $0x5FFFF  }
0xae: {  	[dreg:$0x1] =	wrdreg $0xFFFFFFFF  }
0xaf: {  	[dreg:$0x0] =	wrdreg $0x60  }
0xb0: {  	[dreg:$0x2] =	wrdreg s2  }
0xb1: {  	[dreg:$0x3] =	wrdreg s18  }
0xb2: {  	[dreg:$0x4] =	wrdreg s4  }
0xb3: {  	[dreg:$0x5] =	wrdreg s24  }
0xb4: {  	[dreg:$0x6] =	wrdreg $0x53200  }
0xb5: {  	[dreg:$0x7] =	wrdreg $0x7B200  }
0xb6: {  	[dreg:$0x8] =	wrdreg $0x9  }
0xb7: {  	_ =	task.clear_ibuf [dreg:s9], $0x9FFFF;
	_ =	strace $0x90000046  }
0xb8: {  	s29 =	simm.s32 $0x9;
	_ =	strace $0x80000048  }
0xb9: {  	_ =	swait.ge [sflag:s29], $0x1  }
0xba: {  	[sflag:s29] =	ssyncadd.s32 $0xFFFFFFFF  }
0xbb: {  	_ =	strace $0x90000048  }
0xbc: {  	_ =	sfence  }
0xbd: {  	s30 =	sld [smem:$0x0];
	_ =	sdelay $0x2  }
0xbe: {  	s31 =	sshll.u32 s1, $0xD;
	s1 =	sshrl.u32 s1, $0x2  }
0xbf: {  	s3 =	sand.u32 $0x4000, s31;
	s1 =	sadd.s32 s1, s30  }
0xc0: {  	s0 =	sor.u32 s3, s0;
	s1 =	sshll.u32 s1, $0x11  }
0xc1: {  	s0 =	sor.u32 s1, s0  }
0xc2: {  	s0 =	sadd.s32 $0x8F2B, s0  }
0xc3: {  	[sflag:s0] =	ssyncadd.remote.s32 $0x1  }
0xc4: {  	_ =	sfence.sel $0xFFFF  }
0xc5: {  	[dreg:$0x0] =	wrdreg $0xFFFFFFFF;
	(pc) =	sbr.abs _section_cstart, $3  }
0xc6: {  	[dreg:$0x1] =	wrdreg $0xFFFFFFFF  }
0xc7: {  	_ =	task.clear_ibuf [dreg:s9], $0x2FFFF;
	_ =	strace $0x9FFFFFFF  }
0xc8: {  	(tm) =	ssettm $0x7FFFFFFF  }
0xc9: {  	_ =	shalt  }
tec
execute0_lowered:
.L_overlay_start_1:
0x0: {  	(tag) =	ssettag $0x1  }
0x1: {  	s0 =	rddreg [dreg:$0x0]  }
0x2: {  	s1 =	rddreg [dreg:$0x1]  }
0x3: {  	s4 =	rddreg [dreg:$0x2]  }
0x4: {  	s5 =	rddreg [dreg:$0x3];
	s3 =	srdreg.scid  }
0x5: {  	s13 =	stileid.u32;
	s2 =	rddreg [dreg:$0x4]  }
0x6: {  	s9 =	simm.s32 $0x0;
	s28 =	simm.s32 $0x50;
	s11 =	smul.u32 $0x2800, s13  }
0x7: {  	s29 =	simm.s32 $0x1;
	s30 =	simm.s32 $0x2;
	s12 =	smul.u32 $0x1400, s13  }
0x8: {  	s31 =	simm.s32 $0x0;
	s6 =	sand.u32 $0x1, s3;
	s19 =	smul.u32 $0xA000, s13  }
0x9: {  	s7 =	sshll.u32 s13, $0x1;
	s3 =	rddreg [dreg:$0x5];
	s26 =	smul.u32 $0x5000, s13  }
0xa: {  	[smem:$0x7FF] =	sst s9;
	s8 =	smul.u32 $0x2800, s6;
	s7 =	sor.u32 s6, s7  }
0xb: {  	s17 =	ssub.s32 $0x2, s6;
	s10 =	smul.u32 $0x5000, s6;
	_ =	strace $0x80000047  }
0xc: {  	s7 =	smul.u32 $0x4E2, s7;
	s18 =	sshrl.u32 s17, $0x1;
	s21 =	sshrl.u32 s11, $0x3  }
0xd: {  	s23 =	sadd.s32 s11, s2;
	s24 =	sshrl.u32 s12, $0x3;
	s25 =	sadd.s32 s12, s3  }
0xe: {  	s8 =	sadd.s32 s8, s5;
	s9 =	ssub.s32 s17, s18;
	s20 =	sadd.s32 s4, s10  }
0xf: {  	s25 =	sshrl.u32 s25, $0x3;
	s5 =	sadd.s32 s0, s7;
	s6 =	sadd.s32 s1, s7  }
0x10: {  	s22 =	sadd.s32 $0x2E00, s8;
	s0 =	sshrl.u32 s19, $0x2;
	s8 =	smax.u32 s9, $0x1  }
0x11: {  	s20 =	sadd.s32 s21, s20;
	s21 =	simm.s32 $0x3;
	s7 =	sadd.s32 s0, s2  }
0x12: {  	s0 =	sshrl.u32 s26, $0x2;
	s22 =	sadd.s32 s24, s22;
	s24 =	sshrl.u32 s23, $0x3  }
0x13: {  	s26 =	simm.s32 $0x4E20;
	s9 =	sadd.s32 $0x500, s7;
	s10 =	sadd.s32 $0xA00, s7  }
0x14: {  	s11 =	sadd.s32 $0xF00, s7;
	s12 =	sadd.s32 $0x1400, s7;
	s13 =	sadd.s32 $0x1900, s7  }
0x15: {  	s14 =	sadd.s32 $0x1E00, s7;
	s15 =	sadd.s32 s0, s3;
	s16 =	sadd.s32 $0x2300, s7  }
0x16: {  	v0 =	vimm.f32 $0.0e+00;
	v1 =	vimm.f32 $1.000000000e+00;
	s17 =	sadd.s32 $0x500, s15;
	s18 =	sadd.s32 $0xA00, s15;
	s19 =	sadd.s32 $0xF00, s15  }
.LBB2_1:
0x17: {  	s0 =	simm.s32 $0x0  }
0x18: {  	[tilespmem:s0], [sflag:$0x3] =	stream.linear.gather [hbm4b:s5+s0], $0x2710, $0x38;
	[tilespmem:$0x8F20] =	vst v63  }
0x19: {  	_ =	swait.ge [sflag:s21], $0x2710  }
0x1a: {  	[sflag:s21] =	ssyncset.done $0x0  }
0x1b: {  	s1 =	simm.s32 $0x2710;
	[sflag:s21] =	ssyncadd.s32 $0xFFFFD8F0  }
0x1c: {  	[tilespmem:s1], [sflag:$0x3] =	stream.linear.gather [hbm4b:s6+s0], $0x2710, $0x38;
	[tilespmem:$0x8F20] =	vst v63  }
0x1d: {  	_ =	swait.ge [sflag:s21], $0x2710  }
0x1e: {  	[sflag:s21] =	ssyncset.done $0x0  }
0x1f: {  	s0 =	simm.s32 $0x40;
	s1 =	simm.s32 $0x0;
	[sflag:s21] =	ssyncadd.s32 $0xFFFFD8F0  }
.LBB2_2:
0x20: {  	p0 =	sne.s32 s0, $0x13C0;
	[tilespmem:s1+$0x4E20] =	vst v0;
	s1 =	smov.u32 s0;
	s0 =	sadd.s32 $0x40, s0  }
.Ltmp0:
0x21: {  	(pc) =	sbr.rel @p0 .LBB2_2-.Ltmp0, $2  }
0x22: {  	_ =	sdelay $0x2  }
0x23: {  	s1 =	sshra.s32 s1, $0x2  }
0x24: {  	[tilespmem:s1+$0x4E20] =	vst v0  }
0x25: {  	[spmem:s7] =	stream.linear.scatter [tilespmem:s26], [sflag:$0x3], $0x500, $0x38;
	[tilespmem:$0x8F20] =	vst v63  }
0x26: {  	_ =	swait.ge [sflag:s21], $0x500  }
0x27: {  	[sflag:s21] =	ssyncset.done $0x0  }
0x28: {  	[sflag:s21] =	ssyncadd.s32 $0xFFFFFB00  }
0x29: {  	[spmem:s9] =	stream.linear.scatter [tilespmem:s26], [sflag:$0x3], $0x500, $0x38;
	[tilespmem:$0x8F20] =	vst v63  }
0x2a: {  	_ =	swait.ge [sflag:s21], $0x500  }
0x2b: {  	[sflag:s21] =	ssyncset.done $0x0  }
0x2c: {  	[sflag:s21] =	ssyncadd.s32 $0xFFFFFB00  }
0x2d: {  	[spmem:s10] =	stream.linear.scatter [tilespmem:s26], [sflag:$0x3], $0x500, $0x38;
	[tilespmem:$0x8F20] =	vst v63  }
0x2e: {  	_ =	swait.ge [sflag:s21], $0x500  }
0x2f: {  	[sflag:s21] =	ssyncset.done $0x0  }
0x30: {  	[sflag:s21] =	ssyncadd.s32 $0xFFFFFB00  }
0x31: {  	[spmem:s11] =	stream.linear.scatter [tilespmem:s26], [sflag:$0x3], $0x500, $0x38;
	[tilespmem:$0x8F20] =	vst v63  }
0x32: {  	_ =	swait.ge [sflag:s21], $0x500  }
0x33: {  	[sflag:s21] =	ssyncset.done $0x0  }
0x34: {  	[sflag:s21] =	ssyncadd.s32 $0xFFFFFB00  }
0x35: {  	[spmem:s12] =	stream.linear.scatter [tilespmem:s26], [sflag:$0x3], $0x500, $0x38;
	[tilespmem:$0x8F20] =	vst v63  }
0x36: {  	_ =	swait.ge [sflag:s21], $0x500  }
0x37: {  	[sflag:s21] =	ssyncset.done $0x0  }
0x38: {  	[sflag:s21] =	ssyncadd.s32 $0xFFFFFB00  }
0x39: {  	[spmem:s13] =	stream.linear.scatter [tilespmem:s26], [sflag:$0x3], $0x500, $0x38;
	[tilespmem:$0x8F20] =	vst v63  }
0x3a: {  	_ =	swait.ge [sflag:s21], $0x500  }
0x3b: {  	[sflag:s21] =	ssyncset.done $0x0  }
0x3c: {  	[sflag:s21] =	ssyncadd.s32 $0xFFFFFB00  }
0x3d: {  	[spmem:s14] =	stream.linear.scatter [tilespmem:s26], [sflag:$0x3], $0x500, $0x38;
	[tilespmem:$0x8F20] =	vst v63  }
0x3e: {  	_ =	swait.ge [sflag:s21], $0x500  }
0x3f: {  	[sflag:s21] =	ssyncset.done $0x0  }
0x40: {  	[sflag:s21] =	ssyncadd.s32 $0xFFFFFB00  }
0x41: {  	[spmem:s16] =	stream.linear.scatter [tilespmem:s26], [sflag:$0x3], $0x500, $0x38;
	[tilespmem:$0x8F20] =	vst v63  }
0x42: {  	_ =	swait.ge [sflag:s21], $0x500  }
0x43: {  	[sflag:s21] =	ssyncset.done $0x0  }
0x44: {  	[sflag:s21] =	ssyncadd.s32 $0xFFFFFB00  }
0x45: {  	[spmem:s15] =	stream.linear.scatter [tilespmem:s26], [sflag:$0x3], $0x500, $0x38;
	[tilespmem:$0x8F20] =	vst v63  }
0x46: {  	_ =	swait.ge [sflag:s21], $0x500  }
0x47: {  	[sflag:s21] =	ssyncset.done $0x0  }
0x48: {  	[sflag:s21] =	ssyncadd.s32 $0xFFFFFB00  }
0x49: {  	[spmem:s17] =	stream.linear.scatter [tilespmem:s26], [sflag:$0x3], $0x500, $0x38;
	[tilespmem:$0x8F20] =	vst v63  }
0x4a: {  	_ =	swait.ge [sflag:s21], $0x500  }
0x4b: {  	[sflag:s21] =	ssyncset.done $0x0  }
0x4c: {  	[sflag:s21] =	ssyncadd.s32 $0xFFFFFB00  }
0x4d: {  	[spmem:s18] =	stream.linear.scatter [tilespmem:s26], [sflag:$0x3], $0x500, $0x38;
	[tilespmem:$0x8F20] =	vst v63  }
0x4e: {  	_ =	swait.ge [sflag:s21], $0x500  }
0x4f: {  	[sflag:s21] =	ssyncset.done $0x0  }
0x50: {  	[sflag:s21] =	ssyncadd.s32 $0xFFFFFB00  }
0x51: {  	[spmem:s19] =	stream.linear.scatter [tilespmem:s26], [sflag:$0x3], $0x500, $0x38;
	[tilespmem:$0x8F20] =	vst v63  }
0x52: {  	_ =	swait.ge [sflag:s21], $0x500  }
0x53: {  	[sflag:s21] =	ssyncset.done $0x0  }
0x54: {  	s0 =	simm.s32 $0x40;
	s1 =	simm.s32 $0x0;
	[sflag:s21] =	ssyncadd.s32 $0xFFFFFB00  }
.LBB2_4:
0x55: {  	p0 =	sne.s32 s0, $0x13C0;
	[tilespmem:s1+$0x4E20] =	vst v1;
	s1 =	smov.u32 s0;
	s0 =	sadd.s32 $0x40, s0  }
.Ltmp1:
0x56: {  	(pc) =	sbr.rel @p0 .LBB2_4-.Ltmp1, $2  }
0x57: {  	_ =	sdelay $0x2  }
0x58: {  	s1 =	sshra.s32 s1, $0x2  }
0x59: {  	[tilespmem:s1+$0x4E20] =	vst v1  }
0x5a: {  	s0 =	simm.s32 $0x0;
	[bflag:$0x0] =	sbarrier.arrive $0xFFFF  }
0x5b: {  	[spmem:s2] =	stream.indirect.scatter.add.f32 [tilespmem:s26], [sflag:$0x1], $0x10, s0, s28, $0xb8;
	[tilespmem:$0x8F20] =	vst v63  }
0x5c: {  	s23 =	simm.s32 $0x2710  }
0x5d: {  	[spmem:s3] =	stream.indirect.scatter.add.f32 [tilespmem:s26], [sflag:$0x2], $0x10, s23, s28, $0xb8;
	[tilespmem:$0x8F20] =	vst v63  }
0x5e: {  	s1 =	simm.s32 $0x50  }
0x5f: {  	[spmem:s2] =	stream.indirect.scatter.add.f32 [tilespmem:s26], [sflag:$0x1], $0x10, s1, s28, $0xb8;
	[tilespmem:$0x8F20] =	vst v63  }
0x60: {  	s4 =	simm.s32 $0x2760  }
0x61: {  	[spmem:s3] =	stream.indirect.scatter.add.f32 [tilespmem:s26], [sflag:$0x2], $0x10, s4, s28, $0xb8;
	[tilespmem:$0x8F20] =	vst v63  }
0x62: {  	s23 =	simm.s32 $0xA0  }
0x63: {  	[spmem:s2] =	stream.indirect.scatter.add.f32 [tilespmem:s26], [sflag:$0x1], $0x10, s23, s28, $0xb8;
	[tilespmem:$0x8F20] =	vst v63  }
0x64: {  	s1 =	simm.s32 $0x27B0  }
0x65: {  	[spmem:s3] =	stream.indirect.scatter.add.f32 [tilespmem:s26], [sflag:$0x2], $0x10, s1, s28, $0xb8;
	[tilespmem:$0x8F20] =	vst v63  }
0x66: {  	s4 =	simm.s32 $0xF0  }
0x67: {  	[spmem:s2] =	stream.indirect.scatter.add.f32 [tilespmem:s26], [sflag:$0x1], $0x10, s4, s28, $0xb8;
	[tilespmem:$0x8F20] =	vst v63  }
0x68: {  	s23 =	simm.s32 $0x2800  }
0x69: {  	[spmem:s3] =	stream.indirect.scatter.add.f32 [tilespmem:s26], [sflag:$0x2], $0x10, s23, s28, $0xb8;
	[tilespmem:$0x8F20] =	vst v63  }
0x6a: {  	s1 =	simm.s32 $0x140  }
0x6b: {  	[spmem:s2] =	stream.indirect.scatter.add.f32 [tilespmem:s26], [sflag:$0x1], $0x10, s1, s28, $0xb8;
	[tilespmem:$0x8F20] =	vst v63  }
0x6c: {  	s4 =	simm.s32 $0x2850  }
0x6d: {  	[spmem:s3] =	stream.indirect.scatter.add.f32 [tilespmem:s26], [sflag:$0x2], $0x10, s4, s28, $0xb8;
	[tilespmem:$0x8F20] =	vst v63  }
0x6e: {  	s23 =	simm.s32 $0x190  }
0x6f: {  	[spmem:s2] =	stream.indirect.scatter.add.f32 [tilespmem:s26], [sflag:$0x1], $0x10, s23, s28, $0xb8;
	[tilespmem:$0x8F20] =	vst v63  }
0x70: {  	s1 =	simm.s32 $0x28A0  }
0x71: {  	[spmem:s3] =	stream.indirect.scatter.add.f32 [tilespmem:s26], [sflag:$0x2], $0x10, s1, s28, $0xb8;
	[tilespmem:$0x8F20] =	vst v63  }
0x72: {  	s4 =	simm.s32 $0x1E0  }
0x73: {  	[spmem:s2] =	stream.indirect.scatter.add.f32 [tilespmem:s26], [sflag:$0x1], $0x10, s4, s28, $0xb8;
	[tilespmem:$0x8F20] =	vst v63  }
0x74: {  	s23 =	simm.s32 $0x28F0  }
0x75: {  	[spmem:s3] =	stream.indirect.scatter.add.f32 [tilespmem:s26], [sflag:$0x2], $0x10, s23, s28, $0xb8;
	[tilespmem:$0x8F20] =	vst v63  }
0x76: {  	s1 =	simm.s32 $0x230  }
0x77: {  	[spmem:s2] =	stream.indirect.scatter.add.f32 [tilespmem:s26], [sflag:$0x1], $0x10, s1, s28, $0xb8;
	[tilespmem:$0x8F20] =	vst v63  }
0x78: {  	s4 =	simm.s32 $0x2940  }
0x79: {  	[spmem:s3] =	stream.indirect.scatter.add.f32 [tilespmem:s26], [sflag:$0x2], $0x10, s4, s28, $0xb8;
	[tilespmem:$0x8F20] =	vst v63  }
0x7a: {  	s23 =	simm.s32 $0x280  }
0x7b: {  	[spmem:s2] =	stream.indirect.scatter.add.f32 [tilespmem:s26], [sflag:$0x1], $0x10, s23, s28, $0xb8;
	[tilespmem:$0x8F20] =	vst v63  }
0x7c: {  	s1 =	simm.s32 $0x2990  }
0x7d: {  	[spmem:s3] =	stream.indirect.scatter.add.f32 [tilespmem:s26], [sflag:$0x2], $0x10, s1, s28, $0xb8;
	[tilespmem:$0x8F20] =	vst v63  }
0x7e: {  	s4 =	simm.s32 $0x2D0  }
0x7f: {  	[spmem:s2] =	stream.indirect.scatter.add.f32 [tilespmem:s26], [sflag:$0x1], $0x10, s4, s28, $0xb8;
	[tilespmem:$0x8F20] =	vst v63  }
0x80: {  	s23 =	simm.s32 $0x29E0  }
0x81: {  	[spmem:s3] =	stream.indirect.scatter.add.f32 [tilespmem:s26], [sflag:$0x2], $0x10, s23, s28, $0xb8;
	[tilespmem:$0x8F20] =	vst v63  }
0x82: {  	s1 =	simm.s32 $0x320  }
0x83: {  	[spmem:s2] =	stream.indirect.scatter.add.f32 [tilespmem:s26], [sflag:$0x1], $0x10, s1, s28, $0xb8;
	[tilespmem:$0x8F20] =	vst v63  }
0x84: {  	s4 =	simm.s32 $0x2A30  }
0x85: {  	[spmem:s3] =	stream.indirect.scatter.add.f32 [tilespmem:s26], [sflag:$0x2], $0x10, s4, s28, $0xb8;
	[tilespmem:$0x8F20] =	vst v63  }
0x86: {  	s23 =	simm.s32 $0x370  }
0x87: {  	[spmem:s2] =	stream.indirect.scatter.add.f32 [tilespmem:s26], [sflag:$0x1], $0x10, s23, s28, $0xb8;
	[tilespmem:$0x8F20] =	vst v63  }
0x88: {  	s1 =	simm.s32 $0x2A80  }
0x89: {  	[spmem:s3] =	stream.indirect.scatter.add.f32 [tilespmem:s26], [sflag:$0x2], $0x10, s1, s28, $0xb8;
	[tilespmem:$0x8F20] =	vst v63  }
0x8a: {  	s4 =	simm.s32 $0x3C0  }
0x8b: {  	[spmem:s2] =	stream.indirect.scatter.add.f32 [tilespmem:s26], [sflag:$0x1], $0x10, s4, s28, $0xb8;
	[tilespmem:$0x8F20] =	vst v63  }
0x8c: {  	s23 =	simm.s32 $0x2AD0  }
0x8d: {  	[spmem:s3] =	stream.indirect.scatter.add.f32 [tilespmem:s26], [sflag:$0x2], $0x10, s23, s28, $0xb8;
	[tilespmem:$0x8F20] =	vst v63  }
0x8e: {  	s1 =	simm.s32 $0x410  }
0x8f: {  	[spmem:s2] =	stream.indirect.scatter.add.f32 [tilespmem:s26], [sflag:$0x1], $0x10, s1, s28, $0xb8;
	[tilespmem:$0x8F20] =	vst v63  }
0x90: {  	s4 =	simm.s32 $0x2B20  }
0x91: {  	[spmem:s3] =	stream.indirect.scatter.add.f32 [tilespmem:s26], [sflag:$0x2], $0x10, s4, s28, $0xb8;
	[tilespmem:$0x8F20] =	vst v63  }
0x92: {  	s23 =	simm.s32 $0x460  }
0x93: {  	[spmem:s2] =	stream.indirect.scatter.add.f32 [tilespmem:s26], [sflag:$0x1], $0x10, s23, s28, $0xb8;
	[tilespmem:$0x8F20] =	vst v63  }
0x94: {  	s1 =	simm.s32 $0x2B70  }
0x95: {  	[spmem:s3] =	stream.indirect.scatter.add.f32 [tilespmem:s26], [sflag:$0x2], $0x10, s1, s28, $0xb8;
	[tilespmem:$0x8F20] =	vst v63  }
0x96: {  	s4 =	simm.s32 $0x4B0  }
0x97: {  	[spmem:s2] =	stream.indirect.scatter.add.f32 [tilespmem:s26], [sflag:$0x1], $0x10, s4, s28, $0xb8;
	[tilespmem:$0x8F20] =	vst v63  }
0x98: {  	s23 =	simm.s32 $0x2BC0  }
0x99: {  	[spmem:s3] =	stream.indirect.scatter.add.f32 [tilespmem:s26], [sflag:$0x2], $0x10, s23, s28, $0xb8;
	[tilespmem:$0x8F20] =	vst v63  }
0x9a: {  	s1 =	simm.s32 $0x500  }
0x9b: {  	[spmem:s2] =	stream.indirect.scatter.add.f32 [tilespmem:s26], [sflag:$0x1], $0x10, s1, s28, $0xb8;
	[tilespmem:$0x8F20] =	vst v63  }
0x9c: {  	s4 =	simm.s32 $0x2C10  }
0x9d: {  	[spmem:s3] =	stream.indirect.scatter.add.f32 [tilespmem:s26], [sflag:$0x2], $0x10, s4, s28, $0xb8;
	[tilespmem:$0x8F20] =	vst v63  }
0x9e: {  	s23 =	simm.s32 $0x550  }
0x9f: {  	[spmem:s2] =	stream.indirect.scatter.add.f32 [tilespmem:s26], [sflag:$0x1], $0x10, s23, s28, $0xb8;
	[tilespmem:$0x8F20] =	vst v63  }
0xa0: {  	s1 =	simm.s32 $0x2C60  }
0xa1: {  	[spmem:s3] =	stream.indirect.scatter.add.f32 [tilespmem:s26], [sflag:$0x2], $0x10, s1, s28, $0xb8;
	[tilespmem:$0x8F20] =	vst v63  }
0xa2: {  	s4 =	simm.s32 $0x5A0  }
0xa3: {  	[spmem:s2] =	stream.indirect.scatter.add.f32 [tilespmem:s26], [sflag:$0x1], $0x10, s4, s28, $0xb8;
	[tilespmem:$0x8F20] =	vst v63  }
0xa4: {  	s23 =	simm.s32 $0x2CB0  }
0xa5: {  	[spmem:s3] =	stream.indirect.scatter.add.f32 [tilespmem:s26], [sflag:$0x2], $0x10, s23, s28, $0xb8;
	[tilespmem:$0x8F20] =	vst v63  }
0xa6: {  	s1 =	simm.s32 $0x5F0  }
0xa7: {  	[spmem:s2] =	stream.indirect.scatter.add.f32 [tilespmem:s26], [sflag:$0x1], $0x10, s1, s28, $0xb8;
	[tilespmem:$0x8F20] =	vst v63  }
0xa8: {  	s4 =	simm.s32 $0x2D00  }
0xa9: {  	[spmem:s3] =	stream.indirect.scatter.add.f32 [tilespmem:s26], [sflag:$0x2], $0x10, s4, s28, $0xb8;
	[tilespmem:$0x8F20] =	vst v63  }
0xaa: {  	s23 =	simm.s32 $0x640  }
0xab: {  	[spmem:s2] =	stream.indirect.scatter.add.f32 [tilespmem:s26], [sflag:$0x1], $0x10, s23, s28, $0xb8;
	[tilespmem:$0x8F20] =	vst v63  }
0xac: {  	s1 =	simm.s32 $0x2D50  }
0xad: {  	[spmem:s3] =	stream.indirect.scatter.add.f32 [tilespmem:s26], [sflag:$0x2], $0x10, s1, s28, $0xb8;
	[tilespmem:$0x8F20] =	vst v63  }
0xae: {  	s4 =	simm.s32 $0x690  }
0xaf: {  	[spmem:s2] =	stream.indirect.scatter.add.f32 [tilespmem:s26], [sflag:$0x1], $0x10, s4, s28, $0xb8;
	[tilespmem:$0x8F20] =	vst v63  }
0xb0: {  	s23 =	simm.s32 $0x2DA0  }
0xb1: {  	[spmem:s3] =	stream.indirect.scatter.add.f32 [tilespmem:s26], [sflag:$0x2], $0x10, s23, s28, $0xb8;
	[tilespmem:$0x8F20] =	vst v63  }
0xb2: {  	s1 =	simm.s32 $0x6E0  }
0xb3: {  	[spmem:s2] =	stream.indirect.scatter.add.f32 [tilespmem:s26], [sflag:$0x1], $0x10, s1, s28, $0xb8;
	[tilespmem:$0x8F20] =	vst v63  }
0xb4: {  	s4 =	simm.s32 $0x2DF0  }
0xb5: {  	[spmem:s3] =	stream.indirect.scatter.add.f32 [tilespmem:s26], [sflag:$0x2], $0x10, s4, s28, $0xb8;
	[tilespmem:$0x8F20] =	vst v63  }
0xb6: {  	s23 =	simm.s32 $0x730  }
0xb7: {  	[spmem:s2] =	stream.indirect.scatter.add.f32 [tilespmem:s26], [sflag:$0x1], $0x10, s23, s28, $0xb8;
	[tilespmem:$0x8F20] =	vst v63  }
0xb8: {  	s1 =	simm.s32 $0x2E40  }
0xb9: {  	[spmem:s3] =	stream.indirect.scatter.add.f32 [tilespmem:s26], [sflag:$0x2], $0x10, s1, s28, $0xb8;
	[tilespmem:$0x8F20] =	vst v63  }
0xba: {  	s4 =	simm.s32 $0x780  }
0xbb: {  	[spmem:s2] =	stream.indirect.scatter.add.f32 [tilespmem:s26], [sflag:$0x1], $0x10, s4, s28, $0xb8;
	[tilespmem:$0x8F20] =	vst v63  }
0xbc: {  	s23 =	simm.s32 $0x2E90  }
0xbd: {  	[spmem:s3] =	stream.indirect.scatter.add.f32 [tilespmem:s26], [sflag:$0x2], $0x10, s23, s28, $0xb8;
	[tilespmem:$0x8F20] =	vst v63  }
0xbe: {  	_ =	swait.ge [sflag:s29], $0x500  }
0xbf: {  	[sflag:s29] =	ssyncset.done $0x0  }
0xc0: {  	[sflag:s29] =	ssyncadd.s32 $0xFFFFFB00  }
0xc1: {  	_ =	swait.ge [sflag:s30], $0x500  }
0xc2: {  	[sflag:s30] =	ssyncset.done $0x0  }
0xc3: {  	[sflag:s30] =	ssyncadd.s32 $0xFFFFFB00  }
0xc4: {  	_ =	swait.ge [sflag:s29], $0x500  }
0xc5: {  	[sflag:s29] =	ssyncset.done $0x0  }
0xc6: {  	[sflag:s29] =	ssyncadd.s32 $0xFFFFFB00  }
0xc7: {  	_ =	swait.ge [sflag:s30], $0x500  }
0xc8: {  	[sflag:s30] =	ssyncset.done $0x0  }
0xc9: {  	[sflag:s30] =	ssyncadd.s32 $0xFFFFFB00  }
0xca: {  	_ =	swait.ge [sflag:s29], $0x500  }
0xcb: {  	[sflag:s29] =	ssyncset.done $0x0  }
0xcc: {  	[sflag:s29] =	ssyncadd.s32 $0xFFFFFB00  }
0xcd: {  	_ =	swait.ge [sflag:s30], $0x500  }
0xce: {  	[sflag:s30] =	ssyncset.done $0x0  }
0xcf: {  	[sflag:s30] =	ssyncadd.s32 $0xFFFFFB00  }
0xd0: {  	_ =	swait.ge [sflag:s29], $0x500  }
0xd1: {  	[sflag:s29] =	ssyncset.done $0x0  }
0xd2: {  	[sflag:s29] =	ssyncadd.s32 $0xFFFFFB00  }
0xd3: {  	_ =	swait.ge [sflag:s30], $0x500  }
0xd4: {  	[sflag:s30] =	ssyncset.done $0x0  }
0xd5: {  	[sflag:s30] =	ssyncadd.s32 $0xFFFFFB00  }
0xd6: {  	_ =	swait.ge [sflag:s29], $0x500  }
0xd7: {  	[sflag:s29] =	ssyncset.done $0x0  }
0xd8: {  	[sflag:s29] =	ssyncadd.s32 $0xFFFFFB00  }
0xd9: {  	_ =	swait.ge [sflag:s30], $0x500  }
0xda: {  	[sflag:s30] =	ssyncset.done $0x0  }
0xdb: {  	[sflag:s30] =	ssyncadd.s32 $0xFFFFFB00  }
0xdc: {  	_ =	swait.ge [sflag:s29], $0x500  }
0xdd: {  	[sflag:s29] =	ssyncset.done $0x0  }
0xde: {  	[sflag:s29] =	ssyncadd.s32 $0xFFFFFB00  }
0xdf: {  	_ =	swait.ge [sflag:s30], $0x500  }
0xe0: {  	[sflag:s30] =	ssyncset.done $0x0  }
0xe1: {  	[sflag:s30] =	ssyncadd.s32 $0xFFFFFB00  }
0xe2: {  	_ =	swait.ge [sflag:s29], $0x500  }
0xe3: {  	[sflag:s29] =	ssyncset.done $0x0  }
0xe4: {  	[sflag:s29] =	ssyncadd.s32 $0xFFFFFB00  }
0xe5: {  	_ =	swait.ge [sflag:s30], $0x500  }
0xe6: {  	[sflag:s30] =	ssyncset.done $0x0  }
0xe7: {  	[sflag:s30] =	ssyncadd.s32 $0xFFFFFB00  }
0xe8: {  	_ =	swait.ge [sflag:s29], $0x500  }
0xe9: {  	[sflag:s29] =	ssyncset.done $0x0  }
0xea: {  	[sflag:s29] =	ssyncadd.s32 $0xFFFFFB00  }
0xeb: {  	_ =	swait.ge [sflag:s30], $0x500  }
0xec: {  	[sflag:s30] =	ssyncset.done $0x0  }
0xed: {  	[sflag:s30] =	ssyncadd.s32 $0xFFFFFB00  }
0xee: {  	_ =	swait.ge [sflag:s29], $0x500  }
0xef: {  	[sflag:s29] =	ssyncset.done $0x0  }
0xf0: {  	[sflag:s29] =	ssyncadd.s32 $0xFFFFFB00  }
0xf1: {  	_ =	swait.ge [sflag:s30], $0x500  }
0xf2: {  	[sflag:s30] =	ssyncset.done $0x0  }
0xf3: {  	[sflag:s30] =	ssyncadd.s32 $0xFFFFFB00  }
0xf4: {  	_ =	swait.ge [sflag:s29], $0x500  }
0xf5: {  	[sflag:s29] =	ssyncset.done $0x0  }
0xf6: {  	[sflag:s29] =	ssyncadd.s32 $0xFFFFFB00  }
0xf7: {  	_ =	swait.ge [sflag:s30], $0x500  }
0xf8: {  	[sflag:s30] =	ssyncset.done $0x0  }
0xf9: {  	[sflag:s30] =	ssyncadd.s32 $0xFFFFFB00  }
0xfa: {  	_ =	swait.ge [sflag:s29], $0x500  }
0xfb: {  	[sflag:s29] =	ssyncset.done $0x0  }
0xfc: {  	[sflag:s29] =	ssyncadd.s32 $0xFFFFFB00  }
0xfd: {  	_ =	swait.ge [sflag:s30], $0x500  }
0xfe: {  	[sflag:s30] =	ssyncset.done $0x0  }
0xff: {  	[sflag:s30] =	ssyncadd.s32 $0xFFFFFB00  }
0x100: {  	_ =	swait.ge [sflag:s29], $0x500  }
0x101: {  	[sflag:s29] =	ssyncset.done $0x0  }
0x102: {  	[sflag:s29] =	ssyncadd.s32 $0xFFFFFB00  }
0x103: {  	_ =	swait.ge [sflag:s30], $0x500  }
0x104: {  	[sflag:s30] =	ssyncset.done $0x0  }
0x105: {  	[sflag:s30] =	ssyncadd.s32 $0xFFFFFB00  }
0x106: {  	_ =	swait.ge [sflag:s29], $0x500  }
0x107: {  	[sflag:s29] =	ssyncset.done $0x0  }
0x108: {  	[sflag:s29] =	ssyncadd.s32 $0xFFFFFB00  }
0x109: {  	_ =	swait.ge [sflag:s30], $0x500  }
0x10a: {  	[sflag:s30] =	ssyncset.done $0x0  }
0x10b: {  	[sflag:s30] =	ssyncadd.s32 $0xFFFFFB00  }
0x10c: {  	_ =	swait.ge [sflag:s29], $0x500  }
0x10d: {  	[sflag:s29] =	ssyncset.done $0x0  }
0x10e: {  	[sflag:s29] =	ssyncadd.s32 $0xFFFFFB00  }
0x10f: {  	_ =	swait.ge [sflag:s30], $0x500  }
0x110: {  	[sflag:s30] =	ssyncset.done $0x0  }
0x111: {  	[sflag:s30] =	ssyncadd.s32 $0xFFFFFB00  }
0x112: {  	_ =	swait.ge [sflag:s29], $0x500  }
0x113: {  	[sflag:s29] =	ssyncset.done $0x0  }
0x114: {  	[sflag:s29] =	ssyncadd.s32 $0xFFFFFB00  }
0x115: {  	_ =	swait.ge [sflag:s30], $0x500  }
0x116: {  	[sflag:s30] =	ssyncset.done $0x0  }
0x117: {  	[sflag:s30] =	ssyncadd.s32 $0xFFFFFB00  }
0x118: {  	_ =	swait.ge [sflag:s29], $0x500  }
0x119: {  	[sflag:s29] =	ssyncset.done $0x0  }
0x11a: {  	[sflag:s29] =	ssyncadd.s32 $0xFFFFFB00  }
0x11b: {  	_ =	swait.ge [sflag:s30], $0x500  }
0x11c: {  	[sflag:s30] =	ssyncset.done $0x0  }
0x11d: {  	[sflag:s30] =	ssyncadd.s32 $0xFFFFFB00  }
0x11e: {  	_ =	swait.ge [sflag:s29], $0x500  }
0x11f: {  	[sflag:s29] =	ssyncset.done $0x0  }
0x120: {  	[sflag:s29] =	ssyncadd.s32 $0xFFFFFB00  }
0x121: {  	_ =	swait.ge [sflag:s30], $0x500  }
0x122: {  	[sflag:s30] =	ssyncset.done $0x0  }
0x123: {  	[sflag:s30] =	ssyncadd.s32 $0xFFFFFB00  }
0x124: {  	_ =	swait.ge [sflag:s29], $0x500  }
0x125: {  	[sflag:s29] =	ssyncset.done $0x0  }
0x126: {  	[sflag:s29] =	ssyncadd.s32 $0xFFFFFB00  }
0x127: {  	_ =	swait.ge [sflag:s30], $0x500  }
0x128: {  	[sflag:s30] =	ssyncset.done $0x0  }
0x129: {  	[sflag:s30] =	ssyncadd.s32 $0xFFFFFB00  }
0x12a: {  	_ =	swait.ge [sflag:s29], $0x500  }
0x12b: {  	[sflag:s29] =	ssyncset.done $0x0  }
0x12c: {  	[sflag:s29] =	ssyncadd.s32 $0xFFFFFB00  }
0x12d: {  	_ =	swait.ge [sflag:s30], $0x500  }
0x12e: {  	[sflag:s30] =	ssyncset.done $0x0  }
0x12f: {  	[sflag:s30] =	ssyncadd.s32 $0xFFFFFB00  }
0x130: {  	_ =	swait.ge [sflag:s29], $0x500  }
0x131: {  	[sflag:s29] =	ssyncset.done $0x0  }
0x132: {  	[sflag:s29] =	ssyncadd.s32 $0xFFFFFB00  }
0x133: {  	_ =	swait.ge [sflag:s30], $0x500  }
0x134: {  	[sflag:s30] =	ssyncset.done $0x0  }
0x135: {  	[sflag:s30] =	ssyncadd.s32 $0xFFFFFB00  }
0x136: {  	_ =	swait.ge [sflag:s29], $0x500  }
0x137: {  	[sflag:s29] =	ssyncset.done $0x0  }
0x138: {  	[sflag:s29] =	ssyncadd.s32 $0xFFFFFB00  }
0x139: {  	_ =	swait.ge [sflag:s30], $0x500  }
0x13a: {  	[sflag:s30] =	ssyncset.done $0x0  }
0x13b: {  	[sflag:s30] =	ssyncadd.s32 $0xFFFFFB00  }
0x13c: {  	_ =	swait.ge [sflag:s29], $0x500  }
0x13d: {  	[sflag:s29] =	ssyncset.done $0x0  }
0x13e: {  	[sflag:s29] =	ssyncadd.s32 $0xFFFFFB00  }
0x13f: {  	_ =	swait.ge [sflag:s30], $0x500  }
0x140: {  	[sflag:s30] =	ssyncset.done $0x0  }
0x141: {  	[sflag:s30] =	ssyncadd.s32 $0xFFFFFB00  }
0x142: {  	_ =	swait.ge [sflag:s29], $0x500  }
0x143: {  	[sflag:s29] =	ssyncset.done $0x0  }
0x144: {  	[sflag:s29] =	ssyncadd.s32 $0xFFFFFB00  }
0x145: {  	_ =	swait.ge [sflag:s30], $0x500  }
0x146: {  	[sflag:s30] =	ssyncset.done $0x0  }
0x147: {  	[sflag:s30] =	ssyncadd.s32 $0xFFFFFB00  }
0x148: {  	_ =	swait.ge [sflag:s29], $0x500  }
0x149: {  	[sflag:s29] =	ssyncset.done $0x0  }
0x14a: {  	[sflag:s29] =	ssyncadd.s32 $0xFFFFFB00  }
0x14b: {  	_ =	swait.ge [sflag:s30], $0x500  }
0x14c: {  	[sflag:s30] =	ssyncset.done $0x0  }
0x14d: {  	[sflag:s30] =	ssyncadd.s32 $0xFFFFFB00  }
0x14e: {  	_ =	swait.ge [sflag:s29], $0x500  }
0x14f: {  	[sflag:s29] =	ssyncset.done $0x0  }
0x150: {  	[sflag:s29] =	ssyncadd.s32 $0xFFFFFB00  }
0x151: {  	_ =	swait.ge [sflag:s30], $0x500  }
0x152: {  	s1 =	simm.s32 $0x1F40;
	s23 =	simm.s32 $0x3E80;
	[sflag:s30] =	ssyncset.done $0x0  }
.LBB2_6:
0x153: {  	s0 =	sshra.s32 s1, $0x2  }
0x154: {  	[sflag:s30] =	ssyncadd.s32 $0xFFFFFB00;
	s1 =	smov.u32 s23;
	s4 =	sadd.s32 $0x1F40, s23  }
0x155: {  	[spmem:s2] =	stream.indirect.scatter.add.f32 [tilespmem:s26], [sflag:$0x1], $0x10, s0, s28, $0xb8;
	[tilespmem:$0x8F20] =	vst v63  }
0x156: {  	p0 =	sne.s32 s23, $0x7D00;
	s23 =	sadd.s32 $0x2710, s0  }
0x157: {  	[spmem:s3] =	stream.indirect.scatter.add.f32 [tilespmem:s26], [sflag:$0x2], $0x10, s23, s28, $0xb8;
	[tilespmem:$0x8F20] =	vst v63  }
0x158: {  	s23 =	sadd.s32 $0x50, s0  }
0x159: {  	[spmem:s2] =	stream.indirect.scatter.add.f32 [tilespmem:s26], [sflag:$0x1], $0x10, s23, s28, $0xb8;
	[tilespmem:$0x8F20] =	vst v63  }
0x15a: {  	s23 =	sadd.s32 $0x2760, s0  }
0x15b: {  	[spmem:s3] =	stream.indirect.scatter.add.f32 [tilespmem:s26], [sflag:$0x2], $0x10, s23, s28, $0xb8;
	[tilespmem:$0x8F20] =	vst v63  }
0x15c: {  	s23 =	sadd.s32 $0xA0, s0  }
0x15d: {  	[spmem:s2] =	stream.indirect.scatter.add.f32 [tilespmem:s26], [sflag:$0x1], $0x10, s23, s28, $0xb8;
	[tilespmem:$0x8F20] =	vst v63  }
0x15e: {  	s23 =	sadd.s32 $0x27B0, s0  }
0x15f: {  	[spmem:s3] =	stream.indirect.scatter.add.f32 [tilespmem:s26], [sflag:$0x2], $0x10, s23, s28, $0xb8;
	[tilespmem:$0x8F20] =	vst v63  }
0x160: {  	s23 =	sadd.s32 $0xF0, s0  }
0x161: {  	[spmem:s2] =	stream.indirect.scatter.add.f32 [tilespmem:s26], [sflag:$0x1], $0x10, s23, s28, $0xb8;
	[tilespmem:$0x8F20] =	vst v63  }
0x162: {  	s23 =	sadd.s32 $0x2800, s0  }
0x163: {  	[spmem:s3] =	stream.indirect.scatter.add.f32 [tilespmem:s26], [sflag:$0x2], $0x10, s23, s28, $0xb8;
	[tilespmem:$0x8F20] =	vst v63  }
0x164: {  	s23 =	sadd.s32 $0x140, s0  }
0x165: {  	[spmem:s2] =	stream.indirect.scatter.add.f32 [tilespmem:s26], [sflag:$0x1], $0x10, s23, s28, $0xb8;
	[tilespmem:$0x8F20] =	vst v63  }
0x166: {  	s23 =	sadd.s32 $0x2850, s0  }
0x167: {  	[spmem:s3] =	stream.indirect.scatter.add.f32 [tilespmem:s26], [sflag:$0x2], $0x10, s23, s28, $0xb8;
	[tilespmem:$0x8F20] =	vst v63  }
0x168: {  	s23 =	sadd.s32 $0x190, s0  }
0x169: {  	[spmem:s2] =	stream.indirect.scatter.add.f32 [tilespmem:s26], [sflag:$0x1], $0x10, s23, s28, $0xb8;
	[tilespmem:$0x8F20] =	vst v63  }
0x16a: {  	s23 =	sadd.s32 $0x28A0, s0  }
0x16b: {  	[spmem:s3] =	stream.indirect.scatter.add.f32 [tilespmem:s26], [sflag:$0x2], $0x10, s23, s28, $0xb8;
	[tilespmem:$0x8F20] =	vst v63  }
0x16c: {  	s23 =	sadd.s32 $0x1E0, s0  }
0x16d: {  	[spmem:s2] =	stream.indirect.scatter.add.f32 [tilespmem:s26], [sflag:$0x1], $0x10, s23, s28, $0xb8;
	[tilespmem:$0x8F20] =	vst v63  }
0x16e: {  	s23 =	sadd.s32 $0x28F0, s0  }
0x16f: {  	[spmem:s3] =	stream.indirect.scatter.add.f32 [tilespmem:s26], [sflag:$0x2], $0x10, s23, s28, $0xb8;
	[tilespmem:$0x8F20] =	vst v63  }
0x170: {  	s23 =	sadd.s32 $0x230, s0  }
0x171: {  	[spmem:s2] =	stream.indirect.scatter.add.f32 [tilespmem:s26], [sflag:$0x1], $0x10, s23, s28, $0xb8;
	[tilespmem:$0x8F20] =	vst v63  }
0x172: {  	s23 =	sadd.s32 $0x2940, s0  }
0x173: {  	[spmem:s3] =	stream.indirect.scatter.add.f32 [tilespmem:s26], [sflag:$0x2], $0x10, s23, s28, $0xb8;
	[tilespmem:$0x8F20] =	vst v63  }
0x174: {  	s23 =	sadd.s32 $0x280, s0  }
0x175: {  	[spmem:s2] =	stream.indirect.scatter.add.f32 [tilespmem:s26], [sflag:$0x1], $0x10, s23, s28, $0xb8;
	[tilespmem:$0x8F20] =	vst v63  }
0x176: {  	s23 =	sadd.s32 $0x2990, s0  }
0x177: {  	[spmem:s3] =	stream.indirect.scatter.add.f32 [tilespmem:s26], [sflag:$0x2], $0x10, s23, s28, $0xb8;
	[tilespmem:$0x8F20] =	vst v63  }
0x178: {  	s23 =	sadd.s32 $0x2D0, s0  }
0x179: {  	[spmem:s2] =	stream.indirect.scatter.add.f32 [tilespmem:s26], [sflag:$0x1], $0x10, s23, s28, $0xb8;
	[tilespmem:$0x8F20] =	vst v63  }
0x17a: {  	s23 =	sadd.s32 $0x29E0, s0  }
0x17b: {  	[spmem:s3] =	stream.indirect.scatter.add.f32 [tilespmem:s26], [sflag:$0x2], $0x10, s23, s28, $0xb8;
	[tilespmem:$0x8F20] =	vst v63  }
0x17c: {  	s23 =	sadd.s32 $0x320, s0  }
0x17d: {  	[spmem:s2] =	stream.indirect.scatter.add.f32 [tilespmem:s26], [sflag:$0x1], $0x10, s23, s28, $0xb8;
	[tilespmem:$0x8F20] =	vst v63  }
0x17e: {  	s23 =	sadd.s32 $0x2A30, s0  }
0x17f: {  	[spmem:s3] =	stream.indirect.scatter.add.f32 [tilespmem:s26], [sflag:$0x2], $0x10, s23, s28, $0xb8;
	[tilespmem:$0x8F20] =	vst v63  }
0x180: {  	s23 =	sadd.s32 $0x370, s0  }
0x181: {  	[spmem:s2] =	stream.indirect.scatter.add.f32 [tilespmem:s26], [sflag:$0x1], $0x10, s23, s28, $0xb8;
	[tilespmem:$0x8F20] =	vst v63  }
0x182: {  	s23 =	sadd.s32 $0x2A80, s0  }
0x183: {  	[spmem:s3] =	stream.indirect.scatter.add.f32 [tilespmem:s26], [sflag:$0x2], $0x10, s23, s28, $0xb8;
	[tilespmem:$0x8F20] =	vst v63  }
0x184: {  	s23 =	sadd.s32 $0x3C0, s0  }
0x185: {  	[spmem:s2] =	stream.indirect.scatter.add.f32 [tilespmem:s26], [sflag:$0x1], $0x10, s23, s28, $0xb8;
	[tilespmem:$0x8F20] =	vst v63  }
0x186: {  	s23 =	sadd.s32 $0x2AD0, s0  }
0x187: {  	[spmem:s3] =	stream.indirect.scatter.add.f32 [tilespmem:s26], [sflag:$0x2], $0x10, s23, s28, $0xb8;
	[tilespmem:$0x8F20] =	vst v63  }
0x188: {  	s23 =	sadd.s32 $0x410, s0  }
0x189: {  	[spmem:s2] =	stream.indirect.scatter.add.f32 [tilespmem:s26], [sflag:$0x1], $0x10, s23, s28, $0xb8;
	[tilespmem:$0x8F20] =	vst v63  }
0x18a: {  	s23 =	sadd.s32 $0x2B20, s0  }
0x18b: {  	[spmem:s3] =	stream.indirect.scatter.add.f32 [tilespmem:s26], [sflag:$0x2], $0x10, s23, s28, $0xb8;
	[tilespmem:$0x8F20] =	vst v63  }
0x18c: {  	s23 =	sadd.s32 $0x460, s0  }
0x18d: {  	[spmem:s2] =	stream.indirect.scatter.add.f32 [tilespmem:s26], [sflag:$0x1], $0x10, s23, s28, $0xb8;
	[tilespmem:$0x8F20] =	vst v63  }
0x18e: {  	s23 =	sadd.s32 $0x2B70, s0  }
0x18f: {  	[spmem:s3] =	stream.indirect.scatter.add.f32 [tilespmem:s26], [sflag:$0x2], $0x10, s23, s28, $0xb8;
	[tilespmem:$0x8F20] =	vst v63  }
0x190: {  	s23 =	sadd.s32 $0x4B0, s0  }
0x191: {  	[spmem:s2] =	stream.indirect.scatter.add.f32 [tilespmem:s26], [sflag:$0x1], $0x10, s23, s28, $0xb8;
	[tilespmem:$0x8F20] =	vst v63  }
0x192: {  	s23 =	sadd.s32 $0x2BC0, s0  }
0x193: {  	[spmem:s3] =	stream.indirect.scatter.add.f32 [tilespmem:s26], [sflag:$0x2], $0x10, s23, s28, $0xb8;
	[tilespmem:$0x8F20] =	vst v63  }
0x194: {  	s23 =	sadd.s32 $0x500, s0  }
0x195: {  	[spmem:s2] =	stream.indirect.scatter.add.f32 [tilespmem:s26], [sflag:$0x1], $0x10, s23, s28, $0xb8;
	[tilespmem:$0x8F20] =	vst v63  }
0x196: {  	s23 =	sadd.s32 $0x2C10, s0  }
0x197: {  	[spmem:s3] =	stream.indirect.scatter.add.f32 [tilespmem:s26], [sflag:$0x2], $0x10, s23, s28, $0xb8;
	[tilespmem:$0x8F20] =	vst v63  }
0x198: {  	s23 =	sadd.s32 $0x550, s0  }
0x199: {  	[spmem:s2] =	stream.indirect.scatter.add.f32 [tilespmem:s26], [sflag:$0x1], $0x10, s23, s28, $0xb8;
	[tilespmem:$0x8F20] =	vst v63  }
0x19a: {  	s23 =	sadd.s32 $0x2C60, s0  }
0x19b: {  	[spmem:s3] =	stream.indirect.scatter.add.f32 [tilespmem:s26], [sflag:$0x2], $0x10, s23, s28, $0xb8;
	[tilespmem:$0x8F20] =	vst v63  }
0x19c: {  	s23 =	sadd.s32 $0x5A0, s0  }
0x19d: {  	[spmem:s2] =	stream.indirect.scatter.add.f32 [tilespmem:s26], [sflag:$0x1], $0x10, s23, s28, $0xb8;
	[tilespmem:$0x8F20] =	vst v63  }
0x19e: {  	s23 =	sadd.s32 $0x2CB0, s0  }
0x19f: {  	[spmem:s3] =	stream.indirect.scatter.add.f32 [tilespmem:s26], [sflag:$0x2], $0x10, s23, s28, $0xb8;
	[tilespmem:$0x8F20] =	vst v63  }
0x1a0: {  	s23 =	sadd.s32 $0x5F0, s0  }
0x1a1: {  	[spmem:s2] =	stream.indirect.scatter.add.f32 [tilespmem:s26], [sflag:$0x1], $0x10, s23, s28, $0xb8;
	[tilespmem:$0x8F20] =	vst v63  }
0x1a2: {  	s23 =	sadd.s32 $0x2D00, s0  }
0x1a3: {  	[spmem:s3] =	stream.indirect.scatter.add.f32 [tilespmem:s26], [sflag:$0x2], $0x10, s23, s28, $0xb8;
	[tilespmem:$0x8F20] =	vst v63  }
0x1a4: {  	s23 =	sadd.s32 $0x640, s0  }
0x1a5: {  	[spmem:s2] =	stream.indirect.scatter.add.f32 [tilespmem:s26], [sflag:$0x1], $0x10, s23, s28, $0xb8;
	[tilespmem:$0x8F20] =	vst v63  }
0x1a6: {  	s23 =	sadd.s32 $0x2D50, s0  }
0x1a7: {  	[spmem:s3] =	stream.indirect.scatter.add.f32 [tilespmem:s26], [sflag:$0x2], $0x10, s23, s28, $0xb8;
	[tilespmem:$0x8F20] =	vst v63  }
0x1a8: {  	s23 =	sadd.s32 $0x690, s0  }
0x1a9: {  	[spmem:s2] =	stream.indirect.scatter.add.f32 [tilespmem:s26], [sflag:$0x1], $0x10, s23, s28, $0xb8;
	[tilespmem:$0x8F20] =	vst v63  }
0x1aa: {  	s23 =	sadd.s32 $0x2DA0, s0  }
0x1ab: {  	[spmem:s3] =	stream.indirect.scatter.add.f32 [tilespmem:s26], [sflag:$0x2], $0x10, s23, s28, $0xb8;
	[tilespmem:$0x8F20] =	vst v63  }
0x1ac: {  	s23 =	sadd.s32 $0x6E0, s0  }
0x1ad: {  	[spmem:s2] =	stream.indirect.scatter.add.f32 [tilespmem:s26], [sflag:$0x1], $0x10, s23, s28, $0xb8;
	[tilespmem:$0x8F20] =	vst v63  }
0x1ae: {  	s23 =	sadd.s32 $0x2DF0, s0  }
0x1af: {  	[spmem:s3] =	stream.indirect.scatter.add.f32 [tilespmem:s26], [sflag:$0x2], $0x10, s23, s28, $0xb8;
	[tilespmem:$0x8F20] =	vst v63  }
0x1b0: {  	s23 =	sadd.s32 $0x730, s0  }
0x1b1: {  	[spmem:s2] =	stream.indirect.scatter.add.f32 [tilespmem:s26], [sflag:$0x1], $0x10, s23, s28, $0xb8;
	[tilespmem:$0x8F20] =	vst v63  }
0x1b2: {  	s23 =	sadd.s32 $0x2E40, s0  }
0x1b3: {  	[spmem:s3] =	stream.indirect.scatter.add.f32 [tilespmem:s26], [sflag:$0x2], $0x10, s23, s28, $0xb8;
	[tilespmem:$0x8F20] =	vst v63  }
0x1b4: {  	s23 =	sadd.s32 $0x780, s0  }
0x1b5: {  	[spmem:s2] =	stream.indirect.scatter.add.f32 [tilespmem:s26], [sflag:$0x1], $0x10, s23, s28, $0xb8;
	[tilespmem:$0x8F20] =	vst v63  }
0x1b6: {  	s0 =	sadd.s32 $0x2E90, s0  }
0x1b7: {  	[spmem:s3] =	stream.indirect.scatter.add.f32 [tilespmem:s26], [sflag:$0x2], $0x10, s0, s28, $0xb8;
	[tilespmem:$0x8F20] =	vst v63  }
0x1b8: {  	_ =	swait.ge [sflag:s29], $0x500  }
0x1b9: {  	[sflag:s29] =	ssyncset.done $0x0  }
0x1ba: {  	[sflag:s29] =	ssyncadd.s32 $0xFFFFFB00  }
0x1bb: {  	_ =	swait.ge [sflag:s30], $0x500  }
0x1bc: {  	[sflag:s30] =	ssyncset.done $0x0  }
0x1bd: {  	[sflag:s30] =	ssyncadd.s32 $0xFFFFFB00  }
0x1be: {  	_ =	swait.ge [sflag:s29], $0x500  }
0x1bf: {  	[sflag:s29] =	ssyncset.done $0x0  }
0x1c0: {  	[sflag:s29] =	ssyncadd.s32 $0xFFFFFB00  }
0x1c1: {  	_ =	swait.ge [sflag:s30], $0x500  }
0x1c2: {  	[sflag:s30] =	ssyncset.done $0x0  }
0x1c3: {  	[sflag:s30] =	ssyncadd.s32 $0xFFFFFB00  }
0x1c4: {  	_ =	swait.ge [sflag:s29], $0x500  }
0x1c5: {  	[sflag:s29] =	ssyncset.done $0x0  }
0x1c6: {  	[sflag:s29] =	ssyncadd.s32 $0xFFFFFB00  }
0x1c7: {  	_ =	swait.ge [sflag:s30], $0x500  }
0x1c8: {  	[sflag:s30] =	ssyncset.done $0x0  }
0x1c9: {  	[sflag:s30] =	ssyncadd.s32 $0xFFFFFB00  }
0x1ca: {  	_ =	swait.ge [sflag:s29], $0x500  }
0x1cb: {  	[sflag:s29] =	ssyncset.done $0x0  }
0x1cc: {  	[sflag:s29] =	ssyncadd.s32 $0xFFFFFB00  }
0x1cd: {  	_ =	swait.ge [sflag:s30], $0x500  }
0x1ce: {  	[sflag:s30] =	ssyncset.done $0x0  }
0x1cf: {  	[sflag:s30] =	ssyncadd.s32 $0xFFFFFB00  }
0x1d0: {  	_ =	swait.ge [sflag:s29], $0x500  }
0x1d1: {  	[sflag:s29] =	ssyncset.done $0x0  }
0x1d2: {  	[sflag:s29] =	ssyncadd.s32 $0xFFFFFB00  }
0x1d3: {  	_ =	swait.ge [sflag:s30], $0x500  }
0x1d4: {  	[sflag:s30] =	ssyncset.done $0x0  }
0x1d5: {  	[sflag:s30] =	ssyncadd.s32 $0xFFFFFB00  }
0x1d6: {  	_ =	swait.ge [sflag:s29], $0x500  }
0x1d7: {  	[sflag:s29] =	ssyncset.done $0x0  }
0x1d8: {  	[sflag:s29] =	ssyncadd.s32 $0xFFFFFB00  }
0x1d9: {  	_ =	swait.ge [sflag:s30], $0x500  }
0x1da: {  	[sflag:s30] =	ssyncset.done $0x0  }
0x1db: {  	[sflag:s30] =	ssyncadd.s32 $0xFFFFFB00  }
0x1dc: {  	_ =	swait.ge [sflag:s29], $0x500  }
0x1dd: {  	[sflag:s29] =	ssyncset.done $0x0  }
0x1de: {  	[sflag:s29] =	ssyncadd.s32 $0xFFFFFB00  }
0x1df: {  	_ =	swait.ge [sflag:s30], $0x500  }
0x1e0: {  	[sflag:s30] =	ssyncset.done $0x0  }
0x1e1: {  	[sflag:s30] =	ssyncadd.s32 $0xFFFFFB00  }
0x1e2: {  	_ =	swait.ge [sflag:s29], $0x500  }
0x1e3: {  	[sflag:s29] =	ssyncset.done $0x0  }
0x1e4: {  	[sflag:s29] =	ssyncadd.s32 $0xFFFFFB00  }
0x1e5: {  	_ =	swait.ge [sflag:s30], $0x500  }
0x1e6: {  	[sflag:s30] =	ssyncset.done $0x0  }
0x1e7: {  	[sflag:s30] =	ssyncadd.s32 $0xFFFFFB00  }
0x1e8: {  	_ =	swait.ge [sflag:s29], $0x500  }
0x1e9: {  	[sflag:s29] =	ssyncset.done $0x0  }
0x1ea: {  	[sflag:s29] =	ssyncadd.s32 $0xFFFFFB00  }
0x1eb: {  	_ =	swait.ge [sflag:s30], $0x500  }
0x1ec: {  	[sflag:s30] =	ssyncset.done $0x0  }
0x1ed: {  	[sflag:s30] =	ssyncadd.s32 $0xFFFFFB00  }
0x1ee: {  	_ =	swait.ge [sflag:s29], $0x500  }
0x1ef: {  	[sflag:s29] =	ssyncset.done $0x0  }
0x1f0: {  	[sflag:s29] =	ssyncadd.s32 $0xFFFFFB00  }
0x1f1: {  	_ =	swait.ge [sflag:s30], $0x500  }
0x1f2: {  	[sflag:s30] =	ssyncset.done $0x0  }
0x1f3: {  	[sflag:s30] =	ssyncadd.s32 $0xFFFFFB00  }
0x1f4: {  	_ =	swait.ge [sflag:s29], $0x500  }
0x1f5: {  	[sflag:s29] =	ssyncset.done $0x0  }
0x1f6: {  	[sflag:s29] =	ssyncadd.s32 $0xFFFFFB00  }
0x1f7: {  	_ =	swait.ge [sflag:s30], $0x500  }
0x1f8: {  	[sflag:s30] =	ssyncset.done $0x0  }
0x1f9: {  	[sflag:s30] =	ssyncadd.s32 $0xFFFFFB00  }
0x1fa: {  	_ =	swait.ge [sflag:s29], $0x500  }
0x1fb: {  	[sflag:s29] =	ssyncset.done $0x0  }
0x1fc: {  	[sflag:s29] =	ssyncadd.s32 $0xFFFFFB00  }
0x1fd: {  	_ =	swait.ge [sflag:s30], $0x500  }
0x1fe: {  	[sflag:s30] =	ssyncset.done $0x0  }
0x1ff: {  	[sflag:s30] =	ssyncadd.s32 $0xFFFFFB00  }
0x200: {  	_ =	swait.ge [sflag:s29], $0x500  }
0x201: {  	[sflag:s29] =	ssyncset.done $0x0  }
0x202: {  	[sflag:s29] =	ssyncadd.s32 $0xFFFFFB00  }
0x203: {  	_ =	swait.ge [sflag:s30], $0x500  }
0x204: {  	[sflag:s30] =	ssyncset.done $0x0  }
0x205: {  	[sflag:s30] =	ssyncadd.s32 $0xFFFFFB00  }
0x206: {  	_ =	swait.ge [sflag:s29], $0x500  }
0x207: {  	[sflag:s29] =	ssyncset.done $0x0  }
0x208: {  	[sflag:s29] =	ssyncadd.s32 $0xFFFFFB00  }
0x209: {  	_ =	swait.ge [sflag:s30], $0x500  }
0x20a: {  	[sflag:s30] =	ssyncset.done $0x0  }
0x20b: {  	[sflag:s30] =	ssyncadd.s32 $0xFFFFFB00  }
0x20c: {  	_ =	swait.ge [sflag:s29], $0x500  }
0x20d: {  	[sflag:s29] =	ssyncset.done $0x0  }
0x20e: {  	[sflag:s29] =	ssyncadd.s32 $0xFFFFFB00  }
0x20f: {  	_ =	swait.ge [sflag:s30], $0x500  }
0x210: {  	[sflag:s30] =	ssyncset.done $0x0  }
0x211: {  	[sflag:s30] =	ssyncadd.s32 $0xFFFFFB00  }
0x212: {  	_ =	swait.ge [sflag:s29], $0x500  }
0x213: {  	[sflag:s29] =	ssyncset.done $0x0  }
0x214: {  	[sflag:s29] =	ssyncadd.s32 $0xFFFFFB00  }
0x215: {  	_ =	swait.ge [sflag:s30], $0x500  }
0x216: {  	[sflag:s30] =	ssyncset.done $0x0  }
0x217: {  	[sflag:s30] =	ssyncadd.s32 $0xFFFFFB00  }
0x218: {  	_ =	swait.ge [sflag:s29], $0x500  }
0x219: {  	[sflag:s29] =	ssyncset.done $0x0  }
0x21a: {  	[sflag:s29] =	ssyncadd.s32 $0xFFFFFB00  }
0x21b: {  	_ =	swait.ge [sflag:s30], $0x500  }
0x21c: {  	[sflag:s30] =	ssyncset.done $0x0  }
0x21d: {  	[sflag:s30] =	ssyncadd.s32 $0xFFFFFB00  }
0x21e: {  	_ =	swait.ge [sflag:s29], $0x500  }
0x21f: {  	[sflag:s29] =	ssyncset.done $0x0  }
0x220: {  	[sflag:s29] =	ssyncadd.s32 $0xFFFFFB00  }
0x221: {  	_ =	swait.ge [sflag:s30], $0x500  }
0x222: {  	[sflag:s30] =	ssyncset.done $0x0  }
0x223: {  	[sflag:s30] =	ssyncadd.s32 $0xFFFFFB00  }
0x224: {  	_ =	swait.ge [sflag:s29], $0x500  }
0x225: {  	[sflag:s29] =	ssyncset.done $0x0  }
0x226: {  	[sflag:s29] =	ssyncadd.s32 $0xFFFFFB00  }
0x227: {  	_ =	swait.ge [sflag:s30], $0x500  }
0x228: {  	[sflag:s30] =	ssyncset.done $0x0  }
0x229: {  	[sflag:s30] =	ssyncadd.s32 $0xFFFFFB00  }
0x22a: {  	_ =	swait.ge [sflag:s29], $0x500  }
0x22b: {  	[sflag:s29] =	ssyncset.done $0x0  }
0x22c: {  	[sflag:s29] =	ssyncadd.s32 $0xFFFFFB00  }
0x22d: {  	_ =	swait.ge [sflag:s30], $0x500  }
0x22e: {  	[sflag:s30] =	ssyncset.done $0x0  }
0x22f: {  	[sflag:s30] =	ssyncadd.s32 $0xFFFFFB00  }
0x230: {  	_ =	swait.ge [sflag:s29], $0x500  }
0x231: {  	[sflag:s29] =	ssyncset.done $0x0  }
0x232: {  	[sflag:s29] =	ssyncadd.s32 $0xFFFFFB00  }
0x233: {  	_ =	swait.ge [sflag:s30], $0x500  }
0x234: {  	[sflag:s30] =	ssyncset.done $0x0  }
0x235: {  	[sflag:s30] =	ssyncadd.s32 $0xFFFFFB00  }
0x236: {  	_ =	swait.ge [sflag:s29], $0x500  }
0x237: {  	[sflag:s29] =	ssyncset.done $0x0  }
0x238: {  	[sflag:s29] =	ssyncadd.s32 $0xFFFFFB00  }
0x239: {  	_ =	swait.ge [sflag:s30], $0x500  }
0x23a: {  	[sflag:s30] =	ssyncset.done $0x0  }
0x23b: {  	[sflag:s30] =	ssyncadd.s32 $0xFFFFFB00  }
0x23c: {  	_ =	swait.ge [sflag:s29], $0x500  }
0x23d: {  	[sflag:s29] =	ssyncset.done $0x0  }
0x23e: {  	[sflag:s29] =	ssyncadd.s32 $0xFFFFFB00  }
0x23f: {  	_ =	swait.ge [sflag:s30], $0x500  }
0x240: {  	[sflag:s30] =	ssyncset.done $0x0  }
0x241: {  	[sflag:s30] =	ssyncadd.s32 $0xFFFFFB00  }
0x242: {  	_ =	swait.ge [sflag:s29], $0x500  }
0x243: {  	[sflag:s29] =	ssyncset.done $0x0  }
0x244: {  	[sflag:s29] =	ssyncadd.s32 $0xFFFFFB00  }
0x245: {  	_ =	swait.ge [sflag:s30], $0x500  }
0x246: {  	[sflag:s30] =	ssyncset.done $0x0  }
0x247: {  	[sflag:s30] =	ssyncadd.s32 $0xFFFFFB00  }
.Ltmp2:
0x248: {  	_ =	swait.ge [sflag:s29], $0x500;
	(pc) =	sbr.rel @p0 .LBB2_6-.Ltmp2, $4  }
0x249: {  	[sflag:s29] =	ssyncset.done $0x0  }
0x24a: {  	[sflag:s29] =	ssyncadd.s32 $0xFFFFFB00  }
0x24b: {  	_ =	swait.ge [sflag:s30], $0x500  }
0x24c: {  	s23 =	smov.u32 s4;
	[sflag:s30] =	ssyncset.done $0x0  }
0x24d: {  	s0 =	sshra.s32 s1, $0x2;
	[sflag:s30] =	ssyncadd.s32 $0xFFFFFB00  }
0x24e: {  	[spmem:s2] =	stream.indirect.scatter.add.f32 [tilespmem:s26], [sflag:$0x1], $0x10, s0, s28, $0xb8;
	[tilespmem:$0x8F20] =	vst v63  }
0x24f: {  	s1 =	sadd.s32 $0x2710, s0  }
0x250: {  	[spmem:s3] =	stream.indirect.scatter.add.f32 [tilespmem:s26], [sflag:$0x2], $0x10, s1, s28, $0xb8;
	[tilespmem:$0x8F20] =	vst v63  }
0x251: {  	s4 =	sadd.s32 $0x50, s0  }
0x252: {  	[spmem:s2] =	stream.indirect.scatter.add.f32 [tilespmem:s26], [sflag:$0x1], $0x10, s4, s28, $0xb8;
	[tilespmem:$0x8F20] =	vst v63  }
0x253: {  	s23 =	sadd.s32 $0x2760, s0  }
0x254: {  	[spmem:s3] =	stream.indirect.scatter.add.f32 [tilespmem:s26], [sflag:$0x2], $0x10, s23, s28, $0xb8;
	[tilespmem:$0x8F20] =	vst v63  }
0x255: {  	s4 =	sadd.s32 $0xA0, s0  }
0x256: {  	[spmem:s2] =	stream.indirect.scatter.add.f32 [tilespmem:s26], [sflag:$0x1], $0x10, s4, s28, $0xb8;
	[tilespmem:$0x8F20] =	vst v63  }
0x257: {  	s23 =	sadd.s32 $0x27B0, s0  }
0x258: {  	[spmem:s3] =	stream.indirect.scatter.add.f32 [tilespmem:s26], [sflag:$0x2], $0x10, s23, s28, $0xb8;
	[tilespmem:$0x8F20] =	vst v63  }
0x259: {  	s4 =	sadd.s32 $0xF0, s0  }
0x25a: {  	[spmem:s2] =	stream.indirect.scatter.add.f32 [tilespmem:s26], [sflag:$0x1], $0x10, s4, s28, $0xb8;
	[tilespmem:$0x8F20] =	vst v63  }
0x25b: {  	s23 =	sadd.s32 $0x2800, s0  }
0x25c: {  	[spmem:s3] =	stream.indirect.scatter.add.f32 [tilespmem:s26], [sflag:$0x2], $0x10, s23, s28, $0xb8;
	[tilespmem:$0x8F20] =	vst v63  }
0x25d: {  	s4 =	sadd.s32 $0x140, s0  }
0x25e: {  	[spmem:s2] =	stream.indirect.scatter.add.f32 [tilespmem:s26], [sflag:$0x1], $0x10, s4, s28, $0xb8;
	[tilespmem:$0x8F20] =	vst v63  }
0x25f: {  	s23 =	sadd.s32 $0x2850, s0  }
0x260: {  	[spmem:s3] =	stream.indirect.scatter.add.f32 [tilespmem:s26], [sflag:$0x2], $0x10, s23, s28, $0xb8;
	[tilespmem:$0x8F20] =	vst v63  }
0x261: {  	s4 =	sadd.s32 $0x190, s0  }
0x262: {  	[spmem:s2] =	stream.indirect.scatter.add.f32 [tilespmem:s26], [sflag:$0x1], $0x10, s4, s28, $0xb8;
	[tilespmem:$0x8F20] =	vst v63  }
0x263: {  	s23 =	sadd.s32 $0x28A0, s0  }
0x264: {  	[spmem:s3] =	stream.indirect.scatter.add.f32 [tilespmem:s26], [sflag:$0x2], $0x10, s23, s28, $0xb8;
	[tilespmem:$0x8F20] =	vst v63  }
0x265: {  	s4 =	sadd.s32 $0x1E0, s0  }
0x266: {  	[spmem:s2] =	stream.indirect.scatter.add.f32 [tilespmem:s26], [sflag:$0x1], $0x10, s4, s28, $0xb8;
	[tilespmem:$0x8F20] =	vst v63  }
0x267: {  	s23 =	sadd.s32 $0x28F0, s0  }
0x268: {  	[spmem:s3] =	stream.indirect.scatter.add.f32 [tilespmem:s26], [sflag:$0x2], $0x10, s23, s28, $0xb8;
	[tilespmem:$0x8F20] =	vst v63  }
0x269: {  	s4 =	sadd.s32 $0x230, s0  }
0x26a: {  	[spmem:s2] =	stream.indirect.scatter.add.f32 [tilespmem:s26], [sflag:$0x1], $0x10, s4, s28, $0xb8;
	[tilespmem:$0x8F20] =	vst v63  }
0x26b: {  	s23 =	sadd.s32 $0x2940, s0  }
0x26c: {  	[spmem:s3] =	stream.indirect.scatter.add.f32 [tilespmem:s26], [sflag:$0x2], $0x10, s23, s28, $0xb8;
	[tilespmem:$0x8F20] =	vst v63  }
0x26d: {  	s4 =	sadd.s32 $0x280, s0  }
0x26e: {  	[spmem:s2] =	stream.indirect.scatter.add.f32 [tilespmem:s26], [sflag:$0x1], $0x10, s4, s28, $0xb8;
	[tilespmem:$0x8F20] =	vst v63  }
0x26f: {  	s23 =	sadd.s32 $0x2990, s0  }
0x270: {  	[spmem:s3] =	stream.indirect.scatter.add.f32 [tilespmem:s26], [sflag:$0x2], $0x10, s23, s28, $0xb8;
	[tilespmem:$0x8F20] =	vst v63  }
0x271: {  	s4 =	sadd.s32 $0x2D0, s0  }
0x272: {  	[spmem:s2] =	stream.indirect.scatter.add.f32 [tilespmem:s26], [sflag:$0x1], $0x10, s4, s28, $0xb8;
	[tilespmem:$0x8F20] =	vst v63  }
0x273: {  	s23 =	sadd.s32 $0x29E0, s0  }
0x274: {  	[spmem:s3] =	stream.indirect.scatter.add.f32 [tilespmem:s26], [sflag:$0x2], $0x10, s23, s28, $0xb8;
	[tilespmem:$0x8F20] =	vst v63  }
0x275: {  	s4 =	sadd.s32 $0x320, s0  }
0x276: {  	[spmem:s2] =	stream.indirect.scatter.add.f32 [tilespmem:s26], [sflag:$0x1], $0x10, s4, s28, $0xb8;
	[tilespmem:$0x8F20] =	vst v63  }
0x277: {  	s23 =	sadd.s32 $0x2A30, s0  }
0x278: {  	[spmem:s3] =	stream.indirect.scatter.add.f32 [tilespmem:s26], [sflag:$0x2], $0x10, s23, s28, $0xb8;
	[tilespmem:$0x8F20] =	vst v63  }
0x279: {  	s4 =	sadd.s32 $0x370, s0  }
0x27a: {  	[spmem:s2] =	stream.indirect.scatter.add.f32 [tilespmem:s26], [sflag:$0x1], $0x10, s4, s28, $0xb8;
	[tilespmem:$0x8F20] =	vst v63  }
0x27b: {  	s23 =	sadd.s32 $0x2A80, s0  }
0x27c: {  	[spmem:s3] =	stream.indirect.scatter.add.f32 [tilespmem:s26], [sflag:$0x2], $0x10, s23, s28, $0xb8;
	[tilespmem:$0x8F20] =	vst v63  }
0x27d: {  	s4 =	sadd.s32 $0x3C0, s0  }
0x27e: {  	[spmem:s2] =	stream.indirect.scatter.add.f32 [tilespmem:s26], [sflag:$0x1], $0x10, s4, s28, $0xb8;
	[tilespmem:$0x8F20] =	vst v63  }
0x27f: {  	s23 =	sadd.s32 $0x2AD0, s0  }
0x280: {  	[spmem:s3] =	stream.indirect.scatter.add.f32 [tilespmem:s26], [sflag:$0x2], $0x10, s23, s28, $0xb8;
	[tilespmem:$0x8F20] =	vst v63  }
0x281: {  	s4 =	sadd.s32 $0x410, s0  }
0x282: {  	[spmem:s2] =	stream.indirect.scatter.add.f32 [tilespmem:s26], [sflag:$0x1], $0x10, s4, s28, $0xb8;
	[tilespmem:$0x8F20] =	vst v63  }
0x283: {  	s23 =	sadd.s32 $0x2B20, s0  }
0x284: {  	[spmem:s3] =	stream.indirect.scatter.add.f32 [tilespmem:s26], [sflag:$0x2], $0x10, s23, s28, $0xb8;
	[tilespmem:$0x8F20] =	vst v63  }
0x285: {  	s4 =	sadd.s32 $0x460, s0  }
0x286: {  	[spmem:s2] =	stream.indirect.scatter.add.f32 [tilespmem:s26], [sflag:$0x1], $0x10, s4, s28, $0xb8;
	[tilespmem:$0x8F20] =	vst v63  }
0x287: {  	s23 =	sadd.s32 $0x2B70, s0  }
0x288: {  	[spmem:s3] =	stream.indirect.scatter.add.f32 [tilespmem:s26], [sflag:$0x2], $0x10, s23, s28, $0xb8;
	[tilespmem:$0x8F20] =	vst v63  }
0x289: {  	s4 =	sadd.s32 $0x4B0, s0  }
0x28a: {  	[spmem:s2] =	stream.indirect.scatter.add.f32 [tilespmem:s26], [sflag:$0x1], $0x10, s4, s28, $0xb8;
	[tilespmem:$0x8F20] =	vst v63  }
0x28b: {  	s23 =	sadd.s32 $0x2BC0, s0  }
0x28c: {  	[spmem:s3] =	stream.indirect.scatter.add.f32 [tilespmem:s26], [sflag:$0x2], $0x10, s23, s28, $0xb8;
	[tilespmem:$0x8F20] =	vst v63  }
0x28d: {  	s4 =	sadd.s32 $0x500, s0  }
0x28e: {  	[spmem:s2] =	stream.indirect.scatter.add.f32 [tilespmem:s26], [sflag:$0x1], $0x10, s4, s28, $0xb8;
	[tilespmem:$0x8F20] =	vst v63  }
0x28f: {  	s23 =	sadd.s32 $0x2C10, s0  }
0x290: {  	[spmem:s3] =	stream.indirect.scatter.add.f32 [tilespmem:s26], [sflag:$0x2], $0x10, s23, s28, $0xb8;
	[tilespmem:$0x8F20] =	vst v63  }
0x291: {  	s4 =	sadd.s32 $0x550, s0  }
0x292: {  	[spmem:s2] =	stream.indirect.scatter.add.f32 [tilespmem:s26], [sflag:$0x1], $0x10, s4, s28, $0xb8;
	[tilespmem:$0x8F20] =	vst v63  }
0x293: {  	s23 =	sadd.s32 $0x2C60, s0  }
0x294: {  	[spmem:s3] =	stream.indirect.scatter.add.f32 [tilespmem:s26], [sflag:$0x2], $0x10, s23, s28, $0xb8;
	[tilespmem:$0x8F20] =	vst v63  }
0x295: {  	s4 =	sadd.s32 $0x5A0, s0  }
0x296: {  	[spmem:s2] =	stream.indirect.scatter.add.f32 [tilespmem:s26], [sflag:$0x1], $0x10, s4, s28, $0xb8;
	[tilespmem:$0x8F20] =	vst v63  }
0x297: {  	s23 =	sadd.s32 $0x2CB0, s0  }
0x298: {  	[spmem:s3] =	stream.indirect.scatter.add.f32 [tilespmem:s26], [sflag:$0x2], $0x10, s23, s28, $0xb8;
	[tilespmem:$0x8F20] =	vst v63  }
0x299: {  	s4 =	sadd.s32 $0x5F0, s0  }
0x29a: {  	[spmem:s2] =	stream.indirect.scatter.add.f32 [tilespmem:s26], [sflag:$0x1], $0x10, s4, s28, $0xb8;
	[tilespmem:$0x8F20] =	vst v63  }
0x29b: {  	s23 =	sadd.s32 $0x2D00, s0  }
0x29c: {  	[spmem:s3] =	stream.indirect.scatter.add.f32 [tilespmem:s26], [sflag:$0x2], $0x10, s23, s28, $0xb8;
	[tilespmem:$0x8F20] =	vst v63  }
0x29d: {  	s4 =	sadd.s32 $0x640, s0  }
0x29e: {  	[spmem:s2] =	stream.indirect.scatter.add.f32 [tilespmem:s26], [sflag:$0x1], $0x10, s4, s28, $0xb8;
	[tilespmem:$0x8F20] =	vst v63  }
0x29f: {  	s23 =	sadd.s32 $0x2D50, s0  }
0x2a0: {  	[spmem:s3] =	stream.indirect.scatter.add.f32 [tilespmem:s26], [sflag:$0x2], $0x10, s23, s28, $0xb8;
	[tilespmem:$0x8F20] =	vst v63  }
0x2a1: {  	s4 =	sadd.s32 $0x690, s0  }
0x2a2: {  	[spmem:s2] =	stream.indirect.scatter.add.f32 [tilespmem:s26], [sflag:$0x1], $0x10, s4, s28, $0xb8;
	[tilespmem:$0x8F20] =	vst v63  }
0x2a3: {  	s23 =	sadd.s32 $0x2DA0, s0  }
0x2a4: {  	[spmem:s3] =	stream.indirect.scatter.add.f32 [tilespmem:s26], [sflag:$0x2], $0x10, s23, s28, $0xb8;
	[tilespmem:$0x8F20] =	vst v63  }
0x2a5: {  	s4 =	sadd.s32 $0x6E0, s0  }
0x2a6: {  	[spmem:s2] =	stream.indirect.scatter.add.f32 [tilespmem:s26], [sflag:$0x1], $0x10, s4, s28, $0xb8;
	[tilespmem:$0x8F20] =	vst v63  }
0x2a7: {  	s23 =	sadd.s32 $0x2DF0, s0  }
0x2a8: {  	[spmem:s3] =	stream.indirect.scatter.add.f32 [tilespmem:s26], [sflag:$0x2], $0x10, s23, s28, $0xb8;
	[tilespmem:$0x8F20] =	vst v63  }
0x2a9: {  	s4 =	sadd.s32 $0x730, s0  }
0x2aa: {  	[spmem:s2] =	stream.indirect.scatter.add.f32 [tilespmem:s26], [sflag:$0x1], $0x10, s4, s28, $0xb8;
	[tilespmem:$0x8F20] =	vst v63  }
0x2ab: {  	s23 =	sadd.s32 $0x2E40, s0  }
0x2ac: {  	[spmem:s3] =	stream.indirect.scatter.add.f32 [tilespmem:s26], [sflag:$0x2], $0x10, s23, s28, $0xb8;
	[tilespmem:$0x8F20] =	vst v63  }
0x2ad: {  	s4 =	sadd.s32 $0x780, s0  }
0x2ae: {  	[spmem:s2] =	stream.indirect.scatter.add.f32 [tilespmem:s26], [sflag:$0x1], $0x10, s4, s28, $0xb8;
	[tilespmem:$0x8F20] =	vst v63  }
0x2af: {  	s0 =	sadd.s32 $0x2E90, s0  }
0x2b0: {  	[spmem:s3] =	stream.indirect.scatter.add.f32 [tilespmem:s26], [sflag:$0x2], $0x10, s0, s28, $0xb8;
	[tilespmem:$0x8F20] =	vst v63  }
0x2b1: {  	_ =	swait.ge [sflag:s29], $0x500  }
0x2b2: {  	[sflag:s29] =	ssyncset.done $0x0  }
0x2b3: {  	[sflag:s29] =	ssyncadd.s32 $0xFFFFFB00  }
0x2b4: {  	_ =	swait.ge [sflag:s30], $0x500  }
0x2b5: {  	[sflag:s30] =	ssyncset.done $0x0  }
0x2b6: {  	[sflag:s30] =	ssyncadd.s32 $0xFFFFFB00  }
0x2b7: {  	_ =	swait.ge [sflag:s29], $0x500  }
0x2b8: {  	[sflag:s29] =	ssyncset.done $0x0  }
0x2b9: {  	[sflag:s29] =	ssyncadd.s32 $0xFFFFFB00  }
0x2ba: {  	_ =	swait.ge [sflag:s30], $0x500  }
0x2bb: {  	[sflag:s30] =	ssyncset.done $0x0  }
0x2bc: {  	[sflag:s30] =	ssyncadd.s32 $0xFFFFFB00  }
0x2bd: {  	_ =	swait.ge [sflag:s29], $0x500  }
0x2be: {  	[sflag:s29] =	ssyncset.done $0x0  }
0x2bf: {  	[sflag:s29] =	ssyncadd.s32 $0xFFFFFB00  }
0x2c0: {  	_ =	swait.ge [sflag:s30], $0x500  }
0x2c1: {  	[sflag:s30] =	ssyncset.done $0x0  }
0x2c2: {  	[sflag:s30] =	ssyncadd.s32 $0xFFFFFB00  }
0x2c3: {  	_ =	swait.ge [sflag:s29], $0x500  }
0x2c4: {  	[sflag:s29] =	ssyncset.done $0x0  }
0x2c5: {  	[sflag:s29] =	ssyncadd.s32 $0xFFFFFB00  }
0x2c6: {  	_ =	swait.ge [sflag:s30], $0x500  }
0x2c7: {  	[sflag:s30] =	ssyncset.done $0x0  }
0x2c8: {  	[sflag:s30] =	ssyncadd.s32 $0xFFFFFB00  }
0x2c9: {  	_ =	swait.ge [sflag:s29], $0x500  }
0x2ca: {  	[sflag:s29] =	ssyncset.done $0x0  }
0x2cb: {  	[sflag:s29] =	ssyncadd.s32 $0xFFFFFB00  }
0x2cc: {  	_ =	swait.ge [sflag:s30], $0x500  }
0x2cd: {  	[sflag:s30] =	ssyncset.done $0x0  }
0x2ce: {  	[sflag:s30] =	ssyncadd.s32 $0xFFFFFB00  }
0x2cf: {  	_ =	swait.ge [sflag:s29], $0x500  }
0x2d0: {  	[sflag:s29] =	ssyncset.done $0x0  }
0x2d1: {  	[sflag:s29] =	ssyncadd.s32 $0xFFFFFB00  }
0x2d2: {  	_ =	swait.ge [sflag:s30], $0x500  }
0x2d3: {  	[sflag:s30] =	ssyncset.done $0x0  }
0x2d4: {  	[sflag:s30] =	ssyncadd.s32 $0xFFFFFB00  }
0x2d5: {  	_ =	swait.ge [sflag:s29], $0x500  }
0x2d6: {  	[sflag:s29] =	ssyncset.done $0x0  }
0x2d7: {  	[sflag:s29] =	ssyncadd.s32 $0xFFFFFB00  }
0x2d8: {  	_ =	swait.ge [sflag:s30], $0x500  }
0x2d9: {  	[sflag:s30] =	ssyncset.done $0x0  }
0x2da: {  	[sflag:s30] =	ssyncadd.s32 $0xFFFFFB00  }
0x2db: {  	_ =	swait.ge [sflag:s29], $0x500  }
0x2dc: {  	[sflag:s29] =	ssyncset.done $0x0  }
0x2dd: {  	[sflag:s29] =	ssyncadd.s32 $0xFFFFFB00  }
0x2de: {  	_ =	swait.ge [sflag:s30], $0x500  }
0x2df: {  	[sflag:s30] =	ssyncset.done $0x0  }
0x2e0: {  	[sflag:s30] =	ssyncadd.s32 $0xFFFFFB00  }
0x2e1: {  	_ =	swait.ge [sflag:s29], $0x500  }
0x2e2: {  	[sflag:s29] =	ssyncset.done $0x0  }
0x2e3: {  	[sflag:s29] =	ssyncadd.s32 $0xFFFFFB00  }
0x2e4: {  	_ =	swait.ge [sflag:s30], $0x500  }
0x2e5: {  	[sflag:s30] =	ssyncset.done $0x0  }
0x2e6: {  	[sflag:s30] =	ssyncadd.s32 $0xFFFFFB00  }
0x2e7: {  	_ =	swait.ge [sflag:s29], $0x500  }
0x2e8: {  	[sflag:s29] =	ssyncset.done $0x0  }
0x2e9: {  	[sflag:s29] =	ssyncadd.s32 $0xFFFFFB00  }
0x2ea: {  	_ =	swait.ge [sflag:s30], $0x500  }
0x2eb: {  	[sflag:s30] =	ssyncset.done $0x0  }
0x2ec: {  	[sflag:s30] =	ssyncadd.s32 $0xFFFFFB00  }
0x2ed: {  	_ =	swait.ge [sflag:s29], $0x500  }
0x2ee: {  	[sflag:s29] =	ssyncset.done $0x0  }
0x2ef: {  	[sflag:s29] =	ssyncadd.s32 $0xFFFFFB00  }
0x2f0: {  	_ =	swait.ge [sflag:s30], $0x500  }
0x2f1: {  	[sflag:s30] =	ssyncset.done $0x0  }
0x2f2: {  	[sflag:s30] =	ssyncadd.s32 $0xFFFFFB00  }
0x2f3: {  	_ =	swait.ge [sflag:s29], $0x500  }
0x2f4: {  	[sflag:s29] =	ssyncset.done $0x0  }
0x2f5: {  	[sflag:s29] =	ssyncadd.s32 $0xFFFFFB00  }
0x2f6: {  	_ =	swait.ge [sflag:s30], $0x500  }
0x2f7: {  	[sflag:s30] =	ssyncset.done $0x0  }
0x2f8: {  	[sflag:s30] =	ssyncadd.s32 $0xFFFFFB00  }
0x2f9: {  	_ =	swait.ge [sflag:s29], $0x500  }
0x2fa: {  	[sflag:s29] =	ssyncset.done $0x0  }
0x2fb: {  	[sflag:s29] =	ssyncadd.s32 $0xFFFFFB00  }
0x2fc: {  	_ =	swait.ge [sflag:s30], $0x500  }
0x2fd: {  	[sflag:s30] =	ssyncset.done $0x0  }
0x2fe: {  	[sflag:s30] =	ssyncadd.s32 $0xFFFFFB00  }
0x2ff: {  	_ =	swait.ge [sflag:s29], $0x500  }
0x300: {  	[sflag:s29] =	ssyncset.done $0x0  }
0x301: {  	[sflag:s29] =	ssyncadd.s32 $0xFFFFFB00  }
0x302: {  	_ =	swait.ge [sflag:s30], $0x500  }
0x303: {  	[sflag:s30] =	ssyncset.done $0x0  }
0x304: {  	[sflag:s30] =	ssyncadd.s32 $0xFFFFFB00  }
0x305: {  	_ =	swait.ge [sflag:s29], $0x500  }
0x306: {  	[sflag:s29] =	ssyncset.done $0x0  }
0x307: {  	[sflag:s29] =	ssyncadd.s32 $0xFFFFFB00  }
0x308: {  	_ =	swait.ge [sflag:s30], $0x500  }
0x309: {  	[sflag:s30] =	ssyncset.done $0x0  }
0x30a: {  	[sflag:s30] =	ssyncadd.s32 $0xFFFFFB00  }
0x30b: {  	_ =	swait.ge [sflag:s29], $0x500  }
0x30c: {  	[sflag:s29] =	ssyncset.done $0x0  }
0x30d: {  	[sflag:s29] =	ssyncadd.s32 $0xFFFFFB00  }
0x30e: {  	_ =	swait.ge [sflag:s30], $0x500  }
0x30f: {  	[sflag:s30] =	ssyncset.done $0x0  }
0x310: {  	[sflag:s30] =	ssyncadd.s32 $0xFFFFFB00  }
0x311: {  	_ =	swait.ge [sflag:s29], $0x500  }
0x312: {  	[sflag:s29] =	ssyncset.done $0x0  }
0x313: {  	[sflag:s29] =	ssyncadd.s32 $0xFFFFFB00  }
0x314: {  	_ =	swait.ge [sflag:s30], $0x500  }
0x315: {  	[sflag:s30] =	ssyncset.done $0x0  }
0x316: {  	[sflag:s30] =	ssyncadd.s32 $0xFFFFFB00  }
0x317: {  	_ =	swait.ge [sflag:s29], $0x500  }
0x318: {  	[sflag:s29] =	ssyncset.done $0x0  }
0x319: {  	[sflag:s29] =	ssyncadd.s32 $0xFFFFFB00  }
0x31a: {  	_ =	swait.ge [sflag:s30], $0x500  }
0x31b: {  	[sflag:s30] =	ssyncset.done $0x0  }
0x31c: {  	[sflag:s30] =	ssyncadd.s32 $0xFFFFFB00  }
0x31d: {  	_ =	swait.ge [sflag:s29], $0x500  }
0x31e: {  	[sflag:s29] =	ssyncset.done $0x0  }
0x31f: {  	[sflag:s29] =	ssyncadd.s32 $0xFFFFFB00  }
0x320: {  	_ =	swait.ge [sflag:s30], $0x500  }
0x321: {  	[sflag:s30] =	ssyncset.done $0x0  }
0x322: {  	[sflag:s30] =	ssyncadd.s32 $0xFFFFFB00  }
0x323: {  	_ =	swait.ge [sflag:s29], $0x500  }
0x324: {  	[sflag:s29] =	ssyncset.done $0x0  }
0x325: {  	[sflag:s29] =	ssyncadd.s32 $0xFFFFFB00  }
0x326: {  	_ =	swait.ge [sflag:s30], $0x500  }
0x327: {  	[sflag:s30] =	ssyncset.done $0x0  }
0x328: {  	[sflag:s30] =	ssyncadd.s32 $0xFFFFFB00  }
0x329: {  	_ =	swait.ge [sflag:s29], $0x500  }
0x32a: {  	[sflag:s29] =	ssyncset.done $0x0  }
0x32b: {  	[sflag:s29] =	ssyncadd.s32 $0xFFFFFB00  }
0x32c: {  	_ =	swait.ge [sflag:s30], $0x500  }
0x32d: {  	[sflag:s30] =	ssyncset.done $0x0  }
0x32e: {  	[sflag:s30] =	ssyncadd.s32 $0xFFFFFB00  }
0x32f: {  	_ =	swait.ge [sflag:s29], $0x500  }
0x330: {  	[sflag:s29] =	ssyncset.done $0x0  }
0x331: {  	[sflag:s29] =	ssyncadd.s32 $0xFFFFFB00  }
0x332: {  	_ =	swait.ge [sflag:s30], $0x500  }
0x333: {  	[sflag:s30] =	ssyncset.done $0x0  }
0x334: {  	[sflag:s30] =	ssyncadd.s32 $0xFFFFFB00  }
0x335: {  	_ =	swait.ge [sflag:s29], $0x500  }
0x336: {  	[sflag:s29] =	ssyncset.done $0x0  }
0x337: {  	[sflag:s29] =	ssyncadd.s32 $0xFFFFFB00  }
0x338: {  	_ =	swait.ge [sflag:s30], $0x500  }
0x339: {  	[sflag:s30] =	ssyncset.done $0x0  }
0x33a: {  	[sflag:s30] =	ssyncadd.s32 $0xFFFFFB00  }
0x33b: {  	_ =	swait.ge [sflag:s29], $0x500  }
0x33c: {  	[sflag:s29] =	ssyncset.done $0x0  }
0x33d: {  	[sflag:s29] =	ssyncadd.s32 $0xFFFFFB00  }
0x33e: {  	_ =	swait.ge [sflag:s30], $0x500  }
0x33f: {  	[sflag:s30] =	ssyncset.done $0x0  }
0x340: {  	[sflag:s30] =	ssyncadd.s32 $0xFFFFFB00  }
0x341: {  	_ =	swait.ge [sflag:s29], $0x500  }
0x342: {  	[sflag:s29] =	ssyncset.done $0x0  }
0x343: {  	[sflag:s29] =	ssyncadd.s32 $0xFFFFFB00  }
0x344: {  	_ =	swait.ge [sflag:s30], $0x500  }
0x345: {  	s23 =	stileid.u32;
	[sflag:s30] =	ssyncset.done $0x0  }
0x346: {  	s0 =	sshll.u32 s23, $0x6;
	[sflag:s30] =	ssyncadd.s32 $0xFFFFFB00  }
0x347: {  	s0 =	sor.u32 $0x1C03, s0;
	[bflag:$0x0] =	sbarrier.arrive $0xFFFF  }
0x348: {  	[hbm:s20], [sflag:s0] =	dma.local [spmem:s24], $0x500  }
0x349: {  	s31 =	sadd.s32 $0x1, s31;
	_ =	swait.ge [sflag:s21], $0x500  }
0x34a: {  	p0 =	sne.s32 s31, s8;
	[sflag:s21] =	ssyncset.done $0x0  }
.Ltmp3:
0x34b: {  	[sflag:s21] =	ssyncadd.s32 $0xFFFFFB00;
	(pc) =	sbr.rel @p0 .LBB2_1-.Ltmp3, $4  }
0x34c: {  	[hbm:s22], [sflag:s0] =	dma.local [spmem:s25], $0x280  }
0x34d: {  	_ =	swait.ge [sflag:s21], $0x280  }
0x34e: {  	[sflag:s21] =	ssyncset.done $0x0  }
0x34f: {  	[sflag:s21] =	ssyncadd.s32 $0xFFFFFD80  }
0x350: {  	_ =	sfence.sel $0x180000  }
0x351: {  	[bflag:$0x0] =	sbarrier.arrive $0xFFFF  }
0x352: {  	_ =	strace $0x90000047  }
0x353: {  	s0 =	stileid.u32;
	[bflag:$0x2] =	sbarrier.arrive $0xFFFF  }
0x354: {  	p0 =	sne.s32 s0, $0x0;
	s0 =	rddreg [dreg:$0x6]  }
0x355: {  	s0 =	sadd.s32 @!p0 $0x100000, s0  }
0x356: {  	[sflag:s0] =	ssyncadd.tile.s32 @!p0 $0x1;
	_ =	shalt  }
.Lfunc_end2:
_tile_overlayer_lowered:
.L_overlay_start_2:
0x357: {  	(tag) =	ssettag $0x2  }
0x358: {  	s0 =	rddreg [dreg:$0x0];
	s2 =	stileid.u32  }
0x359: {  	s1 =	rddreg [dreg:$0x1];
	p0 =	sne.s32 s2, $0x0  }
0x35a: {  	s3 =	rddreg [dreg:$0x2];
	[bflag:$0x3] =	sbarrier.arrive $0xFFFF;
	s2 =	simm.s32 @!p0 $0x1C03  }
0x35b: {  	[timem:s3], [sflag:s2] =	dma.local @!p0 [hbm:s0], s1  }
0x35c: {  	s0 =	simm.s32 @!p0 $0x3  }
0x35d: {  	_ =	swait.ge @!p0 [sflag:s0], s1  }
0x35e: {  	s1 =	ssub.s32 @!p0 $0x0, s1;
	[sflag:s0] =	ssyncset.done @!p0 $0x0  }
0x35f: {  	[sflag:s0] =	ssyncadd.s32 @!p0 s1  }
0x360: {  	[bflag:$0x3] =	sbarrier.arrive $0xFFFF  }
0x361: {  	_ =	shalt  }

// kernel: kernel.16.cloned.1.call-start
scs
__scs_entry_jumppad:
0x0: {  	(pc) =	sbr.rel $0x88, $3  }
0x1: {  	(tag) =	ssettag $0x0;
	lr =	simm.s32 $0x1  }
0x2: {  	[smem:$0x3F9A] =	sst lr;
	_ =	strace $0xD0000000  }
0x3: {  	_ = 	snop  }
0x4: {  	_ = 	snop  }
0x5: {  	_ = 	snop  }
0x6: {  	_ = 	snop  }
0x7: {  	_ = 	snop  }
__scs_overlays_trampoline_lowered:
0x8: {  	[smem:$0x3FA9] =	sst s0  }
0x9: {  	[smem:$0x3FAA] =	sst s1  }
0xa: {  	[smem:$0x3FAB] =	sst s2  }
0xb: {  	[smem:$0x3FAC] =	sst s3  }
0xc: {  	[smem:$0x3FAD] =	sst s4  }
0xd: {  	[smem:$0x3FAE] =	sst s5  }
0xe: {  	[smem:$0x3FAF] =	sst s6  }
0xf: {  	[smem:$0x3FB0] =	sst s7  }
0x10: {  	[smem:$0x3FB1] =	sst s8  }
0x11: {  	[smem:$0x3FB2] =	sst s9;
	s0 =	simm.s32 @!p0 $0x0  }
0x12: {  	s1 =	sld [smem:$0x3F98];
	s0 =	simm.s32 @p0 $0x1  }
0x13: {  	[smem:$0x3FB3] =	sst s0;
	s0 =	simm.s32 @!p1 $0x0  }
0x14: {  	s2 =	sld [smem:$0x3F97];
	s0 =	simm.s32 @p1 $0x1  }
0x15: {  	[smem:$0x3FB4] =	sst s0;
	s0 =	simm.s32 @!p2 $0x0  }
0x16: {  	s3 =	sld [smem:$0x3FDB];
	s0 =	simm.s32 @p2 $0x1  }
0x17: {  	s4 =	simm.s32 $0x1BF5;
	[smem:$0x3FB6] =	sst s0  }
0x18: {  	s0 =	sld [smem:$0x3F99];
	_ =	swait.ge [sflag:s4], $0x0  }
0x19: {  	s7 =	sld [smem:$0x3F9A]  }
0x1a: {  	s8 =	sadd.s32 $0xFFFFE003, lr  }
0x1b: {  	s9 =	sadd.s32 $0xFFFFFEF7, lr;
	s5 =	simm.s32 $0xFFFFFFFF;
	p2 =	slt.u32 s8, $0xFFFFF086  }
0x1c: {  	p1 =	slt.u32 s9, $0xF7A;
	s5 =	simm.s32 @!p2 $0x0  }
0x1d: {  	s5 =	simm.s32 @p1 $0x1;
	p0 =	seq.s32 s7, s2  }
0x1e: {  	s7 =	smul.u32 @!p0 $0xF7A, s2;
	p2 =	seq.s32 @!p0 s5, $0x0  }
0x1f: {  	s9 =	smul.u32 $0xF7A, s1;
	s8 =	simm.s32 @!p0 $0x1BF5;
	p2 =	por !p2, p0  }
0x20: {  	[sflag:s8] =	ssyncset.s32 @!p0 $0xFFFFF086;
	s6 =	sadd.s32 @!p0 s3, s7;
	s7 =	simm.s32 @!p0 $0x108  }
0x21: {  	s3 =	sadd.s32 s3, s9;
	s6 =	sadd.s32 @!p0 $0x88, s6;
	s7 =	simm.s32 @p2 $0x1082  }
0x22: {  	[simem:s7], [sflag:s8] =	dma.local @!p0 [hbm:s6], $0xF7A  }
0x23: {  	s9 =	sor.u32 $0xD0000000, s2;
	s6 =	simm.s32 $0x108;
	_ =	swait.ge @!p0 [sflag:s8], $0x0  }
0x24: {  	s3 =	sadd.s32 $0x88, s3;
	s6 =	simm.s32 @!p1 $0x1082;
	[sflag:s4] =	ssyncset.s32 $0xFFFFF086  }
0x25: {  	[simem:s6], [sflag:s4] =	dma.local [hbm:s3], $0xF7A  }
0x26: {  	[smem:$0x3F9A] =	sst s1;
	(tag) =	ssettag s2;
	_ =	strace s9  }
0x27: {  	s1 =	sld [smem:$0x3FAA]  }
0x28: {  	s2 =	sld [smem:$0x3FAB]  }
0x29: {  	s4 =	sld [smem:$0x3FAD]  }
0x2a: {  	p0 =	seq.s32 s5, $0x0;
	s5 =	sld [smem:$0x3FAE]  }
0x2b: {  	s6 =	sld [smem:$0x3FAF]  }
0x2c: {  	s7 =	sld [smem:$0x3FB0]  }
0x2d: {  	s3 =	simm.s32 $0x108;
	s8 =	sld [smem:$0x3FB1]  }
0x2e: {  	s3 =	simm.s32 @!p0 $0x1082;
	s9 =	sld [smem:$0x3FB2]  }
0x2f: {  	lr =	sadd.s32 s0, s3;
	s0 =	sld [smem:$0x3FA9]  }
0x30: {  	s3 =	sld [smem:$0x3FAC]  }
0x31: {  	[smem:$0x3FB5] =	sst s10  }
0x32: {  	s10 =	sld [smem:$0x3FB3];
	_ =	sdelay $0x3  }
0x33: {  	p0 =	seq.s32 s10, $0x1;
	s10 =	sld [smem:$0x3FB5];
	_ =	sdelay $0x3  }
0x34: {  	[smem:$0x3FB5] =	sst s10  }
0x35: {  	s10 =	sld [smem:$0x3FB4];
	_ =	sdelay $0x3  }
0x36: {  	p1 =	seq.s32 s10, $0x1;
	s10 =	sld [smem:$0x3FB5];
	_ =	sdelay $0x3  }
0x37: {  	[smem:$0x3FB5] =	sst s10  }
0x38: {  	s10 =	sld [smem:$0x3FB6]  }
0x39: {  	_ = 	snop;
	(pc) =	sbr.ind lr, $3  }
0x3a: {  	_ = 	snop  }
0x3b: {  	_ = 	snop  }
0x3c: {  	p2 =	seq.s32 s10, $0x1;
	s10 =	sld [smem:$0x3FB5]  }
0x3d: {  	_ =	shalt  }
0x3e: {  	_ =	shalt  }
0x3f: {  	_ =	shalt  }
0x40: {  	_ =	shalt  }
0x41: {  	_ =	shalt  }
0x42: {  	_ =	shalt  }
0x43: {  	_ =	shalt  }
0x44: {  	_ =	shalt  }
0x45: {  	_ =	shalt  }
0x46: {  	_ =	shalt  }
0x47: {  	_ =	shalt  }
0x48: {  	_ =	shalt  }
0x49: {  	_ =	shalt  }
0x4a: {  	_ =	shalt  }
0x4b: {  	_ =	shalt  }
0x4c: {  	_ =	shalt  }
0x4d: {  	_ =	shalt  }
0x4e: {  	_ =	shalt  }
0x4f: {  	_ =	shalt  }
0x50: {  	_ =	shalt  }
0x51: {  	_ =	shalt  }
0x52: {  	_ =	shalt  }
0x53: {  	_ =	shalt  }
0x54: {  	_ =	shalt  }
0x55: {  	_ =	shalt  }
0x56: {  	_ =	shalt  }
0x57: {  	_ =	shalt  }
0x58: {  	_ =	shalt  }
0x59: {  	_ =	shalt  }
0x5a: {  	_ =	shalt  }
0x5b: {  	_ =	shalt  }
0x5c: {  	_ =	shalt  }
0x5d: {  	_ =	shalt  }
0x5e: {  	_ =	shalt  }
0x5f: {  	_ =	shalt  }
0x60: {  	_ =	shalt  }
0x61: {  	_ =	shalt  }
0x62: {  	_ =	shalt  }
0x63: {  	_ =	shalt  }
0x64: {  	_ =	shalt  }
0x65: {  	_ =	shalt  }
0x66: {  	_ =	shalt  }
0x67: {  	_ =	shalt  }
0x68: {  	_ =	shalt  }
0x69: {  	_ =	shalt  }
0x6a: {  	_ =	shalt  }
0x6b: {  	_ =	shalt  }
0x6c: {  	_ =	shalt  }
0x6d: {  	_ =	shalt  }
0x6e: {  	_ =	shalt  }
0x6f: {  	_ =	shalt  }
0x70: {  	_ =	shalt  }
0x71: {  	_ =	shalt  }
0x72: {  	_ =	shalt  }
0x73: {  	_ =	shalt  }
0x74: {  	_ =	shalt  }
0x75: {  	_ =	shalt  }
0x76: {  	_ =	shalt  }
0x77: {  	_ =	shalt  }
0x78: {  	_ =	shalt  }
0x79: {  	_ =	shalt  }
0x7a: {  	_ =	shalt  }
0x7b: {  	_ =	shalt  }
0x7c: {  	_ =	shalt  }
0x7d: {  	_ =	shalt  }
0x7e: {  	_ =	shalt  }
0x7f: {  	_ =	shalt  }
0x80: {  	_ =	shalt  }
0x81: {  	_ =	shalt  }
0x82: {  	_ =	shalt  }
0x83: {  	_ =	shalt  }
0x84: {  	_ =	shalt  }
0x85: {  	_ =	shalt  }
0x86: {  	_ =	shalt  }
0x87: {  	_ =	shalt  }
.Lfunc_end0:
.L_simem_size_0:
called_computation.1_lowered:
.L_overlay_start_0:
0x88: {  	s2 =	sld [smem:$0x3FD9]  }
0x89: {  	s3 =	sld [smem:$0x3FFE];
	_ =	sdelay $0x1  }
0x8a: {  	s1 =	srdreg.scid  }
0x8b: {  	s0 =	sand.u32 $0x1, s1  }
0x8c: {  	s17 =	sshll.u32 s0, $0xA;
	s2 =	sadd.s32 s3, s2  }
0x8d: {  	s2 =	sadd.s32 s2, s17  }
0x8e: {  	[smem:$0x3FC1] =	sst s2  }
0x8f: {  	_ = 	snop  }
0x90: {  	s2 =	sld [smem:$0x3FC8]  }
0x91: {  	s18 =	sld [smem:$0x3FC7];
	(tm) =	ssettm $0x1  }
0x92: {  	s4 =	sld [smem:$0x3FFB];
	_ =	sdelay $0x3  }
0x93: {  	_ =	strace s4  }
0x94: {  	s4 =	sld [smem:$0x3FFC];
	_ =	sdelay $0x3  }
0x95: {  	_ =	strace s4  }
0x96: {  	s4 =	sld [smem:$0x3FFD];
	_ =	sdelay $0x3  }
0x97: {  	_ =	strace s4  }
0x98: {  	_ =	strace $0x8FFFFFFF  }
0x99: {  	s19 =	sld [smem:$0x3FDB];
	_ =	sdelay $0x1  }
0x9a: {  	s5 =	simm.s32 $_scs_section_size  }
0x9b: {  	s6 =	simm.s32 $_size__tile_overlayer_lowered;
	s7 =	simm.s32 $_tile_overlayer_lowered  }
0x9c: {  	s22 =	simm.s32 $0x1BFF;
	s21 =	sshll.u32 s7, $0x1;
	s4 =	sadd.s32 s5, s19  }
0x9d: {  	s8 =	simm.s32 $0x0;
	s20 =	sshll.u32 s6, $0x1;
	s6 =	sadd.s32 s21, s4  }
0x9e: {  	[timem:s8], [sflag:s22] =	dma.local [hbm:s6], s20  }
0x9f: {  	_ =	swait.ge [sflag:s22], s20  }
0xa0: {  	s5 =	ssub.s32 $0x0, s20;
	[sflag:s22] =	ssyncset.done $0x0  }
0xa1: {  	[sflag:s22] =	ssyncadd.s32 s5;
	_ =	sdelay $0x1  }
0xa2: {  	s23 =	simm.s32 $0x1B8B  }
0xa3: {  	_ =	swait.ge [sflag:s23], $0x1  }
0xa4: {  	[sflag:s23] =	ssyncset.done $0x0  }
0xa5: {  	s25 =	simm.s32 $0x1B8E;
	s24 =	sld [smem:$0x3FFE];
	[sflag:s23] =	ssyncadd.s32 $0xFFFFFFFF  }
0xa6: {  	s26 =	simm.s32 $execute0_lowered;
	[smem:$0x3FD2] =	sst s25  }
0xa7: {  	s6 =	sshll.u32 s26, $0x1;
	_ =	strace $0x80000049;
	[dreg:$0x1] =	wrdreg $0xFFFFFFFF  }
0xa8: {  	s28 =	simm.s32 $_size_execute0_lowered;
	s4 =	sadd.s32 s4, s6;
	[dreg:$0x0] =	wrdreg $0x0  }
0xa9: {  	s6 =	sshll.u32 s28, $0x1;
	[dreg:$0x2] =	wrdreg s4  }
0xaa: {  	[dreg:$0x3] =	wrdreg s6  }
0xab: {  	[dreg:$0x4] =	wrdreg $0xC0  }
0xac: {  	_ =	task [dreg:s8], $0x5FFFF  }
0xad: {  	[dreg:$0x1] =	wrdreg $0xFFFFFFFF  }
0xae: {  	[dreg:$0x0] =	wrdreg $0x60  }
0xaf: {  	[dreg:$0x2] =	wrdreg s24  }
0xb0: {  	[dreg:$0x3] =	wrdreg s2  }
0xb1: {  	[dreg:$0x4] =	wrdreg s18  }
0xb2: {  	[dreg:$0x5] =	wrdreg $0x9E200  }
0xb3: {  	[dreg:$0x6] =	wrdreg $0x9  }
0xb4: {  	_ =	task.clear_ibuf [dreg:s8], $0x7FFFF;
	_ =	strace $0x90000049  }
0xb5: {  	s29 =	simm.s32 $0x9;
	_ =	strace $0x8000004B  }
0xb6: {  	_ =	swait.ge [sflag:s29], $0x1  }
0xb7: {  	[sflag:s29] =	ssyncadd.s32 $0xFFFFFFFF  }
0xb8: {  	_ =	strace $0x9000004B  }
0xb9: {  	_ =	sfence  }
0xba: {  	s30 =	sld [smem:$0x0];
	_ =	sdelay $0x2  }
0xbb: {  	s31 =	sshll.u32 s1, $0xD;
	s1 =	sshrl.u32 s1, $0x2  }
0xbc: {  	s3 =	sand.u32 $0x4000, s31;
	s1 =	sadd.s32 s1, s30  }
0xbd: {  	s0 =	sor.u32 s3, s0;
	s1 =	sshll.u32 s1, $0x11  }
0xbe: {  	s0 =	sor.u32 s1, s0  }
0xbf: {  	s0 =	sadd.s32 $0x8F2B, s0  }
0xc0: {  	[sflag:s0] =	ssyncadd.remote.s32 $0x1  }
0xc1: {  	_ =	sfence.sel $0xFFFF  }
0xc2: {  	[dreg:$0x0] =	wrdreg $0xFFFFFFFF;
	(pc) =	sbr.abs _section_cstart, $3  }
0xc3: {  	[dreg:$0x1] =	wrdreg $0xFFFFFFFF  }
0xc4: {  	_ =	task.clear_ibuf [dreg:s8], $0x2FFFF;
	_ =	strace $0x9FFFFFFF  }
0xc5: {  	(tm) =	ssettm $0x7FFFFFFF  }
tec
execute0_lowered:
.L_overlay_start_1:
0x0: {  	(tag) =	ssettag $0x1  }
0x1: {  	s5 =	rddreg [dreg:$0x0]  }
0x2: {  	s6 =	rddreg [dreg:$0x1]  }
0x3: {  	s7 =	rddreg [dreg:$0x2]  }
0x4: {  	s2 =	rddreg [dreg:$0x3]  }
0x5: {  	s0 =	rddreg [dreg:$0x4]  }
0x6: {  	s3 =	simm.s32 $0x0;
	s4 =	srdreg.scid;
	s1 =	stileid.u32  }
0x7: {  	s13 =	simm.s32 $0x4E20;
	s14 =	simm.s32 $0x3;
	s15 =	simm.s32 $0x1  }
0x8: {  	s16 =	simm.s32 $0x2;
	s17 =	simm.s32 $0x50;
	s18 =	simm.s32 $0x7620  }
0x9: {  	s19 =	simm.s32 $0x4D30;
	s20 =	simm.s32 $0x26C0;
	s21 =	simm.s32 $0x4D80  }
0xa: {  	s22 =	simm.s32 $0x4DD0;
	[smem:$0x7FF] =	sst s3;
	s11 =	smul.u32 $0x28000, s1  }
0xb: {  	s8 =	sand.u32 $0x1, s4;
	s29 =	sshll.u32 s1, $0x1;
	s12 =	smul.u32 $0xA000, s1  }
0xc: {  	s4 =	sadd.s32 $0x57E00, s5;
	s9 =	smul.u32 $0x14000, s8;
	s10 =	sor.u32 s8, s29  }
0xd: {  	_ =	strace $0x8000004A;
	s8 =	ssub.s32 $0x2, s8;
	s10 =	smul.u32 $0x4E2, s10  }
0xe: {  	s30 =	sshrl.u32 s8, $0x1;
	s31 =	sshrl.u32 s11, $0x2;
	s24 =	sshrl.u32 s12, $0x3  }
0xf: {  	s25 =	sadd.s32 s12, s2;
	s12 =	simm.s32 $0x2710;
	s9 =	sadd.s32 s9, s5  }
0x10: {  	s8 =	ssub.s32 s8, s30;
	s5 =	sadd.s32 s6, s10;
	s6 =	sadd.s32 s7, s10  }
0x11: {  	s23 =	sadd.s32 $0x7F000, s9;
	s7 =	sadd.s32 s31, s2;
	s8 =	smax.u32 s8, $0x1  }
0x12: {  	s9 =	sadd.s32 $0x2800, s7;
	s10 =	sadd.s32 $0x5000, s7;
	s11 =	sadd.s32 $0x7800, s7  }
0x13: {  	v0 =	vimm.f32 $0.0e+00;
	s23 =	sadd.s32 s24, s23;
	s24 =	sshrl.u32 s25, $0x3;
	s25 =	simm.s32 $0x0  }
.LBB2_1:
0x14: {  	[tilespmem:s3], [sflag:$0x1] =	stream.linear.gather [hbm4b:s5+s3], $0x2710, $0x38;
	[tilespmem:$0x13E20] =	vst v63  }
0x15: {  	s26 =	simm.s32 $0x0;
	s28 =	simm.s32 $0x200  }
0x16: {  	[tilespmem:s12], [sflag:$0x2] =	stream.linear.gather [hbm4b:s6+s3], $0x2710, $0x38;
	[tilespmem:$0x13E20] =	vst v63  }
.LBB2_2:
0x17: {  	p0 =	sne.s32 s28, $0x9E00;
	[tilespmem:s26+$0x4E90] =	vst v0  }
0x18: {  	[tilespmem:s26+$0x4E20] =	vst v0  }
0x19: {  	[tilespmem:s26+$0x4E30] =	vst v0  }
.Ltmp0:
0x1a: {  	[tilespmem:s26+$0x4E40] =	vst v0;
	(pc) =	sbr.rel @p0 .LBB2_2-.Ltmp0, $4  }
0x1b: {  	[tilespmem:s26+$0x4E50] =	vst v0  }
0x1c: {  	[tilespmem:s26+$0x4E60] =	vst v0  }
0x1d: {  	[tilespmem:s26+$0x4E70] =	vst v0  }
0x1e: {  	[tilespmem:s26+$0x4E80] =	vst v0;
	s26 =	sshra.s32 s28, $0x2;
	s28 =	sadd.s32 $0x200, s28  }
0x1f: {  	[tilespmem:s26+$0x4E90] =	vst v0  }
0x20: {  	[tilespmem:s26+$0x4E20] =	vst v0  }
0x21: {  	[tilespmem:s26+$0x4E30] =	vst v0  }
0x22: {  	[tilespmem:s26+$0x4E40] =	vst v0  }
0x23: {  	[tilespmem:s26+$0x4E50] =	vst v0  }
0x24: {  	[tilespmem:s26+$0x4E60] =	vst v0  }
0x25: {  	[tilespmem:s26+$0x4E70] =	vst v0  }
0x26: {  	[tilespmem:s26+$0x4E80] =	vst v0  }
0x27: {  	[spmem:s7] =	stream.linear.scatter [tilespmem:s13], [sflag:$0x3], $0x2800, $0x38;
	[tilespmem:$0x13E20] =	vst v63  }
0x28: {  	_ =	swait.ge [sflag:s14], $0x2800  }
0x29: {  	[sflag:s14] =	ssyncset.done $0x0  }
0x2a: {  	[sflag:s14] =	ssyncadd.s32 $0xFFFFD800  }
0x2b: {  	[spmem:s9] =	stream.linear.scatter [tilespmem:s13], [sflag:$0x3], $0x2800, $0x38;
	[tilespmem:$0x13E20] =	vst v63  }
0x2c: {  	_ =	swait.ge [sflag:s14], $0x2800  }
0x2d: {  	[sflag:s14] =	ssyncset.done $0x0  }
0x2e: {  	[sflag:s14] =	ssyncadd.s32 $0xFFFFD800  }
0x2f: {  	[spmem:s10] =	stream.linear.scatter [tilespmem:s13], [sflag:$0x3], $0x2800, $0x38;
	[tilespmem:$0x13E20] =	vst v63  }
0x30: {  	_ =	swait.ge [sflag:s14], $0x2800  }
0x31: {  	[sflag:s14] =	ssyncset.done $0x0  }
0x32: {  	[sflag:s14] =	ssyncadd.s32 $0xFFFFD800  }
0x33: {  	[spmem:s11] =	stream.linear.scatter [tilespmem:s13], [sflag:$0x3], $0x2800, $0x38;
	[tilespmem:$0x13E20] =	vst v63  }
0x34: {  	_ =	swait.ge [sflag:s14], $0x2800  }
0x35: {  	[sflag:s14] =	ssyncset.done $0x0  }
0x36: {  	[sflag:s14] =	ssyncadd.s32 $0xFFFFD800  }
0x37: {  	_ =	swait.ge [sflag:s15], $0x2710  }
0x38: {  	[sflag:s15] =	ssyncset.done $0x0  }
0x39: {  	[sflag:s15] =	ssyncadd.s32 $0xFFFFD8F0  }
0x3a: {  	_ =	swait.ge [sflag:s16], $0x2710  }
0x3b: {  	[sflag:s16] =	ssyncset.done $0x0  }
0x3c: {  	[sflag:s16] =	ssyncadd.s32 $0xFFFFD8F0  }
0x3d: {  	s31 =	simm.s32 $0x0;
	[bflag:$0x0] =	sbarrier.arrive $0xFFFF  }
0x3e: {  	[tilespmem:s13], [sflag:$0x1] =	stream.indirect.gather [hbm4b:s4+s17], $0x80, s31, s17, $0xb8;
	[tilespmem:$0x13E20] =	vst v63  }
0x3f: {  	_ = 	snop  }
0x40: {  	[tilespmem:s18], [sflag:$0x2] =	stream.indirect.gather [hbm4b:s4+s17], $0x80, s17, s17, $0xb8;
	[tilespmem:$0x13E20] =	vst v63  }
0x41: {  	_ =	swait.ge [sflag:s15], $0x2800  }
0x42: {  	[sflag:s15] =	ssyncset.done $0x0  }
0x43: {  	s29 =	simm.s32 $0x2710;
	[sflag:s15] =	ssyncadd.s32 $0xFFFFD800  }
0x44: {  	[spmem:s2] =	stream.indirect.scatter.add.f32 [tilespmem:s13], [sflag:$0x3], $0x80, s29, s17, $0xb8;
	[tilespmem:$0x13E20] =	vst v63  }
0x45: {  	_ =	swait.ge [sflag:s14], $0x2800  }
0x46: {  	[sflag:s14] =	ssyncset.done $0x0  }
0x47: {  	s30 =	simm.s32 $0xA0;
	[sflag:s14] =	ssyncadd.s32 $0xFFFFD800  }
0x48: {  	[tilespmem:s13], [sflag:$0x1] =	stream.indirect.gather [hbm4b:s4+s17], $0x80, s30, s17, $0xb8;
	[tilespmem:$0x13E20] =	vst v63  }
0x49: {  	_ =	swait.ge [sflag:s16], $0x2800  }
0x4a: {  	[sflag:s16] =	ssyncset.done $0x0  }
0x4b: {  	s31 =	simm.s32 $0x2760;
	[sflag:s16] =	ssyncadd.s32 $0xFFFFD800  }
0x4c: {  	[spmem:s2] =	stream.indirect.scatter.add.f32 [tilespmem:s18], [sflag:$0x3], $0x80, s31, s17, $0xb8;
	[tilespmem:$0x13E20] =	vst v63  }
0x4d: {  	_ =	swait.ge [sflag:s14], $0x2800  }
0x4e: {  	[sflag:s14] =	ssyncset.done $0x0  }
0x4f: {  	s26 =	simm.s32 $0x280;
	s28 =	simm.s32 $0xF0;
	[sflag:s14] =	ssyncadd.s32 $0xFFFFD800  }
.LBB2_4:
0x50: {  	[tilespmem:s18], [sflag:$0x2] =	stream.indirect.gather [hbm4b:s4+s17], $0x80, s28, s17, $0xb8;
	[tilespmem:$0x13E20] =	vst v63  }
0x51: {  	s28 =	smov.u32 s26  }
0x52: {  	p0 =	sne.s32 s26, $0x9600;
	s26 =	sadd.s32 $0x280, s26;
	_ =	swait.ge [sflag:s15], $0x2800  }
0x53: {  	s28 =	sshra.s32 s28, $0x2;
	[sflag:s15] =	ssyncset.done $0x0  }
0x54: {  	s29 =	sadd.s32 $0x2710, s28;
	[sflag:s15] =	ssyncadd.s32 $0xFFFFD800  }
0x55: {  	[spmem:s2] =	stream.indirect.scatter.add.f32 [tilespmem:s13], [sflag:$0x3], $0x80, s29, s17, $0xb8;
	[tilespmem:$0x13E20] =	vst v63  }
0x56: {  	_ =	swait.ge [sflag:s14], $0x2800  }
0x57: {  	[sflag:s14] =	ssyncset.done $0x0  }
0x58: {  	s29 =	sadd.s32 $0xA0, s28;
	[sflag:s14] =	ssyncadd.s32 $0xFFFFD800  }
0x59: {  	[tilespmem:s13], [sflag:$0x1] =	stream.indirect.gather [hbm4b:s4+s17], $0x80, s29, s17, $0xb8;
	[tilespmem:$0x13E20] =	vst v63  }
0x5a: {  	_ =	swait.ge [sflag:s16], $0x2800  }
0x5b: {  	[sflag:s16] =	ssyncset.done $0x0  }
.Ltmp1:
0x5c: {  	s29 =	sadd.s32 $0x2760, s28;
	[sflag:s16] =	ssyncadd.s32 $0xFFFFD800;
	(pc) =	sbr.rel @p0 .LBB2_4-.Ltmp1, $4  }
0x5d: {  	[spmem:s2] =	stream.indirect.scatter.add.f32 [tilespmem:s18], [sflag:$0x3], $0x80, s29, s17, $0xb8;
	[tilespmem:$0x13E20] =	vst v63  }
0x5e: {  	_ =	swait.ge [sflag:s14], $0x2800  }
0x5f: {  	[sflag:s14] =	ssyncset.done $0x0  }
0x60: {  	s28 =	sadd.s32 $0xF0, s28;
	[sflag:s14] =	ssyncadd.s32 $0xFFFFD800  }
0x61: {  	[tilespmem:s18], [sflag:$0x2] =	stream.indirect.gather [hbm4b:s4+s17], $0x80, s28, s17, $0xb8;
	[tilespmem:$0x13E20] =	vst v63  }
0x62: {  	_ =	swait.ge [sflag:s15], $0x2800  }
0x63: {  	[sflag:s15] =	ssyncset.done $0x0  }
0x64: {  	[sflag:s15] =	ssyncadd.s32 $0xFFFFD800  }
0x65: {  	[spmem:s2] =	stream.indirect.scatter.add.f32 [tilespmem:s13], [sflag:$0x3], $0x80, s19, s17, $0xb8;
	[tilespmem:$0x13E20] =	vst v63  }
0x66: {  	_ =	swait.ge [sflag:s14], $0x2800  }
0x67: {  	[sflag:s14] =	ssyncset.done $0x0  }
0x68: {  	[sflag:s14] =	ssyncadd.s32 $0xFFFFD800  }
0x69: {  	[tilespmem:s13], [sflag:$0x1] =	stream.indirect.gather [hbm4b:s4+s17], $0x80, s20, s17, $0xb8;
	[tilespmem:$0x13E20] =	vst v63  }
0x6a: {  	_ =	swait.ge [sflag:s16], $0x2800  }
0x6b: {  	[sflag:s16] =	ssyncset.done $0x0  }
0x6c: {  	[sflag:s16] =	ssyncadd.s32 $0xFFFFD800  }
0x6d: {  	[spmem:s2] =	stream.indirect.scatter.add.f32 [tilespmem:s18], [sflag:$0x3], $0x80, s21, s17, $0xb8;
	[tilespmem:$0x13E20] =	vst v63  }
0x6e: {  	_ =	swait.ge [sflag:s14], $0x2800  }
0x6f: {  	[sflag:s14] =	ssyncset.done $0x0  }
0x70: {  	[sflag:s14] =	ssyncadd.s32 $0xFFFFD800  }
0x71: {  	_ =	swait.ge [sflag:s15], $0x2800  }
0x72: {  	[sflag:s15] =	ssyncset.done $0x0  }
0x73: {  	[sflag:s15] =	ssyncadd.s32 $0xFFFFD800  }
0x74: {  	[spmem:s2] =	stream.indirect.scatter.add.f32 [tilespmem:s13], [sflag:$0x3], $0x80, s22, s17, $0xb8;
	[tilespmem:$0x13E20] =	vst v63  }
0x75: {  	_ =	swait.ge [sflag:s14], $0x2800  }
0x76: {  	s25 =	sadd.s32 $0x1, s25;
	[sflag:s14] =	ssyncset.done $0x0  }
0x77: {  	s26 =	sshll.u32 s1, $0x6;
	p0 =	sne.s32 s25, s8;
	[sflag:s14] =	ssyncadd.s32 $0xFFFFD800  }
.Ltmp2:
0x78: {  	s26 =	sor.u32 $0x1C03, s26;
	[bflag:$0x0] =	sbarrier.arrive $0xFFFF;
	(pc) =	sbr.rel @p0 .LBB2_1-.Ltmp2, $4  }
0x79: {  	[hbm:s23], [sflag:s26] =	dma.local [spmem:s24], $0x1400  }
0x7a: {  	_ =	swait.ge [sflag:s14], $0x1400  }
0x7b: {  	[sflag:s14] =	ssyncset.done $0x0  }
0x7c: {  	[sflag:s14] =	ssyncadd.s32 $0xFFFFEC00  }
0x7d: {  	_ =	sfence.sel $0x180000  }
0x7e: {  	[bflag:$0x0] =	sbarrier.arrive $0xFFFF  }
0x7f: {  	p0 =	sne.s32 s1, $0x0;
	_ =	strace $0x9000004A  }
0x80: {  	s0 =	sadd.s32 @!p0 $0x100000, s0;
	[bflag:$0x2] =	sbarrier.arrive $0xFFFF  }
0x81: {  	[sflag:s0] =	ssyncadd.tile.s32 @!p0 $0x1;
	_ =	shalt  }
.Lfunc_end2:
_tile_overlayer_lowered:
.L_overlay_start_2:
0x82: {  	(tag) =	ssettag $0x2  }
0x83: {  	s0 =	rddreg [dreg:$0x0];
	s2 =	stileid.u32  }
0x84: {  	s1 =	rddreg [dreg:$0x1];
	p0 =	sne.s32 s2, $0x0  }
0x85: {  	s3 =	rddreg [dreg:$0x2];
	[bflag:$0x3] =	sbarrier.arrive $0xFFFF;
	s2 =	simm.s32 @!p0 $0x1C03  }
0x86: {  	[timem:s3], [sflag:s2] =	dma.local @!p0 [hbm:s0], s1  }
0x87: {  	s0 =	simm.s32 @!p0 $0x3  }
0x88: {  	_ =	swait.ge @!p0 [sflag:s0], s1  }
0x89: {  	s1 =	ssub.s32 @!p0 $0x0, s1;
	[sflag:s0] =	ssyncset.done @!p0 $0x0  }
0x8a: {  	[sflag:s0] =	ssyncadd.s32 @!p0 s1  }
0x8b: {  	[bflag:$0x3] =	sbarrier.arrive $0xFFFF  }
0x8c: {  	_ =	shalt  }

// kernel: kernel.19.cloned.1.call-start
scs
__scs_entry_jumppad:
0x0: {  	(pc) =	sbr.rel $0x88, $3  }
0x1: {  	(tag) =	ssettag $0x0;
	lr =	simm.s32 $0x1  }
0x2: {  	[smem:$0x3F9A] =	sst lr;
	_ =	strace $0xD0000000  }
0x3: {  	_ = 	snop  }
0x4: {  	_ = 	snop  }
0x5: {  	_ = 	snop  }
0x6: {  	_ = 	snop  }
0x7: {  	_ = 	snop  }
__scs_overlays_trampoline_lowered:
0x8: {  	[smem:$0x3FA9] =	sst s0  }
0x9: {  	[smem:$0x3FAA] =	sst s1  }
0xa: {  	[smem:$0x3FAB] =	sst s2  }
0xb: {  	[smem:$0x3FAC] =	sst s3  }
0xc: {  	[smem:$0x3FAD] =	sst s4  }
0xd: {  	[smem:$0x3FAE] =	sst s5  }
0xe: {  	[smem:$0x3FAF] =	sst s6  }
0xf: {  	[smem:$0x3FB0] =	sst s7  }
0x10: {  	[smem:$0x3FB1] =	sst s8  }
0x11: {  	[smem:$0x3FB2] =	sst s9;
	s0 =	simm.s32 @!p0 $0x0  }
0x12: {  	s1 =	sld [smem:$0x3F98];
	s0 =	simm.s32 @p0 $0x1  }
0x13: {  	[smem:$0x3FB3] =	sst s0;
	s0 =	simm.s32 @!p1 $0x0  }
0x14: {  	s2 =	sld [smem:$0x3F97];
	s0 =	simm.s32 @p1 $0x1  }
0x15: {  	[smem:$0x3FB4] =	sst s0;
	s0 =	simm.s32 @!p2 $0x0  }
0x16: {  	s3 =	sld [smem:$0x3FDB];
	s0 =	simm.s32 @p2 $0x1  }
0x17: {  	s4 =	simm.s32 $0x1BF5;
	[smem:$0x3FB6] =	sst s0  }
0x18: {  	s0 =	sld [smem:$0x3F99];
	_ =	swait.ge [sflag:s4], $0x0  }
0x19: {  	s7 =	sld [smem:$0x3F9A]  }
0x1a: {  	s8 =	sadd.s32 $0xFFFFE003, lr  }
0x1b: {  	s9 =	sadd.s32 $0xFFFFFEF7, lr;
	s5 =	simm.s32 $0xFFFFFFFF;
	p2 =	slt.u32 s8, $0xFFFFF086  }
0x1c: {  	p1 =	slt.u32 s9, $0xF7A;
	s5 =	simm.s32 @!p2 $0x0  }
0x1d: {  	s5 =	simm.s32 @p1 $0x1;
	p0 =	seq.s32 s7, s2  }
0x1e: {  	s7 =	smul.u32 @!p0 $0xF7A, s2;
	p2 =	seq.s32 @!p0 s5, $0x0  }
0x1f: {  	s9 =	smul.u32 $0xF7A, s1;
	s8 =	simm.s32 @!p0 $0x1BF5;
	p2 =	por !p2, p0  }
0x20: {  	[sflag:s8] =	ssyncset.s32 @!p0 $0xFFFFF086;
	s6 =	sadd.s32 @!p0 s3, s7;
	s7 =	simm.s32 @!p0 $0x108  }
0x21: {  	s3 =	sadd.s32 s3, s9;
	s6 =	sadd.s32 @!p0 $0x88, s6;
	s7 =	simm.s32 @p2 $0x1082  }
0x22: {  	[simem:s7], [sflag:s8] =	dma.local @!p0 [hbm:s6], $0xF7A  }
0x23: {  	s9 =	sor.u32 $0xD0000000, s2;
	s6 =	simm.s32 $0x108;
	_ =	swait.ge @!p0 [sflag:s8], $0x0  }
0x24: {  	s3 =	sadd.s32 $0x88, s3;
	s6 =	simm.s32 @!p1 $0x1082;
	[sflag:s4] =	ssyncset.s32 $0xFFFFF086  }
0x25: {  	[simem:s6], [sflag:s4] =	dma.local [hbm:s3], $0xF7A  }
0x26: {  	[smem:$0x3F9A] =	sst s1;
	(tag) =	ssettag s2;
	_ =	strace s9  }
0x27: {  	s1 =	sld [smem:$0x3FAA]  }
0x28: {  	s2 =	sld [smem:$0x3FAB]  }
0x29: {  	s4 =	sld [smem:$0x3FAD]  }
0x2a: {  	p0 =	seq.s32 s5, $0x0;
	s5 =	sld [smem:$0x3FAE]  }
0x2b: {  	s6 =	sld [smem:$0x3FAF]  }
0x2c: {  	s7 =	sld [smem:$0x3FB0]  }
0x2d: {  	s3 =	simm.s32 $0x108;
	s8 =	sld [smem:$0x3FB1]  }
0x2e: {  	s3 =	simm.s32 @!p0 $0x1082;
	s9 =	sld [smem:$0x3FB2]  }
0x2f: {  	lr =	sadd.s32 s0, s3;
	s0 =	sld [smem:$0x3FA9]  }
0x30: {  	s3 =	sld [smem:$0x3FAC]  }
0x31: {  	[smem:$0x3FB5] =	sst s10  }
0x32: {  	s10 =	sld [smem:$0x3FB3];
	_ =	sdelay $0x3  }
0x33: {  	p0 =	seq.s32 s10, $0x1;
	s10 =	sld [smem:$0x3FB5];
	_ =	sdelay $0x3  }
0x34: {  	[smem:$0x3FB5] =	sst s10  }
0x35: {  	s10 =	sld [smem:$0x3FB4];
	_ =	sdelay $0x3  }
0x36: {  	p1 =	seq.s32 s10, $0x1;
	s10 =	sld [smem:$0x3FB5];
	_ =	sdelay $0x3  }
0x37: {  	[smem:$0x3FB5] =	sst s10  }
0x38: {  	s10 =	sld [smem:$0x3FB6]  }
0x39: {  	_ = 	snop;
	(pc) =	sbr.ind lr, $3  }
0x3a: {  	_ = 	snop  }
0x3b: {  	_ = 	snop  }
0x3c: {  	p2 =	seq.s32 s10, $0x1;
	s10 =	sld [smem:$0x3FB5]  }
0x3d: {  	_ =	shalt  }
0x3e: {  	_ =	shalt  }
0x3f: {  	_ =	shalt  }
0x40: {  	_ =	shalt  }
0x41: {  	_ =	shalt  }
0x42: {  	_ =	shalt  }
0x43: {  	_ =	shalt  }
0x44: {  	_ =	shalt  }
0x45: {  	_ =	shalt  }
0x46: {  	_ =	shalt  }
0x47: {  	_ =	shalt  }
0x48: {  	_ =	shalt  }
0x49: {  	_ =	shalt  }
0x4a: {  	_ =	shalt  }
0x4b: {  	_ =	shalt  }
0x4c: {  	_ =	shalt  }
0x4d: {  	_ =	shalt  }
0x4e: {  	_ =	shalt  }
0x4f: {  	_ =	shalt  }
0x50: {  	_ =	shalt  }
0x51: {  	_ =	shalt  }
0x52: {  	_ =	shalt  }
0x53: {  	_ =	shalt  }
0x54: {  	_ =	shalt  }
0x55: {  	_ =	shalt  }
0x56: {  	_ =	shalt  }
0x57: {  	_ =	shalt  }
0x58: {  	_ =	shalt  }
0x59: {  	_ =	shalt  }
0x5a: {  	_ =	shalt  }
0x5b: {  	_ =	shalt  }
0x5c: {  	_ =	shalt  }
0x5d: {  	_ =	shalt  }
0x5e: {  	_ =	shalt  }
0x5f: {  	_ =	shalt  }
0x60: {  	_ =	shalt  }
0x61: {  	_ =	shalt  }
0x62: {  	_ =	shalt  }
0x63: {  	_ =	shalt  }
0x64: {  	_ =	shalt  }
0x65: {  	_ =	shalt  }
0x66: {  	_ =	shalt  }
0x67: {  	_ =	shalt  }
0x68: {  	_ =	shalt  }
0x69: {  	_ =	shalt  }
0x6a: {  	_ =	shalt  }
0x6b: {  	_ =	shalt  }
0x6c: {  	_ =	shalt  }
0x6d: {  	_ =	shalt  }
0x6e: {  	_ =	shalt  }
0x6f: {  	_ =	shalt  }
0x70: {  	_ =	shalt  }
0x71: {  	_ =	shalt  }
0x72: {  	_ =	shalt  }
0x73: {  	_ =	shalt  }
0x74: {  	_ =	shalt  }
0x75: {  	_ =	shalt  }
0x76: {  	_ =	shalt  }
0x77: {  	_ =	shalt  }
0x78: {  	_ =	shalt  }
0x79: {  	_ =	shalt  }
0x7a: {  	_ =	shalt  }
0x7b: {  	_ =	shalt  }
0x7c: {  	_ =	shalt  }
0x7d: {  	_ =	shalt  }
0x7e: {  	_ =	shalt  }
0x7f: {  	_ =	shalt  }
0x80: {  	_ =	shalt  }
0x81: {  	_ =	shalt  }
0x82: {  	_ =	shalt  }
0x83: {  	_ =	shalt  }
0x84: {  	_ =	shalt  }
0x85: {  	_ =	shalt  }
0x86: {  	_ =	shalt  }
0x87: {  	_ =	shalt  }
.Lfunc_end0:
.L_simem_size_0:
called_computation.2_lowered:
.L_overlay_start_0:
0x88: {  	s2 =	sld [smem:$0x3FD9]  }
0x89: {  	s3 =	sld [smem:$0x3FFE];
	_ =	sdelay $0x1  }
0x8a: {  	s1 =	srdreg.scid  }
0x8b: {  	s0 =	sand.u32 $0x1, s1  }
0x8c: {  	s17 =	sshll.u32 s0, $0xA;
	s2 =	sadd.s32 s3, s2  }
0x8d: {  	s2 =	sadd.s32 s2, s17  }
0x8e: {  	[smem:$0x3FC1] =	sst s2  }
0x8f: {  	_ = 	snop  }
0x90: {  	s2 =	sld [smem:$0x3FC8]  }
0x91: {  	s18 =	sld [smem:$0x3FC7];
	(tm) =	ssettm $0x1  }
0x92: {  	s4 =	sld [smem:$0x3FFB];
	_ =	sdelay $0x3  }
0x93: {  	_ =	strace s4  }
0x94: {  	s4 =	sld [smem:$0x3FFC];
	_ =	sdelay $0x3  }
0x95: {  	_ =	strace s4  }
0x96: {  	s4 =	sld [smem:$0x3FFD];
	_ =	sdelay $0x3  }
0x97: {  	_ =	strace s4  }
0x98: {  	_ =	strace $0x8FFFFFFF  }
0x99: {  	s19 =	sld [smem:$0x3FDB];
	_ =	sdelay $0x1  }
0x9a: {  	s5 =	simm.s32 $_scs_section_size  }
0x9b: {  	s6 =	simm.s32 $_size__tile_overlayer_lowered;
	s7 =	simm.s32 $_tile_overlayer_lowered  }
0x9c: {  	s22 =	simm.s32 $0x1BFF;
	s21 =	sshll.u32 s7, $0x1;
	s4 =	sadd.s32 s5, s19  }
0x9d: {  	s8 =	simm.s32 $0x0;
	s20 =	sshll.u32 s6, $0x1;
	s6 =	sadd.s32 s21, s4  }
0x9e: {  	[timem:s8], [sflag:s22] =	dma.local [hbm:s6], s20  }
0x9f: {  	_ =	swait.ge [sflag:s22], s20  }
0xa0: {  	s5 =	ssub.s32 $0x0, s20;
	[sflag:s22] =	ssyncset.done $0x0  }
0xa1: {  	[sflag:s22] =	ssyncadd.s32 s5;
	_ =	sdelay $0x1  }
0xa2: {  	s23 =	simm.s32 $0x1B8B  }
0xa3: {  	_ =	swait.ge [sflag:s23], $0x1  }
0xa4: {  	[sflag:s23] =	ssyncset.done $0x0  }
0xa5: {  	s25 =	simm.s32 $0x1B8E;
	s24 =	sld [smem:$0x3FFE];
	[sflag:s23] =	ssyncadd.s32 $0xFFFFFFFF  }
0xa6: {  	s26 =	simm.s32 $execute0_lowered;
	[smem:$0x3FD2] =	sst s25  }
0xa7: {  	s6 =	sshll.u32 s26, $0x1;
	_ =	strace $0x8000004C;
	[dreg:$0x1] =	wrdreg $0xFFFFFFFF  }
0xa8: {  	s28 =	simm.s32 $_size_execute0_lowered;
	s4 =	sadd.s32 s4, s6;
	[dreg:$0x0] =	wrdreg $0x0  }
0xa9: {  	s6 =	sshll.u32 s28, $0x1;
	[dreg:$0x2] =	wrdreg s4  }
0xaa: {  	[dreg:$0x3] =	wrdreg s6  }
0xab: {  	[dreg:$0x4] =	wrdreg $0xC0  }
0xac: {  	_ =	task [dreg:s8], $0x5FFFF  }
0xad: {  	[dreg:$0x1] =	wrdreg $0xFFFFFFFF  }
0xae: {  	[dreg:$0x0] =	wrdreg $0x60  }
0xaf: {  	[dreg:$0x2] =	wrdreg s24  }
0xb0: {  	[dreg:$0x3] =	wrdreg s18  }
0xb1: {  	[dreg:$0x4] =	wrdreg s2  }
0xb2: {  	[dreg:$0x5] =	wrdreg $0x9E200  }
0xb3: {  	[dreg:$0x6] =	wrdreg $0x9  }
0xb4: {  	_ =	task.clear_ibuf [dreg:s8], $0x7FFFF;
	_ =	strace $0x9000004C  }
0xb5: {  	s29 =	simm.s32 $0x9;
	_ =	strace $0x8000004E  }
0xb6: {  	_ =	swait.ge [sflag:s29], $0x1  }
0xb7: {  	[sflag:s29] =	ssyncadd.s32 $0xFFFFFFFF  }
0xb8: {  	_ =	strace $0x9000004E  }
0xb9: {  	_ =	sfence  }
0xba: {  	s30 =	sld [smem:$0x0];
	_ =	sdelay $0x2  }
0xbb: {  	s31 =	sshll.u32 s1, $0xD;
	s1 =	sshrl.u32 s1, $0x2  }
0xbc: {  	s3 =	sand.u32 $0x4000, s31;
	s1 =	sadd.s32 s1, s30  }
0xbd: {  	s0 =	sor.u32 s3, s0;
	s1 =	sshll.u32 s1, $0x11  }
0xbe: {  	s0 =	sor.u32 s1, s0  }
0xbf: {  	s0 =	sadd.s32 $0x8F2B, s0  }
0xc0: {  	[sflag:s0] =	ssyncadd.remote.s32 $0x1  }
0xc1: {  	_ =	sfence.sel $0xFFFF  }
0xc2: {  	[dreg:$0x0] =	wrdreg $0xFFFFFFFF;
	(pc) =	sbr.abs _section_cstart, $3  }
0xc3: {  	[dreg:$0x1] =	wrdreg $0xFFFFFFFF  }
0xc4: {  	_ =	task.clear_ibuf [dreg:s8], $0x2FFFF;
	_ =	strace $0x9FFFFFFF  }
0xc5: {  	(tm) =	ssettm $0x7FFFFFFF  }
tec
execute0_lowered:
.L_overlay_start_1:
0x0: {  	(tag) =	ssettag $0x1  }
0x1: {  	s0 =	rddreg [dreg:$0x0]  }
0x2: {  	s5 =	rddreg [dreg:$0x1]  }
0x3: {  	s6 =	rddreg [dreg:$0x2]  }
0x4: {  	s2 =	rddreg [dreg:$0x3];
	s4 =	srdreg.scid  }
0x5: {  	s1 =	stileid.u32;
	s3 =	simm.s32 $0x0;
	s16 =	simm.s32 $0x2710  }
0x6: {  	s17 =	simm.s32 $0x4E20;
	s18 =	simm.s32 $0x3;
	s19 =	simm.s32 $0x1  }
0x7: {  	s20 =	simm.s32 $0x2;
	s21 =	simm.s32 $0x50;
	s22 =	simm.s32 $0x7620  }
0x8: {  	s24 =	simm.s32 $0x4D30;
	s28 =	simm.s32 $0x4D80;
	s29 =	simm.s32 $0x4DD0  }
0x9: {  	s30 =	simm.s32 $0x0;
	s7 =	sand.u32 $0x1, s4;
	s10 =	smul.u32 $0x14000, s1  }
0xa: {  	s25 =	sshll.u32 s1, $0x1;
	[smem:$0x7FF] =	sst s3;
	s11 =	smul.u32 $0x50000, s1  }
0xb: {  	s8 =	smul.u32 $0x28000, s7;
	s4 =	sor.u32 s7, s25;
	_ =	strace $0x8000004D  }
0xc: {  	s7 =	ssub.s32 $0x2, s7;
	s9 =	smul.u32 $0x4E2, s4;
	s4 =	sadd.s32 $0x57E00, s0  }
0xd: {  	s26 =	sshrl.u32 s7, $0x1;
	s23 =	sshrl.u32 s10, $0x3;
	s31 =	sshrl.u32 s11, $0x2  }
0xe: {  	s25 =	sadd.s32 s10, s2;
	s0 =	sadd.s32 s8, s0;
	s7 =	ssub.s32 s7, s26  }
0xf: {  	s8 =	sadd.s32 s31, s2;
	s25 =	sshrl.u32 s25, $0x3;
	s26 =	simm.s32 $0x26C0  }
0x10: {  	s5 =	sadd.s32 s5, s9;
	s6 =	sadd.s32 s6, s9;
	s0 =	sadd.s32 $0x6B800, s0  }
0x11: {  	s7 =	smax.u32 s7, $0x1;
	s9 =	sadd.s32 $0x2800, s8;
	s10 =	sadd.s32 $0x5000, s8  }
0x12: {  	s11 =	sadd.s32 $0x7800, s8;
	s12 =	sadd.s32 $0xA000, s8;
	s13 =	sadd.s32 $0xC800, s8  }
0x13: {  	v0 =	vimm.f32 $0.0e+00;
	s14 =	sadd.s32 $0xF000, s8;
	s15 =	sadd.s32 $0x11800, s8;
	s23 =	sadd.s32 s23, s0  }
.LBB2_1:
0x14: {  	[tilespmem:s3], [sflag:$0x1] =	stream.linear.gather [hbm4b:s5+s3], $0x2710, $0x38;
	[tilespmem:$0x1DE20] =	vst v63  }
0x15: {  	s31 =	simm.s32 $0x0;
	s0 =	simm.s32 $0x200  }
0x16: {  	[tilespmem:s16], [sflag:$0x2] =	stream.linear.gather [hbm4b:s6+s3], $0x2710, $0x38;
	[tilespmem:$0x1DE20] =	vst v63  }
.LBB2_2:
0x17: {  	p0 =	sne.s32 s0, $0x9E00;
	[tilespmem:s31+$0x4E90] =	vst v0  }
0x18: {  	[tilespmem:s31+$0x4E20] =	vst v0  }
0x19: {  	[tilespmem:s31+$0x4E30] =	vst v0  }
.Ltmp0:
0x1a: {  	[tilespmem:s31+$0x4E40] =	vst v0;
	(pc) =	sbr.rel @p0 .LBB2_2-.Ltmp0, $4  }
0x1b: {  	[tilespmem:s31+$0x4E50] =	vst v0  }
0x1c: {  	[tilespmem:s31+$0x4E60] =	vst v0  }
0x1d: {  	[tilespmem:s31+$0x4E70] =	vst v0  }
0x1e: {  	[tilespmem:s31+$0x4E80] =	vst v0;
	s31 =	sshra.s32 s0, $0x2;
	s0 =	sadd.s32 $0x200, s0  }
0x1f: {  	[tilespmem:s31+$0x4E90] =	vst v0  }
0x20: {  	[tilespmem:s31+$0x4E20] =	vst v0  }
0x21: {  	[tilespmem:s31+$0x4E30] =	vst v0  }
0x22: {  	[tilespmem:s31+$0x4E40] =	vst v0  }
0x23: {  	[tilespmem:s31+$0x4E50] =	vst v0  }
0x24: {  	[tilespmem:s31+$0x4E60] =	vst v0  }
0x25: {  	[tilespmem:s31+$0x4E70] =	vst v0  }
0x26: {  	[tilespmem:s31+$0x4E80] =	vst v0  }
0x27: {  	[spmem:s8] =	stream.linear.scatter [tilespmem:s17], [sflag:$0x3], $0x2800, $0x38;
	[tilespmem:$0x1DE20] =	vst v63  }
0x28: {  	_ =	swait.ge [sflag:s18], $0x2800  }
0x29: {  	[sflag:s18] =	ssyncset.done $0x0  }
0x2a: {  	[sflag:s18] =	ssyncadd.s32 $0xFFFFD800  }
0x2b: {  	[spmem:s9] =	stream.linear.scatter [tilespmem:s17], [sflag:$0x3], $0x2800, $0x38;
	[tilespmem:$0x1DE20] =	vst v63  }
0x2c: {  	_ =	swait.ge [sflag:s18], $0x2800  }
0x2d: {  	[sflag:s18] =	ssyncset.done $0x0  }
0x2e: {  	[sflag:s18] =	ssyncadd.s32 $0xFFFFD800  }
0x2f: {  	[spmem:s10] =	stream.linear.scatter [tilespmem:s17], [sflag:$0x3], $0x2800, $0x38;
	[tilespmem:$0x1DE20] =	vst v63  }
0x30: {  	_ =	swait.ge [sflag:s18], $0x2800  }
0x31: {  	[sflag:s18] =	ssyncset.done $0x0  }
0x32: {  	[sflag:s18] =	ssyncadd.s32 $0xFFFFD800  }
0x33: {  	[spmem:s11] =	stream.linear.scatter [tilespmem:s17], [sflag:$0x3], $0x2800, $0x38;
	[tilespmem:$0x1DE20] =	vst v63  }
0x34: {  	_ =	swait.ge [sflag:s18], $0x2800  }
0x35: {  	[sflag:s18] =	ssyncset.done $0x0  }
0x36: {  	[sflag:s18] =	ssyncadd.s32 $0xFFFFD800  }
0x37: {  	[spmem:s12] =	stream.linear.scatter [tilespmem:s17], [sflag:$0x3], $0x2800, $0x38;
	[tilespmem:$0x1DE20] =	vst v63  }
0x38: {  	_ =	swait.ge [sflag:s18], $0x2800  }
0x39: {  	[sflag:s18] =	ssyncset.done $0x0  }
0x3a: {  	[sflag:s18] =	ssyncadd.s32 $0xFFFFD800  }
0x3b: {  	[spmem:s13] =	stream.linear.scatter [tilespmem:s17], [sflag:$0x3], $0x2800, $0x38;
	[tilespmem:$0x1DE20] =	vst v63  }
0x3c: {  	_ =	swait.ge [sflag:s18], $0x2800  }
0x3d: {  	[sflag:s18] =	ssyncset.done $0x0  }
0x3e: {  	[sflag:s18] =	ssyncadd.s32 $0xFFFFD800  }
0x3f: {  	[spmem:s14] =	stream.linear.scatter [tilespmem:s17], [sflag:$0x3], $0x2800, $0x38;
	[tilespmem:$0x1DE20] =	vst v63  }
0x40: {  	_ =	swait.ge [sflag:s18], $0x2800  }
0x41: {  	[sflag:s18] =	ssyncset.done $0x0  }
0x42: {  	[sflag:s18] =	ssyncadd.s32 $0xFFFFD800  }
0x43: {  	[spmem:s15] =	stream.linear.scatter [tilespmem:s17], [sflag:$0x3], $0x2800, $0x38;
	[tilespmem:$0x1DE20] =	vst v63  }
0x44: {  	_ =	swait.ge [sflag:s18], $0x2800  }
0x45: {  	[sflag:s18] =	ssyncset.done $0x0  }
0x46: {  	[sflag:s18] =	ssyncadd.s32 $0xFFFFD800  }
0x47: {  	_ =	swait.ge [sflag:s19], $0x2710  }
0x48: {  	[sflag:s19] =	ssyncset.done $0x0  }
0x49: {  	[sflag:s19] =	ssyncadd.s32 $0xFFFFD8F0  }
0x4a: {  	_ =	swait.ge [sflag:s20], $0x2710  }
0x4b: {  	[sflag:s20] =	ssyncset.done $0x0  }
0x4c: {  	[sflag:s20] =	ssyncadd.s32 $0xFFFFD8F0  }
0x4d: {  	s0 =	simm.s32 $0x0;
	[bflag:$0x0] =	sbarrier.arrive $0xFFFF  }
0x4e: {  	[tilespmem:s17], [sflag:$0x1] =	stream.indirect.gather [hbm4b:s4+s21], $0x80, s0, s21, $0xb8;
	[tilespmem:$0x1DE20] =	vst v63  }
0x4f: {  	_ = 	snop  }
0x50: {  	[tilespmem:s22], [sflag:$0x2] =	stream.indirect.gather [hbm4b:s4+s21], $0x80, s21, s21, $0xb8;
	[tilespmem:$0x1DE20] =	vst v63  }
0x51: {  	_ =	swait.ge [sflag:s19], $0x2800  }
0x52: {  	[sflag:s19] =	ssyncset.done $0x0  }
0x53: {  	s1 =	simm.s32 $0x2710;
	[sflag:s19] =	ssyncadd.s32 $0xFFFFD800  }
0x54: {  	[spmem:s2] =	stream.indirect.scatter.add.f32 [tilespmem:s17], [sflag:$0x3], $0x80, s1, s21, $0xb8;
	[tilespmem:$0x1DE20] =	vst v63  }
0x55: {  	_ =	swait.ge [sflag:s18], $0x2800  }
0x56: {  	[sflag:s18] =	ssyncset.done $0x0  }
0x57: {  	s1 =	simm.s32 $0xA0;
	[sflag:s18] =	ssyncadd.s32 $0xFFFFD800  }
0x58: {  	[tilespmem:s17], [sflag:$0x1] =	stream.indirect.gather [hbm4b:s4+s21], $0x80, s1, s21, $0xb8;
	[tilespmem:$0x1DE20] =	vst v63  }
0x59: {  	_ =	swait.ge [sflag:s20], $0x2800  }
0x5a: {  	[sflag:s20] =	ssyncset.done $0x0  }
0x5b: {  	s1 =	simm.s32 $0x2760;
	[sflag:s20] =	ssyncadd.s32 $0xFFFFD800  }
0x5c: {  	[spmem:s2] =	stream.indirect.scatter.add.f32 [tilespmem:s22], [sflag:$0x3], $0x80, s1, s21, $0xb8;
	[tilespmem:$0x1DE20] =	vst v63  }
0x5d: {  	_ =	swait.ge [sflag:s18], $0x2800  }
0x5e: {  	[sflag:s18] =	ssyncset.done $0x0  }
0x5f: {  	s31 =	simm.s32 $0x280;
	s0 =	simm.s32 $0xF0;
	[sflag:s18] =	ssyncadd.s32 $0xFFFFD800  }
.LBB2_4:
0x60: {  	[tilespmem:s22], [sflag:$0x2] =	stream.indirect.gather [hbm4b:s4+s21], $0x80, s0, s21, $0xb8;
	[tilespmem:$0x1DE20] =	vst v63  }
0x61: {  	s0 =	smov.u32 s31  }
0x62: {  	p0 =	sne.s32 s31, $0x9600;
	s31 =	sadd.s32 $0x280, s31;
	_ =	swait.ge [sflag:s19], $0x2800  }
0x63: {  	s0 =	sshra.s32 s0, $0x2;
	[sflag:s19] =	ssyncset.done $0x0  }
0x64: {  	s1 =	sadd.s32 $0x2710, s0;
	[sflag:s19] =	ssyncadd.s32 $0xFFFFD800  }
0x65: {  	[spmem:s2] =	stream.indirect.scatter.add.f32 [tilespmem:s17], [sflag:$0x3], $0x80, s1, s21, $0xb8;
	[tilespmem:$0x1DE20] =	vst v63  }
0x66: {  	_ =	swait.ge [sflag:s18], $0x2800  }
0x67: {  	[sflag:s18] =	ssyncset.done $0x0  }
0x68: {  	s1 =	sadd.s32 $0xA0, s0;
	[sflag:s18] =	ssyncadd.s32 $0xFFFFD800  }
0x69: {  	[tilespmem:s17], [sflag:$0x1] =	stream.indirect.gather [hbm4b:s4+s21], $0x80, s1, s21, $0xb8;
	[tilespmem:$0x1DE20] =	vst v63  }
0x6a: {  	_ =	swait.ge [sflag:s20], $0x2800  }
0x6b: {  	[sflag:s20] =	ssyncset.done $0x0  }
.Ltmp1:
0x6c: {  	s1 =	sadd.s32 $0x2760, s0;
	[sflag:s20] =	ssyncadd.s32 $0xFFFFD800;
	(pc) =	sbr.rel @p0 .LBB2_4-.Ltmp1, $4  }
0x6d: {  	[spmem:s2] =	stream.indirect.scatter.add.f32 [tilespmem:s22], [sflag:$0x3], $0x80, s1, s21, $0xb8;
	[tilespmem:$0x1DE20] =	vst v63  }
0x6e: {  	_ =	swait.ge [sflag:s18], $0x2800  }
0x6f: {  	[sflag:s18] =	ssyncset.done $0x0  }
0x70: {  	s0 =	sadd.s32 $0xF0, s0;
	[sflag:s18] =	ssyncadd.s32 $0xFFFFD800  }
0x71: {  	[tilespmem:s22], [sflag:$0x2] =	stream.indirect.gather [hbm4b:s4+s21], $0x80, s0, s21, $0xb8;
	[tilespmem:$0x1DE20] =	vst v63  }
0x72: {  	_ =	swait.ge [sflag:s19], $0x2800  }
0x73: {  	[sflag:s19] =	ssyncset.done $0x0  }
0x74: {  	[sflag:s19] =	ssyncadd.s32 $0xFFFFD800  }
0x75: {  	[spmem:s2] =	stream.indirect.scatter.add.f32 [tilespmem:s17], [sflag:$0x3], $0x80, s24, s21, $0xb8;
	[tilespmem:$0x1DE20] =	vst v63  }
0x76: {  	_ =	swait.ge [sflag:s18], $0x2800  }
0x77: {  	[sflag:s18] =	ssyncset.done $0x0  }
0x78: {  	[sflag:s18] =	ssyncadd.s32 $0xFFFFD800  }
0x79: {  	[tilespmem:s17], [sflag:$0x1] =	stream.indirect.gather [hbm4b:s4+s21], $0x80, s26, s21, $0xb8;
	[tilespmem:$0x1DE20] =	vst v63  }
0x7a: {  	_ =	swait.ge [sflag:s20], $0x2800  }
0x7b: {  	[sflag:s20] =	ssyncset.done $0x0  }
0x7c: {  	[sflag:s20] =	ssyncadd.s32 $0xFFFFD800  }
0x7d: {  	[spmem:s2] =	stream.indirect.scatter.add.f32 [tilespmem:s22], [sflag:$0x3], $0x80, s28, s21, $0xb8;
	[tilespmem:$0x1DE20] =	vst v63  }
0x7e: {  	_ =	swait.ge [sflag:s18], $0x2800  }
0x7f: {  	[sflag:s18] =	ssyncset.done $0x0  }
0x80: {  	[sflag:s18] =	ssyncadd.s32 $0xFFFFD800  }
0x81: {  	_ =	swait.ge [sflag:s19], $0x2800  }
0x82: {  	[sflag:s19] =	ssyncset.done $0x0  }
0x83: {  	[sflag:s19] =	ssyncadd.s32 $0xFFFFD800  }
0x84: {  	[spmem:s2] =	stream.indirect.scatter.add.f32 [tilespmem:s17], [sflag:$0x3], $0x80, s29, s21, $0xb8;
	[tilespmem:$0x1DE20] =	vst v63  }
0x85: {  	_ =	swait.ge [sflag:s18], $0x2800  }
0x86: {  	s31 =	stileid.u32;
	s30 =	sadd.s32 $0x1, s30;
	[sflag:s18] =	ssyncset.done $0x0  }
0x87: {  	s0 =	sshll.u32 s31, $0x6;
	p0 =	sne.s32 s30, s7;
	[sflag:s18] =	ssyncadd.s32 $0xFFFFD800  }
.Ltmp2:
0x88: {  	s0 =	sor.u32 $0x1C03, s0;
	[bflag:$0x0] =	sbarrier.arrive $0xFFFF;
	(pc) =	sbr.rel @p0 .LBB2_1-.Ltmp2, $4  }
0x89: {  	[hbm:s23], [sflag:s0] =	dma.local [spmem:s25], $0x2800  }
0x8a: {  	_ =	swait.ge [sflag:s18], $0x2800  }
0x8b: {  	[sflag:s18] =	ssyncset.done $0x0  }
0x8c: {  	[sflag:s18] =	ssyncadd.s32 $0xFFFFD800  }
0x8d: {  	_ =	sfence.sel $0x180000  }
0x8e: {  	[bflag:$0x0] =	sbarrier.arrive $0xFFFF  }
0x8f: {  	_ =	strace $0x9000004D  }
0x90: {  	s0 =	stileid.u32;
	[bflag:$0x2] =	sbarrier.arrive $0xFFFF  }
0x91: {  	p0 =	sne.s32 s0, $0x0;
	s0 =	rddreg [dreg:$0x4]  }
0x92: {  	s0 =	sadd.s32 @!p0 $0x100000, s0  }
0x93: {  	[sflag:s0] =	ssyncadd.tile.s32 @!p0 $0x1;
	_ =	shalt  }
.Lfunc_end2:
_tile_overlayer_lowered:
.L_overlay_start_2:
0x94: {  	(tag) =	ssettag $0x2  }
0x95: {  	s0 =	rddreg [dreg:$0x0];
	s2 =	stileid.u32  }
0x96: {  	s1 =	rddreg [dreg:$0x1];
	p0 =	sne.s32 s2, $0x0  }
0x97: {  	s3 =	rddreg [dreg:$0x2];
	[bflag:$0x3] =	sbarrier.arrive $0xFFFF;
	s2 =	simm.s32 @!p0 $0x1C03  }
0x98: {  	[timem:s3], [sflag:s2] =	dma.local @!p0 [hbm:s0], s1  }
0x99: {  	s0 =	simm.s32 @!p0 $0x3  }
0x9a: {  	_ =	swait.ge @!p0 [sflag:s0], s1  }
0x9b: {  	s1 =	ssub.s32 @!p0 $0x0, s1;
	[sflag:s0] =	ssyncset.done @!p0 $0x0  }
0x9c: {  	[sflag:s0] =	ssyncadd.s32 @!p0 s1  }
0x9d: {  	[bflag:$0x3] =	sbarrier.arrive $0xFFFF  }
0x9e: {  	_ =	shalt  }

// kernel: kernel.22.cloned.1.call-start
scs
__scs_entry_jumppad:
0x0: {  	(pc) =	sbr.rel $0x88, $3  }
0x1: {  	(tag) =	ssettag $0x0;
	lr =	simm.s32 $0x1  }
0x2: {  	[smem:$0x3F9A] =	sst lr;
	_ =	strace $0xD0000000  }
0x3: {  	_ = 	snop  }
0x4: {  	_ = 	snop  }
0x5: {  	_ = 	snop  }
0x6: {  	_ = 	snop  }
0x7: {  	_ = 	snop  }
__scs_overlays_trampoline_lowered:
0x8: {  	[smem:$0x3FA9] =	sst s0  }
0x9: {  	[smem:$0x3FAA] =	sst s1  }
0xa: {  	[smem:$0x3FAB] =	sst s2  }
0xb: {  	[smem:$0x3FAC] =	sst s3  }
0xc: {  	[smem:$0x3FAD] =	sst s4  }
0xd: {  	[smem:$0x3FAE] =	sst s5  }
0xe: {  	[smem:$0x3FAF] =	sst s6  }
0xf: {  	[smem:$0x3FB0] =	sst s7  }
0x10: {  	[smem:$0x3FB1] =	sst s8  }
0x11: {  	[smem:$0x3FB2] =	sst s9;
	s0 =	simm.s32 @!p0 $0x0  }
0x12: {  	s1 =	sld [smem:$0x3F98];
	s0 =	simm.s32 @p0 $0x1  }
0x13: {  	[smem:$0x3FB3] =	sst s0;
	s0 =	simm.s32 @!p1 $0x0  }
0x14: {  	s2 =	sld [smem:$0x3F97];
	s0 =	simm.s32 @p1 $0x1  }
0x15: {  	[smem:$0x3FB4] =	sst s0;
	s0 =	simm.s32 @!p2 $0x0  }
0x16: {  	s3 =	sld [smem:$0x3FDB];
	s0 =	simm.s32 @p2 $0x1  }
0x17: {  	s4 =	simm.s32 $0x1BF5;
	[smem:$0x3FB6] =	sst s0  }
0x18: {  	s0 =	sld [smem:$0x3F99];
	_ =	swait.ge [sflag:s4], $0x0  }
0x19: {  	s7 =	sld [smem:$0x3F9A]  }
0x1a: {  	s8 =	sadd.s32 $0xFFFFE003, lr  }
0x1b: {  	s9 =	sadd.s32 $0xFFFFFEF7, lr;
	s5 =	simm.s32 $0xFFFFFFFF;
	p2 =	slt.u32 s8, $0xFFFFF086  }
0x1c: {  	p1 =	slt.u32 s9, $0xF7A;
	s5 =	simm.s32 @!p2 $0x0  }
0x1d: {  	s5 =	simm.s32 @p1 $0x1;
	p0 =	seq.s32 s7, s2  }
0x1e: {  	s7 =	smul.u32 @!p0 $0xF7A, s2;
	p2 =	seq.s32 @!p0 s5, $0x0  }
0x1f: {  	s9 =	smul.u32 $0xF7A, s1;
	s8 =	simm.s32 @!p0 $0x1BF5;
	p2 =	por !p2, p0  }
0x20: {  	[sflag:s8] =	ssyncset.s32 @!p0 $0xFFFFF086;
	s6 =	sadd.s32 @!p0 s3, s7;
	s7 =	simm.s32 @!p0 $0x108  }
0x21: {  	s3 =	sadd.s32 s3, s9;
	s6 =	sadd.s32 @!p0 $0x88, s6;
	s7 =	simm.s32 @p2 $0x1082  }
0x22: {  	[simem:s7], [sflag:s8] =	dma.local @!p0 [hbm:s6], $0xF7A  }
0x23: {  	s9 =	sor.u32 $0xD0000000, s2;
	s6 =	simm.s32 $0x108;
	_ =	swait.ge @!p0 [sflag:s8], $0x0  }
0x24: {  	s3 =	sadd.s32 $0x88, s3;
	s6 =	simm.s32 @!p1 $0x1082;
	[sflag:s4] =	ssyncset.s32 $0xFFFFF086  }
0x25: {  	[simem:s6], [sflag:s4] =	dma.local [hbm:s3], $0xF7A  }
0x26: {  	[smem:$0x3F9A] =	sst s1;
	(tag) =	ssettag s2;
	_ =	strace s9  }
0x27: {  	s1 =	sld [smem:$0x3FAA]  }
0x28: {  	s2 =	sld [smem:$0x3FAB]  }
0x29: {  	s4 =	sld [smem:$0x3FAD]  }
0x2a: {  	p0 =	seq.s32 s5, $0x0;
	s5 =	sld [smem:$0x3FAE]  }
0x2b: {  	s6 =	sld [smem:$0x3FAF]  }
0x2c: {  	s7 =	sld [smem:$0x3FB0]  }
0x2d: {  	s3 =	simm.s32 $0x108;
	s8 =	sld [smem:$0x3FB1]  }
0x2e: {  	s3 =	simm.s32 @!p0 $0x1082;
	s9 =	sld [smem:$0x3FB2]  }
0x2f: {  	lr =	sadd.s32 s0, s3;
	s0 =	sld [smem:$0x3FA9]  }
0x30: {  	s3 =	sld [smem:$0x3FAC]  }
0x31: {  	[smem:$0x3FB5] =	sst s10  }
0x32: {  	s10 =	sld [smem:$0x3FB3];
	_ =	sdelay $0x3  }
0x33: {  	p0 =	seq.s32 s10, $0x1;
	s10 =	sld [smem:$0x3FB5];
	_ =	sdelay $0x3  }
0x34: {  	[smem:$0x3FB5] =	sst s10  }
0x35: {  	s10 =	sld [smem:$0x3FB4];
	_ =	sdelay $0x3  }
0x36: {  	p1 =	seq.s32 s10, $0x1;
	s10 =	sld [smem:$0x3FB5];
	_ =	sdelay $0x3  }
0x37: {  	[smem:$0x3FB5] =	sst s10  }
0x38: {  	s10 =	sld [smem:$0x3FB6]  }
0x39: {  	_ = 	snop;
	(pc) =	sbr.ind lr, $3  }
0x3a: {  	_ = 	snop  }
0x3b: {  	_ = 	snop  }
0x3c: {  	p2 =	seq.s32 s10, $0x1;
	s10 =	sld [smem:$0x3FB5]  }
0x3d: {  	_ =	shalt  }
0x3e: {  	_ =	shalt  }
0x3f: {  	_ =	shalt  }
0x40: {  	_ =	shalt  }
0x41: {  	_ =	shalt  }
0x42: {  	_ =	shalt  }
0x43: {  	_ =	shalt  }
0x44: {  	_ =	shalt  }
0x45: {  	_ =	shalt  }
0x46: {  	_ =	shalt  }
0x47: {  	_ =	shalt  }
0x48: {  	_ =	shalt  }
0x49: {  	_ =	shalt  }
0x4a: {  	_ =	shalt  }
0x4b: {  	_ =	shalt  }
0x4c: {  	_ =	shalt  }
0x4d: {  	_ =	shalt  }
0x4e: {  	_ =	shalt  }
0x4f: {  	_ =	shalt  }
0x50: {  	_ =	shalt  }
0x51: {  	_ =	shalt  }
0x52: {  	_ =	shalt  }
0x53: {  	_ =	shalt  }
0x54: {  	_ =	shalt  }
0x55: {  	_ =	shalt  }
0x56: {  	_ =	shalt  }
0x57: {  	_ =	shalt  }
0x58: {  	_ =	shalt  }
0x59: {  	_ =	shalt  }
0x5a: {  	_ =	shalt  }
0x5b: {  	_ =	shalt  }
0x5c: {  	_ =	shalt  }
0x5d: {  	_ =	shalt  }
0x5e: {  	_ =	shalt  }
0x5f: {  	_ =	shalt  }
0x60: {  	_ =	shalt  }
0x61: {  	_ =	shalt  }
0x62: {  	_ =	shalt  }
0x63: {  	_ =	shalt  }
0x64: {  	_ =	shalt  }
0x65: {  	_ =	shalt  }
0x66: {  	_ =	shalt  }
0x67: {  	_ =	shalt  }
0x68: {  	_ =	shalt  }
0x69: {  	_ =	shalt  }
0x6a: {  	_ =	shalt  }
0x6b: {  	_ =	shalt  }
0x6c: {  	_ =	shalt  }
0x6d: {  	_ =	shalt  }
0x6e: {  	_ =	shalt  }
0x6f: {  	_ =	shalt  }
0x70: {  	_ =	shalt  }
0x71: {  	_ =	shalt  }
0x72: {  	_ =	shalt  }
0x73: {  	_ =	shalt  }
0x74: {  	_ =	shalt  }
0x75: {  	_ =	shalt  }
0x76: {  	_ =	shalt  }
0x77: {  	_ =	shalt  }
0x78: {  	_ =	shalt  }
0x79: {  	_ =	shalt  }
0x7a: {  	_ =	shalt  }
0x7b: {  	_ =	shalt  }
0x7c: {  	_ =	shalt  }
0x7d: {  	_ =	shalt  }
0x7e: {  	_ =	shalt  }
0x7f: {  	_ =	shalt  }
0x80: {  	_ =	shalt  }
0x81: {  	_ =	shalt  }
0x82: {  	_ =	shalt  }
0x83: {  	_ =	shalt  }
0x84: {  	_ =	shalt  }
0x85: {  	_ =	shalt  }
0x86: {  	_ =	shalt  }
0x87: {  	_ =	shalt  }
.Lfunc_end0:
.L_simem_size_0:
called_computation.3_lowered:
.L_overlay_start_0:
0x88: {  	s2 =	sld [smem:$0x3FD9]  }
0x89: {  	s3 =	sld [smem:$0x3FFE];
	_ =	sdelay $0x1  }
0x8a: {  	s1 =	srdreg.scid  }
0x8b: {  	s0 =	sand.u32 $0x1, s1  }
0x8c: {  	s17 =	sshll.u32 s0, $0xA;
	s2 =	sadd.s32 s3, s2  }
0x8d: {  	s2 =	sadd.s32 s2, s17  }
0x8e: {  	[smem:$0x3FC1] =	sst s2  }
0x8f: {  	_ = 	snop  }
0x90: {  	s2 =	sld [smem:$0x3FC8]  }
0x91: {  	s18 =	sld [smem:$0x3FC7];
	(tm) =	ssettm $0x1  }
0x92: {  	s4 =	sld [smem:$0x3FFB];
	_ =	sdelay $0x3  }
0x93: {  	_ =	strace s4  }
0x94: {  	s4 =	sld [smem:$0x3FFC];
	_ =	sdelay $0x3  }
0x95: {  	_ =	strace s4  }
0x96: {  	s4 =	sld [smem:$0x3FFD];
	_ =	sdelay $0x3  }
0x97: {  	_ =	strace s4  }
0x98: {  	_ =	strace $0x8FFFFFFF  }
0x99: {  	s19 =	sld [smem:$0x3FDB];
	_ =	sdelay $0x1  }
0x9a: {  	s5 =	simm.s32 $_scs_section_size  }
0x9b: {  	s6 =	simm.s32 $_size__tile_overlayer_lowered;
	s7 =	simm.s32 $_tile_overlayer_lowered  }
0x9c: {  	s22 =	simm.s32 $0x1BFF;
	s21 =	sshll.u32 s7, $0x1;
	s4 =	sadd.s32 s5, s19  }
0x9d: {  	s8 =	simm.s32 $0x0;
	s20 =	sshll.u32 s6, $0x1;
	s6 =	sadd.s32 s21, s4  }
0x9e: {  	[timem:s8], [sflag:s22] =	dma.local [hbm:s6], s20  }
0x9f: {  	_ =	swait.ge [sflag:s22], s20  }
0xa0: {  	s5 =	ssub.s32 $0x0, s20;
	[sflag:s22] =	ssyncset.done $0x0  }
0xa1: {  	[sflag:s22] =	ssyncadd.s32 s5;
	_ =	sdelay $0x1  }
0xa2: {  	s23 =	simm.s32 $0x1B8B  }
0xa3: {  	_ =	swait.ge [sflag:s23], $0x1  }
0xa4: {  	[sflag:s23] =	ssyncset.done $0x0  }
0xa5: {  	s25 =	simm.s32 $0x1B8E;
	s24 =	sld [smem:$0x3FFE];
	[sflag:s23] =	ssyncadd.s32 $0xFFFFFFFF  }
0xa6: {  	s26 =	simm.s32 $execute0_lowered;
	[smem:$0x3FD2] =	sst s25  }
0xa7: {  	s6 =	sshll.u32 s26, $0x1;
	_ =	strace $0x8000004F;
	[dreg:$0x1] =	wrdreg $0xFFFFFFFF  }
0xa8: {  	s28 =	simm.s32 $_size_execute0_lowered;
	s4 =	sadd.s32 s4, s6;
	[dreg:$0x0] =	wrdreg $0x0  }
0xa9: {  	s6 =	sshll.u32 s28, $0x1;
	[dreg:$0x2] =	wrdreg s4  }
0xaa: {  	[dreg:$0x3] =	wrdreg s6  }
0xab: {  	[dreg:$0x4] =	wrdreg $0xC0  }
0xac: {  	_ =	task [dreg:s8], $0x5FFFF  }
0xad: {  	[dreg:$0x1] =	wrdreg $0xFFFFFFFF  }
0xae: {  	[dreg:$0x0] =	wrdreg $0x60  }
0xaf: {  	[dreg:$0x2] =	wrdreg s24  }
0xb0: {  	[dreg:$0x3] =	wrdreg s2  }
0xb1: {  	[dreg:$0x4] =	wrdreg s18  }
0xb2: {  	[dreg:$0x5] =	wrdreg $0x6C200  }
0xb3: {  	[dreg:$0x6] =	wrdreg $0x9  }
0xb4: {  	_ =	task.clear_ibuf [dreg:s8], $0x7FFFF;
	_ =	strace $0x9000004F  }
0xb5: {  	s29 =	simm.s32 $0x9;
	_ =	strace $0x80000051  }
0xb6: {  	_ =	swait.ge [sflag:s29], $0x1  }
0xb7: {  	[sflag:s29] =	ssyncadd.s32 $0xFFFFFFFF  }
0xb8: {  	_ =	strace $0x90000051  }
0xb9: {  	_ =	sfence  }
0xba: {  	s30 =	sld [smem:$0x0];
	_ =	sdelay $0x2  }
0xbb: {  	s31 =	sshll.u32 s1, $0xD;
	s1 =	sshrl.u32 s1, $0x2  }
0xbc: {  	s3 =	sand.u32 $0x4000, s31;
	s1 =	sadd.s32 s1, s30  }
0xbd: {  	s0 =	sor.u32 s3, s0;
	s1 =	sshll.u32 s1, $0x11  }
0xbe: {  	s0 =	sor.u32 s1, s0  }
0xbf: {  	s0 =	sadd.s32 $0x8F2B, s0  }
0xc0: {  	[sflag:s0] =	ssyncadd.remote.s32 $0x1  }
0xc1: {  	_ =	sfence.sel $0xFFFF  }
0xc2: {  	[dreg:$0x0] =	wrdreg $0xFFFFFFFF;
	(pc) =	sbr.abs _section_cstart, $3  }
0xc3: {  	[dreg:$0x1] =	wrdreg $0xFFFFFFFF  }
0xc4: {  	_ =	task.clear_ibuf [dreg:s8], $0x2FFFF;
	_ =	strace $0x9FFFFFFF  }
0xc5: {  	(tm) =	ssettm $0x7FFFFFFF  }
tec
execute0_lowered:
.L_overlay_start_1:
0x0: {  	(tag) =	ssettag $0x1  }
0x1: {  	s5 =	rddreg [dreg:$0x0]  }
0x2: {  	s6 =	rddreg [dreg:$0x1]  }
0x3: {  	s7 =	rddreg [dreg:$0x2]  }
0x4: {  	s2 =	rddreg [dreg:$0x3]  }
0x5: {  	s0 =	rddreg [dreg:$0x4]  }
0x6: {  	s3 =	simm.s32 $0x0;
	s4 =	srdreg.scid;
	s1 =	stileid.u32  }
0x7: {  	s13 =	simm.s32 $0x4E20;
	s14 =	simm.s32 $0x3;
	s15 =	simm.s32 $0x1  }
0x8: {  	s16 =	simm.s32 $0x2;
	s17 =	simm.s32 $0x50;
	s18 =	simm.s32 $0x5D20  }
0x9: {  	s19 =	simm.s32 $0x4D30;
	s20 =	simm.s32 $0x26C0;
	s21 =	simm.s32 $0x4D80  }
0xa: {  	s22 =	simm.s32 $0x4DD0;
	[smem:$0x7FF] =	sst s3;
	s11 =	smul.u32 $0xF000, s1  }
0xb: {  	s8 =	sand.u32 $0x1, s4;
	s29 =	sshll.u32 s1, $0x1;
	s12 =	smul.u32 $0x3C00, s1  }
0xc: {  	s4 =	sadd.s32 $0x57E00, s5;
	s9 =	smul.u32 $0x7800, s8;
	s10 =	sor.u32 s8, s29  }
0xd: {  	_ =	strace $0x80000050;
	s8 =	ssub.s32 $0x2, s8;
	s10 =	smul.u32 $0x4E2, s10  }
0xe: {  	s30 =	sshrl.u32 s8, $0x1;
	s31 =	sshrl.u32 s11, $0x2;
	s24 =	sshrl.u32 s12, $0x3  }
0xf: {  	s25 =	sadd.s32 s12, s2;
	s12 =	simm.s32 $0x2710;
	s9 =	sadd.s32 s9, s5  }
0x10: {  	s8 =	ssub.s32 s8, s30;
	s5 =	sadd.s32 s6, s10;
	s6 =	sadd.s32 s7, s10  }
0x11: {  	s23 =	sadd.s32 $0x66A00, s9;
	s7 =	sadd.s32 s31, s2;
	s8 =	smax.u32 s8, $0x1  }
0x12: {  	s9 =	sadd.s32 $0xF00, s7;
	s10 =	sadd.s32 $0x1E00, s7;
	s11 =	sadd.s32 $0x2D00, s7  }
0x13: {  	v0 =	vimm.f32 $0.0e+00;
	s23 =	sadd.s32 s24, s23;
	s24 =	sshrl.u32 s25, $0x3;
	s25 =	simm.s32 $0x0  }
.LBB2_1:
0x14: {  	[tilespmem:s3], [sflag:$0x1] =	stream.linear.gather [hbm4b:s5+s3], $0x2710, $0x38;
	[tilespmem:$0xA820] =	vst v63  }
0x15: {  	s26 =	simm.s32 $0xC0;
	s28 =	simm.s32 $0x0  }
0x16: {  	[tilespmem:s12], [sflag:$0x2] =	stream.linear.gather [hbm4b:s6+s3], $0x2710, $0x38;
	[tilespmem:$0xA820] =	vst v63  }
.LBB2_2:
0x17: {  	p0 =	sne.s32 s26, $0x3B40;
	[tilespmem:s28+$0x4E40] =	vst v0;
	s29 =	smov.u32 s26;
	s26 =	sadd.s32 $0xC0, s26  }
.Ltmp0:
0x18: {  	[tilespmem:s28+$0x4E20] =	vst v0;
	(pc) =	sbr.rel @p0 .LBB2_2-.Ltmp0, $2  }
0x19: {  	[tilespmem:s28+$0x4E30] =	vst v0;
	_ =	sdelay $0x2  }
0x1a: {  	s28 =	sshra.s32 s29, $0x2  }
0x1b: {  	[tilespmem:s28+$0x4E40] =	vst v0  }
0x1c: {  	[tilespmem:s28+$0x4E20] =	vst v0  }
0x1d: {  	[tilespmem:s28+$0x4E30] =	vst v0  }
0x1e: {  	[spmem:s7] =	stream.linear.scatter [tilespmem:s13], [sflag:$0x3], $0xF00, $0x38;
	[tilespmem:$0xA820] =	vst v63  }
0x1f: {  	_ =	swait.ge [sflag:s14], $0xF00  }
0x20: {  	[sflag:s14] =	ssyncset.done $0x0  }
0x21: {  	[sflag:s14] =	ssyncadd.s32 $0xFFFFF100  }
0x22: {  	[spmem:s9] =	stream.linear.scatter [tilespmem:s13], [sflag:$0x3], $0xF00, $0x38;
	[tilespmem:$0xA820] =	vst v63  }
0x23: {  	_ =	swait.ge [sflag:s14], $0xF00  }
0x24: {  	[sflag:s14] =	ssyncset.done $0x0  }
0x25: {  	[sflag:s14] =	ssyncadd.s32 $0xFFFFF100  }
0x26: {  	[spmem:s10] =	stream.linear.scatter [tilespmem:s13], [sflag:$0x3], $0xF00, $0x38;
	[tilespmem:$0xA820] =	vst v63  }
0x27: {  	_ =	swait.ge [sflag:s14], $0xF00  }
0x28: {  	[sflag:s14] =	ssyncset.done $0x0  }
0x29: {  	[sflag:s14] =	ssyncadd.s32 $0xFFFFF100  }
0x2a: {  	[spmem:s11] =	stream.linear.scatter [tilespmem:s13], [sflag:$0x3], $0xF00, $0x38;
	[tilespmem:$0xA820] =	vst v63  }
0x2b: {  	_ =	swait.ge [sflag:s14], $0xF00  }
0x2c: {  	[sflag:s14] =	ssyncset.done $0x0  }
0x2d: {  	[sflag:s14] =	ssyncadd.s32 $0xFFFFF100  }
0x2e: {  	_ =	swait.ge [sflag:s15], $0x2710  }
0x2f: {  	[sflag:s15] =	ssyncset.done $0x0  }
0x30: {  	[sflag:s15] =	ssyncadd.s32 $0xFFFFD8F0  }
0x31: {  	_ =	swait.ge [sflag:s16], $0x2710  }
0x32: {  	[sflag:s16] =	ssyncset.done $0x0  }
0x33: {  	[sflag:s16] =	ssyncadd.s32 $0xFFFFD8F0  }
0x34: {  	s26 =	simm.s32 $0x0;
	[bflag:$0x0] =	sbarrier.arrive $0xFFFF  }
0x35: {  	[tilespmem:s13], [sflag:$0x1] =	stream.indirect.gather [hbm4b:s4+s17], $0x30, s26, s17, $0xb8;
	[tilespmem:$0xA820] =	vst v63  }
0x36: {  	_ = 	snop  }
0x37: {  	[tilespmem:s18], [sflag:$0x2] =	stream.indirect.gather [hbm4b:s4+s17], $0x30, s17, s17, $0xb8;
	[tilespmem:$0xA820] =	vst v63  }
0x38: {  	_ =	swait.ge [sflag:s15], $0xF00  }
0x39: {  	[sflag:s15] =	ssyncset.done $0x0  }
0x3a: {  	s29 =	simm.s32 $0x2710;
	[sflag:s15] =	ssyncadd.s32 $0xFFFFF100  }
0x3b: {  	[spmem:s2] =	stream.indirect.scatter.add.f32 [tilespmem:s13], [sflag:$0x3], $0x30, s29, s17, $0xb8;
	[tilespmem:$0xA820] =	vst v63  }
0x3c: {  	_ =	swait.ge [sflag:s14], $0xF00  }
0x3d: {  	[sflag:s14] =	ssyncset.done $0x0  }
0x3e: {  	s30 =	simm.s32 $0xA0;
	[sflag:s14] =	ssyncadd.s32 $0xFFFFF100  }
0x3f: {  	[tilespmem:s13], [sflag:$0x1] =	stream.indirect.gather [hbm4b:s4+s17], $0x30, s30, s17, $0xb8;
	[tilespmem:$0xA820] =	vst v63  }
0x40: {  	_ =	swait.ge [sflag:s16], $0xF00  }
0x41: {  	[sflag:s16] =	ssyncset.done $0x0  }
0x42: {  	s31 =	simm.s32 $0x2760;
	[sflag:s16] =	ssyncadd.s32 $0xFFFFF100  }
0x43: {  	[spmem:s2] =	stream.indirect.scatter.add.f32 [tilespmem:s18], [sflag:$0x3], $0x30, s31, s17, $0xb8;
	[tilespmem:$0xA820] =	vst v63  }
0x44: {  	_ =	swait.ge [sflag:s14], $0xF00  }
0x45: {  	[sflag:s14] =	ssyncset.done $0x0  }
0x46: {  	s28 =	simm.s32 $0xF0;
	s26 =	simm.s32 $0x280;
	[sflag:s14] =	ssyncadd.s32 $0xFFFFF100  }
.LBB2_4:
0x47: {  	[tilespmem:s18], [sflag:$0x2] =	stream.indirect.gather [hbm4b:s4+s17], $0x30, s28, s17, $0xb8;
	[tilespmem:$0xA820] =	vst v63  }
0x48: {  	s28 =	smov.u32 s26  }
0x49: {  	p0 =	sne.s32 s26, $0x9600;
	s26 =	sadd.s32 $0x280, s26;
	_ =	swait.ge [sflag:s15], $0xF00  }
0x4a: {  	s28 =	sshra.s32 s28, $0x2;
	[sflag:s15] =	ssyncset.done $0x0  }
0x4b: {  	s29 =	sadd.s32 $0x2710, s28;
	[sflag:s15] =	ssyncadd.s32 $0xFFFFF100  }
0x4c: {  	[spmem:s2] =	stream.indirect.scatter.add.f32 [tilespmem:s13], [sflag:$0x3], $0x30, s29, s17, $0xb8;
	[tilespmem:$0xA820] =	vst v63  }
0x4d: {  	_ =	swait.ge [sflag:s14], $0xF00  }
0x4e: {  	[sflag:s14] =	ssyncset.done $0x0  }
0x4f: {  	s29 =	sadd.s32 $0xA0, s28;
	[sflag:s14] =	ssyncadd.s32 $0xFFFFF100  }
0x50: {  	[tilespmem:s13], [sflag:$0x1] =	stream.indirect.gather [hbm4b:s4+s17], $0x30, s29, s17, $0xb8;
	[tilespmem:$0xA820] =	vst v63  }
0x51: {  	_ =	swait.ge [sflag:s16], $0xF00  }
0x52: {  	[sflag:s16] =	ssyncset.done $0x0  }
.Ltmp1:
0x53: {  	s29 =	sadd.s32 $0x2760, s28;
	[sflag:s16] =	ssyncadd.s32 $0xFFFFF100;
	(pc) =	sbr.rel @p0 .LBB2_4-.Ltmp1, $4  }
0x54: {  	[spmem:s2] =	stream.indirect.scatter.add.f32 [tilespmem:s18], [sflag:$0x3], $0x30, s29, s17, $0xb8;
	[tilespmem:$0xA820] =	vst v63  }
0x55: {  	_ =	swait.ge [sflag:s14], $0xF00  }
0x56: {  	[sflag:s14] =	ssyncset.done $0x0  }
0x57: {  	s28 =	sadd.s32 $0xF0, s28;
	[sflag:s14] =	ssyncadd.s32 $0xFFFFF100  }
0x58: {  	[tilespmem:s18], [sflag:$0x2] =	stream.indirect.gather [hbm4b:s4+s17], $0x30, s28, s17, $0xb8;
	[tilespmem:$0xA820] =	vst v63  }
0x59: {  	_ =	swait.ge [sflag:s15], $0xF00  }
0x5a: {  	[sflag:s15] =	ssyncset.done $0x0  }
0x5b: {  	[sflag:s15] =	ssyncadd.s32 $0xFFFFF100  }
0x5c: {  	[spmem:s2] =	stream.indirect.scatter.add.f32 [tilespmem:s13], [sflag:$0x3], $0x30, s19, s17, $0xb8;
	[tilespmem:$0xA820] =	vst v63  }
0x5d: {  	_ =	swait.ge [sflag:s14], $0xF00  }
0x5e: {  	[sflag:s14] =	ssyncset.done $0x0  }
0x5f: {  	[sflag:s14] =	ssyncadd.s32 $0xFFFFF100  }
0x60: {  	[tilespmem:s13], [sflag:$0x1] =	stream.indirect.gather [hbm4b:s4+s17], $0x30, s20, s17, $0xb8;
	[tilespmem:$0xA820] =	vst v63  }
0x61: {  	_ =	swait.ge [sflag:s16], $0xF00  }
0x62: {  	[sflag:s16] =	ssyncset.done $0x0  }
0x63: {  	[sflag:s16] =	ssyncadd.s32 $0xFFFFF100  }
0x64: {  	[spmem:s2] =	stream.indirect.scatter.add.f32 [tilespmem:s18], [sflag:$0x3], $0x30, s21, s17, $0xb8;
	[tilespmem:$0xA820] =	vst v63  }
0x65: {  	_ =	swait.ge [sflag:s14], $0xF00  }
0x66: {  	[sflag:s14] =	ssyncset.done $0x0  }
0x67: {  	[sflag:s14] =	ssyncadd.s32 $0xFFFFF100  }
0x68: {  	_ =	swait.ge [sflag:s15], $0xF00  }
0x69: {  	[sflag:s15] =	ssyncset.done $0x0  }
0x6a: {  	[sflag:s15] =	ssyncadd.s32 $0xFFFFF100  }
0x6b: {  	[spmem:s2] =	stream.indirect.scatter.add.f32 [tilespmem:s13], [sflag:$0x3], $0x30, s22, s17, $0xb8;
	[tilespmem:$0xA820] =	vst v63  }
0x6c: {  	_ =	swait.ge [sflag:s14], $0xF00  }
0x6d: {  	s25 =	sadd.s32 $0x1, s25;
	[sflag:s14] =	ssyncset.done $0x0  }
0x6e: {  	s26 =	sshll.u32 s1, $0x6;
	p0 =	sne.s32 s25, s8;
	[sflag:s14] =	ssyncadd.s32 $0xFFFFF100  }
.Ltmp2:
0x6f: {  	s26 =	sor.u32 $0x1C03, s26;
	[bflag:$0x0] =	sbarrier.arrive $0xFFFF;
	(pc) =	sbr.rel @p0 .LBB2_1-.Ltmp2, $4  }
0x70: {  	[hbm:s23], [sflag:s26] =	dma.local [spmem:s24], $0x780  }
0x71: {  	_ =	swait.ge [sflag:s14], $0x780  }
0x72: {  	[sflag:s14] =	ssyncset.done $0x0  }
0x73: {  	[sflag:s14] =	ssyncadd.s32 $0xFFFFF880  }
0x74: {  	_ =	sfence.sel $0x180000  }
0x75: {  	[bflag:$0x0] =	sbarrier.arrive $0xFFFF  }
0x76: {  	p0 =	sne.s32 s1, $0x0;
	_ =	strace $0x90000050  }
0x77: {  	s0 =	sadd.s32 @!p0 $0x100000, s0;
	[bflag:$0x2] =	sbarrier.arrive $0xFFFF  }
0x78: {  	[sflag:s0] =	ssyncadd.tile.s32 @!p0 $0x1;
	_ =	shalt  }
.Lfunc_end2:
_tile_overlayer_lowered:
.L_overlay_start_2:
0x79: {  	(tag) =	ssettag $0x2  }
0x7a: {  	s0 =	rddreg [dreg:$0x0];
	s2 =	stileid.u32  }
0x7b: {  	s1 =	rddreg [dreg:$0x1];
	p0 =	sne.s32 s2, $0x0  }
0x7c: {  	s3 =	rddreg [dreg:$0x2];
	[bflag:$0x3] =	sbarrier.arrive $0xFFFF;
	s2 =	simm.s32 @!p0 $0x1C03  }
0x7d: {  	[timem:s3], [sflag:s2] =	dma.local @!p0 [hbm:s0], s1  }
0x7e: {  	s0 =	simm.s32 @!p0 $0x3  }
0x7f: {  	_ =	swait.ge @!p0 [sflag:s0], s1  }
0x80: {  	s1 =	ssub.s32 @!p0 $0x0, s1;
	[sflag:s0] =	ssyncset.done @!p0 $0x0  }
0x81: {  	[sflag:s0] =	ssyncadd.s32 @!p0 s1  }
0x82: {  	[bflag:$0x3] =	sbarrier.arrive $0xFFFF  }
0x83: {  	_ =	shalt  }

// kernel: kernel.25.cloned.1.call-start
scs
__scs_entry_jumppad:
0x0: {  	(pc) =	sbr.rel $0x88, $3  }
0x1: {  	(tag) =	ssettag $0x0;
	lr =	simm.s32 $0x1  }
0x2: {  	[smem:$0x3F9A] =	sst lr;
	_ =	strace $0xD0000000  }
0x3: {  	_ = 	snop  }
0x4: {  	_ = 	snop  }
0x5: {  	_ = 	snop  }
0x6: {  	_ = 	snop  }
0x7: {  	_ = 	snop  }
__scs_overlays_trampoline_lowered:
0x8: {  	[smem:$0x3FA9] =	sst s0  }
0x9: {  	[smem:$0x3FAA] =	sst s1  }
0xa: {  	[smem:$0x3FAB] =	sst s2  }
0xb: {  	[smem:$0x3FAC] =	sst s3  }
0xc: {  	[smem:$0x3FAD] =	sst s4  }
0xd: {  	[smem:$0x3FAE] =	sst s5  }
0xe: {  	[smem:$0x3FAF] =	sst s6  }
0xf: {  	[smem:$0x3FB0] =	sst s7  }
0x10: {  	[smem:$0x3FB1] =	sst s8  }
0x11: {  	[smem:$0x3FB2] =	sst s9;
	s0 =	simm.s32 @!p0 $0x0  }
0x12: {  	s1 =	sld [smem:$0x3F98];
	s0 =	simm.s32 @p0 $0x1  }
0x13: {  	[smem:$0x3FB3] =	sst s0;
	s0 =	simm.s32 @!p1 $0x0  }
0x14: {  	s2 =	sld [smem:$0x3F97];
	s0 =	simm.s32 @p1 $0x1  }
0x15: {  	[smem:$0x3FB4] =	sst s0;
	s0 =	simm.s32 @!p2 $0x0  }
0x16: {  	s3 =	sld [smem:$0x3FDB];
	s0 =	simm.s32 @p2 $0x1  }
0x17: {  	s4 =	simm.s32 $0x1BF5;
	[smem:$0x3FB6] =	sst s0  }
0x18: {  	s0 =	sld [smem:$0x3F99];
	_ =	swait.ge [sflag:s4], $0x0  }
0x19: {  	s7 =	sld [smem:$0x3F9A]  }
0x1a: {  	s8 =	sadd.s32 $0xFFFFE003, lr  }
0x1b: {  	s9 =	sadd.s32 $0xFFFFFEF7, lr;
	s5 =	simm.s32 $0xFFFFFFFF;
	p2 =	slt.u32 s8, $0xFFFFF086  }
0x1c: {  	p1 =	slt.u32 s9, $0xF7A;
	s5 =	simm.s32 @!p2 $0x0  }
0x1d: {  	s5 =	simm.s32 @p1 $0x1;
	p0 =	seq.s32 s7, s2  }
0x1e: {  	s7 =	smul.u32 @!p0 $0xF7A, s2;
	p2 =	seq.s32 @!p0 s5, $0x0  }
0x1f: {  	s9 =	smul.u32 $0xF7A, s1;
	s8 =	simm.s32 @!p0 $0x1BF5;
	p2 =	por !p2, p0  }
0x20: {  	[sflag:s8] =	ssyncset.s32 @!p0 $0xFFFFF086;
	s6 =	sadd.s32 @!p0 s3, s7;
	s7 =	simm.s32 @!p0 $0x108  }
0x21: {  	s3 =	sadd.s32 s3, s9;
	s6 =	sadd.s32 @!p0 $0x88, s6;
	s7 =	simm.s32 @p2 $0x1082  }
0x22: {  	[simem:s7], [sflag:s8] =	dma.local @!p0 [hbm:s6], $0xF7A  }
0x23: {  	s9 =	sor.u32 $0xD0000000, s2;
	s6 =	simm.s32 $0x108;
	_ =	swait.ge @!p0 [sflag:s8], $0x0  }
0x24: {  	s3 =	sadd.s32 $0x88, s3;
	s6 =	simm.s32 @!p1 $0x1082;
	[sflag:s4] =	ssyncset.s32 $0xFFFFF086  }
0x25: {  	[simem:s6], [sflag:s4] =	dma.local [hbm:s3], $0xF7A  }
0x26: {  	[smem:$0x3F9A] =	sst s1;
	(tag) =	ssettag s2;
	_ =	strace s9  }
0x27: {  	s1 =	sld [smem:$0x3FAA]  }
0x28: {  	s2 =	sld [smem:$0x3FAB]  }
0x29: {  	s4 =	sld [smem:$0x3FAD]  }
0x2a: {  	p0 =	seq.s32 s5, $0x0;
	s5 =	sld [smem:$0x3FAE]  }
0x2b: {  	s6 =	sld [smem:$0x3FAF]  }
0x2c: {  	s7 =	sld [smem:$0x3FB0]  }
0x2d: {  	s3 =	simm.s32 $0x108;
	s8 =	sld [smem:$0x3FB1]  }
0x2e: {  	s3 =	simm.s32 @!p0 $0x1082;
	s9 =	sld [smem:$0x3FB2]  }
0x2f: {  	lr =	sadd.s32 s0, s3;
	s0 =	sld [smem:$0x3FA9]  }
0x30: {  	s3 =	sld [smem:$0x3FAC]  }
0x31: {  	[smem:$0x3FB5] =	sst s10  }
0x32: {  	s10 =	sld [smem:$0x3FB3];
	_ =	sdelay $0x3  }
0x33: {  	p0 =	seq.s32 s10, $0x1;
	s10 =	sld [smem:$0x3FB5];
	_ =	sdelay $0x3  }
0x34: {  	[smem:$0x3FB5] =	sst s10  }
0x35: {  	s10 =	sld [smem:$0x3FB4];
	_ =	sdelay $0x3  }
0x36: {  	p1 =	seq.s32 s10, $0x1;
	s10 =	sld [smem:$0x3FB5];
	_ =	sdelay $0x3  }
0x37: {  	[smem:$0x3FB5] =	sst s10  }
0x38: {  	s10 =	sld [smem:$0x3FB6]  }
0x39: {  	_ = 	snop;
	(pc) =	sbr.ind lr, $3  }
0x3a: {  	_ = 	snop  }
0x3b: {  	_ = 	snop  }
0x3c: {  	p2 =	seq.s32 s10, $0x1;
	s10 =	sld [smem:$0x3FB5]  }
0x3d: {  	_ =	shalt  }
0x3e: {  	_ =	shalt  }
0x3f: {  	_ =	shalt  }
0x40: {  	_ =	shalt  }
0x41: {  	_ =	shalt  }
0x42: {  	_ =	shalt  }
0x43: {  	_ =	shalt  }
0x44: {  	_ =	shalt  }
0x45: {  	_ =	shalt  }
0x46: {  	_ =	shalt  }
0x47: {  	_ =	shalt  }
0x48: {  	_ =	shalt  }
0x49: {  	_ =	shalt  }
0x4a: {  	_ =	shalt  }
0x4b: {  	_ =	shalt  }
0x4c: {  	_ =	shalt  }
0x4d: {  	_ =	shalt  }
0x4e: {  	_ =	shalt  }
0x4f: {  	_ =	shalt  }
0x50: {  	_ =	shalt  }
0x51: {  	_ =	shalt  }
0x52: {  	_ =	shalt  }
0x53: {  	_ =	shalt  }
0x54: {  	_ =	shalt  }
0x55: {  	_ =	shalt  }
0x56: {  	_ =	shalt  }
0x57: {  	_ =	shalt  }
0x58: {  	_ =	shalt  }
0x59: {  	_ =	shalt  }
0x5a: {  	_ =	shalt  }
0x5b: {  	_ =	shalt  }
0x5c: {  	_ =	shalt  }
0x5d: {  	_ =	shalt  }
0x5e: {  	_ =	shalt  }
0x5f: {  	_ =	shalt  }
0x60: {  	_ =	shalt  }
0x61: {  	_ =	shalt  }
0x62: {  	_ =	shalt  }
0x63: {  	_ =	shalt  }
0x64: {  	_ =	shalt  }
0x65: {  	_ =	shalt  }
0x66: {  	_ =	shalt  }
0x67: {  	_ =	shalt  }
0x68: {  	_ =	shalt  }
0x69: {  	_ =	shalt  }
0x6a: {  	_ =	shalt  }
0x6b: {  	_ =	shalt  }
0x6c: {  	_ =	shalt  }
0x6d: {  	_ =	shalt  }
0x6e: {  	_ =	shalt  }
0x6f: {  	_ =	shalt  }
0x70: {  	_ =	shalt  }
0x71: {  	_ =	shalt  }
0x72: {  	_ =	shalt  }
0x73: {  	_ =	shalt  }
0x74: {  	_ =	shalt  }
0x75: {  	_ =	shalt  }
0x76: {  	_ =	shalt  }
0x77: {  	_ =	shalt  }
0x78: {  	_ =	shalt  }
0x79: {  	_ =	shalt  }
0x7a: {  	_ =	shalt  }
0x7b: {  	_ =	shalt  }
0x7c: {  	_ =	shalt  }
0x7d: {  	_ =	shalt  }
0x7e: {  	_ =	shalt  }
0x7f: {  	_ =	shalt  }
0x80: {  	_ =	shalt  }
0x81: {  	_ =	shalt  }
0x82: {  	_ =	shalt  }
0x83: {  	_ =	shalt  }
0x84: {  	_ =	shalt  }
0x85: {  	_ =	shalt  }
0x86: {  	_ =	shalt  }
0x87: {  	_ =	shalt  }
.Lfunc_end0:
.L_simem_size_0:
called_computation.4_lowered:
.L_overlay_start_0:
0x88: {  	s2 =	sld [smem:$0x3FD9]  }
0x89: {  	s3 =	sld [smem:$0x3FFE];
	_ =	sdelay $0x1  }
0x8a: {  	s1 =	srdreg.scid  }
0x8b: {  	s0 =	sand.u32 $0x1, s1  }
0x8c: {  	s17 =	sshll.u32 s0, $0xA;
	s2 =	sadd.s32 s3, s2  }
0x8d: {  	s2 =	sadd.s32 s2, s17  }
0x8e: {  	[smem:$0x3FC1] =	sst s2  }
0x8f: {  	_ = 	snop  }
0x90: {  	s2 =	sld [smem:$0x3FC8]  }
0x91: {  	s18 =	sld [smem:$0x3FC7]  }
0x92: {  	s4 =	sld [smem:$0x3FD0];
	(tm) =	ssettm $0x1  }
0x93: {  	s5 =	sld [smem:$0x3FFB];
	_ =	sdelay $0x3  }
0x94: {  	_ =	strace s5  }
0x95: {  	s5 =	sld [smem:$0x3FFC];
	_ =	sdelay $0x3  }
0x96: {  	_ =	strace s5  }
0x97: {  	s5 =	sld [smem:$0x3FFD];
	_ =	sdelay $0x3  }
0x98: {  	_ =	strace s5  }
0x99: {  	_ =	strace $0x8FFFFFFF  }
0x9a: {  	s19 =	sld [smem:$0x3FDB];
	_ =	sdelay $0x1  }
0x9b: {  	s6 =	simm.s32 $_scs_section_size  }
0x9c: {  	s7 =	simm.s32 $_size__tile_overlayer_lowered;
	s8 =	simm.s32 $_tile_overlayer_lowered  }
0x9d: {  	s22 =	simm.s32 $0x1BFF;
	s21 =	sshll.u32 s8, $0x1;
	s5 =	sadd.s32 s6, s19  }
0x9e: {  	s9 =	simm.s32 $0x0;
	s20 =	sshll.u32 s7, $0x1;
	s7 =	sadd.s32 s21, s5  }
0x9f: {  	[timem:s9], [sflag:s22] =	dma.local [hbm:s7], s20  }
0xa0: {  	_ =	swait.ge [sflag:s22], s20  }
0xa1: {  	s6 =	ssub.s32 $0x0, s20;
	[sflag:s22] =	ssyncset.done $0x0  }
0xa2: {  	[sflag:s22] =	ssyncadd.s32 s6;
	_ =	sdelay $0x1  }
0xa3: {  	s23 =	simm.s32 $0x1B8B  }
0xa4: {  	_ =	swait.ge [sflag:s23], $0x1  }
0xa5: {  	[sflag:s23] =	ssyncset.done $0x0  }
0xa6: {  	s25 =	simm.s32 $0x1B8E;
	s24 =	sld [smem:$0x3FFE];
	[sflag:s23] =	ssyncadd.s32 $0xFFFFFFFF  }
0xa7: {  	s26 =	simm.s32 $execute0_lowered;
	[smem:$0x3FD2] =	sst s25  }
0xa8: {  	s7 =	sshll.u32 s26, $0x1;
	_ =	strace $0x80000052;
	[dreg:$0x1] =	wrdreg $0xFFFFFFFF  }
0xa9: {  	s28 =	simm.s32 $_size_execute0_lowered;
	s5 =	sadd.s32 s5, s7;
	[dreg:$0x0] =	wrdreg $0x0  }
0xaa: {  	s7 =	sshll.u32 s28, $0x1;
	[dreg:$0x2] =	wrdreg s5  }
0xab: {  	[dreg:$0x3] =	wrdreg s7  }
0xac: {  	[dreg:$0x4] =	wrdreg $0xC0  }
0xad: {  	_ =	task [dreg:s9], $0x5FFFF  }
0xae: {  	[dreg:$0x1] =	wrdreg $0xFFFFFFFF  }
0xaf: {  	[dreg:$0x0] =	wrdreg $0x60  }
0xb0: {  	[dreg:$0x2] =	wrdreg s4  }
0xb1: {  	[dreg:$0x3] =	wrdreg s18  }
0xb2: {  	[dreg:$0x4] =	wrdreg s2  }
0xb3: {  	[dreg:$0x5] =	wrdreg s24  }
0xb4: {  	[dreg:$0x6] =	wrdreg $0x6C200  }
0xb5: {  	[dreg:$0x7] =	wrdreg $0x9  }
0xb6: {  	_ =	task.clear_ibuf [dreg:s9], $0x8FFFF;
	_ =	strace $0x90000052  }
0xb7: {  	s29 =	simm.s32 $0x9;
	_ =	strace $0x80000054  }
0xb8: {  	_ =	swait.ge [sflag:s29], $0x1  }
0xb9: {  	[sflag:s29] =	ssyncadd.s32 $0xFFFFFFFF  }
0xba: {  	_ =	strace $0x90000054  }
0xbb: {  	_ =	sfence  }
0xbc: {  	s30 =	sld [smem:$0x0];
	_ =	sdelay $0x2  }
0xbd: {  	s31 =	sshll.u32 s1, $0xD;
	s1 =	sshrl.u32 s1, $0x2  }
0xbe: {  	s3 =	sand.u32 $0x4000, s31;
	s1 =	sadd.s32 s1, s30  }
0xbf: {  	s0 =	sor.u32 s3, s0;
	s1 =	sshll.u32 s1, $0x11  }
0xc0: {  	s0 =	sor.u32 s1, s0  }
0xc1: {  	s0 =	sadd.s32 $0x8F2B, s0  }
0xc2: {  	[sflag:s0] =	ssyncadd.remote.s32 $0x1  }
0xc3: {  	_ =	sfence.sel $0xFFFF  }
0xc4: {  	[dreg:$0x0] =	wrdreg $0xFFFFFFFF;
	(pc) =	sbr.abs _section_cstart, $3  }
0xc5: {  	[dreg:$0x1] =	wrdreg $0xFFFFFFFF  }
0xc6: {  	_ =	task.clear_ibuf [dreg:s9], $0x2FFFF;
	_ =	strace $0x9FFFFFFF  }
0xc7: {  	(tm) =	ssettm $0x7FFFFFFF  }
tec
execute0_lowered:
.L_overlay_start_1:
0x0: {  	(tag) =	ssettag $0x1  }
0x1: {  	s0 =	rddreg [dreg:$0x0]  }
0x2: {  	s1 =	rddreg [dreg:$0x1]  }
0x3: {  	s6 =	rddreg [dreg:$0x2]  }
0x4: {  	s5 =	rddreg [dreg:$0x3]  }
0x5: {  	s3 =	rddreg [dreg:$0x4]  }
0x6: {  	s4 =	srdreg.scid;
	s2 =	stileid.u32;
	s16 =	simm.s32 $0x2710  }
0x7: {  	s17 =	simm.s32 $0x4E20;
	s18 =	simm.s32 $0x3;
	s19 =	simm.s32 $0x1  }
0x8: {  	s20 =	simm.s32 $0x2;
	s21 =	simm.s32 $0x50;
	s22 =	simm.s32 $0x5D20  }
0x9: {  	s24 =	simm.s32 $0x4D30;
	s28 =	simm.s32 $0x4D80;
	s29 =	simm.s32 $0x4DD0  }
0xa: {  	s30 =	simm.s32 $0x0;
	s7 =	sand.u32 $0x1, s4;
	s10 =	smul.u32 $0x7800, s2  }
0xb: {  	s8 =	sshll.u32 s2, $0x1;
	s4 =	simm.s32 $0x0;
	s11 =	smul.u32 $0x1E000, s2  }
0xc: {  	s9 =	smul.u32 $0xF000, s7;
	s8 =	sor.u32 s7, s8;
	[smem:$0x7FF] =	sst s4  }
0xd: {  	s7 =	ssub.s32 $0x2, s7;
	s8 =	smul.u32 $0x4E2, s8;
	_ =	strace $0x80000053  }
0xe: {  	s25 =	sshrl.u32 s7, $0x1;
	s23 =	sshrl.u32 s10, $0x3;
	s31 =	sshrl.u32 s11, $0x2  }
0xf: {  	s9 =	sadd.s32 s9, s5;
	s7 =	ssub.s32 s7, s25;
	s25 =	sadd.s32 s10, s3  }
0x10: {  	s5 =	sadd.s32 s1, s8;
	s6 =	sadd.s32 s6, s8;
	s26 =	sadd.s32 $0x57E00, s9  }
0x11: {  	s7 =	smax.u32 s7, $0x1;
	s8 =	sadd.s32 s31, s3;
	s25 =	sshrl.u32 s25, $0x3  }
0x12: {  	s9 =	sadd.s32 $0xF00, s8;
	s10 =	sadd.s32 $0x1E00, s8;
	s11 =	sadd.s32 $0x2D00, s8  }
0x13: {  	s12 =	sadd.s32 $0x3C00, s8;
	s13 =	sadd.s32 $0x4B00, s8;
	s14 =	sadd.s32 $0x5A00, s8  }
0x14: {  	v0 =	vimm.f32 $0.0e+00;
	s15 =	sadd.s32 $0x6900, s8;
	s23 =	sadd.s32 s23, s26;
	s26 =	simm.s32 $0x26C0  }
.LBB2_1:
0x15: {  	[tilespmem:s4], [sflag:$0x1] =	stream.linear.gather [hbm4b:s5+s4], $0x2710, $0x38;
	[tilespmem:$0xE420] =	vst v63  }
0x16: {  	s31 =	simm.s32 $0xC0;
	s1 =	simm.s32 $0x0  }
0x17: {  	[tilespmem:s16], [sflag:$0x2] =	stream.linear.gather [hbm4b:s6+s4], $0x2710, $0x38;
	[tilespmem:$0xE420] =	vst v63  }
.LBB2_2:
0x18: {  	p0 =	sne.s32 s31, $0x3B40;
	[tilespmem:s1+$0x4E40] =	vst v0;
	s2 =	smov.u32 s31;
	s31 =	sadd.s32 $0xC0, s31  }
.Ltmp0:
0x19: {  	[tilespmem:s1+$0x4E20] =	vst v0;
	(pc) =	sbr.rel @p0 .LBB2_2-.Ltmp0, $2  }
0x1a: {  	[tilespmem:s1+$0x4E30] =	vst v0;
	_ =	sdelay $0x2  }
0x1b: {  	s1 =	sshra.s32 s2, $0x2  }
0x1c: {  	[tilespmem:s1+$0x4E40] =	vst v0  }
0x1d: {  	[tilespmem:s1+$0x4E20] =	vst v0  }
0x1e: {  	[tilespmem:s1+$0x4E30] =	vst v0  }
0x1f: {  	[spmem:s8] =	stream.linear.scatter [tilespmem:s17], [sflag:$0x3], $0xF00, $0x38;
	[tilespmem:$0xE420] =	vst v63  }
0x20: {  	_ =	swait.ge [sflag:s18], $0xF00  }
0x21: {  	[sflag:s18] =	ssyncset.done $0x0  }
0x22: {  	[sflag:s18] =	ssyncadd.s32 $0xFFFFF100  }
0x23: {  	[spmem:s9] =	stream.linear.scatter [tilespmem:s17], [sflag:$0x3], $0xF00, $0x38;
	[tilespmem:$0xE420] =	vst v63  }
0x24: {  	_ =	swait.ge [sflag:s18], $0xF00  }
0x25: {  	[sflag:s18] =	ssyncset.done $0x0  }
0x26: {  	[sflag:s18] =	ssyncadd.s32 $0xFFFFF100  }
0x27: {  	[spmem:s10] =	stream.linear.scatter [tilespmem:s17], [sflag:$0x3], $0xF00, $0x38;
	[tilespmem:$0xE420] =	vst v63  }
0x28: {  	_ =	swait.ge [sflag:s18], $0xF00  }
0x29: {  	[sflag:s18] =	ssyncset.done $0x0  }
0x2a: {  	[sflag:s18] =	ssyncadd.s32 $0xFFFFF100  }
0x2b: {  	[spmem:s11] =	stream.linear.scatter [tilespmem:s17], [sflag:$0x3], $0xF00, $0x38;
	[tilespmem:$0xE420] =	vst v63  }
0x2c: {  	_ =	swait.ge [sflag:s18], $0xF00  }
0x2d: {  	[sflag:s18] =	ssyncset.done $0x0  }
0x2e: {  	[sflag:s18] =	ssyncadd.s32 $0xFFFFF100  }
0x2f: {  	[spmem:s12] =	stream.linear.scatter [tilespmem:s17], [sflag:$0x3], $0xF00, $0x38;
	[tilespmem:$0xE420] =	vst v63  }
0x30: {  	_ =	swait.ge [sflag:s18], $0xF00  }
0x31: {  	[sflag:s18] =	ssyncset.done $0x0  }
0x32: {  	[sflag:s18] =	ssyncadd.s32 $0xFFFFF100  }
0x33: {  	[spmem:s13] =	stream.linear.scatter [tilespmem:s17], [sflag:$0x3], $0xF00, $0x38;
	[tilespmem:$0xE420] =	vst v63  }
0x34: {  	_ =	swait.ge [sflag:s18], $0xF00  }
0x35: {  	[sflag:s18] =	ssyncset.done $0x0  }
0x36: {  	[sflag:s18] =	ssyncadd.s32 $0xFFFFF100  }
0x37: {  	[spmem:s14] =	stream.linear.scatter [tilespmem:s17], [sflag:$0x3], $0xF00, $0x38;
	[tilespmem:$0xE420] =	vst v63  }
0x38: {  	_ =	swait.ge [sflag:s18], $0xF00  }
0x39: {  	[sflag:s18] =	ssyncset.done $0x0  }
0x3a: {  	[sflag:s18] =	ssyncadd.s32 $0xFFFFF100  }
0x3b: {  	[spmem:s15] =	stream.linear.scatter [tilespmem:s17], [sflag:$0x3], $0xF00, $0x38;
	[tilespmem:$0xE420] =	vst v63  }
0x3c: {  	_ =	swait.ge [sflag:s18], $0xF00  }
0x3d: {  	[sflag:s18] =	ssyncset.done $0x0  }
0x3e: {  	[sflag:s18] =	ssyncadd.s32 $0xFFFFF100  }
0x3f: {  	_ =	swait.ge [sflag:s19], $0x2710  }
0x40: {  	[sflag:s19] =	ssyncset.done $0x0  }
0x41: {  	[sflag:s19] =	ssyncadd.s32 $0xFFFFD8F0  }
0x42: {  	_ =	swait.ge [sflag:s20], $0x2710  }
0x43: {  	[sflag:s20] =	ssyncset.done $0x0  }
0x44: {  	[sflag:s20] =	ssyncadd.s32 $0xFFFFD8F0  }
0x45: {  	s2 =	simm.s32 $0x0;
	[bflag:$0x0] =	sbarrier.arrive $0xFFFF  }
0x46: {  	[tilespmem:s17], [sflag:$0x1] =	stream.indirect.gather [hbm4b:s0+s21], $0x30, s2, s21, $0xb8;
	[tilespmem:$0xE420] =	vst v63  }
0x47: {  	_ = 	snop  }
0x48: {  	[tilespmem:s22], [sflag:$0x2] =	stream.indirect.gather [hbm4b:s0+s21], $0x30, s21, s21, $0xb8;
	[tilespmem:$0xE420] =	vst v63  }
0x49: {  	_ =	swait.ge [sflag:s19], $0xF00  }
0x4a: {  	[sflag:s19] =	ssyncset.done $0x0  }
0x4b: {  	s2 =	simm.s32 $0x2710;
	[sflag:s19] =	ssyncadd.s32 $0xFFFFF100  }
0x4c: {  	[spmem:s3] =	stream.indirect.scatter.add.f32 [tilespmem:s17], [sflag:$0x3], $0x30, s2, s21, $0xb8;
	[tilespmem:$0xE420] =	vst v63  }
0x4d: {  	_ =	swait.ge [sflag:s18], $0xF00  }
0x4e: {  	[sflag:s18] =	ssyncset.done $0x0  }
0x4f: {  	s2 =	simm.s32 $0xA0;
	[sflag:s18] =	ssyncadd.s32 $0xFFFFF100  }
0x50: {  	[tilespmem:s17], [sflag:$0x1] =	stream.indirect.gather [hbm4b:s0+s21], $0x30, s2, s21, $0xb8;
	[tilespmem:$0xE420] =	vst v63  }
0x51: {  	_ =	swait.ge [sflag:s20], $0xF00  }
0x52: {  	[sflag:s20] =	ssyncset.done $0x0  }
0x53: {  	s2 =	simm.s32 $0x2760;
	[sflag:s20] =	ssyncadd.s32 $0xFFFFF100  }
0x54: {  	[spmem:s3] =	stream.indirect.scatter.add.f32 [tilespmem:s22], [sflag:$0x3], $0x30, s2, s21, $0xb8;
	[tilespmem:$0xE420] =	vst v63  }
0x55: {  	_ =	swait.ge [sflag:s18], $0xF00  }
0x56: {  	[sflag:s18] =	ssyncset.done $0x0  }
0x57: {  	s31 =	simm.s32 $0x280;
	s1 =	simm.s32 $0xF0;
	[sflag:s18] =	ssyncadd.s32 $0xFFFFF100  }
.LBB2_4:
0x58: {  	[tilespmem:s22], [sflag:$0x2] =	stream.indirect.gather [hbm4b:s0+s21], $0x30, s1, s21, $0xb8;
	[tilespmem:$0xE420] =	vst v63  }
0x59: {  	s1 =	smov.u32 s31  }
0x5a: {  	p0 =	sne.s32 s31, $0x9600;
	s31 =	sadd.s32 $0x280, s31;
	_ =	swait.ge [sflag:s19], $0xF00  }
0x5b: {  	s1 =	sshra.s32 s1, $0x2;
	[sflag:s19] =	ssyncset.done $0x0  }
0x5c: {  	s2 =	sadd.s32 $0x2710, s1;
	[sflag:s19] =	ssyncadd.s32 $0xFFFFF100  }
0x5d: {  	[spmem:s3] =	stream.indirect.scatter.add.f32 [tilespmem:s17], [sflag:$0x3], $0x30, s2, s21, $0xb8;
	[tilespmem:$0xE420] =	vst v63  }
0x5e: {  	_ =	swait.ge [sflag:s18], $0xF00  }
0x5f: {  	[sflag:s18] =	ssyncset.done $0x0  }
0x60: {  	s2 =	sadd.s32 $0xA0, s1;
	[sflag:s18] =	ssyncadd.s32 $0xFFFFF100  }
0x61: {  	[tilespmem:s17], [sflag:$0x1] =	stream.indirect.gather [hbm4b:s0+s21], $0x30, s2, s21, $0xb8;
	[tilespmem:$0xE420] =	vst v63  }
0x62: {  	_ =	swait.ge [sflag:s20], $0xF00  }
0x63: {  	[sflag:s20] =	ssyncset.done $0x0  }
.Ltmp1:
0x64: {  	s2 =	sadd.s32 $0x2760, s1;
	[sflag:s20] =	ssyncadd.s32 $0xFFFFF100;
	(pc) =	sbr.rel @p0 .LBB2_4-.Ltmp1, $4  }
0x65: {  	[spmem:s3] =	stream.indirect.scatter.add.f32 [tilespmem:s22], [sflag:$0x3], $0x30, s2, s21, $0xb8;
	[tilespmem:$0xE420] =	vst v63  }
0x66: {  	_ =	swait.ge [sflag:s18], $0xF00  }
0x67: {  	[sflag:s18] =	ssyncset.done $0x0  }
0x68: {  	s1 =	sadd.s32 $0xF0, s1;
	[sflag:s18] =	ssyncadd.s32 $0xFFFFF100  }
0x69: {  	[tilespmem:s22], [sflag:$0x2] =	stream.indirect.gather [hbm4b:s0+s21], $0x30, s1, s21, $0xb8;
	[tilespmem:$0xE420] =	vst v63  }
0x6a: {  	_ =	swait.ge [sflag:s19], $0xF00  }
0x6b: {  	[sflag:s19] =	ssyncset.done $0x0  }
0x6c: {  	[sflag:s19] =	ssyncadd.s32 $0xFFFFF100  }
0x6d: {  	[spmem:s3] =	stream.indirect.scatter.add.f32 [tilespmem:s17], [sflag:$0x3], $0x30, s24, s21, $0xb8;
	[tilespmem:$0xE420] =	vst v63  }
0x6e: {  	_ =	swait.ge [sflag:s18], $0xF00  }
0x6f: {  	[sflag:s18] =	ssyncset.done $0x0  }
0x70: {  	[sflag:s18] =	ssyncadd.s32 $0xFFFFF100  }
0x71: {  	[tilespmem:s17], [sflag:$0x1] =	stream.indirect.gather [hbm4b:s0+s21], $0x30, s26, s21, $0xb8;
	[tilespmem:$0xE420] =	vst v63  }
0x72: {  	_ =	swait.ge [sflag:s20], $0xF00  }
0x73: {  	[sflag:s20] =	ssyncset.done $0x0  }
0x74: {  	[sflag:s20] =	ssyncadd.s32 $0xFFFFF100  }
0x75: {  	[spmem:s3] =	stream.indirect.scatter.add.f32 [tilespmem:s22], [sflag:$0x3], $0x30, s28, s21, $0xb8;
	[tilespmem:$0xE420] =	vst v63  }
0x76: {  	_ =	swait.ge [sflag:s18], $0xF00  }
0x77: {  	[sflag:s18] =	ssyncset.done $0x0  }
0x78: {  	[sflag:s18] =	ssyncadd.s32 $0xFFFFF100  }
0x79: {  	_ =	swait.ge [sflag:s19], $0xF00  }
0x7a: {  	[sflag:s19] =	ssyncset.done $0x0  }
0x7b: {  	[sflag:s19] =	ssyncadd.s32 $0xFFFFF100  }
0x7c: {  	[spmem:s3] =	stream.indirect.scatter.add.f32 [tilespmem:s17], [sflag:$0x3], $0x30, s29, s21, $0xb8;
	[tilespmem:$0xE420] =	vst v63  }
0x7d: {  	_ =	swait.ge [sflag:s18], $0xF00  }
0x7e: {  	s31 =	stileid.u32;
	s30 =	sadd.s32 $0x1, s30;
	[sflag:s18] =	ssyncset.done $0x0  }
0x7f: {  	s1 =	sshll.u32 s31, $0x6;
	p0 =	sne.s32 s30, s7;
	[sflag:s18] =	ssyncadd.s32 $0xFFFFF100  }
.Ltmp2:
0x80: {  	s1 =	sor.u32 $0x1C03, s1;
	[bflag:$0x0] =	sbarrier.arrive $0xFFFF;
	(pc) =	sbr.rel @p0 .LBB2_1-.Ltmp2, $4  }
0x81: {  	[hbm:s23], [sflag:s1] =	dma.local [spmem:s25], $0xF00  }
0x82: {  	_ =	swait.ge [sflag:s18], $0xF00  }
0x83: {  	[sflag:s18] =	ssyncset.done $0x0  }
0x84: {  	[sflag:s18] =	ssyncadd.s32 $0xFFFFF100  }
0x85: {  	_ =	sfence.sel $0x180000  }
0x86: {  	[bflag:$0x0] =	sbarrier.arrive $0xFFFF  }
0x87: {  	_ =	strace $0x90000053  }
0x88: {  	s0 =	stileid.u32;
	[bflag:$0x2] =	sbarrier.arrive $0xFFFF  }
0x89: {  	p0 =	sne.s32 s0, $0x0;
	s0 =	rddreg [dreg:$0x5]  }
0x8a: {  	s0 =	sadd.s32 @!p0 $0x100000, s0  }
0x8b: {  	[sflag:s0] =	ssyncadd.tile.s32 @!p0 $0x1;
	_ =	shalt  }
.Lfunc_end2:
_tile_overlayer_lowered:
.L_overlay_start_2:
0x8c: {  	(tag) =	ssettag $0x2  }
0x8d: {  	s0 =	rddreg [dreg:$0x0];
	s2 =	stileid.u32  }
0x8e: {  	s1 =	rddreg [dreg:$0x1];
	p0 =	sne.s32 s2, $0x0  }
0x8f: {  	s3 =	rddreg [dreg:$0x2];
	[bflag:$0x3] =	sbarrier.arrive $0xFFFF;
	s2 =	simm.s32 @!p0 $0x1C03  }
0x90: {  	[timem:s3], [sflag:s2] =	dma.local @!p0 [hbm:s0], s1  }
0x91: {  	s0 =	simm.s32 @!p0 $0x3  }
0x92: {  	_ =	swait.ge @!p0 [sflag:s0], s1  }
0x93: {  	s1 =	ssub.s32 @!p0 $0x0, s1;
	[sflag:s0] =	ssyncset.done @!p0 $0x0  }
0x94: {  	[sflag:s0] =	ssyncadd.s32 @!p0 s1  }
0x95: {  	[bflag:$0x3] =	sbarrier.arrive $0xFFFF  }
0x96: {  	_ =	shalt  }

</sc_bundles>
